<compile_context>
chip_gen: v7x
topology: tpu7x:2x2x1
jax: 0.10.2.dev20260603
libtpu: 0.0.44.dev20260713+nightly
codegen_flags: <defaults>
</compile_context>

<pallas_src>
import functools

import jax
import jax.numpy as jnp
from jax import lax
from jax.experimental import pallas as pl
from jax.experimental.pallas import tpu as pltpu
from jax.experimental.pallas import tpu_sc as plsc

D = 128
B = 4096 * 200
NW = 32
BPW = B // NW
C = 128
NCHUNK = BPW // C
NBUF = 5
DEPTH = 3
NGROUP = NCHUNK // NBUF

_mesh = plsc.VectorSubcoreMesh(core_axis_name="c", subcore_axis_name="s")


@functools.partial(
    pl.kernel,
    mesh=_mesh,
    out_type=jax.ShapeDtypeStruct((B, D), jnp.float32),
    scratch_types=[
        pltpu.VMEM((NBUF, C), jnp.float32),
        pltpu.VMEM((NBUF, C), jnp.int32),
        pltpu.VMEM((NBUF, C, D), jnp.float32),
        pltpu.VMEM_SHARED((100, D), jnp.float32),
        pltpu.SemaphoreType.DMA((NBUF,)),
        pltpu.SemaphoreType.DMA((NBUF,)),
        pltpu.SemaphoreType.DMA((NBUF,)),
    ],
)
def _encode(x_hbm, pe_hbm, out_hbm, xbufs, idxb, rows, pe_sh, xsem, gsem, wsem):
    cid = lax.axis_index("c")
    sid = lax.axis_index("s")
    wid = sid * 2 + cid
    base0 = wid * BPW

    def x_start(j, b):
        off = jnp.minimum(base0 + j * C, B - C)
        pltpu.async_copy(x_hbm.at[pl.ds(off, C)], xbufs.at[b], xsem.at[b])

    def x_wait(b):
        pltpu.make_async_copy(x_hbm.at[pl.ds(0, C)], xbufs.at[b],
                              xsem.at[b]).wait()

    def compute_idx(b):
        for i in range(C // 16):
            v = xbufs[b, pl.ds(i * 16, 16)]
            y = jnp.maximum(v, jnp.float32(0.01)) * jnp.float32(100.0)
            r = y + jnp.float32(0.5)
            t = r.astype(jnp.int32)
            tie = jnp.where(t.astype(jnp.float32) == r, t & 1, 0)
            idxb[b, pl.ds(i * 16, 16)] = t - tie - 1

    def g_start(b):
        pltpu.async_copy(pe_sh.at[idxb.at[b]], rows.at[b], gsem.at[b])

    def g_wait(b):
        pltpu.make_async_copy(pe_sh.at[idxb.at[b]], rows.at[b],
                              gsem.at[b]).wait()

    def w_start(j, b):
        pltpu.async_copy(rows.at[b], out_hbm.at[pl.ds(base0 + j * C, C)],
                         wsem.at[b])

    def w_wait(b):
        pltpu.make_async_copy(rows.at[b], out_hbm.at[pl.ds(0, C)],
                              wsem.at[b]).wait()

    @pl.when(sid == 0)
    def _stage():
        pltpu.sync_copy(pe_hbm, pe_sh)

    plsc.subcore_barrier()

    x_start(0, 0)
    for j in range(NBUF):
        x_start(j + 1, (j + 1) % NBUF)
        x_wait(j)
        compute_idx(j)
        g_start(j)
        if j >= DEPTH:
            g_wait(j - DEPTH)
            w_start(j - DEPTH, j - DEPTH)

    def group(go, carry):
        j0 = go * NBUF
        for b in range(NBUF):
            j = j0 + b
            b2 = (b - DEPTH) % NBUF
            g_wait(b2)
            w_start(j - DEPTH, b2)
            w_wait(b)
            x_start(j + 1, (b + 1) % NBUF)
            x_wait(b)
            compute_idx(b)
            g_start(b)
        return carry

    lax.fori_loop(1, NGROUP, group, 0)

    for r in range(DEPTH):
        j = NCHUNK - DEPTH + r
        b2 = j % NBUF
        g_wait(b2)
        w_start(j, b2)
    x_wait(0)
    for b in range(NBUF):
        w_wait(b)


def kernel(x, pe):
    out = _encode(x.reshape(B), pe)
    return out.reshape(x.shape[0], x.shape[1], D)

# --- scband reference (transcript-rebuilt; emitter-appended) ---
"""Pipeline reference for scband-fractional-encoder-2869038154259 (READ-ONLY COPY).

The authoritative reference and input builder live on the scoring server;
editing this copy changes nothing except your own understanding.
"""

import jax, jax.numpy as jnp
import numpy as np

D_MODEL = 256
RESOLUTION = 100
LOG10 = False


def _build_pe():
    d = D_MODEL // 2
    x = jnp.linspace(0.0, RESOLUTION - 1, RESOLUTION).astype(jnp.float32).reshape(RESOLUTION, 1)
    fraction = jnp.tile(
        jnp.linspace(0.0, d - 1, d).astype(jnp.float32).reshape(1, d), (RESOLUTION, 1)
    )
    pe = jnp.zeros((RESOLUTION, d), dtype=jnp.float32)
    pe = pe.at[:, 0::2].set(jnp.sin(x / jnp.power(50.0, 2.0 * fraction[:, 0::2] / d)))
    pe = pe.at[:, 1::2].set(jnp.cos(x / jnp.power(50.0, 2.0 * fraction[:, 1::2] / d)))
    return pe


def setup_inputs(seed: int = 0) -> dict:
    key = jax.random.key(seed)
    x = jax.random.uniform(key, (4096, 200), dtype=jnp.float32)
    pe = _build_pe()
    return {"x": x, "pe": pe}


def reference(x, pe):
    if LOG10:
        x = 0.0025 * jnp.log2(x) ** 2
    x = jnp.maximum(x, 1.0 / RESOLUTION)
    frac_idx = jnp.round(x * RESOLUTION).astype(jnp.int32) - 1
    return jnp.take(pe, frac_idx, axis=0)

if __name__ == "__main__":
    import jax
    _d = setup_inputs()
    print(jax.jit(kernel)(*tuple(_d.values())))

</pallas_src>

<mosaic_0001>
#map = affine_map<(d0, d1) -> (0)>
#map1 = affine_map<(d0, d1) -> (0, 0)>
module attributes {stable_mosaic.version = 14 : i64} {
  func.func @_encode(%arg0: i32, %arg1: i32, %arg2: memref<819200xf32, #tpu.memory_space<hbm>>, %arg3: memref<100x128xf32, #tpu.memory_space<hbm>>, %arg4: memref<819200x128xf32, #tpu.memory_space<hbm>>, %arg5: memref<5x128xf32, #tpu.memory_space<vmem>>, %arg6: memref<5x128xi32, #tpu.memory_space<vmem>>, %arg7: memref<5x128x128xf32, #tpu.memory_space<vmem>>, %arg8: memref<100x128xf32, #tpu.memory_space<vmem_shared>>, %arg9: memref<5x!tpu.dma_semaphore, #tpu.memory_space<semaphore_mem>>, %arg10: memref<5x!tpu.dma_semaphore, #tpu.memory_space<semaphore_mem>>, %arg11: memref<5x!tpu.dma_semaphore, #tpu.memory_space<semaphore_mem>>) attributes {dimension_semantics = [#tpu.dimension_semantics<core_parallel>, #tpu.dimension_semantics<subcore_parallel>], iteration_bounds = array<i64: 2, 16>, scalar_prefetch = 0 : i64, scratch_operands = 7 : i64, tpu.core_type = #tpu.core_type<sc_vector_subcore>, window_params = [{transform_indices = #map}, {transform_indices = #map1}, {transform_indices = #map1}]} {
    %mul3A = arith.constant 2 : i32
    %mul3A_0 = arith.muli %arg1, %mul3A : i32
    %add3A = arith.addi %mul3A_0, %arg0 : i32
    %mul3A_1 = arith.constant 25600 : i32
    %mul3A_2 = arith.muli %add3A, %mul3A_1 : i32
    %eq3A = arith.constant 0 : i32
    %eq3A_3 = arith.cmpi eq, %arg1, %eq3A : i32
    %convert_element_type3A = arith.extui %eq3A_3 : i1 to i32
    %cond3A = arith.constant 0 : i32
    %cond3A_4 = arith.cmpi ne, %convert_element_type3A, %cond3A : i32
    scf.if %cond3A_4 {
      "tpu.region"() ({
        %run_scoped3A = tpu.sem_alloc : memref<!tpu.dma_semaphore, #tpu.memory_space<semaphore_mem>>
        tpu.enqueue_dma source(%arg3 : memref<100x128xf32, #tpu.memory_space<hbm>>) target(%arg8 : memref<100x128xf32, #tpu.memory_space<vmem_shared>>) target_semaphore(%run_scoped3A : memref<!tpu.dma_semaphore, #tpu.memory_space<semaphore_mem>>)
        tpu.wait_dma2 semaphore(%run_scoped3A : memref<!tpu.dma_semaphore, #tpu.memory_space<semaphore_mem>>) src(%arg3 : memref<100x128xf32, #tpu.memory_space<hbm>>) dst(%arg8 : memref<100x128xf32, #tpu.memory_space<vmem_shared>>)
        tpu.yield
      }) : () -> ()
    } else {
    }
    %barrier3A = arith.constant 0 : index
    tpu.barrier barrier_id(%barrier3A)
    %add3A_5 = arith.constant 0 : i32
    %add3A_6 = arith.addi %mul3A_2, %add3A_5 : i32
    %min3A = arith.constant 819072 : i32
    %min3A_7 = arith.minsi %add3A_6, %min3A : i32
    %dma_start3A = arith.constant 0 : i32
    %dma_start3A_8 = arith.constant 0 : i32
    %dma_start3A_9 = arith.constant 0 : i32
    %dma_start3A_10 = tpu.memref_slice %arg5[%dma_start3A, %dma_start3A_9] : memref<5x128xf32, #tpu.memory_space<vmem>> -> memref<1x128xf32, #tpu.memory_space<vmem>>
    %dma_start3A_11 = tpu.memref_squeeze %dma_start3A_10 : memref<1x128xf32, #tpu.memory_space<vmem>> -> memref<128xf32, #tpu.memory_space<vmem>>
    %dma_start3A_12 = tpu.memref_slice %arg2[%min3A_7] : memref<819200xf32, #tpu.memory_space<hbm>> -> memref<128xf32, #tpu.memory_space<hbm>>
    %dma_start3A_13 = tpu.memref_slice %arg9[%dma_start3A_8] : memref<5x!tpu.dma_semaphore, #tpu.memory_space<semaphore_mem>> -> memref<1x!tpu.dma_semaphore, #tpu.memory_space<semaphore_mem>>
    %dma_start3A_14 = tpu.memref_squeeze %dma_start3A_13 : memref<1x!tpu.dma_semaphore, #tpu.memory_space<semaphore_mem>> -> memref<!tpu.dma_semaphore, #tpu.memory_space<semaphore_mem>>
    %dma_start3A_15 = arith.constant 0 : i32
    %dma_start3A_16 = tpu.memref_slice %arg5[%dma_start3A, %dma_start3A_15] : memref<5x128xf32, #tpu.memory_space<vmem>> -> memref<1x128xf32, #tpu.memory_space<vmem>>
    %dma_start3A_17 = tpu.memref_squeeze %dma_start3A_16 : memref<1x128xf32, #tpu.memory_space<vmem>> -> memref<128xf32, #tpu.memory_space<vmem>>
    %dma_start3A_18 = tpu.memref_slice %arg2[%min3A_7] : memref<819200xf32, #tpu.memory_space<hbm>> -> memref<128xf32, #tpu.memory_space<hbm>>
    tpu.enqueue_dma source(%dma_start3A_18 : memref<128xf32, #tpu.memory_space<hbm>>) target(%dma_start3A_17 : memref<128xf32, #tpu.memory_space<vmem>>) target_semaphore(%dma_start3A_14 : memref<!tpu.dma_semaphore, #tpu.memory_space<semaphore_mem>>)
    %add3A_19 = arith.constant 128 : i32
    %add3A_20 = arith.addi %mul3A_2, %add3A_19 : i32
    %min3A_21 = arith.constant 819072 : i32
    %min3A_22 = arith.minsi %add3A_20, %min3A_21 : i32
    %dma_start3A_23 = arith.constant 1 : i32
    %dma_start3A_24 = arith.constant 1 : i32
    %dma_start3A_25 = arith.constant 0 : i32
    %dma_start3A_26 = tpu.memref_slice %arg5[%dma_start3A_23, %dma_start3A_25] : memref<5x128xf32, #tpu.memory_space<vmem>> -> memref<1x128xf32, #tpu.memory_space<vmem>>
    %dma_start3A_27 = tpu.memref_squeeze %dma_start3A_26 : memref<1x128xf32, #tpu.memory_space<vmem>> -> memref<128xf32, #tpu.memory_space<vmem>>
    %dma_start3A_28 = tpu.memref_slice %arg2[%min3A_22] : memref<819200xf32, #tpu.memory_space<hbm>> -> memref<128xf32, #tpu.memory_space<hbm>>
    %dma_start3A_29 = tpu.memref_slice %arg9[%dma_start3A_24] : memref<5x!tpu.dma_semaphore, #tpu.memory_space<semaphore_mem>> -> memref<1x!tpu.dma_semaphore, #tpu.memory_space<semaphore_mem>>
    %dma_start3A_30 = tpu.memref_squeeze %dma_start3A_29 : memref<1x!tpu.dma_semaphore, #tpu.memory_space<semaphore_mem>> -> memref<!tpu.dma_semaphore, #tpu.memory_space<semaphore_mem>>
    %dma_start3A_31 = arith.constant 0 : i32
    %dma_start3A_32 = tpu.memref_slice %arg5[%dma_start3A_23, %dma_start3A_31] : memref<5x128xf32, #tpu.memory_space<vmem>> -> memref<1x128xf32, #tpu.memory_space<vmem>>
    %dma_start3A_33 = tpu.memref_squeeze %dma_start3A_32 : memref<1x128xf32, #tpu.memory_space<vmem>> -> memref<128xf32, #tpu.memory_space<vmem>>
    %dma_start3A_34 = tpu.memref_slice %arg2[%min3A_22] : memref<819200xf32, #tpu.memory_space<hbm>> -> memref<128xf32, #tpu.memory_space<hbm>>
    tpu.enqueue_dma source(%dma_start3A_34 : memref<128xf32, #tpu.memory_space<hbm>>) target(%dma_start3A_33 : memref<128xf32, #tpu.memory_space<vmem>>) target_semaphore(%dma_start3A_30 : memref<!tpu.dma_semaphore, #tpu.memory_space<semaphore_mem>>)
    %dma_wait3A = arith.constant 0 : i32
    %dma_wait3A_35 = arith.constant 0 : i32
    %dma_wait3A_36 = arith.constant 0 : i32
    %dma_wait3A_37 = tpu.memref_slice %arg5[%dma_wait3A, %dma_wait3A_36] : memref<5x128xf32, #tpu.memory_space<vmem>> -> memref<1x128xf32, #tpu.memory_space<vmem>>
    %dma_wait3A_38 = tpu.memref_squeeze %dma_wait3A_37 : memref<1x128xf32, #tpu.memory_space<vmem>> -> memref<128xf32, #tpu.memory_space<vmem>>
    %dma_wait3A_39 = arith.constant 0 : i32
    %dma_wait3A_40 = tpu.memref_slice %arg2[%dma_wait3A_39] : memref<819200xf32, #tpu.memory_space<hbm>> -> memref<128xf32, #tpu.memory_space<hbm>>
    %dma_wait3A_41 = tpu.memref_slice %arg9[%dma_wait3A_35] : memref<5x!tpu.dma_semaphore, #tpu.memory_space<semaphore_mem>> -> memref<1x!tpu.dma_semaphore, #tpu.memory_space<semaphore_mem>>
    %dma_wait3A_42 = tpu.memref_squeeze %dma_wait3A_41 : memref<1x!tpu.dma_semaphore, #tpu.memory_space<semaphore_mem>> -> memref<!tpu.dma_semaphore, #tpu.memory_space<semaphore_mem>>
    %dma_wait3A_43 = arith.constant 0 : i32
    %dma_wait3A_44 = tpu.memref_slice %arg5[%dma_wait3A, %dma_wait3A_43] : memref<5x128xf32, #tpu.memory_space<vmem>> -> memref<1x128xf32, #tpu.memory_space<vmem>>
    %dma_wait3A_45 = tpu.memref_squeeze %dma_wait3A_44 : memref<1x128xf32, #tpu.memory_space<vmem>> -> memref<128xf32, #tpu.memory_space<vmem>>
    %dma_wait3A_46 = arith.constant 0 : i32
    %dma_wait3A_47 = tpu.memref_slice %arg2[%dma_wait3A_46] : memref<819200xf32, #tpu.memory_space<hbm>> -> memref<128xf32, #tpu.memory_space<hbm>>
    tpu.wait_dma2 semaphore(%dma_wait3A_42 : memref<!tpu.dma_semaphore, #tpu.memory_space<semaphore_mem>>) src(%dma_wait3A_47 : memref<128xf32, #tpu.memory_space<hbm>>) dst(%dma_wait3A_45 : memref<128xf32, #tpu.memory_space<vmem>>)
    %get3A = arith.constant 0 : i32
    %get3A_48 = arith.index_cast %get3A : i32 to index
    %get3A_49 = arith.constant 0 : index
    %get3A_50 = tpu.vector_load %arg5[%get3A_48, %get3A_49] {strides = array<i32>} : memref<5x128xf32, #tpu.memory_space<vmem>>, vector<1x16xf32>,
    %get3A_51 = vector.shape_cast %get3A_50 : vector<1x16xf32> to vector<16xf32>
    %max3A = arith.constant 0.00999999977 : f32
    %max3A_52 = vector.broadcast %max3A : f32 to vector<16xf32>
    %max3A_53 = arith.maximumf %get3A_51, %max3A_52 : vector<16xf32>
    %mul3A_54 = arith.constant 1.000000e+02 : f32
    %mul3A_55 = vector.broadcast %mul3A_54 : f32 to vector<16xf32>
    %mul3A_56 = arith.mulf %max3A_53, %mul3A_55 : vector<16xf32>
    %add3A_57 = arith.constant 5.000000e-01 : f32
    %add3A_58 = vector.broadcast %add3A_57 : f32 to vector<16xf32>
    %add3A_59 = arith.addf %mul3A_56, %add3A_58 : vector<16xf32>
    %convert_element_type3A_60 = arith.fptosi %add3A_59 : vector<16xf32> to vector<16xi32>
    %convert_element_type3A_61 = arith.sitofp %convert_element_type3A_60 : vector<16xi32> to vector<16xf32>
    %eq3A_62 = arith.cmpf oeq, %convert_element_type3A_61, %add3A_59 : vector<16xf32>
    %and3A = arith.constant 1 : i32
    %and3A_63 = vector.broadcast %and3A : i32 to vector<16xi32>
    %and3A_64 = arith.andi %convert_element_type3A_60, %and3A_63 : vector<16xi32>
    %jit3A = arith.constant 0 : i32
    %broadcast_in_dim3A = vector.broadcast %jit3A : i32 to vector<16xi32>
    %select_n3A = arith.select %eq3A_62, %and3A_64, %broadcast_in_dim3A : vector<16xi1>, vector<16xi32>
    %sub3A = arith.subi %convert_element_type3A_60, %select_n3A : vector<16xi32>
    %sub3A_65 = arith.constant 1 : i32
    %sub3A_66 = vector.broadcast %sub3A_65 : i32 to vector<16xi32>
    %sub3A_67 = arith.subi %sub3A, %sub3A_66 : vector<16xi32>
    %swap3A = arith.constant 0 : i32
    %swap3A_68 = arith.index_cast %swap3A : i32 to index
    %swap3A_69 = arith.constant 0 : index
    %swap3A_70 = tpu.vector_load %arg6[%swap3A_68, %swap3A_69] {strides = array<i32>} : memref<5x128xi32, #tpu.memory_space<vmem>>, vector<1x16xi32>,
    %swap3A_71 = vector.shape_cast %swap3A_70 : vector<1x16xi32> to vector<16xi32>
    %swap3A_72 = vector.shape_cast %sub3A_67 : vector<16xi32> to vector<1x16xi32>
    tpu.vector_store %arg6[%swap3A_68, %swap3A_69], %swap3A_72 {strides = array<i32>} : memref<5x128xi32, #tpu.memory_space<vmem>>, vector<1x16xi32>,
    %get3A_73 = arith.constant 0 : i32
    %get3A_74 = arith.index_cast %get3A_73 : i32 to index
    %get3A_75 = arith.constant 16 : index
    %get3A_76 = tpu.vector_load %arg5[%get3A_74, %get3A_75] {strides = array<i32>} : memref<5x128xf32, #tpu.memory_space<vmem>>, vector<1x16xf32>,
    %get3A_77 = vector.shape_cast %get3A_76 : vector<1x16xf32> to vector<16xf32>
    %max3A_78 = arith.constant 0.00999999977 : f32
    %max3A_79 = vector.broadcast %max3A_78 : f32 to vector<16xf32>
    %max3A_80 = arith.maximumf %get3A_77, %max3A_79 : vector<16xf32>
    %mul3A_81 = arith.constant 1.000000e+02 : f32
    %mul3A_82 = vector.broadcast %mul3A_81 : f32 to vector<16xf32>
    %mul3A_83 = arith.mulf %max3A_80, %mul3A_82 : vector<16xf32>
    %add3A_84 = arith.constant 5.000000e-01 : f32
    %add3A_85 = vector.broadcast %add3A_84 : f32 to vector<16xf32>
    %add3A_86 = arith.addf %mul3A_83, %add3A_85 : vector<16xf32>
    %convert_element_type3A_87 = arith.fptosi %add3A_86 : vector<16xf32> to vector<16xi32>
    %convert_element_type3A_88 = arith.sitofp %convert_element_type3A_87 : vector<16xi32> to vector<16xf32>
    %eq3A_89 = arith.cmpf oeq, %convert_element_type3A_88, %add3A_86 : vector<16xf32>
    %and3A_90 = arith.constant 1 : i32
    %and3A_91 = vector.broadcast %and3A_90 : i32 to vector<16xi32>
    %and3A_92 = arith.andi %convert_element_type3A_87, %and3A_91 : vector<16xi32>
    %jit3A_93 = arith.constant 0 : i32
    %broadcast_in_dim3A_94 = vector.broadcast %jit3A_93 : i32 to vector<16xi32>
    %select_n3A_95 = arith.select %eq3A_89, %and3A_92, %broadcast_in_dim3A_94 : vector<16xi1>, vector<16xi32>
    %sub3A_96 = arith.subi %convert_element_type3A_87, %select_n3A_95 : vector<16xi32>
    %sub3A_97 = arith.constant 1 : i32
    %sub3A_98 = vector.broadcast %sub3A_97 : i32 to vector<16xi32>
    %sub3A_99 = arith.subi %sub3A_96, %sub3A_98 : vector<16xi32>
    %swap3A_100 = arith.constant 0 : i32
    %swap3A_101 = arith.index_cast %swap3A_100 : i32 to index
    %swap3A_102 = arith.constant 16 : index
    %swap3A_103 = tpu.vector_load %arg6[%swap3A_101, %swap3A_102] {strides = array<i32>} : memref<5x128xi32, #tpu.memory_space<vmem>>, vector<1x16xi32>,
    %swap3A_104 = vector.shape_cast %swap3A_103 : vector<1x16xi32> to vector<16xi32>
    %swap3A_105 = vector.shape_cast %sub3A_99 : vector<16xi32> to vector<1x16xi32>
    tpu.vector_store %arg6[%swap3A_101, %swap3A_102], %swap3A_105 {strides = array<i32>} : memref<5x128xi32, #tpu.memory_space<vmem>>, vector<1x16xi32>,
    %get3A_106 = arith.constant 0 : i32
    %get3A_107 = arith.index_cast %get3A_106 : i32 to index
    %get3A_108 = arith.constant 32 : index
    %get3A_109 = tpu.vector_load %arg5[%get3A_107, %get3A_108] {strides = array<i32>} : memref<5x128xf32, #tpu.memory_space<vmem>>, vector<1x16xf32>,
    %get3A_110 = vector.shape_cast %get3A_109 : vector<1x16xf32> to vector<16xf32>
    %max3A_111 = arith.constant 0.00999999977 : f32
    %max3A_112 = vector.broadcast %max3A_111 : f32 to vector<16xf32>
    %max3A_113 = arith.maximumf %get3A_110, %max3A_112 : vector<16xf32>
    %mul3A_114 = arith.constant 1.000000e+02 : f32
    %mul3A_115 = vector.broadcast %mul3A_114 : f32 to vector<16xf32>
    %mul3A_116 = arith.mulf %max3A_113, %mul3A_115 : vector<16xf32>
    %add3A_117 = arith.constant 5.000000e-01 : f32
    %add3A_118 = vector.broadcast %add3A_117 : f32 to vector<16xf32>
    %add3A_119 = arith.addf %mul3A_116, %add3A_118 : vector<16xf32>
    %convert_element_type3A_120 = arith.fptosi %add3A_119 : vector<16xf32> to vector<16xi32>
    %convert_element_type3A_121 = arith.sitofp %convert_element_type3A_120 : vector<16xi32> to vector<16xf32>
    %eq3A_122 = arith.cmpf oeq, %convert_element_type3A_121, %add3A_119 : vector<16xf32>
    %and3A_123 = arith.constant 1 : i32
    %and3A_124 = vector.broadcast %and3A_123 : i32 to vector<16xi32>
    %and3A_125 = arith.andi %convert_element_type3A_120, %and3A_124 : vector<16xi32>
    %jit3A_126 = arith.constant 0 : i32
    %broadcast_in_dim3A_127 = vector.broadcast %jit3A_126 : i32 to vector<16xi32>
    %select_n3A_128 = arith.select %eq3A_122, %and3A_125, %broadcast_in_dim3A_127 : vector<16xi1>, vector<16xi32>
    %sub3A_129 = arith.subi %convert_element_type3A_120, %select_n3A_128 : vector<16xi32>
    %sub3A_130 = arith.constant 1 : i32
    %sub3A_131 = vector.broadcast %sub3A_130 : i32 to vector<16xi32>
    %sub3A_132 = arith.subi %sub3A_129, %sub3A_131 : vector<16xi32>
    %swap3A_133 = arith.constant 0 : i32
    %swap3A_134 = arith.index_cast %swap3A_133 : i32 to index
    %swap3A_135 = arith.constant 32 : index
    %swap3A_136 = tpu.vector_load %arg6[%swap3A_134, %swap3A_135] {strides = array<i32>} : memref<5x128xi32, #tpu.memory_space<vmem>>, vector<1x16xi32>,
    %swap3A_137 = vector.shape_cast %swap3A_136 : vector<1x16xi32> to vector<16xi32>
    %swap3A_138 = vector.shape_cast %sub3A_132 : vector<16xi32> to vector<1x16xi32>
    tpu.vector_store %arg6[%swap3A_134, %swap3A_135], %swap3A_138 {strides = array<i32>} : memref<5x128xi32, #tpu.memory_space<vmem>>, vector<1x16xi32>,
    %get3A_139 = arith.constant 0 : i32
    %get3A_140 = arith.index_cast %get3A_139 : i32 to index
    %get3A_141 = arith.constant 48 : index
    %get3A_142 = tpu.vector_load %arg5[%get3A_140, %get3A_141] {strides = array<i32>} : memref<5x128xf32, #tpu.memory_space<vmem>>, vector<1x16xf32>,
    %get3A_143 = vector.shape_cast %get3A_142 : vector<1x16xf32> to vector<16xf32>
    %max3A_144 = arith.constant 0.00999999977 : f32
    %max3A_145 = vector.broadcast %max3A_144 : f32 to vector<16xf32>
    %max3A_146 = arith.maximumf %get3A_143, %max3A_145 : vector<16xf32>
    %mul3A_147 = arith.constant 1.000000e+02 : f32
    %mul3A_148 = vector.broadcast %mul3A_147 : f32 to vector<16xf32>
    %mul3A_149 = arith.mulf %max3A_146, %mul3A_148 : vector<16xf32>
    %add3A_150 = arith.constant 5.000000e-01 : f32
    %add3A_151 = vector.broadcast %add3A_150 : f32 to vector<16xf32>
    %add3A_152 = arith.addf %mul3A_149, %add3A_151 : vector<16xf32>
    %convert_element_type3A_153 = arith.fptosi %add3A_152 : vector<16xf32> to vector<16xi32>
    %convert_element_type3A_154 = arith.sitofp %convert_element_type3A_153 : vector<16xi32> to vector<16xf32>
    %eq3A_155 = arith.cmpf oeq, %convert_element_type3A_154, %add3A_152 : vector<16xf32>
    %and3A_156 = arith.constant 1 : i32
    %and3A_157 = vector.broadcast %and3A_156 : i32 to vector<16xi32>
    %and3A_158 = arith.andi %convert_element_type3A_153, %and3A_157 : vector<16xi32>
    %jit3A_159 = arith.constant 0 : i32
    %broadcast_in_dim3A_160 = vector.broadcast %jit3A_159 : i32 to vector<16xi32>
    %select_n3A_161 = arith.select %eq3A_155, %and3A_158, %broadcast_in_dim3A_160 : vector<16xi1>, vector<16xi32>
    %sub3A_162 = arith.subi %convert_element_type3A_153, %select_n3A_161 : vector<16xi32>
    %sub3A_163 = arith.constant 1 : i32
    %sub3A_164 = vector.broadcast %sub3A_163 : i32 to vector<16xi32>
    %sub3A_165 = arith.subi %sub3A_162, %sub3A_164 : vector<16xi32>
    %swap3A_166 = arith.constant 0 : i32
    %swap3A_167 = arith.index_cast %swap3A_166 : i32 to index
    %swap3A_168 = arith.constant 48 : index
    %swap3A_169 = tpu.vector_load %arg6[%swap3A_167, %swap3A_168] {strides = array<i32>} : memref<5x128xi32, #tpu.memory_space<vmem>>, vector<1x16xi32>,
    %swap3A_170 = vector.shape_cast %swap3A_169 : vector<1x16xi32> to vector<16xi32>
    %swap3A_171 = vector.shape_cast %sub3A_165 : vector<16xi32> to vector<1x16xi32>
    tpu.vector_store %arg6[%swap3A_167, %swap3A_168], %swap3A_171 {strides = array<i32>} : memref<5x128xi32, #tpu.memory_space<vmem>>, vector<1x16xi32>,
    %get3A_172 = arith.constant 0 : i32
    %get3A_173 = arith.index_cast %get3A_172 : i32 to index
    %get3A_174 = arith.constant 64 : index
    %get3A_175 = tpu.vector_load %arg5[%get3A_173, %get3A_174] {strides = array<i32>} : memref<5x128xf32, #tpu.memory_space<vmem>>, vector<1x16xf32>,
    %get3A_176 = vector.shape_cast %get3A_175 : vector<1x16xf32> to vector<16xf32>
    %max3A_177 = arith.constant 0.00999999977 : f32
    %max3A_178 = vector.broadcast %max3A_177 : f32 to vector<16xf32>
    %max3A_179 = arith.maximumf %get3A_176, %max3A_178 : vector<16xf32>
    %mul3A_180 = arith.constant 1.000000e+02 : f32
    %mul3A_181 = vector.broadcast %mul3A_180 : f32 to vector<16xf32>
    %mul3A_182 = arith.mulf %max3A_179, %mul3A_181 : vector<16xf32>
    %add3A_183 = arith.constant 5.000000e-01 : f32
    %add3A_184 = vector.broadcast %add3A_183 : f32 to vector<16xf32>
    %add3A_185 = arith.addf %mul3A_182, %add3A_184 : vector<16xf32>
    %convert_element_type3A_186 = arith.fptosi %add3A_185 : vector<16xf32> to vector<16xi32>
    %convert_element_type3A_187 = arith.sitofp %convert_element_type3A_186 : vector<16xi32> to vector<16xf32>
    %eq3A_188 = arith.cmpf oeq, %convert_element_type3A_187, %add3A_185 : vector<16xf32>
    %and3A_189 = arith.constant 1 : i32
    %and3A_190 = vector.broadcast %and3A_189 : i32 to vector<16xi32>
    %and3A_191 = arith.andi %convert_element_type3A_186, %and3A_190 : vector<16xi32>
    %jit3A_192 = arith.constant 0 : i32
    %broadcast_in_dim3A_193 = vector.broadcast %jit3A_192 : i32 to vector<16xi32>
    %select_n3A_194 = arith.select %eq3A_188, %and3A_191, %broadcast_in_dim3A_193 : vector<16xi1>, vector<16xi32>
    %sub3A_195 = arith.subi %convert_element_type3A_186, %select_n3A_194 : vector<16xi32>
    %sub3A_196 = arith.constant 1 : i32
    %sub3A_197 = vector.broadcast %sub3A_196 : i32 to vector<16xi32>
    %sub3A_198 = arith.subi %sub3A_195, %sub3A_197 : vector<16xi32>
    %swap3A_199 = arith.constant 0 : i32
    %swap3A_200 = arith.index_cast %swap3A_199 : i32 to index
    %swap3A_201 = arith.constant 64 : index
    %swap3A_202 = tpu.vector_load %arg6[%swap3A_200, %swap3A_201] {strides = array<i32>} : memref<5x128xi32, #tpu.memory_space<vmem>>, vector<1x16xi32>,
    %swap3A_203 = vector.shape_cast %swap3A_202 : vector<1x16xi32> to vector<16xi32>
    %swap3A_204 = vector.shape_cast %sub3A_198 : vector<16xi32> to vector<1x16xi32>
    tpu.vector_store %arg6[%swap3A_200, %swap3A_201], %swap3A_204 {strides = array<i32>} : memref<5x128xi32, #tpu.memory_space<vmem>>, vector<1x16xi32>,
    %get3A_205 = arith.constant 0 : i32
    %get3A_206 = arith.index_cast %get3A_205 : i32 to index
    %get3A_207 = arith.constant 80 : index
    %get3A_208 = tpu.vector_load %arg5[%get3A_206, %get3A_207] {strides = array<i32>} : memref<5x128xf32, #tpu.memory_space<vmem>>, vector<1x16xf32>,
    %get3A_209 = vector.shape_cast %get3A_208 : vector<1x16xf32> to vector<16xf32>
    %max3A_210 = arith.constant 0.00999999977 : f32
    %max3A_211 = vector.broadcast %max3A_210 : f32 to vector<16xf32>
    %max3A_212 = arith.maximumf %get3A_209, %max3A_211 : vector<16xf32>
    %mul3A_213 = arith.constant 1.000000e+02 : f32
    %mul3A_214 = vector.broadcast %mul3A_213 : f32 to vector<16xf32>
    %mul3A_215 = arith.mulf %max3A_212, %mul3A_214 : vector<16xf32>
    %add3A_216 = arith.constant 5.000000e-01 : f32
    %add3A_217 = vector.broadcast %add3A_216 : f32 to vector<16xf32>
    %add3A_218 = arith.addf %mul3A_215, %add3A_217 : vector<16xf32>
    %convert_element_type3A_219 = arith.fptosi %add3A_218 : vector<16xf32> to vector<16xi32>
    %convert_element_type3A_220 = arith.sitofp %convert_element_type3A_219 : vector<16xi32> to vector<16xf32>
    %eq3A_221 = arith.cmpf oeq, %convert_element_type3A_220, %add3A_218 : vector<16xf32>
    %and3A_222 = arith.constant 1 : i32
    %and3A_223 = vector.broadcast %and3A_222 : i32 to vector<16xi32>
    %and3A_224 = arith.andi %convert_element_type3A_219, %and3A_223 : vector<16xi32>
    %jit3A_225 = arith.constant 0 : i32
    %broadcast_in_dim3A_226 = vector.broadcast %jit3A_225 : i32 to vector<16xi32>
    %select_n3A_227 = arith.select %eq3A_221, %and3A_224, %broadcast_in_dim3A_226 : vector<16xi1>, vector<16xi32>
    %sub3A_228 = arith.subi %convert_element_type3A_219, %select_n3A_227 : vector<16xi32>
    %sub3A_229 = arith.constant 1 : i32
    %sub3A_230 = vector.broadcast %sub3A_229 : i32 to vector<16xi32>
    %sub3A_231 = arith.subi %sub3A_228, %sub3A_230 : vector<16xi32>
    %swap3A_232 = arith.constant 0 : i32
    %swap3A_233 = arith.index_cast %swap3A_232 : i32 to index
    %swap3A_234 = arith.constant 80 : index
    %swap3A_235 = tpu.vector_load %arg6[%swap3A_233, %swap3A_234] {strides = array<i32>} : memref<5x128xi32, #tpu.memory_space<vmem>>, vector<1x16xi32>,
    %swap3A_236 = vector.shape_cast %swap3A_235 : vector<1x16xi32> to vector<16xi32>
    %swap3A_237 = vector.shape_cast %sub3A_231 : vector<16xi32> to vector<1x16xi32>
    tpu.vector_store %arg6[%swap3A_233, %swap3A_234], %swap3A_237 {strides = array<i32>} : memref<5x128xi32, #tpu.memory_space<vmem>>, vector<1x16xi32>,
    %get3A_238 = arith.constant 0 : i32
    %get3A_239 = arith.index_cast %get3A_238 : i32 to index
    %get3A_240 = arith.constant 96 : index
    %get3A_241 = tpu.vector_load %arg5[%get3A_239, %get3A_240] {strides = array<i32>} : memref<5x128xf32, #tpu.memory_space<vmem>>, vector<1x16xf32>,
    %get3A_242 = vector.shape_cast %get3A_241 : vector<1x16xf32> to vector<16xf32>
    %max3A_243 = arith.constant 0.00999999977 : f32
    %max3A_244 = vector.broadcast %max3A_243 : f32 to vector<16xf32>
    %max3A_245 = arith.maximumf %get3A_242, %max3A_244 : vector<16xf32>
    %mul3A_246 = arith.constant 1.000000e+02 : f32
    %mul3A_247 = vector.broadcast %mul3A_246 : f32 to vector<16xf32>
    %mul3A_248 = arith.mulf %max3A_245, %mul3A_247 : vector<16xf32>
    %add3A_249 = arith.constant 5.000000e-01 : f32
    %add3A_250 = vector.broadcast %add3A_249 : f32 to vector<16xf32>
    %add3A_251 = arith.addf %mul3A_248, %add3A_250 : vector<16xf32>
    %convert_element_type3A_252 = arith.fptosi %add3A_251 : vector<16xf32> to vector<16xi32>
    %convert_element_type3A_253 = arith.sitofp %convert_element_type3A_252 : vector<16xi32> to vector<16xf32>
    %eq3A_254 = arith.cmpf oeq, %convert_element_type3A_253, %add3A_251 : vector<16xf32>
    %and3A_255 = arith.constant 1 : i32
    %and3A_256 = vector.broadcast %and3A_255 : i32 to vector<16xi32>
    %and3A_257 = arith.andi %convert_element_type3A_252, %and3A_256 : vector<16xi32>
    %jit3A_258 = arith.constant 0 : i32
    %broadcast_in_dim3A_259 = vector.broadcast %jit3A_258 : i32 to vector<16xi32>
    %select_n3A_260 = arith.select %eq3A_254, %and3A_257, %broadcast_in_dim3A_259 : vector<16xi1>, vector<16xi32>
    %sub3A_261 = arith.subi %convert_element_type3A_252, %select_n3A_260 : vector<16xi32>
    %sub3A_262 = arith.constant 1 : i32
    %sub3A_263 = vector.broadcast %sub3A_262 : i32 to vector<16xi32>
    %sub3A_264 = arith.subi %sub3A_261, %sub3A_263 : vector<16xi32>
    %swap3A_265 = arith.constant 0 : i32
    %swap3A_266 = arith.index_cast %swap3A_265 : i32 to index
    %swap3A_267 = arith.constant 96 : index
    %swap3A_268 = tpu.vector_load %arg6[%swap3A_266, %swap3A_267] {strides = array<i32>} : memref<5x128xi32, #tpu.memory_space<vmem>>, vector<1x16xi32>,
    %swap3A_269 = vector.shape_cast %swap3A_268 : vector<1x16xi32> to vector<16xi32>
    %swap3A_270 = vector.shape_cast %sub3A_264 : vector<16xi32> to vector<1x16xi32>
    tpu.vector_store %arg6[%swap3A_266, %swap3A_267], %swap3A_270 {strides = array<i32>} : memref<5x128xi32, #tpu.memory_space<vmem>>, vector<1x16xi32>,
    %get3A_271 = arith.constant 0 : i32
    %get3A_272 = arith.index_cast %get3A_271 : i32 to index
    %get3A_273 = arith.constant 112 : index
    %get3A_274 = tpu.vector_load %arg5[%get3A_272, %get3A_273] {strides = array<i32>} : memref<5x128xf32, #tpu.memory_space<vmem>>, vector<1x16xf32>,
    %get3A_275 = vector.shape_cast %get3A_274 : vector<1x16xf32> to vector<16xf32>
    %max3A_276 = arith.constant 0.00999999977 : f32
    %max3A_277 = vector.broadcast %max3A_276 : f32 to vector<16xf32>
    %max3A_278 = arith.maximumf %get3A_275, %max3A_277 : vector<16xf32>
    %mul3A_279 = arith.constant 1.000000e+02 : f32
    %mul3A_280 = vector.broadcast %mul3A_279 : f32 to vector<16xf32>
    %mul3A_281 = arith.mulf %max3A_278, %mul3A_280 : vector<16xf32>
    %add3A_282 = arith.constant 5.000000e-01 : f32
    %add3A_283 = vector.broadcast %add3A_282 : f32 to vector<16xf32>
    %add3A_284 = arith.addf %mul3A_281, %add3A_283 : vector<16xf32>
    %convert_element_type3A_285 = arith.fptosi %add3A_284 : vector<16xf32> to vector<16xi32>
    %convert_element_type3A_286 = arith.sitofp %convert_element_type3A_285 : vector<16xi32> to vector<16xf32>
    %eq3A_287 = arith.cmpf oeq, %convert_element_type3A_286, %add3A_284 : vector<16xf32>
    %and3A_288 = arith.constant 1 : i32
    %and3A_289 = vector.broadcast %and3A_288 : i32 to vector<16xi32>
    %and3A_290 = arith.andi %convert_element_type3A_285, %and3A_289 : vector<16xi32>
    %jit3A_291 = arith.constant 0 : i32
    %broadcast_in_dim3A_292 = vector.broadcast %jit3A_291 : i32 to vector<16xi32>
    %select_n3A_293 = arith.select %eq3A_287, %and3A_290, %broadcast_in_dim3A_292 : vector<16xi1>, vector<16xi32>
    %sub3A_294 = arith.subi %convert_element_type3A_285, %select_n3A_293 : vector<16xi32>
    %sub3A_295 = arith.constant 1 : i32
    %sub3A_296 = vector.broadcast %sub3A_295 : i32 to vector<16xi32>
    %sub3A_297 = arith.subi %sub3A_294, %sub3A_296 : vector<16xi32>
    %swap3A_298 = arith.constant 0 : i32
    %swap3A_299 = arith.index_cast %swap3A_298 : i32 to index
    %swap3A_300 = arith.constant 112 : index
    %swap3A_301 = tpu.vector_load %arg6[%swap3A_299, %swap3A_300] {strides = array<i32>} : memref<5x128xi32, #tpu.memory_space<vmem>>, vector<1x16xi32>,
    %swap3A_302 = vector.shape_cast %swap3A_301 : vector<1x16xi32> to vector<16xi32>
    %swap3A_303 = vector.shape_cast %sub3A_297 : vector<16xi32> to vector<1x16xi32>
    tpu.vector_store %arg6[%swap3A_299, %swap3A_300], %swap3A_303 {strides = array<i32>} : memref<5x128xi32, #tpu.memory_space<vmem>>, vector<1x16xi32>,
    %dma_start3A_304 = arith.constant 0 : i32
    %dma_start3A_305 = arith.constant 0 : i32
    %dma_start3A_306 = arith.constant 0 : i32
    %dma_start3A_307 = arith.constant 0 : i32
    %dma_start3A_308 = arith.constant 0 : i32
    %dma_start3A_309 = tpu.memref_slice %arg7[%dma_start3A_305, %dma_start3A_307, %dma_start3A_308] : memref<5x128x128xf32, #tpu.memory_space<vmem>> -> memref<1x128x128xf32, #tpu.memory_space<vmem>>
    %dma_start3A_310 = tpu.memref_squeeze %dma_start3A_309 : memref<1x128x128xf32, #tpu.memory_space<vmem>> -> memref<128x128xf32, #tpu.memory_space<vmem>>
    %dma_start3A_311 = arith.constant 0 : i32
    %dma_start3A_312 = tpu.memref_slice %arg6[%dma_start3A_304, %dma_start3A_311] : memref<5x128xi32, #tpu.memory_space<vmem>> -> memref<1x128xi32, #tpu.memory_space<vmem>>
    %dma_start3A_313 = tpu.memref_squeeze %dma_start3A_312 : memref<1x128xi32, #tpu.memory_space<vmem>> -> memref<128xi32, #tpu.memory_space<vmem>>
    %dma_start3A_314 = arith.constant 0 : i32
    %dma_start3A_315 = arith.constant 0 : i32
    %dma_start3A_316 = tpu.memref_slice %arg8[%dma_start3A_314, %dma_start3A_315] : memref<100x128xf32, #tpu.memory_space<vmem_shared>> -> memref<100x128xf32, #tpu.memory_space<vmem_shared>>
    %dma_start3A_317 = tpu.memref_slice %arg10[%dma_start3A_306] : memref<5x!tpu.dma_semaphore, #tpu.memory_space<semaphore_mem>> -> memref<1x!tpu.dma_semaphore, #tpu.memory_space<semaphore_mem>>
    %dma_start3A_318 = tpu.memref_squeeze %dma_start3A_317 : memref<1x!tpu.dma_semaphore, #tpu.memory_space<semaphore_mem>> -> memref<!tpu.dma_semaphore, #tpu.memory_space<semaphore_mem>>
    tpu.enqueue_indirect_dma source(%dma_start3A_316 : memref<100x128xf32, #tpu.memory_space<vmem_shared>>) target(%dma_start3A_310 : memref<128x128xf32, #tpu.memory_space<vmem>>) offsets(%dma_start3A_313 : memref<128xi32, #tpu.memory_space<vmem>>) semaphore(%dma_start3A_318 : memref<!tpu.dma_semaphore, #tpu.memory_space<semaphore_mem>>)
    %add3A_319 = arith.constant 256 : i32
    %add3A_320 = arith.addi %mul3A_2, %add3A_319 : i32
    %min3A_321 = arith.constant 819072 : i32
    %min3A_322 = arith.minsi %add3A_320, %min3A_321 : i32
    %dma_start3A_323 = arith.constant 2 : i32
    %dma_start3A_324 = arith.constant 2 : i32
    %dma_start3A_325 = arith.constant 0 : i32
    %dma_start3A_326 = tpu.memref_slice %arg5[%dma_start3A_323, %dma_start3A_325] : memref<5x128xf32, #tpu.memory_space<vmem>> -> memref<1x128xf32, #tpu.memory_space<vmem>>
    %dma_start3A_327 = tpu.memref_squeeze %dma_start3A_326 : memref<1x128xf32, #tpu.memory_space<vmem>> -> memref<128xf32, #tpu.memory_space<vmem>>
    %dma_start3A_328 = tpu.memref_slice %arg2[%min3A_322] : memref<819200xf32, #tpu.memory_space<hbm>> -> memref<128xf32, #tpu.memory_space<hbm>>
    %dma_start3A_329 = tpu.memref_slice %arg9[%dma_start3A_324] : memref<5x!tpu.dma_semaphore, #tpu.memory_space<semaphore_mem>> -> memref<1x!tpu.dma_semaphore, #tpu.memory_space<semaphore_mem>>
    %dma_start3A_330 = tpu.memref_squeeze %dma_start3A_329 : memref<1x!tpu.dma_semaphore, #tpu.memory_space<semaphore_mem>> -> memref<!tpu.dma_semaphore, #tpu.memory_space<semaphore_mem>>
    %dma_start3A_331 = arith.constant 0 : i32
    %dma_start3A_332 = tpu.memref_slice %arg5[%dma_start3A_323, %dma_start3A_331] : memref<5x128xf32, #tpu.memory_space<vmem>> -> memref<1x128xf32, #tpu.memory_space<vmem>>
    %dma_start3A_333 = tpu.memref_squeeze %dma_start3A_332 : memref<1x128xf32, #tpu.memory_space<vmem>> -> memref<128xf32, #tpu.memory_space<vmem>>
    %dma_start3A_334 = tpu.memref_slice %arg2[%min3A_322] : memref<819200xf32, #tpu.memory_space<hbm>> -> memref<128xf32, #tpu.memory_space<hbm>>
    tpu.enqueue_dma source(%dma_start3A_334 : memref<128xf32, #tpu.memory_space<hbm>>) target(%dma_start3A_333 : memref<128xf32, #tpu.memory_space<vmem>>) target_semaphore(%dma_start3A_330 : memref<!tpu.dma_semaphore, #tpu.memory_space<semaphore_mem>>)
    %dma_wait3A_335 = arith.constant 1 : i32
    %dma_wait3A_336 = arith.constant 1 : i32
    %dma_wait3A_337 = arith.constant 0 : i32
    %dma_wait3A_338 = tpu.memref_slice %arg5[%dma_wait3A_335, %dma_wait3A_337] : memref<5x128xf32, #tpu.memory_space<vmem>> -> memref<1x128xf32, #tpu.memory_space<vmem>>
    %dma_wait3A_339 = tpu.memref_squeeze %dma_wait3A_338 : memref<1x128xf32, #tpu.memory_space<vmem>> -> memref<128xf32, #tpu.memory_space<vmem>>
    %dma_wait3A_340 = arith.constant 0 : i32
    %dma_wait3A_341 = tpu.memref_slice %arg2[%dma_wait3A_340] : memref<819200xf32, #tpu.memory_space<hbm>> -> memref<128xf32, #tpu.memory_space<hbm>>
    %dma_wait3A_342 = tpu.memref_slice %arg9[%dma_wait3A_336] : memref<5x!tpu.dma_semaphore, #tpu.memory_space<semaphore_mem>> -> memref<1x!tpu.dma_semaphore, #tpu.memory_space<semaphore_mem>>
    %dma_wait3A_343 = tpu.memref_squeeze %dma_wait3A_342 : memref<1x!tpu.dma_semaphore, #tpu.memory_space<semaphore_mem>> -> memref<!tpu.dma_semaphore, #tpu.memory_space<semaphore_mem>>
    %dma_wait3A_344 = arith.constant 0 : i32
    %dma_wait3A_345 = tpu.memref_slice %arg5[%dma_wait3A_335, %dma_wait3A_344] : memref<5x128xf32, #tpu.memory_space<vmem>> -> memref<1x128xf32, #tpu.memory_space<vmem>>
    %dma_wait3A_346 = tpu.memref_squeeze %dma_wait3A_345 : memref<1x128xf32, #tpu.memory_space<vmem>> -> memref<128xf32, #tpu.memory_space<vmem>>
    %dma_wait3A_347 = arith.constant 0 : i32
    %dma_wait3A_348 = tpu.memref_slice %arg2[%dma_wait3A_347] : memref<819200xf32, #tpu.memory_space<hbm>> -> memref<128xf32, #tpu.memory_space<hbm>>
    tpu.wait_dma2 semaphore(%dma_wait3A_343 : memref<!tpu.dma_semaphore, #tpu.memory_space<semaphore_mem>>) src(%dma_wait3A_348 : memref<128xf32, #tpu.memory_space<hbm>>) dst(%dma_wait3A_346 : memref<128xf32, #tpu.memory_space<vmem>>)
    %get3A_349 = arith.constant 1 : i32
    %get3A_350 = arith.index_cast %get3A_349 : i32 to index
    %get3A_351 = arith.constant 0 : index
    %get3A_352 = tpu.vector_load %arg5[%get3A_350, %get3A_351] {strides = array<i32>} : memref<5x128xf32, #tpu.memory_space<vmem>>, vector<1x16xf32>,
    %get3A_353 = vector.shape_cast %get3A_352 : vector<1x16xf32> to vector<16xf32>
    %max3A_354 = arith.constant 0.00999999977 : f32
    %max3A_355 = vector.broadcast %max3A_354 : f32 to vector<16xf32>
    %max3A_356 = arith.maximumf %get3A_353, %max3A_355 : vector<16xf32>
    %mul3A_357 = arith.constant 1.000000e+02 : f32
    %mul3A_358 = vector.broadcast %mul3A_357 : f32 to vector<16xf32>
    %mul3A_359 = arith.mulf %max3A_356, %mul3A_358 : vector<16xf32>
    %add3A_360 = arith.constant 5.000000e-01 : f32
    %add3A_361 = vector.broadcast %add3A_360 : f32 to vector<16xf32>
    %add3A_362 = arith.addf %mul3A_359, %add3A_361 : vector<16xf32>
    %convert_element_type3A_363 = arith.fptosi %add3A_362 : vector<16xf32> to vector<16xi32>
    %convert_element_type3A_364 = arith.sitofp %convert_element_type3A_363 : vector<16xi32> to vector<16xf32>
    %eq3A_365 = arith.cmpf oeq, %convert_element_type3A_364, %add3A_362 : vector<16xf32>
    %and3A_366 = arith.constant 1 : i32
    %and3A_367 = vector.broadcast %and3A_366 : i32 to vector<16xi32>
    %and3A_368 = arith.andi %convert_element_type3A_363, %and3A_367 : vector<16xi32>
    %jit3A_369 = arith.constant 0 : i32
    %broadcast_in_dim3A_370 = vector.broadcast %jit3A_369 : i32 to vector<16xi32>
    %select_n3A_371 = arith.select %eq3A_365, %and3A_368, %broadcast_in_dim3A_370 : vector<16xi1>, vector<16xi32>
    %sub3A_372 = arith.subi %convert_element_type3A_363, %select_n3A_371 : vector<16xi32>
    %sub3A_373 = arith.constant 1 : i32
    %sub3A_374 = vector.broadcast %sub3A_373 : i32 to vector<16xi32>
    %sub3A_375 = arith.subi %sub3A_372, %sub3A_374 : vector<16xi32>
    %swap3A_376 = arith.constant 1 : i32
    %swap3A_377 = arith.index_cast %swap3A_376 : i32 to index
    %swap3A_378 = arith.constant 0 : index
    %swap3A_379 = tpu.vector_load %arg6[%swap3A_377, %swap3A_378] {strides = array<i32>} : memref<5x128xi32, #tpu.memory_space<vmem>>, vector<1x16xi32>,
    %swap3A_380 = vector.shape_cast %swap3A_379 : vector<1x16xi32> to vector<16xi32>
    %swap3A_381 = vector.shape_cast %sub3A_375 : vector<16xi32> to vector<1x16xi32>
    tpu.vector_store %arg6[%swap3A_377, %swap3A_378], %swap3A_381 {strides = array<i32>} : memref<5x128xi32, #tpu.memory_space<vmem>>, vector<1x16xi32>,
    %get3A_382 = arith.constant 1 : i32
    %get3A_383 = arith.index_cast %get3A_382 : i32 to index
    %get3A_384 = arith.constant 16 : index
    %get3A_385 = tpu.vector_load %arg5[%get3A_383, %get3A_384] {strides = array<i32>} : memref<5x128xf32, #tpu.memory_space<vmem>>, vector<1x16xf32>,
    %get3A_386 = vector.shape_cast %get3A_385 : vector<1x16xf32> to vector<16xf32>
    %max3A_387 = arith.constant 0.00999999977 : f32
    %max3A_388 = vector.broadcast %max3A_387 : f32 to vector<16xf32>
    %max3A_389 = arith.maximumf %get3A_386, %max3A_388 : vector<16xf32>
    %mul3A_390 = arith.constant 1.000000e+02 : f32
    %mul3A_391 = vector.broadcast %mul3A_390 : f32 to vector<16xf32>
    %mul3A_392 = arith.mulf %max3A_389, %mul3A_391 : vector<16xf32>
    %add3A_393 = arith.constant 5.000000e-01 : f32
    %add3A_394 = vector.broadcast %add3A_393 : f32 to vector<16xf32>
    %add3A_395 = arith.addf %mul3A_392, %add3A_394 : vector<16xf32>
    %convert_element_type3A_396 = arith.fptosi %add3A_395 : vector<16xf32> to vector<16xi32>
    %convert_element_type3A_397 = arith.sitofp %convert_element_type3A_396 : vector<16xi32> to vector<16xf32>
    %eq3A_398 = arith.cmpf oeq, %convert_element_type3A_397, %add3A_395 : vector<16xf32>
    %and3A_399 = arith.constant 1 : i32
    %and3A_400 = vector.broadcast %and3A_399 : i32 to vector<16xi32>
    %and3A_401 = arith.andi %convert_element_type3A_396, %and3A_400 : vector<16xi32>
    %jit3A_402 = arith.constant 0 : i32
    %broadcast_in_dim3A_403 = vector.broadcast %jit3A_402 : i32 to vector<16xi32>
    %select_n3A_404 = arith.select %eq3A_398, %and3A_401, %broadcast_in_dim3A_403 : vector<16xi1>, vector<16xi32>
    %sub3A_405 = arith.subi %convert_element_type3A_396, %select_n3A_404 : vector<16xi32>
    %sub3A_406 = arith.constant 1 : i32
    %sub3A_407 = vector.broadcast %sub3A_406 : i32 to vector<16xi32>
    %sub3A_408 = arith.subi %sub3A_405, %sub3A_407 : vector<16xi32>
    %swap3A_409 = arith.constant 1 : i32
    %swap3A_410 = arith.index_cast %swap3A_409 : i32 to index
    %swap3A_411 = arith.constant 16 : index
    %swap3A_412 = tpu.vector_load %arg6[%swap3A_410, %swap3A_411] {strides = array<i32>} : memref<5x128xi32, #tpu.memory_space<vmem>>, vector<1x16xi32>,
    %swap3A_413 = vector.shape_cast %swap3A_412 : vector<1x16xi32> to vector<16xi32>
    %swap3A_414 = vector.shape_cast %sub3A_408 : vector<16xi32> to vector<1x16xi32>
    tpu.vector_store %arg6[%swap3A_410, %swap3A_411], %swap3A_414 {strides = array<i32>} : memref<5x128xi32, #tpu.memory_space<vmem>>, vector<1x16xi32>,
    %get3A_415 = arith.constant 1 : i32
    %get3A_416 = arith.index_cast %get3A_415 : i32 to index
    %get3A_417 = arith.constant 32 : index
    %get3A_418 = tpu.vector_load %arg5[%get3A_416, %get3A_417] {strides = array<i32>} : memref<5x128xf32, #tpu.memory_space<vmem>>, vector<1x16xf32>,
    %get3A_419 = vector.shape_cast %get3A_418 : vector<1x16xf32> to vector<16xf32>
    %max3A_420 = arith.constant 0.00999999977 : f32
    %max3A_421 = vector.broadcast %max3A_420 : f32 to vector<16xf32>
    %max3A_422 = arith.maximumf %get3A_419, %max3A_421 : vector<16xf32>
    %mul3A_423 = arith.constant 1.000000e+02 : f32
    %mul3A_424 = vector.broadcast %mul3A_423 : f32 to vector<16xf32>
    %mul3A_425 = arith.mulf %max3A_422, %mul3A_424 : vector<16xf32>
    %add3A_426 = arith.constant 5.000000e-01 : f32
    %add3A_427 = vector.broadcast %add3A_426 : f32 to vector<16xf32>
    %add3A_428 = arith.addf %mul3A_425, %add3A_427 : vector<16xf32>
    %convert_element_type3A_429 = arith.fptosi %add3A_428 : vector<16xf32> to vector<16xi32>
    %convert_element_type3A_430 = arith.sitofp %convert_element_type3A_429 : vector<16xi32> to vector<16xf32>
    %eq3A_431 = arith.cmpf oeq, %convert_element_type3A_430, %add3A_428 : vector<16xf32>
    %and3A_432 = arith.constant 1 : i32
    %and3A_433 = vector.broadcast %and3A_432 : i32 to vector<16xi32>
    %and3A_434 = arith.andi %convert_element_type3A_429, %and3A_433 : vector<16xi32>
    %jit3A_435 = arith.constant 0 : i32
    %broadcast_in_dim3A_436 = vector.broadcast %jit3A_435 : i32 to vector<16xi32>
    %select_n3A_437 = arith.select %eq3A_431, %and3A_434, %broadcast_in_dim3A_436 : vector<16xi1>, vector<16xi32>
    %sub3A_438 = arith.subi %convert_element_type3A_429, %select_n3A_437 : vector<16xi32>
    %sub3A_439 = arith.constant 1 : i32
    %sub3A_440 = vector.broadcast %sub3A_439 : i32 to vector<16xi32>
    %sub3A_441 = arith.subi %sub3A_438, %sub3A_440 : vector<16xi32>
    %swap3A_442 = arith.constant 1 : i32
    %swap3A_443 = arith.index_cast %swap3A_442 : i32 to index
    %swap3A_444 = arith.constant 32 : index
    %swap3A_445 = tpu.vector_load %arg6[%swap3A_443, %swap3A_444] {strides = array<i32>} : memref<5x128xi32, #tpu.memory_space<vmem>>, vector<1x16xi32>,
    %swap3A_446 = vector.shape_cast %swap3A_445 : vector<1x16xi32> to vector<16xi32>
    %swap3A_447 = vector.shape_cast %sub3A_441 : vector<16xi32> to vector<1x16xi32>
    tpu.vector_store %arg6[%swap3A_443, %swap3A_444], %swap3A_447 {strides = array<i32>} : memref<5x128xi32, #tpu.memory_space<vmem>>, vector<1x16xi32>,
    %get3A_448 = arith.constant 1 : i32
    %get3A_449 = arith.index_cast %get3A_448 : i32 to index
    %get3A_450 = arith.constant 48 : index
    %get3A_451 = tpu.vector_load %arg5[%get3A_449, %get3A_450] {strides = array<i32>} : memref<5x128xf32, #tpu.memory_space<vmem>>, vector<1x16xf32>,
    %get3A_452 = vector.shape_cast %get3A_451 : vector<1x16xf32> to vector<16xf32>
    %max3A_453 = arith.constant 0.00999999977 : f32
    %max3A_454 = vector.broadcast %max3A_453 : f32 to vector<16xf32>
    %max3A_455 = arith.maximumf %get3A_452, %max3A_454 : vector<16xf32>
    %mul3A_456 = arith.constant 1.000000e+02 : f32
    %mul3A_457 = vector.broadcast %mul3A_456 : f32 to vector<16xf32>
    %mul3A_458 = arith.mulf %max3A_455, %mul3A_457 : vector<16xf32>
    %add3A_459 = arith.constant 5.000000e-01 : f32
    %add3A_460 = vector.broadcast %add3A_459 : f32 to vector<16xf32>
    %add3A_461 = arith.addf %mul3A_458, %add3A_460 : vector<16xf32>
    %convert_element_type3A_462 = arith.fptosi %add3A_461 : vector<16xf32> to vector<16xi32>
    %convert_element_type3A_463 = arith.sitofp %convert_element_type3A_462 : vector<16xi32> to vector<16xf32>
    %eq3A_464 = arith.cmpf oeq, %convert_element_type3A_463, %add3A_461 : vector<16xf32>
    %and3A_465 = arith.constant 1 : i32
    %and3A_466 = vector.broadcast %and3A_465 : i32 to vector<16xi32>
    %and3A_467 = arith.andi %convert_element_type3A_462, %and3A_466 : vector<16xi32>
    %jit3A_468 = arith.constant 0 : i32
    %broadcast_in_dim3A_469 = vector.broadcast %jit3A_468 : i32 to vector<16xi32>
    %select_n3A_470 = arith.select %eq3A_464, %and3A_467, %broadcast_in_dim3A_469 : vector<16xi1>, vector<16xi32>
    %sub3A_471 = arith.subi %convert_element_type3A_462, %select_n3A_470 : vector<16xi32>
    %sub3A_472 = arith.constant 1 : i32
    %sub3A_473 = vector.broadcast %sub3A_472 : i32 to vector<16xi32>
    %sub3A_474 = arith.subi %sub3A_471, %sub3A_473 : vector<16xi32>
    %swap3A_475 = arith.constant 1 : i32
    %swap3A_476 = arith.index_cast %swap3A_475 : i32 to index
    %swap3A_477 = arith.constant 48 : index
    %swap3A_478 = tpu.vector_load %arg6[%swap3A_476, %swap3A_477] {strides = array<i32>} : memref<5x128xi32, #tpu.memory_space<vmem>>, vector<1x16xi32>,
    %swap3A_479 = vector.shape_cast %swap3A_478 : vector<1x16xi32> to vector<16xi32>
    %swap3A_480 = vector.shape_cast %sub3A_474 : vector<16xi32> to vector<1x16xi32>
    tpu.vector_store %arg6[%swap3A_476, %swap3A_477], %swap3A_480 {strides = array<i32>} : memref<5x128xi32, #tpu.memory_space<vmem>>, vector<1x16xi32>,
    %get3A_481 = arith.constant 1 : i32
    %get3A_482 = arith.index_cast %get3A_481 : i32 to index
    %get3A_483 = arith.constant 64 : index
    %get3A_484 = tpu.vector_load %arg5[%get3A_482, %get3A_483] {strides = array<i32>} : memref<5x128xf32, #tpu.memory_space<vmem>>, vector<1x16xf32>,
    %get3A_485 = vector.shape_cast %get3A_484 : vector<1x16xf32> to vector<16xf32>
    %max3A_486 = arith.constant 0.00999999977 : f32
    %max3A_487 = vector.broadcast %max3A_486 : f32 to vector<16xf32>
    %max3A_488 = arith.maximumf %get3A_485, %max3A_487 : vector<16xf32>
    %mul3A_489 = arith.constant 1.000000e+02 : f32
    %mul3A_490 = vector.broadcast %mul3A_489 : f32 to vector<16xf32>
    %mul3A_491 = arith.mulf %max3A_488, %mul3A_490 : vector<16xf32>
    %add3A_492 = arith.constant 5.000000e-01 : f32
    %add3A_493 = vector.broadcast %add3A_492 : f32 to vector<16xf32>
    %add3A_494 = arith.addf %mul3A_491, %add3A_493 : vector<16xf32>
    %convert_element_type3A_495 = arith.fptosi %add3A_494 : vector<16xf32> to vector<16xi32>
    %convert_element_type3A_496 = arith.sitofp %convert_element_type3A_495 : vector<16xi32> to vector<16xf32>
    %eq3A_497 = arith.cmpf oeq, %convert_element_type3A_496, %add3A_494 : vector<16xf32>
    %and3A_498 = arith.constant 1 : i32
    %and3A_499 = vector.broadcast %and3A_498 : i32 to vector<16xi32>
    %and3A_500 = arith.andi %convert_element_type3A_495, %and3A_499 : vector<16xi32>
    %jit3A_501 = arith.constant 0 : i32
    %broadcast_in_dim3A_502 = vector.broadcast %jit3A_501 : i32 to vector<16xi32>
    %select_n3A_503 = arith.select %eq3A_497, %and3A_500, %broadcast_in_dim3A_502 : vector<16xi1>, vector<16xi32>
    %sub3A_504 = arith.subi %convert_element_type3A_495, %select_n3A_503 : vector<16xi32>
    %sub3A_505 = arith.constant 1 : i32
    %sub3A_506 = vector.broadcast %sub3A_505 : i32 to vector<16xi32>
    %sub3A_507 = arith.subi %sub3A_504, %sub3A_506 : vector<16xi32>
    %swap3A_508 = arith.constant 1 : i32
    %swap3A_509 = arith.index_cast %swap3A_508 : i32 to index
    %swap3A_510 = arith.constant 64 : index
    %swap3A_511 = tpu.vector_load %arg6[%swap3A_509, %swap3A_510] {strides = array<i32>} : memref<5x128xi32, #tpu.memory_space<vmem>>, vector<1x16xi32>,
    %swap3A_512 = vector.shape_cast %swap3A_511 : vector<1x16xi32> to vector<16xi32>
    %swap3A_513 = vector.shape_cast %sub3A_507 : vector<16xi32> to vector<1x16xi32>
    tpu.vector_store %arg6[%swap3A_509, %swap3A_510], %swap3A_513 {strides = array<i32>} : memref<5x128xi32, #tpu.memory_space<vmem>>, vector<1x16xi32>,
    %get3A_514 = arith.constant 1 : i32
    %get3A_515 = arith.index_cast %get3A_514 : i32 to index
    %get3A_516 = arith.constant 80 : index
    %get3A_517 = tpu.vector_load %arg5[%get3A_515, %get3A_516] {strides = array<i32>} : memref<5x128xf32, #tpu.memory_space<vmem>>, vector<1x16xf32>,
    %get3A_518 = vector.shape_cast %get3A_517 : vector<1x16xf32> to vector<16xf32>
    %max3A_519 = arith.constant 0.00999999977 : f32
    %max3A_520 = vector.broadcast %max3A_519 : f32 to vector<16xf32>
    %max3A_521 = arith.maximumf %get3A_518, %max3A_520 : vector<16xf32>
    %mul3A_522 = arith.constant 1.000000e+02 : f32
    %mul3A_523 = vector.broadcast %mul3A_522 : f32 to vector<16xf32>
    %mul3A_524 = arith.mulf %max3A_521, %mul3A_523 : vector<16xf32>
    %add3A_525 = arith.constant 5.000000e-01 : f32
    %add3A_526 = vector.broadcast %add3A_525 : f32 to vector<16xf32>
    %add3A_527 = arith.addf %mul3A_524, %add3A_526 : vector<16xf32>
    %convert_element_type3A_528 = arith.fptosi %add3A_527 : vector<16xf32> to vector<16xi32>
    %convert_element_type3A_529 = arith.sitofp %convert_element_type3A_528 : vector<16xi32> to vector<16xf32>
    %eq3A_530 = arith.cmpf oeq, %convert_element_type3A_529, %add3A_527 : vector<16xf32>
    %and3A_531 = arith.constant 1 : i32
    %and3A_532 = vector.broadcast %and3A_531 : i32 to vector<16xi32>
    %and3A_533 = arith.andi %convert_element_type3A_528, %and3A_532 : vector<16xi32>
    %jit3A_534 = arith.constant 0 : i32
    %broadcast_in_dim3A_535 = vector.broadcast %jit3A_534 : i32 to vector<16xi32>
    %select_n3A_536 = arith.select %eq3A_530, %and3A_533, %broadcast_in_dim3A_535 : vector<16xi1>, vector<16xi32>
    %sub3A_537 = arith.subi %convert_element_type3A_528, %select_n3A_536 : vector<16xi32>
    %sub3A_538 = arith.constant 1 : i32
    %sub3A_539 = vector.broadcast %sub3A_538 : i32 to vector<16xi32>
    %sub3A_540 = arith.subi %sub3A_537, %sub3A_539 : vector<16xi32>
    %swap3A_541 = arith.constant 1 : i32
    %swap3A_542 = arith.index_cast %swap3A_541 : i32 to index
    %swap3A_543 = arith.constant 80 : index
    %swap3A_544 = tpu.vector_load %arg6[%swap3A_542, %swap3A_543] {strides = array<i32>} : memref<5x128xi32, #tpu.memory_space<vmem>>, vector<1x16xi32>,
    %swap3A_545 = vector.shape_cast %swap3A_544 : vector<1x16xi32> to vector<16xi32>
    %swap3A_546 = vector.shape_cast %sub3A_540 : vector<16xi32> to vector<1x16xi32>
    tpu.vector_store %arg6[%swap3A_542, %swap3A_543], %swap3A_546 {strides = array<i32>} : memref<5x128xi32, #tpu.memory_space<vmem>>, vector<1x16xi32>,
    %get3A_547 = arith.constant 1 : i32
    %get3A_548 = arith.index_cast %get3A_547 : i32 to index
    %get3A_549 = arith.constant 96 : index
    %get3A_550 = tpu.vector_load %arg5[%get3A_548, %get3A_549] {strides = array<i32>} : memref<5x128xf32, #tpu.memory_space<vmem>>, vector<1x16xf32>,
    %get3A_551 = vector.shape_cast %get3A_550 : vector<1x16xf32> to vector<16xf32>
    %max3A_552 = arith.constant 0.00999999977 : f32
    %max3A_553 = vector.broadcast %max3A_552 : f32 to vector<16xf32>
    %max3A_554 = arith.maximumf %get3A_551, %max3A_553 : vector<16xf32>
    %mul3A_555 = arith.constant 1.000000e+02 : f32
    %mul3A_556 = vector.broadcast %mul3A_555 : f32 to vector<16xf32>
    %mul3A_557 = arith.mulf %max3A_554, %mul3A_556 : vector<16xf32>
    %add3A_558 = arith.constant 5.000000e-01 : f32
    %add3A_559 = vector.broadcast %add3A_558 : f32 to vector<16xf32>
    %add3A_560 = arith.addf %mul3A_557, %add3A_559 : vector<16xf32>
    %convert_element_type3A_561 = arith.fptosi %add3A_560 : vector<16xf32> to vector<16xi32>
    %convert_element_type3A_562 = arith.sitofp %convert_element_type3A_561 : vector<16xi32> to vector<16xf32>
    %eq3A_563 = arith.cmpf oeq, %convert_element_type3A_562, %add3A_560 : vector<16xf32>
    %and3A_564 = arith.constant 1 : i32
    %and3A_565 = vector.broadcast %and3A_564 : i32 to vector<16xi32>
    %and3A_566 = arith.andi %convert_element_type3A_561, %and3A_565 : vector<16xi32>
    %jit3A_567 = arith.constant 0 : i32
    %broadcast_in_dim3A_568 = vector.broadcast %jit3A_567 : i32 to vector<16xi32>
    %select_n3A_569 = arith.select %eq3A_563, %and3A_566, %broadcast_in_dim3A_568 : vector<16xi1>, vector<16xi32>
    %sub3A_570 = arith.subi %convert_element_type3A_561, %select_n3A_569 : vector<16xi32>
    %sub3A_571 = arith.constant 1 : i32
    %sub3A_572 = vector.broadcast %sub3A_571 : i32 to vector<16xi32>
    %sub3A_573 = arith.subi %sub3A_570, %sub3A_572 : vector<16xi32>
    %swap3A_574 = arith.constant 1 : i32
    %swap3A_575 = arith.index_cast %swap3A_574 : i32 to index
    %swap3A_576 = arith.constant 96 : index
    %swap3A_577 = tpu.vector_load %arg6[%swap3A_575, %swap3A_576] {strides = array<i32>} : memref<5x128xi32, #tpu.memory_space<vmem>>, vector<1x16xi32>,
    %swap3A_578 = vector.shape_cast %swap3A_577 : vector<1x16xi32> to vector<16xi32>
    %swap3A_579 = vector.shape_cast %sub3A_573 : vector<16xi32> to vector<1x16xi32>
    tpu.vector_store %arg6[%swap3A_575, %swap3A_576], %swap3A_579 {strides = array<i32>} : memref<5x128xi32, #tpu.memory_space<vmem>>, vector<1x16xi32>,
    %get3A_580 = arith.constant 1 : i32
    %get3A_581 = arith.index_cast %get3A_580 : i32 to index
    %get3A_582 = arith.constant 112 : index
    %get3A_583 = tpu.vector_load %arg5[%get3A_581, %get3A_582] {strides = array<i32>} : memref<5x128xf32, #tpu.memory_space<vmem>>, vector<1x16xf32>,
    %get3A_584 = vector.shape_cast %get3A_583 : vector<1x16xf32> to vector<16xf32>
    %max3A_585 = arith.constant 0.00999999977 : f32
    %max3A_586 = vector.broadcast %max3A_585 : f32 to vector<16xf32>
    %max3A_587 = arith.maximumf %get3A_584, %max3A_586 : vector<16xf32>
    %mul3A_588 = arith.constant 1.000000e+02 : f32
    %mul3A_589 = vector.broadcast %mul3A_588 : f32 to vector<16xf32>
    %mul3A_590 = arith.mulf %max3A_587, %mul3A_589 : vector<16xf32>
    %add3A_591 = arith.constant 5.000000e-01 : f32
    %add3A_592 = vector.broadcast %add3A_591 : f32 to vector<16xf32>
    %add3A_593 = arith.addf %mul3A_590, %add3A_592 : vector<16xf32>
    %convert_element_type3A_594 = arith.fptosi %add3A_593 : vector<16xf32> to vector<16xi32>
    %convert_element_type3A_595 = arith.sitofp %convert_element_type3A_594 : vector<16xi32> to vector<16xf32>
    %eq3A_596 = arith.cmpf oeq, %convert_element_type3A_595, %add3A_593 : vector<16xf32>
    %and3A_597 = arith.constant 1 : i32
    %and3A_598 = vector.broadcast %and3A_597 : i32 to vector<16xi32>
    %and3A_599 = arith.andi %convert_element_type3A_594, %and3A_598 : vector<16xi32>
    %jit3A_600 = arith.constant 0 : i32
    %broadcast_in_dim3A_601 = vector.broadcast %jit3A_600 : i32 to vector<16xi32>
    %select_n3A_602 = arith.select %eq3A_596, %and3A_599, %broadcast_in_dim3A_601 : vector<16xi1>, vector<16xi32>
    %sub3A_603 = arith.subi %convert_element_type3A_594, %select_n3A_602 : vector<16xi32>
    %sub3A_604 = arith.constant 1 : i32
    %sub3A_605 = vector.broadcast %sub3A_604 : i32 to vector<16xi32>
    %sub3A_606 = arith.subi %sub3A_603, %sub3A_605 : vector<16xi32>
    %swap3A_607 = arith.constant 1 : i32
    %swap3A_608 = arith.index_cast %swap3A_607 : i32 to index
    %swap3A_609 = arith.constant 112 : index
    %swap3A_610 = tpu.vector_load %arg6[%swap3A_608, %swap3A_609] {strides = array<i32>} : memref<5x128xi32, #tpu.memory_space<vmem>>, vector<1x16xi32>,
    %swap3A_611 = vector.shape_cast %swap3A_610 : vector<1x16xi32> to vector<16xi32>
    %swap3A_612 = vector.shape_cast %sub3A_606 : vector<16xi32> to vector<1x16xi32>
    tpu.vector_store %arg6[%swap3A_608, %swap3A_609], %swap3A_612 {strides = array<i32>} : memref<5x128xi32, #tpu.memory_space<vmem>>, vector<1x16xi32>,
    %dma_start3A_613 = arith.constant 1 : i32
    %dma_start3A_614 = arith.constant 1 : i32
    %dma_start3A_615 = arith.constant 1 : i32
    %dma_start3A_616 = arith.constant 0 : i32
    %dma_start3A_617 = arith.constant 0 : i32
    %dma_start3A_618 = tpu.memref_slice %arg7[%dma_start3A_614, %dma_start3A_616, %dma_start3A_617] : memref<5x128x128xf32, #tpu.memory_space<vmem>> -> memref<1x128x128xf32, #tpu.memory_space<vmem>>
    %dma_start3A_619 = tpu.memref_squeeze %dma_start3A_618 : memref<1x128x128xf32, #tpu.memory_space<vmem>> -> memref<128x128xf32, #tpu.memory_space<vmem>>
    %dma_start3A_620 = arith.constant 0 : i32
    %dma_start3A_621 = tpu.memref_slice %arg6[%dma_start3A_613, %dma_start3A_620] : memref<5x128xi32, #tpu.memory_space<vmem>> -> memref<1x128xi32, #tpu.memory_space<vmem>>
    %dma_start3A_622 = tpu.memref_squeeze %dma_start3A_621 : memref<1x128xi32, #tpu.memory_space<vmem>> -> memref<128xi32, #tpu.memory_space<vmem>>
    %dma_start3A_623 = arith.constant 0 : i32
    %dma_start3A_624 = arith.constant 0 : i32
    %dma_start3A_625 = tpu.memref_slice %arg8[%dma_start3A_623, %dma_start3A_624] : memref<100x128xf32, #tpu.memory_space<vmem_shared>> -> memref<100x128xf32, #tpu.memory_space<vmem_shared>>
    %dma_start3A_626 = tpu.memref_slice %arg10[%dma_start3A_615] : memref<5x!tpu.dma_semaphore, #tpu.memory_space<semaphore_mem>> -> memref<1x!tpu.dma_semaphore, #tpu.memory_space<semaphore_mem>>
    %dma_start3A_627 = tpu.memref_squeeze %dma_start3A_626 : memref<1x!tpu.dma_semaphore, #tpu.memory_space<semaphore_mem>> -> memref<!tpu.dma_semaphore, #tpu.memory_space<semaphore_mem>>
    tpu.enqueue_indirect_dma source(%dma_start3A_625 : memref<100x128xf32, #tpu.memory_space<vmem_shared>>) target(%dma_start3A_619 : memref<128x128xf32, #tpu.memory_space<vmem>>) offsets(%dma_start3A_622 : memref<128xi32, #tpu.memory_space<vmem>>) semaphore(%dma_start3A_627 : memref<!tpu.dma_semaphore, #tpu.memory_space<semaphore_mem>>)
    %add3A_628 = arith.constant 384 : i32
    %add3A_629 = arith.addi %mul3A_2, %add3A_628 : i32
    %min3A_630 = arith.constant 819072 : i32
    %min3A_631 = arith.minsi %add3A_629, %min3A_630 : i32
    %dma_start3A_632 = arith.constant 3 : i32
    %dma_start3A_633 = arith.constant 3 : i32
    %dma_start3A_634 = arith.constant 0 : i32
    %dma_start3A_635 = tpu.memref_slice %arg5[%dma_start3A_632, %dma_start3A_634] : memref<5x128xf32, #tpu.memory_space<vmem>> -> memref<1x128xf32, #tpu.memory_space<vmem>>
    %dma_start3A_636 = tpu.memref_squeeze %dma_start3A_635 : memref<1x128xf32, #tpu.memory_space<vmem>> -> memref<128xf32, #tpu.memory_space<vmem>>
    %dma_start3A_637 = tpu.memref_slice %arg2[%min3A_631] : memref<819200xf32, #tpu.memory_space<hbm>> -> memref<128xf32, #tpu.memory_space<hbm>>
    %dma_start3A_638 = tpu.memref_slice %arg9[%dma_start3A_633] : memref<5x!tpu.dma_semaphore, #tpu.memory_space<semaphore_mem>> -> memref<1x!tpu.dma_semaphore, #tpu.memory_space<semaphore_mem>>
    %dma_start3A_639 = tpu.memref_squeeze %dma_start3A_638 : memref<1x!tpu.dma_semaphore, #tpu.memory_space<semaphore_mem>> -> memref<!tpu.dma_semaphore, #tpu.memory_space<semaphore_mem>>
    %dma_start3A_640 = arith.constant 0 : i32
    %dma_start3A_641 = tpu.memref_slice %arg5[%dma_start3A_632, %dma_start3A_640] : memref<5x128xf32, #tpu.memory_space<vmem>> -> memref<1x128xf32, #tpu.memory_space<vmem>>
    %dma_start3A_642 = tpu.memref_squeeze %dma_start3A_641 : memref<1x128xf32, #tpu.memory_space<vmem>> -> memref<128xf32, #tpu.memory_space<vmem>>
    %dma_start3A_643 = tpu.memref_slice %arg2[%min3A_631] : memref<819200xf32, #tpu.memory_space<hbm>> -> memref<128xf32, #tpu.memory_space<hbm>>
    tpu.enqueue_dma source(%dma_start3A_643 : memref<128xf32, #tpu.memory_space<hbm>>) target(%dma_start3A_642 : memref<128xf32, #tpu.memory_space<vmem>>) target_semaphore(%dma_start3A_639 : memref<!tpu.dma_semaphore, #tpu.memory_space<semaphore_mem>>)
    %dma_wait3A_644 = arith.constant 2 : i32
    %dma_wait3A_645 = arith.constant 2 : i32
    %dma_wait3A_646 = arith.constant 0 : i32
    %dma_wait3A_647 = tpu.memref_slice %arg5[%dma_wait3A_644, %dma_wait3A_646] : memref<5x128xf32, #tpu.memory_space<vmem>> -> memref<1x128xf32, #tpu.memory_space<vmem>>
    %dma_wait3A_648 = tpu.memref_squeeze %dma_wait3A_647 : memref<1x128xf32, #tpu.memory_space<vmem>> -> memref<128xf32, #tpu.memory_space<vmem>>
    %dma_wait3A_649 = arith.constant 0 : i32
    %dma_wait3A_650 = tpu.memref_slice %arg2[%dma_wait3A_649] : memref<819200xf32, #tpu.memory_space<hbm>> -> memref<128xf32, #tpu.memory_space<hbm>>
    %dma_wait3A_651 = tpu.memref_slice %arg9[%dma_wait3A_645] : memref<5x!tpu.dma_semaphore, #tpu.memory_space<semaphore_mem>> -> memref<1x!tpu.dma_semaphore, #tpu.memory_space<semaphore_mem>>
    %dma_wait3A_652 = tpu.memref_squeeze %dma_wait3A_651 : memref<1x!tpu.dma_semaphore, #tpu.memory_space<semaphore_mem>> -> memref<!tpu.dma_semaphore, #tpu.memory_space<semaphore_mem>>
    %dma_wait3A_653 = arith.constant 0 : i32
    %dma_wait3A_654 = tpu.memref_slice %arg5[%dma_wait3A_644, %dma_wait3A_653] : memref<5x128xf32, #tpu.memory_space<vmem>> -> memref<1x128xf32, #tpu.memory_space<vmem>>
    %dma_wait3A_655 = tpu.memref_squeeze %dma_wait3A_654 : memref<1x128xf32, #tpu.memory_space<vmem>> -> memref<128xf32, #tpu.memory_space<vmem>>
    %dma_wait3A_656 = arith.constant 0 : i32
    %dma_wait3A_657 = tpu.memref_slice %arg2[%dma_wait3A_656] : memref<819200xf32, #tpu.memory_space<hbm>> -> memref<128xf32, #tpu.memory_space<hbm>>
    tpu.wait_dma2 semaphore(%dma_wait3A_652 : memref<!tpu.dma_semaphore, #tpu.memory_space<semaphore_mem>>) src(%dma_wait3A_657 : memref<128xf32, #tpu.memory_space<hbm>>) dst(%dma_wait3A_655 : memref<128xf32, #tpu.memory_space<vmem>>)
    %get3A_658 = arith.constant 2 : i32
    %get3A_659 = arith.index_cast %get3A_658 : i32 to index
    %get3A_660 = arith.constant 0 : index
    %get3A_661 = tpu.vector_load %arg5[%get3A_659, %get3A_660] {strides = array<i32>} : memref<5x128xf32, #tpu.memory_space<vmem>>, vector<1x16xf32>,
    %get3A_662 = vector.shape_cast %get3A_661 : vector<1x16xf32> to vector<16xf32>
    %max3A_663 = arith.constant 0.00999999977 : f32
    %max3A_664 = vector.broadcast %max3A_663 : f32 to vector<16xf32>
    %max3A_665 = arith.maximumf %get3A_662, %max3A_664 : vector<16xf32>
    %mul3A_666 = arith.constant 1.000000e+02 : f32
    %mul3A_667 = vector.broadcast %mul3A_666 : f32 to vector<16xf32>
    %mul3A_668 = arith.mulf %max3A_665, %mul3A_667 : vector<16xf32>
    %add3A_669 = arith.constant 5.000000e-01 : f32
    %add3A_670 = vector.broadcast %add3A_669 : f32 to vector<16xf32>
    %add3A_671 = arith.addf %mul3A_668, %add3A_670 : vector<16xf32>
    %convert_element_type3A_672 = arith.fptosi %add3A_671 : vector<16xf32> to vector<16xi32>
    %convert_element_type3A_673 = arith.sitofp %convert_element_type3A_672 : vector<16xi32> to vector<16xf32>
    %eq3A_674 = arith.cmpf oeq, %convert_element_type3A_673, %add3A_671 : vector<16xf32>
    %and3A_675 = arith.constant 1 : i32
    %and3A_676 = vector.broadcast %and3A_675 : i32 to vector<16xi32>
    %and3A_677 = arith.andi %convert_element_type3A_672, %and3A_676 : vector<16xi32>
    %jit3A_678 = arith.constant 0 : i32
    %broadcast_in_dim3A_679 = vector.broadcast %jit3A_678 : i32 to vector<16xi32>
    %select_n3A_680 = arith.select %eq3A_674, %and3A_677, %broadcast_in_dim3A_679 : vector<16xi1>, vector<16xi32>
    %sub3A_681 = arith.subi %convert_element_type3A_672, %select_n3A_680 : vector<16xi32>
    %sub3A_682 = arith.constant 1 : i32
    %sub3A_683 = vector.broadcast %sub3A_682 : i32 to vector<16xi32>
    %sub3A_684 = arith.subi %sub3A_681, %sub3A_683 : vector<16xi32>
    %swap3A_685 = arith.constant 2 : i32
    %swap3A_686 = arith.index_cast %swap3A_685 : i32 to index
    %swap3A_687 = arith.constant 0 : index
    %swap3A_688 = tpu.vector_load %arg6[%swap3A_686, %swap3A_687] {strides = array<i32>} : memref<5x128xi32, #tpu.memory_space<vmem>>, vector<1x16xi32>,
    %swap3A_689 = vector.shape_cast %swap3A_688 : vector<1x16xi32> to vector<16xi32>
    %swap3A_690 = vector.shape_cast %sub3A_684 : vector<16xi32> to vector<1x16xi32>
    tpu.vector_store %arg6[%swap3A_686, %swap3A_687], %swap3A_690 {strides = array<i32>} : memref<5x128xi32, #tpu.memory_space<vmem>>, vector<1x16xi32>,
    %get3A_691 = arith.constant 2 : i32
    %get3A_692 = arith.index_cast %get3A_691 : i32 to index
    %get3A_693 = arith.constant 16 : index
    %get3A_694 = tpu.vector_load %arg5[%get3A_692, %get3A_693] {strides = array<i32>} : memref<5x128xf32, #tpu.memory_space<vmem>>, vector<1x16xf32>,
    %get3A_695 = vector.shape_cast %get3A_694 : vector<1x16xf32> to vector<16xf32>
    %max3A_696 = arith.constant 0.00999999977 : f32
    %max3A_697 = vector.broadcast %max3A_696 : f32 to vector<16xf32>
    %max3A_698 = arith.maximumf %get3A_695, %max3A_697 : vector<16xf32>
    %mul3A_699 = arith.constant 1.000000e+02 : f32
    %mul3A_700 = vector.broadcast %mul3A_699 : f32 to vector<16xf32>
    %mul3A_701 = arith.mulf %max3A_698, %mul3A_700 : vector<16xf32>
    %add3A_702 = arith.constant 5.000000e-01 : f32
    %add3A_703 = vector.broadcast %add3A_702 : f32 to vector<16xf32>
    %add3A_704 = arith.addf %mul3A_701, %add3A_703 : vector<16xf32>
    %convert_element_type3A_705 = arith.fptosi %add3A_704 : vector<16xf32> to vector<16xi32>
    %convert_element_type3A_706 = arith.sitofp %convert_element_type3A_705 : vector<16xi32> to vector<16xf32>
    %eq3A_707 = arith.cmpf oeq, %convert_element_type3A_706, %add3A_704 : vector<16xf32>
    %and3A_708 = arith.constant 1 : i32
    %and3A_709 = vector.broadcast %and3A_708 : i32 to vector<16xi32>
    %and3A_710 = arith.andi %convert_element_type3A_705, %and3A_709 : vector<16xi32>
    %jit3A_711 = arith.constant 0 : i32
    %broadcast_in_dim3A_712 = vector.broadcast %jit3A_711 : i32 to vector<16xi32>
    %select_n3A_713 = arith.select %eq3A_707, %and3A_710, %broadcast_in_dim3A_712 : vector<16xi1>, vector<16xi32>
    %sub3A_714 = arith.subi %convert_element_type3A_705, %select_n3A_713 : vector<16xi32>
    %sub3A_715 = arith.constant 1 : i32
    %sub3A_716 = vector.broadcast %sub3A_715 : i32 to vector<16xi32>
    %sub3A_717 = arith.subi %sub3A_714, %sub3A_716 : vector<16xi32>
    %swap3A_718 = arith.constant 2 : i32
    %swap3A_719 = arith.index_cast %swap3A_718 : i32 to index
    %swap3A_720 = arith.constant 16 : index
    %swap3A_721 = tpu.vector_load %arg6[%swap3A_719, %swap3A_720] {strides = array<i32>} : memref<5x128xi32, #tpu.memory_space<vmem>>, vector<1x16xi32>,
    %swap3A_722 = vector.shape_cast %swap3A_721 : vector<1x16xi32> to vector<16xi32>
    %swap3A_723 = vector.shape_cast %sub3A_717 : vector<16xi32> to vector<1x16xi32>
    tpu.vector_store %arg6[%swap3A_719, %swap3A_720], %swap3A_723 {strides = array<i32>} : memref<5x128xi32, #tpu.memory_space<vmem>>, vector<1x16xi32>,
    %get3A_724 = arith.constant 2 : i32
    %get3A_725 = arith.index_cast %get3A_724 : i32 to index
    %get3A_726 = arith.constant 32 : index
    %get3A_727 = tpu.vector_load %arg5[%get3A_725, %get3A_726] {strides = array<i32>} : memref<5x128xf32, #tpu.memory_space<vmem>>, vector<1x16xf32>,
    %get3A_728 = vector.shape_cast %get3A_727 : vector<1x16xf32> to vector<16xf32>
    %max3A_729 = arith.constant 0.00999999977 : f32
    %max3A_730 = vector.broadcast %max3A_729 : f32 to vector<16xf32>
    %max3A_731 = arith.maximumf %get3A_728, %max3A_730 : vector<16xf32>
    %mul3A_732 = arith.constant 1.000000e+02 : f32
    %mul3A_733 = vector.broadcast %mul3A_732 : f32 to vector<16xf32>
    %mul3A_734 = arith.mulf %max3A_731, %mul3A_733 : vector<16xf32>
    %add3A_735 = arith.constant 5.000000e-01 : f32
    %add3A_736 = vector.broadcast %add3A_735 : f32 to vector<16xf32>
    %add3A_737 = arith.addf %mul3A_734, %add3A_736 : vector<16xf32>
    %convert_element_type3A_738 = arith.fptosi %add3A_737 : vector<16xf32> to vector<16xi32>
    %convert_element_type3A_739 = arith.sitofp %convert_element_type3A_738 : vector<16xi32> to vector<16xf32>
    %eq3A_740 = arith.cmpf oeq, %convert_element_type3A_739, %add3A_737 : vector<16xf32>
    %and3A_741 = arith.constant 1 : i32
    %and3A_742 = vector.broadcast %and3A_741 : i32 to vector<16xi32>
    %and3A_743 = arith.andi %convert_element_type3A_738, %and3A_742 : vector<16xi32>
    %jit3A_744 = arith.constant 0 : i32
    %broadcast_in_dim3A_745 = vector.broadcast %jit3A_744 : i32 to vector<16xi32>
    %select_n3A_746 = arith.select %eq3A_740, %and3A_743, %broadcast_in_dim3A_745 : vector<16xi1>, vector<16xi32>
    %sub3A_747 = arith.subi %convert_element_type3A_738, %select_n3A_746 : vector<16xi32>
    %sub3A_748 = arith.constant 1 : i32
    %sub3A_749 = vector.broadcast %sub3A_748 : i32 to vector<16xi32>
    %sub3A_750 = arith.subi %sub3A_747, %sub3A_749 : vector<16xi32>
    %swap3A_751 = arith.constant 2 : i32
    %swap3A_752 = arith.index_cast %swap3A_751 : i32 to index
    %swap3A_753 = arith.constant 32 : index
    %swap3A_754 = tpu.vector_load %arg6[%swap3A_752, %swap3A_753] {strides = array<i32>} : memref<5x128xi32, #tpu.memory_space<vmem>>, vector<1x16xi32>,
    %swap3A_755 = vector.shape_cast %swap3A_754 : vector<1x16xi32> to vector<16xi32>
    %swap3A_756 = vector.shape_cast %sub3A_750 : vector<16xi32> to vector<1x16xi32>
    tpu.vector_store %arg6[%swap3A_752, %swap3A_753], %swap3A_756 {strides = array<i32>} : memref<5x128xi32, #tpu.memory_space<vmem>>, vector<1x16xi32>,
    %get3A_757 = arith.constant 2 : i32
    %get3A_758 = arith.index_cast %get3A_757 : i32 to index
    %get3A_759 = arith.constant 48 : index
    %get3A_760 = tpu.vector_load %arg5[%get3A_758, %get3A_759] {strides = array<i32>} : memref<5x128xf32, #tpu.memory_space<vmem>>, vector<1x16xf32>,
    %get3A_761 = vector.shape_cast %get3A_760 : vector<1x16xf32> to vector<16xf32>
    %max3A_762 = arith.constant 0.00999999977 : f32
    %max3A_763 = vector.broadcast %max3A_762 : f32 to vector<16xf32>
    %max3A_764 = arith.maximumf %get3A_761, %max3A_763 : vector<16xf32>
    %mul3A_765 = arith.constant 1.000000e+02 : f32
    %mul3A_766 = vector.broadcast %mul3A_765 : f32 to vector<16xf32>
    %mul3A_767 = arith.mulf %max3A_764, %mul3A_766 : vector<16xf32>
    %add3A_768 = arith.constant 5.000000e-01 : f32
    %add3A_769 = vector.broadcast %add3A_768 : f32 to vector<16xf32>
    %add3A_770 = arith.addf %mul3A_767, %add3A_769 : vector<16xf32>
    %convert_element_type3A_771 = arith.fptosi %add3A_770 : vector<16xf32> to vector<16xi32>
    %convert_element_type3A_772 = arith.sitofp %convert_element_type3A_771 : vector<16xi32> to vector<16xf32>
    %eq3A_773 = arith.cmpf oeq, %convert_element_type3A_772, %add3A_770 : vector<16xf32>
    %and3A_774 = arith.constant 1 : i32
    %and3A_775 = vector.broadcast %and3A_774 : i32 to vector<16xi32>
    %and3A_776 = arith.andi %convert_element_type3A_771, %and3A_775 : vector<16xi32>
    %jit3A_777 = arith.constant 0 : i32
    %broadcast_in_dim3A_778 = vector.broadcast %jit3A_777 : i32 to vector<16xi32>
    %select_n3A_779 = arith.select %eq3A_773, %and3A_776, %broadcast_in_dim3A_778 : vector<16xi1>, vector<16xi32>
    %sub3A_780 = arith.subi %convert_element_type3A_771, %select_n3A_779 : vector<16xi32>
    %sub3A_781 = arith.constant 1 : i32
    %sub3A_782 = vector.broadcast %sub3A_781 : i32 to vector<16xi32>
    %sub3A_783 = arith.subi %sub3A_780, %sub3A_782 : vector<16xi32>
    %swap3A_784 = arith.constant 2 : i32
    %swap3A_785 = arith.index_cast %swap3A_784 : i32 to index
    %swap3A_786 = arith.constant 48 : index
    %swap3A_787 = tpu.vector_load %arg6[%swap3A_785, %swap3A_786] {strides = array<i32>} : memref<5x128xi32, #tpu.memory_space<vmem>>, vector<1x16xi32>,
    %swap3A_788 = vector.shape_cast %swap3A_787 : vector<1x16xi32> to vector<16xi32>
    %swap3A_789 = vector.shape_cast %sub3A_783 : vector<16xi32> to vector<1x16xi32>
    tpu.vector_store %arg6[%swap3A_785, %swap3A_786], %swap3A_789 {strides = array<i32>} : memref<5x128xi32, #tpu.memory_space<vmem>>, vector<1x16xi32>,
    %get3A_790 = arith.constant 2 : i32
    %get3A_791 = arith.index_cast %get3A_790 : i32 to index
    %get3A_792 = arith.constant 64 : index
    %get3A_793 = tpu.vector_load %arg5[%get3A_791, %get3A_792] {strides = array<i32>} : memref<5x128xf32, #tpu.memory_space<vmem>>, vector<1x16xf32>,
    %get3A_794 = vector.shape_cast %get3A_793 : vector<1x16xf32> to vector<16xf32>
    %max3A_795 = arith.constant 0.00999999977 : f32
    %max3A_796 = vector.broadcast %max3A_795 : f32 to vector<16xf32>
    %max3A_797 = arith.maximumf %get3A_794, %max3A_796 : vector<16xf32>
    %mul3A_798 = arith.constant 1.000000e+02 : f32
    %mul3A_799 = vector.broadcast %mul3A_798 : f32 to vector<16xf32>
    %mul3A_800 = arith.mulf %max3A_797, %mul3A_799 : vector<16xf32>
    %add3A_801 = arith.constant 5.000000e-01 : f32
    %add3A_802 = vector.broadcast %add3A_801 : f32 to vector<16xf32>
    %add3A_803 = arith.addf %mul3A_800, %add3A_802 : vector<16xf32>
    %convert_element_type3A_804 = arith.fptosi %add3A_803 : vector<16xf32> to vector<16xi32>
    %convert_element_type3A_805 = arith.sitofp %convert_element_type3A_804 : vector<16xi32> to vector<16xf32>
    %eq3A_806 = arith.cmpf oeq, %convert_element_type3A_805, %add3A_803 : vector<16xf32>
    %and3A_807 = arith.constant 1 : i32
    %and3A_808 = vector.broadcast %and3A_807 : i32 to vector<16xi32>
    %and3A_809 = arith.andi %convert_element_type3A_804, %and3A_808 : vector<16xi32>
    %jit3A_810 = arith.constant 0 : i32
    %broadcast_in_dim3A_811 = vector.broadcast %jit3A_810 : i32 to vector<16xi32>
    %select_n3A_812 = arith.select %eq3A_806, %and3A_809, %broadcast_in_dim3A_811 : vector<16xi1>, vector<16xi32>
    %sub3A_813 = arith.subi %convert_element_type3A_804, %select_n3A_812 : vector<16xi32>
    %sub3A_814 = arith.constant 1 : i32
    %sub3A_815 = vector.broadcast %sub3A_814 : i32 to vector<16xi32>
    %sub3A_816 = arith.subi %sub3A_813, %sub3A_815 : vector<16xi32>
    %swap3A_817 = arith.constant 2 : i32
    %swap3A_818 = arith.index_cast %swap3A_817 : i32 to index
    %swap3A_819 = arith.constant 64 : index
    %swap3A_820 = tpu.vector_load %arg6[%swap3A_818, %swap3A_819] {strides = array<i32>} : memref<5x128xi32, #tpu.memory_space<vmem>>, vector<1x16xi32>,
    %swap3A_821 = vector.shape_cast %swap3A_820 : vector<1x16xi32> to vector<16xi32>
    %swap3A_822 = vector.shape_cast %sub3A_816 : vector<16xi32> to vector<1x16xi32>
    tpu.vector_store %arg6[%swap3A_818, %swap3A_819], %swap3A_822 {strides = array<i32>} : memref<5x128xi32, #tpu.memory_space<vmem>>, vector<1x16xi32>,
    %get3A_823 = arith.constant 2 : i32
    %get3A_824 = arith.index_cast %get3A_823 : i32 to index
    %get3A_825 = arith.constant 80 : index
    %get3A_826 = tpu.vector_load %arg5[%get3A_824, %get3A_825] {strides = array<i32>} : memref<5x128xf32, #tpu.memory_space<vmem>>, vector<1x16xf32>,
    %get3A_827 = vector.shape_cast %get3A_826 : vector<1x16xf32> to vector<16xf32>
    %max3A_828 = arith.constant 0.00999999977 : f32
    %max3A_829 = vector.broadcast %max3A_828 : f32 to vector<16xf32>
    %max3A_830 = arith.maximumf %get3A_827, %max3A_829 : vector<16xf32>
    %mul3A_831 = arith.constant 1.000000e+02 : f32
    %mul3A_832 = vector.broadcast %mul3A_831 : f32 to vector<16xf32>
    %mul3A_833 = arith.mulf %max3A_830, %mul3A_832 : vector<16xf32>
    %add3A_834 = arith.constant 5.000000e-01 : f32
    %add3A_835 = vector.broadcast %add3A_834 : f32 to vector<16xf32>
    %add3A_836 = arith.addf %mul3A_833, %add3A_835 : vector<16xf32>
    %convert_element_type3A_837 = arith.fptosi %add3A_836 : vector<16xf32> to vector<16xi32>
    %convert_element_type3A_838 = arith.sitofp %convert_element_type3A_837 : vector<16xi32> to vector<16xf32>
    %eq3A_839 = arith.cmpf oeq, %convert_element_type3A_838, %add3A_836 : vector<16xf32>
    %and3A_840 = arith.constant 1 : i32
    %and3A_841 = vector.broadcast %and3A_840 : i32 to vector<16xi32>
    %and3A_842 = arith.andi %convert_element_type3A_837, %and3A_841 : vector<16xi32>
    %jit3A_843 = arith.constant 0 : i32
    %broadcast_in_dim3A_844 = vector.broadcast %jit3A_843 : i32 to vector<16xi32>
    %select_n3A_845 = arith.select %eq3A_839, %and3A_842, %broadcast_in_dim3A_844 : vector<16xi1>, vector<16xi32>
    %sub3A_846 = arith.subi %convert_element_type3A_837, %select_n3A_845 : vector<16xi32>
    %sub3A_847 = arith.constant 1 : i32
    %sub3A_848 = vector.broadcast %sub3A_847 : i32 to vector<16xi32>
    %sub3A_849 = arith.subi %sub3A_846, %sub3A_848 : vector<16xi32>
    %swap3A_850 = arith.constant 2 : i32
    %swap3A_851 = arith.index_cast %swap3A_850 : i32 to index
    %swap3A_852 = arith.constant 80 : index
    %swap3A_853 = tpu.vector_load %arg6[%swap3A_851, %swap3A_852] {strides = array<i32>} : memref<5x128xi32, #tpu.memory_space<vmem>>, vector<1x16xi32>,
    %swap3A_854 = vector.shape_cast %swap3A_853 : vector<1x16xi32> to vector<16xi32>
    %swap3A_855 = vector.shape_cast %sub3A_849 : vector<16xi32> to vector<1x16xi32>
    tpu.vector_store %arg6[%swap3A_851, %swap3A_852], %swap3A_855 {strides = array<i32>} : memref<5x128xi32, #tpu.memory_space<vmem>>, vector<1x16xi32>,
    %get3A_856 = arith.constant 2 : i32
    %get3A_857 = arith.index_cast %get3A_856 : i32 to index
    %get3A_858 = arith.constant 96 : index
    %get3A_859 = tpu.vector_load %arg5[%get3A_857, %get3A_858] {strides = array<i32>} : memref<5x128xf32, #tpu.memory_space<vmem>>, vector<1x16xf32>,
    %get3A_860 = vector.shape_cast %get3A_859 : vector<1x16xf32> to vector<16xf32>
    %max3A_861 = arith.constant 0.00999999977 : f32
    %max3A_862 = vector.broadcast %max3A_861 : f32 to vector<16xf32>
    %max3A_863 = arith.maximumf %get3A_860, %max3A_862 : vector<16xf32>
    %mul3A_864 = arith.constant 1.000000e+02 : f32
    %mul3A_865 = vector.broadcast %mul3A_864 : f32 to vector<16xf32>
    %mul3A_866 = arith.mulf %max3A_863, %mul3A_865 : vector<16xf32>
    %add3A_867 = arith.constant 5.000000e-01 : f32
    %add3A_868 = vector.broadcast %add3A_867 : f32 to vector<16xf32>
    %add3A_869 = arith.addf %mul3A_866, %add3A_868 : vector<16xf32>
    %convert_element_type3A_870 = arith.fptosi %add3A_869 : vector<16xf32> to vector<16xi32>
    %convert_element_type3A_871 = arith.sitofp %convert_element_type3A_870 : vector<16xi32> to vector<16xf32>
    %eq3A_872 = arith.cmpf oeq, %convert_element_type3A_871, %add3A_869 : vector<16xf32>
    %and3A_873 = arith.constant 1 : i32
    %and3A_874 = vector.broadcast %and3A_873 : i32 to vector<16xi32>
    %and3A_875 = arith.andi %convert_element_type3A_870, %and3A_874 : vector<16xi32>
    %jit3A_876 = arith.constant 0 : i32
    %broadcast_in_dim3A_877 = vector.broadcast %jit3A_876 : i32 to vector<16xi32>
    %select_n3A_878 = arith.select %eq3A_872, %and3A_875, %broadcast_in_dim3A_877 : vector<16xi1>, vector<16xi32>
    %sub3A_879 = arith.subi %convert_element_type3A_870, %select_n3A_878 : vector<16xi32>
    %sub3A_880 = arith.constant 1 : i32
    %sub3A_881 = vector.broadcast %sub3A_880 : i32 to vector<16xi32>
    %sub3A_882 = arith.subi %sub3A_879, %sub3A_881 : vector<16xi32>
    %swap3A_883 = arith.constant 2 : i32
    %swap3A_884 = arith.index_cast %swap3A_883 : i32 to index
    %swap3A_885 = arith.constant 96 : index
    %swap3A_886 = tpu.vector_load %arg6[%swap3A_884, %swap3A_885] {strides = array<i32>} : memref<5x128xi32, #tpu.memory_space<vmem>>, vector<1x16xi32>,
    %swap3A_887 = vector.shape_cast %swap3A_886 : vector<1x16xi32> to vector<16xi32>
    %swap3A_888 = vector.shape_cast %sub3A_882 : vector<16xi32> to vector<1x16xi32>
    tpu.vector_store %arg6[%swap3A_884, %swap3A_885], %swap3A_888 {strides = array<i32>} : memref<5x128xi32, #tpu.memory_space<vmem>>, vector<1x16xi32>,
    %get3A_889 = arith.constant 2 : i32
    %get3A_890 = arith.index_cast %get3A_889 : i32 to index
    %get3A_891 = arith.constant 112 : index
    %get3A_892 = tpu.vector_load %arg5[%get3A_890, %get3A_891] {strides = array<i32>} : memref<5x128xf32, #tpu.memory_space<vmem>>, vector<1x16xf32>,
    %get3A_893 = vector.shape_cast %get3A_892 : vector<1x16xf32> to vector<16xf32>
    %max3A_894 = arith.constant 0.00999999977 : f32
    %max3A_895 = vector.broadcast %max3A_894 : f32 to vector<16xf32>
    %max3A_896 = arith.maximumf %get3A_893, %max3A_895 : vector<16xf32>
    %mul3A_897 = arith.constant 1.000000e+02 : f32
    %mul3A_898 = vector.broadcast %mul3A_897 : f32 to vector<16xf32>
    %mul3A_899 = arith.mulf %max3A_896, %mul3A_898 : vector<16xf32>
    %add3A_900 = arith.constant 5.000000e-01 : f32
    %add3A_901 = vector.broadcast %add3A_900 : f32 to vector<16xf32>
    %add3A_902 = arith.addf %mul3A_899, %add3A_901 : vector<16xf32>
    %convert_element_type3A_903 = arith.fptosi %add3A_902 : vector<16xf32> to vector<16xi32>
    %convert_element_type3A_904 = arith.sitofp %convert_element_type3A_903 : vector<16xi32> to vector<16xf32>
    %eq3A_905 = arith.cmpf oeq, %convert_element_type3A_904, %add3A_902 : vector<16xf32>
    %and3A_906 = arith.constant 1 : i32
    %and3A_907 = vector.broadcast %and3A_906 : i32 to vector<16xi32>
    %and3A_908 = arith.andi %convert_element_type3A_903, %and3A_907 : vector<16xi32>
    %jit3A_909 = arith.constant 0 : i32
    %broadcast_in_dim3A_910 = vector.broadcast %jit3A_909 : i32 to vector<16xi32>
    %select_n3A_911 = arith.select %eq3A_905, %and3A_908, %broadcast_in_dim3A_910 : vector<16xi1>, vector<16xi32>
    %sub3A_912 = arith.subi %convert_element_type3A_903, %select_n3A_911 : vector<16xi32>
    %sub3A_913 = arith.constant 1 : i32
    %sub3A_914 = vector.broadcast %sub3A_913 : i32 to vector<16xi32>
    %sub3A_915 = arith.subi %sub3A_912, %sub3A_914 : vector<16xi32>
    %swap3A_916 = arith.constant 2 : i32
    %swap3A_917 = arith.index_cast %swap3A_916 : i32 to index
    %swap3A_918 = arith.constant 112 : index
    %swap3A_919 = tpu.vector_load %arg6[%swap3A_917, %swap3A_918] {strides = array<i32>} : memref<5x128xi32, #tpu.memory_space<vmem>>, vector<1x16xi32>,
    %swap3A_920 = vector.shape_cast %swap3A_919 : vector<1x16xi32> to vector<16xi32>
    %swap3A_921 = vector.shape_cast %sub3A_915 : vector<16xi32> to vector<1x16xi32>
    tpu.vector_store %arg6[%swap3A_917, %swap3A_918], %swap3A_921 {strides = array<i32>} : memref<5x128xi32, #tpu.memory_space<vmem>>, vector<1x16xi32>,
    %dma_start3A_922 = arith.constant 2 : i32
    %dma_start3A_923 = arith.constant 2 : i32
    %dma_start3A_924 = arith.constant 2 : i32
    %dma_start3A_925 = arith.constant 0 : i32
    %dma_start3A_926 = arith.constant 0 : i32
    %dma_start3A_927 = tpu.memref_slice %arg7[%dma_start3A_923, %dma_start3A_925, %dma_start3A_926] : memref<5x128x128xf32, #tpu.memory_space<vmem>> -> memref<1x128x128xf32, #tpu.memory_space<vmem>>
    %dma_start3A_928 = tpu.memref_squeeze %dma_start3A_927 : memref<1x128x128xf32, #tpu.memory_space<vmem>> -> memref<128x128xf32, #tpu.memory_space<vmem>>
    %dma_start3A_929 = arith.constant 0 : i32
    %dma_start3A_930 = tpu.memref_slice %arg6[%dma_start3A_922, %dma_start3A_929] : memref<5x128xi32, #tpu.memory_space<vmem>> -> memref<1x128xi32, #tpu.memory_space<vmem>>
    %dma_start3A_931 = tpu.memref_squeeze %dma_start3A_930 : memref<1x128xi32, #tpu.memory_space<vmem>> -> memref<128xi32, #tpu.memory_space<vmem>>
    %dma_start3A_932 = arith.constant 0 : i32
    %dma_start3A_933 = arith.constant 0 : i32
    %dma_start3A_934 = tpu.memref_slice %arg8[%dma_start3A_932, %dma_start3A_933] : memref<100x128xf32, #tpu.memory_space<vmem_shared>> -> memref<100x128xf32, #tpu.memory_space<vmem_shared>>
    %dma_start3A_935 = tpu.memref_slice %arg10[%dma_start3A_924] : memref<5x!tpu.dma_semaphore, #tpu.memory_space<semaphore_mem>> -> memref<1x!tpu.dma_semaphore, #tpu.memory_space<semaphore_mem>>
    %dma_start3A_936 = tpu.memref_squeeze %dma_start3A_935 : memref<1x!tpu.dma_semaphore, #tpu.memory_space<semaphore_mem>> -> memref<!tpu.dma_semaphore, #tpu.memory_space<semaphore_mem>>
    tpu.enqueue_indirect_dma source(%dma_start3A_934 : memref<100x128xf32, #tpu.memory_space<vmem_shared>>) target(%dma_start3A_928 : memref<128x128xf32, #tpu.memory_space<vmem>>) offsets(%dma_start3A_931 : memref<128xi32, #tpu.memory_space<vmem>>) semaphore(%dma_start3A_936 : memref<!tpu.dma_semaphore, #tpu.memory_space<semaphore_mem>>)
    %add3A_937 = arith.constant 512 : i32
    %add3A_938 = arith.addi %mul3A_2, %add3A_937 : i32
    %min3A_939 = arith.constant 819072 : i32
    %min3A_940 = arith.minsi %add3A_938, %min3A_939 : i32
    %dma_start3A_941 = arith.constant 4 : i32
    %dma_start3A_942 = arith.constant 4 : i32
    %dma_start3A_943 = arith.constant 0 : i32
    %dma_start3A_944 = tpu.memref_slice %arg5[%dma_start3A_941, %dma_start3A_943] : memref<5x128xf32, #tpu.memory_space<vmem>> -> memref<1x128xf32, #tpu.memory_space<vmem>>
    %dma_start3A_945 = tpu.memref_squeeze %dma_start3A_944 : memref<1x128xf32, #tpu.memory_space<vmem>> -> memref<128xf32, #tpu.memory_space<vmem>>
    %dma_start3A_946 = tpu.memref_slice %arg2[%min3A_940] : memref<819200xf32, #tpu.memory_space<hbm>> -> memref<128xf32, #tpu.memory_space<hbm>>
    %dma_start3A_947 = tpu.memref_slice %arg9[%dma_start3A_942] : memref<5x!tpu.dma_semaphore, #tpu.memory_space<semaphore_mem>> -> memref<1x!tpu.dma_semaphore, #tpu.memory_space<semaphore_mem>>
    %dma_start3A_948 = tpu.memref_squeeze %dma_start3A_947 : memref<1x!tpu.dma_semaphore, #tpu.memory_space<semaphore_mem>> -> memref<!tpu.dma_semaphore, #tpu.memory_space<semaphore_mem>>
    %dma_start3A_949 = arith.constant 0 : i32
    %dma_start3A_950 = tpu.memref_slice %arg5[%dma_start3A_941, %dma_start3A_949] : memref<5x128xf32, #tpu.memory_space<vmem>> -> memref<1x128xf32, #tpu.memory_space<vmem>>
    %dma_start3A_951 = tpu.memref_squeeze %dma_start3A_950 : memref<1x128xf32, #tpu.memory_space<vmem>> -> memref<128xf32, #tpu.memory_space<vmem>>
    %dma_start3A_952 = tpu.memref_slice %arg2[%min3A_940] : memref<819200xf32, #tpu.memory_space<hbm>> -> memref<128xf32, #tpu.memory_space<hbm>>
    tpu.enqueue_dma source(%dma_start3A_952 : memref<128xf32, #tpu.memory_space<hbm>>) target(%dma_start3A_951 : memref<128xf32, #tpu.memory_space<vmem>>) target_semaphore(%dma_start3A_948 : memref<!tpu.dma_semaphore, #tpu.memory_space<semaphore_mem>>)
    %dma_wait3A_953 = arith.constant 3 : i32
    %dma_wait3A_954 = arith.constant 3 : i32
    %dma_wait3A_955 = arith.constant 0 : i32
    %dma_wait3A_956 = tpu.memref_slice %arg5[%dma_wait3A_953, %dma_wait3A_955] : memref<5x128xf32, #tpu.memory_space<vmem>> -> memref<1x128xf32, #tpu.memory_space<vmem>>
    %dma_wait3A_957 = tpu.memref_squeeze %dma_wait3A_956 : memref<1x128xf32, #tpu.memory_space<vmem>> -> memref<128xf32, #tpu.memory_space<vmem>>
    %dma_wait3A_958 = arith.constant 0 : i32
    %dma_wait3A_959 = tpu.memref_slice %arg2[%dma_wait3A_958] : memref<819200xf32, #tpu.memory_space<hbm>> -> memref<128xf32, #tpu.memory_space<hbm>>
    %dma_wait3A_960 = tpu.memref_slice %arg9[%dma_wait3A_954] : memref<5x!tpu.dma_semaphore, #tpu.memory_space<semaphore_mem>> -> memref<1x!tpu.dma_semaphore, #tpu.memory_space<semaphore_mem>>
    %dma_wait3A_961 = tpu.memref_squeeze %dma_wait3A_960 : memref<1x!tpu.dma_semaphore, #tpu.memory_space<semaphore_mem>> -> memref<!tpu.dma_semaphore, #tpu.memory_space<semaphore_mem>>
    %dma_wait3A_962 = arith.constant 0 : i32
    %dma_wait3A_963 = tpu.memref_slice %arg5[%dma_wait3A_953, %dma_wait3A_962] : memref<5x128xf32, #tpu.memory_space<vmem>> -> memref<1x128xf32, #tpu.memory_space<vmem>>
    %dma_wait3A_964 = tpu.memref_squeeze %dma_wait3A_963 : memref<1x128xf32, #tpu.memory_space<vmem>> -> memref<128xf32, #tpu.memory_space<vmem>>
    %dma_wait3A_965 = arith.constant 0 : i32
    %dma_wait3A_966 = tpu.memref_slice %arg2[%dma_wait3A_965] : memref<819200xf32, #tpu.memory_space<hbm>> -> memref<128xf32, #tpu.memory_space<hbm>>
    tpu.wait_dma2 semaphore(%dma_wait3A_961 : memref<!tpu.dma_semaphore, #tpu.memory_space<semaphore_mem>>) src(%dma_wait3A_966 : memref<128xf32, #tpu.memory_space<hbm>>) dst(%dma_wait3A_964 : memref<128xf32, #tpu.memory_space<vmem>>)
    %get3A_967 = arith.constant 3 : i32
    %get3A_968 = arith.index_cast %get3A_967 : i32 to index
    %get3A_969 = arith.constant 0 : index
    %get3A_970 = tpu.vector_load %arg5[%get3A_968, %get3A_969] {strides = array<i32>} : memref<5x128xf32, #tpu.memory_space<vmem>>, vector<1x16xf32>,
    %get3A_971 = vector.shape_cast %get3A_970 : vector<1x16xf32> to vector<16xf32>
    %max3A_972 = arith.constant 0.00999999977 : f32
    %max3A_973 = vector.broadcast %max3A_972 : f32 to vector<16xf32>
    %max3A_974 = arith.maximumf %get3A_971, %max3A_973 : vector<16xf32>
    %mul3A_975 = arith.constant 1.000000e+02 : f32
    %mul3A_976 = vector.broadcast %mul3A_975 : f32 to vector<16xf32>
    %mul3A_977 = arith.mulf %max3A_974, %mul3A_976 : vector<16xf32>
    %add3A_978 = arith.constant 5.000000e-01 : f32
    %add3A_979 = vector.broadcast %add3A_978 : f32 to vector<16xf32>
    %add3A_980 = arith.addf %mul3A_977, %add3A_979 : vector<16xf32>
    %convert_element_type3A_981 = arith.fptosi %add3A_980 : vector<16xf32> to vector<16xi32>
    %convert_element_type3A_982 = arith.sitofp %convert_element_type3A_981 : vector<16xi32> to vector<16xf32>
    %eq3A_983 = arith.cmpf oeq, %convert_element_type3A_982, %add3A_980 : vector<16xf32>
    %and3A_984 = arith.constant 1 : i32
    %and3A_985 = vector.broadcast %and3A_984 : i32 to vector<16xi32>
    %and3A_986 = arith.andi %convert_element_type3A_981, %and3A_985 : vector<16xi32>
    %jit3A_987 = arith.constant 0 : i32
    %broadcast_in_dim3A_988 = vector.broadcast %jit3A_987 : i32 to vector<16xi32>
    %select_n3A_989 = arith.select %eq3A_983, %and3A_986, %broadcast_in_dim3A_988 : vector<16xi1>, vector<16xi32>
    %sub3A_990 = arith.subi %convert_element_type3A_981, %select_n3A_989 : vector<16xi32>
    %sub3A_991 = arith.constant 1 : i32
    %sub3A_992 = vector.broadcast %sub3A_991 : i32 to vector<16xi32>
    %sub3A_993 = arith.subi %sub3A_990, %sub3A_992 : vector<16xi32>
    %swap3A_994 = arith.constant 3 : i32
    %swap3A_995 = arith.index_cast %swap3A_994 : i32 to index
    %swap3A_996 = arith.constant 0 : index
    %swap3A_997 = tpu.vector_load %arg6[%swap3A_995, %swap3A_996] {strides = array<i32>} : memref<5x128xi32, #tpu.memory_space<vmem>>, vector<1x16xi32>,
    %swap3A_998 = vector.shape_cast %swap3A_997 : vector<1x16xi32> to vector<16xi32>
    %swap3A_999 = vector.shape_cast %sub3A_993 : vector<16xi32> to vector<1x16xi32>
    tpu.vector_store %arg6[%swap3A_995, %swap3A_996], %swap3A_999 {strides = array<i32>} : memref<5x128xi32, #tpu.memory_space<vmem>>, vector<1x16xi32>,
    %get3A_1000 = arith.constant 3 : i32
    %get3A_1001 = arith.index_cast %get3A_1000 : i32 to index
    %get3A_1002 = arith.constant 16 : index
    %get3A_1003 = tpu.vector_load %arg5[%get3A_1001, %get3A_1002] {strides = array<i32>} : memref<5x128xf32, #tpu.memory_space<vmem>>, vector<1x16xf32>,
    %get3A_1004 = vector.shape_cast %get3A_1003 : vector<1x16xf32> to vector<16xf32>
    %max3A_1005 = arith.constant 0.00999999977 : f32
    %max3A_1006 = vector.broadcast %max3A_1005 : f32 to vector<16xf32>
    %max3A_1007 = arith.maximumf %get3A_1004, %max3A_1006 : vector<16xf32>
    %mul3A_1008 = arith.constant 1.000000e+02 : f32
    %mul3A_1009 = vector.broadcast %mul3A_1008 : f32 to vector<16xf32>
    %mul3A_1010 = arith.mulf %max3A_1007, %mul3A_1009 : vector<16xf32>
    %add3A_1011 = arith.constant 5.000000e-01 : f32
    %add3A_1012 = vector.broadcast %add3A_1011 : f32 to vector<16xf32>
    %add3A_1013 = arith.addf %mul3A_1010, %add3A_1012 : vector<16xf32>
    %convert_element_type3A_1014 = arith.fptosi %add3A_1013 : vector<16xf32> to vector<16xi32>
    %convert_element_type3A_1015 = arith.sitofp %convert_element_type3A_1014 : vector<16xi32> to vector<16xf32>
    %eq3A_1016 = arith.cmpf oeq, %convert_element_type3A_1015, %add3A_1013 : vector<16xf32>
    %and3A_1017 = arith.constant 1 : i32
    %and3A_1018 = vector.broadcast %and3A_1017 : i32 to vector<16xi32>
    %and3A_1019 = arith.andi %convert_element_type3A_1014, %and3A_1018 : vector<16xi32>
    %jit3A_1020 = arith.constant 0 : i32
    %broadcast_in_dim3A_1021 = vector.broadcast %jit3A_1020 : i32 to vector<16xi32>
    %select_n3A_1022 = arith.select %eq3A_1016, %and3A_1019, %broadcast_in_dim3A_1021 : vector<16xi1>, vector<16xi32>
    %sub3A_1023 = arith.subi %convert_element_type3A_1014, %select_n3A_1022 : vector<16xi32>
    %sub3A_1024 = arith.constant 1 : i32
    %sub3A_1025 = vector.broadcast %sub3A_1024 : i32 to vector<16xi32>
    %sub3A_1026 = arith.subi %sub3A_1023, %sub3A_1025 : vector<16xi32>
    %swap3A_1027 = arith.constant 3 : i32
    %swap3A_1028 = arith.index_cast %swap3A_1027 : i32 to index
    %swap3A_1029 = arith.constant 16 : index
    %swap3A_1030 = tpu.vector_load %arg6[%swap3A_1028, %swap3A_1029] {strides = array<i32>} : memref<5x128xi32, #tpu.memory_space<vmem>>, vector<1x16xi32>,
    %swap3A_1031 = vector.shape_cast %swap3A_1030 : vector<1x16xi32> to vector<16xi32>
    %swap3A_1032 = vector.shape_cast %sub3A_1026 : vector<16xi32> to vector<1x16xi32>
    tpu.vector_store %arg6[%swap3A_1028, %swap3A_1029], %swap3A_1032 {strides = array<i32>} : memref<5x128xi32, #tpu.memory_space<vmem>>, vector<1x16xi32>,
    %get3A_1033 = arith.constant 3 : i32
    %get3A_1034 = arith.index_cast %get3A_1033 : i32 to index
    %get3A_1035 = arith.constant 32 : index
    %get3A_1036 = tpu.vector_load %arg5[%get3A_1034, %get3A_1035] {strides = array<i32>} : memref<5x128xf32, #tpu.memory_space<vmem>>, vector<1x16xf32>,
    %get3A_1037 = vector.shape_cast %get3A_1036 : vector<1x16xf32> to vector<16xf32>
    %max3A_1038 = arith.constant 0.00999999977 : f32
    %max3A_1039 = vector.broadcast %max3A_1038 : f32 to vector<16xf32>
    %max3A_1040 = arith.maximumf %get3A_1037, %max3A_1039 : vector<16xf32>
    %mul3A_1041 = arith.constant 1.000000e+02 : f32
    %mul3A_1042 = vector.broadcast %mul3A_1041 : f32 to vector<16xf32>
    %mul3A_1043 = arith.mulf %max3A_1040, %mul3A_1042 : vector<16xf32>
    %add3A_1044 = arith.constant 5.000000e-01 : f32
    %add3A_1045 = vector.broadcast %add3A_1044 : f32 to vector<16xf32>
    %add3A_1046 = arith.addf %mul3A_1043, %add3A_1045 : vector<16xf32>
    %convert_element_type3A_1047 = arith.fptosi %add3A_1046 : vector<16xf32> to vector<16xi32>
    %convert_element_type3A_1048 = arith.sitofp %convert_element_type3A_1047 : vector<16xi32> to vector<16xf32>
    %eq3A_1049 = arith.cmpf oeq, %convert_element_type3A_1048, %add3A_1046 : vector<16xf32>
    %and3A_1050 = arith.constant 1 : i32
    %and3A_1051 = vector.broadcast %and3A_1050 : i32 to vector<16xi32>
    %and3A_1052 = arith.andi %convert_element_type3A_1047, %and3A_1051 : vector<16xi32>
    %jit3A_1053 = arith.constant 0 : i32
    %broadcast_in_dim3A_1054 = vector.broadcast %jit3A_1053 : i32 to vector<16xi32>
    %select_n3A_1055 = arith.select %eq3A_1049, %and3A_1052, %broadcast_in_dim3A_1054 : vector<16xi1>, vector<16xi32>
    %sub3A_1056 = arith.subi %convert_element_type3A_1047, %select_n3A_1055 : vector<16xi32>
    %sub3A_1057 = arith.constant 1 : i32
    %sub3A_1058 = vector.broadcast %sub3A_1057 : i32 to vector<16xi32>
    %sub3A_1059 = arith.subi %sub3A_1056, %sub3A_1058 : vector<16xi32>
    %swap3A_1060 = arith.constant 3 : i32
    %swap3A_1061 = arith.index_cast %swap3A_1060 : i32 to index
    %swap3A_1062 = arith.constant 32 : index
    %swap3A_1063 = tpu.vector_load %arg6[%swap3A_1061, %swap3A_1062] {strides = array<i32>} : memref<5x128xi32, #tpu.memory_space<vmem>>, vector<1x16xi32>,
    %swap3A_1064 = vector.shape_cast %swap3A_1063 : vector<1x16xi32> to vector<16xi32>
    %swap3A_1065 = vector.shape_cast %sub3A_1059 : vector<16xi32> to vector<1x16xi32>
    tpu.vector_store %arg6[%swap3A_1061, %swap3A_1062], %swap3A_1065 {strides = array<i32>} : memref<5x128xi32, #tpu.memory_space<vmem>>, vector<1x16xi32>,
    %get3A_1066 = arith.constant 3 : i32
    %get3A_1067 = arith.index_cast %get3A_1066 : i32 to index
    %get3A_1068 = arith.constant 48 : index
    %get3A_1069 = tpu.vector_load %arg5[%get3A_1067, %get3A_1068] {strides = array<i32>} : memref<5x128xf32, #tpu.memory_space<vmem>>, vector<1x16xf32>,
    %get3A_1070 = vector.shape_cast %get3A_1069 : vector<1x16xf32> to vector<16xf32>
    %max3A_1071 = arith.constant 0.00999999977 : f32
    %max3A_1072 = vector.broadcast %max3A_1071 : f32 to vector<16xf32>
    %max3A_1073 = arith.maximumf %get3A_1070, %max3A_1072 : vector<16xf32>
    %mul3A_1074 = arith.constant 1.000000e+02 : f32
    %mul3A_1075 = vector.broadcast %mul3A_1074 : f32 to vector<16xf32>
    %mul3A_1076 = arith.mulf %max3A_1073, %mul3A_1075 : vector<16xf32>
    %add3A_1077 = arith.constant 5.000000e-01 : f32
    %add3A_1078 = vector.broadcast %add3A_1077 : f32 to vector<16xf32>
    %add3A_1079 = arith.addf %mul3A_1076, %add3A_1078 : vector<16xf32>
    %convert_element_type3A_1080 = arith.fptosi %add3A_1079 : vector<16xf32> to vector<16xi32>
    %convert_element_type3A_1081 = arith.sitofp %convert_element_type3A_1080 : vector<16xi32> to vector<16xf32>
    %eq3A_1082 = arith.cmpf oeq, %convert_element_type3A_1081, %add3A_1079 : vector<16xf32>
    %and3A_1083 = arith.constant 1 : i32
    %and3A_1084 = vector.broadcast %and3A_1083 : i32 to vector<16xi32>
    %and3A_1085 = arith.andi %convert_element_type3A_1080, %and3A_1084 : vector<16xi32>
    %jit3A_1086 = arith.constant 0 : i32
    %broadcast_in_dim3A_1087 = vector.broadcast %jit3A_1086 : i32 to vector<16xi32>
    %select_n3A_1088 = arith.select %eq3A_1082, %and3A_1085, %broadcast_in_dim3A_1087 : vector<16xi1>, vector<16xi32>
    %sub3A_1089 = arith.subi %convert_element_type3A_1080, %select_n3A_1088 : vector<16xi32>
    %sub3A_1090 = arith.constant 1 : i32
    %sub3A_1091 = vector.broadcast %sub3A_1090 : i32 to vector<16xi32>
    %sub3A_1092 = arith.subi %sub3A_1089, %sub3A_1091 : vector<16xi32>
    %swap3A_1093 = arith.constant 3 : i32
    %swap3A_1094 = arith.index_cast %swap3A_1093 : i32 to index
    %swap3A_1095 = arith.constant 48 : index
    %swap3A_1096 = tpu.vector_load %arg6[%swap3A_1094, %swap3A_1095] {strides = array<i32>} : memref<5x128xi32, #tpu.memory_space<vmem>>, vector<1x16xi32>,
    %swap3A_1097 = vector.shape_cast %swap3A_1096 : vector<1x16xi32> to vector<16xi32>
    %swap3A_1098 = vector.shape_cast %sub3A_1092 : vector<16xi32> to vector<1x16xi32>
    tpu.vector_store %arg6[%swap3A_1094, %swap3A_1095], %swap3A_1098 {strides = array<i32>} : memref<5x128xi32, #tpu.memory_space<vmem>>, vector<1x16xi32>,
    %get3A_1099 = arith.constant 3 : i32
    %get3A_1100 = arith.index_cast %get3A_1099 : i32 to index
    %get3A_1101 = arith.constant 64 : index
    %get3A_1102 = tpu.vector_load %arg5[%get3A_1100, %get3A_1101] {strides = array<i32>} : memref<5x128xf32, #tpu.memory_space<vmem>>, vector<1x16xf32>,
    %get3A_1103 = vector.shape_cast %get3A_1102 : vector<1x16xf32> to vector<16xf32>
    %max3A_1104 = arith.constant 0.00999999977 : f32
    %max3A_1105 = vector.broadcast %max3A_1104 : f32 to vector<16xf32>
    %max3A_1106 = arith.maximumf %get3A_1103, %max3A_1105 : vector<16xf32>
    %mul3A_1107 = arith.constant 1.000000e+02 : f32
    %mul3A_1108 = vector.broadcast %mul3A_1107 : f32 to vector<16xf32>
    %mul3A_1109 = arith.mulf %max3A_1106, %mul3A_1108 : vector<16xf32>
    %add3A_1110 = arith.constant 5.000000e-01 : f32
    %add3A_1111 = vector.broadcast %add3A_1110 : f32 to vector<16xf32>
    %add3A_1112 = arith.addf %mul3A_1109, %add3A_1111 : vector<16xf32>
    %convert_element_type3A_1113 = arith.fptosi %add3A_1112 : vector<16xf32> to vector<16xi32>
    %convert_element_type3A_1114 = arith.sitofp %convert_element_type3A_1113 : vector<16xi32> to vector<16xf32>
    %eq3A_1115 = arith.cmpf oeq, %convert_element_type3A_1114, %add3A_1112 : vector<16xf32>
    %and3A_1116 = arith.constant 1 : i32
    %and3A_1117 = vector.broadcast %and3A_1116 : i32 to vector<16xi32>
    %and3A_1118 = arith.andi %convert_element_type3A_1113, %and3A_1117 : vector<16xi32>
    %jit3A_1119 = arith.constant 0 : i32
    %broadcast_in_dim3A_1120 = vector.broadcast %jit3A_1119 : i32 to vector<16xi32>
    %select_n3A_1121 = arith.select %eq3A_1115, %and3A_1118, %broadcast_in_dim3A_1120 : vector<16xi1>, vector<16xi32>
    %sub3A_1122 = arith.subi %convert_element_type3A_1113, %select_n3A_1121 : vector<16xi32>
    %sub3A_1123 = arith.constant 1 : i32
    %sub3A_1124 = vector.broadcast %sub3A_1123 : i32 to vector<16xi32>
    %sub3A_1125 = arith.subi %sub3A_1122, %sub3A_1124 : vector<16xi32>
    %swap3A_1126 = arith.constant 3 : i32
    %swap3A_1127 = arith.index_cast %swap3A_1126 : i32 to index
    %swap3A_1128 = arith.constant 64 : index
    %swap3A_1129 = tpu.vector_load %arg6[%swap3A_1127, %swap3A_1128] {strides = array<i32>} : memref<5x128xi32, #tpu.memory_space<vmem>>, vector<1x16xi32>,
    %swap3A_1130 = vector.shape_cast %swap3A_1129 : vector<1x16xi32> to vector<16xi32>
    %swap3A_1131 = vector.shape_cast %sub3A_1125 : vector<16xi32> to vector<1x16xi32>
    tpu.vector_store %arg6[%swap3A_1127, %swap3A_1128], %swap3A_1131 {strides = array<i32>} : memref<5x128xi32, #tpu.memory_space<vmem>>, vector<1x16xi32>,
    %get3A_1132 = arith.constant 3 : i32
    %get3A_1133 = arith.index_cast %get3A_1132 : i32 to index
    %get3A_1134 = arith.constant 80 : index
    %get3A_1135 = tpu.vector_load %arg5[%get3A_1133, %get3A_1134] {strides = array<i32>} : memref<5x128xf32, #tpu.memory_space<vmem>>, vector<1x16xf32>,
    %get3A_1136 = vector.shape_cast %get3A_1135 : vector<1x16xf32> to vector<16xf32>
    %max3A_1137 = arith.constant 0.00999999977 : f32
    %max3A_1138 = vector.broadcast %max3A_1137 : f32 to vector<16xf32>
    %max3A_1139 = arith.maximumf %get3A_1136, %max3A_1138 : vector<16xf32>
    %mul3A_1140 = arith.constant 1.000000e+02 : f32
    %mul3A_1141 = vector.broadcast %mul3A_1140 : f32 to vector<16xf32>
    %mul3A_1142 = arith.mulf %max3A_1139, %mul3A_1141 : vector<16xf32>
    %add3A_1143 = arith.constant 5.000000e-01 : f32
    %add3A_1144 = vector.broadcast %add3A_1143 : f32 to vector<16xf32>
    %add3A_1145 = arith.addf %mul3A_1142, %add3A_1144 : vector<16xf32>
    %convert_element_type3A_1146 = arith.fptosi %add3A_1145 : vector<16xf32> to vector<16xi32>
    %convert_element_type3A_1147 = arith.sitofp %convert_element_type3A_1146 : vector<16xi32> to vector<16xf32>
    %eq3A_1148 = arith.cmpf oeq, %convert_element_type3A_1147, %add3A_1145 : vector<16xf32>
    %and3A_1149 = arith.constant 1 : i32
    %and3A_1150 = vector.broadcast %and3A_1149 : i32 to vector<16xi32>
    %and3A_1151 = arith.andi %convert_element_type3A_1146, %and3A_1150 : vector<16xi32>
    %jit3A_1152 = arith.constant 0 : i32
    %broadcast_in_dim3A_1153 = vector.broadcast %jit3A_1152 : i32 to vector<16xi32>
    %select_n3A_1154 = arith.select %eq3A_1148, %and3A_1151, %broadcast_in_dim3A_1153 : vector<16xi1>, vector<16xi32>
    %sub3A_1155 = arith.subi %convert_element_type3A_1146, %select_n3A_1154 : vector<16xi32>
    %sub3A_1156 = arith.constant 1 : i32
    %sub3A_1157 = vector.broadcast %sub3A_1156 : i32 to vector<16xi32>
    %sub3A_1158 = arith.subi %sub3A_1155, %sub3A_1157 : vector<16xi32>
    %swap3A_1159 = arith.constant 3 : i32
    %swap3A_1160 = arith.index_cast %swap3A_1159 : i32 to index
    %swap3A_1161 = arith.constant 80 : index
    %swap3A_1162 = tpu.vector_load %arg6[%swap3A_1160, %swap3A_1161] {strides = array<i32>} : memref<5x128xi32, #tpu.memory_space<vmem>>, vector<1x16xi32>,
    %swap3A_1163 = vector.shape_cast %swap3A_1162 : vector<1x16xi32> to vector<16xi32>
    %swap3A_1164 = vector.shape_cast %sub3A_1158 : vector<16xi32> to vector<1x16xi32>
    tpu.vector_store %arg6[%swap3A_1160, %swap3A_1161], %swap3A_1164 {strides = array<i32>} : memref<5x128xi32, #tpu.memory_space<vmem>>, vector<1x16xi32>,
    %get3A_1165 = arith.constant 3 : i32
    %get3A_1166 = arith.index_cast %get3A_1165 : i32 to index
    %get3A_1167 = arith.constant 96 : index
    %get3A_1168 = tpu.vector_load %arg5[%get3A_1166, %get3A_1167] {strides = array<i32>} : memref<5x128xf32, #tpu.memory_space<vmem>>, vector<1x16xf32>,
    %get3A_1169 = vector.shape_cast %get3A_1168 : vector<1x16xf32> to vector<16xf32>
    %max3A_1170 = arith.constant 0.00999999977 : f32
    %max3A_1171 = vector.broadcast %max3A_1170 : f32 to vector<16xf32>
    %max3A_1172 = arith.maximumf %get3A_1169, %max3A_1171 : vector<16xf32>
    %mul3A_1173 = arith.constant 1.000000e+02 : f32
    %mul3A_1174 = vector.broadcast %mul3A_1173 : f32 to vector<16xf32>
    %mul3A_1175 = arith.mulf %max3A_1172, %mul3A_1174 : vector<16xf32>
    %add3A_1176 = arith.constant 5.000000e-01 : f32
    %add3A_1177 = vector.broadcast %add3A_1176 : f32 to vector<16xf32>
    %add3A_1178 = arith.addf %mul3A_1175, %add3A_1177 : vector<16xf32>
    %convert_element_type3A_1179 = arith.fptosi %add3A_1178 : vector<16xf32> to vector<16xi32>
    %convert_element_type3A_1180 = arith.sitofp %convert_element_type3A_1179 : vector<16xi32> to vector<16xf32>
    %eq3A_1181 = arith.cmpf oeq, %convert_element_type3A_1180, %add3A_1178 : vector<16xf32>
    %and3A_1182 = arith.constant 1 : i32
    %and3A_1183 = vector.broadcast %and3A_1182 : i32 to vector<16xi32>
    %and3A_1184 = arith.andi %convert_element_type3A_1179, %and3A_1183 : vector<16xi32>
    %jit3A_1185 = arith.constant 0 : i32
    %broadcast_in_dim3A_1186 = vector.broadcast %jit3A_1185 : i32 to vector<16xi32>
    %select_n3A_1187 = arith.select %eq3A_1181, %and3A_1184, %broadcast_in_dim3A_1186 : vector<16xi1>, vector<16xi32>
    %sub3A_1188 = arith.subi %convert_element_type3A_1179, %select_n3A_1187 : vector<16xi32>
    %sub3A_1189 = arith.constant 1 : i32
    %sub3A_1190 = vector.broadcast %sub3A_1189 : i32 to vector<16xi32>
    %sub3A_1191 = arith.subi %sub3A_1188, %sub3A_1190 : vector<16xi32>
    %swap3A_1192 = arith.constant 3 : i32
    %swap3A_1193 = arith.index_cast %swap3A_1192 : i32 to index
    %swap3A_1194 = arith.constant 96 : index
    %swap3A_1195 = tpu.vector_load %arg6[%swap3A_1193, %swap3A_1194] {strides = array<i32>} : memref<5x128xi32, #tpu.memory_space<vmem>>, vector<1x16xi32>,
    %swap3A_1196 = vector.shape_cast %swap3A_1195 : vector<1x16xi32> to vector<16xi32>
    %swap3A_1197 = vector.shape_cast %sub3A_1191 : vector<16xi32> to vector<1x16xi32>
    tpu.vector_store %arg6[%swap3A_1193, %swap3A_1194], %swap3A_1197 {strides = array<i32>} : memref<5x128xi32, #tpu.memory_space<vmem>>, vector<1x16xi32>,
    %get3A_1198 = arith.constant 3 : i32
    %get3A_1199 = arith.index_cast %get3A_1198 : i32 to index
    %get3A_1200 = arith.constant 112 : index
    %get3A_1201 = tpu.vector_load %arg5[%get3A_1199, %get3A_1200] {strides = array<i32>} : memref<5x128xf32, #tpu.memory_space<vmem>>, vector<1x16xf32>,
    %get3A_1202 = vector.shape_cast %get3A_1201 : vector<1x16xf32> to vector<16xf32>
    %max3A_1203 = arith.constant 0.00999999977 : f32
    %max3A_1204 = vector.broadcast %max3A_1203 : f32 to vector<16xf32>
    %max3A_1205 = arith.maximumf %get3A_1202, %max3A_1204 : vector<16xf32>
    %mul3A_1206 = arith.constant 1.000000e+02 : f32
    %mul3A_1207 = vector.broadcast %mul3A_1206 : f32 to vector<16xf32>
    %mul3A_1208 = arith.mulf %max3A_1205, %mul3A_1207 : vector<16xf32>
    %add3A_1209 = arith.constant 5.000000e-01 : f32
    %add3A_1210 = vector.broadcast %add3A_1209 : f32 to vector<16xf32>
    %add3A_1211 = arith.addf %mul3A_1208, %add3A_1210 : vector<16xf32>
    %convert_element_type3A_1212 = arith.fptosi %add3A_1211 : vector<16xf32> to vector<16xi32>
    %convert_element_type3A_1213 = arith.sitofp %convert_element_type3A_1212 : vector<16xi32> to vector<16xf32>
    %eq3A_1214 = arith.cmpf oeq, %convert_element_type3A_1213, %add3A_1211 : vector<16xf32>
    %and3A_1215 = arith.constant 1 : i32
    %and3A_1216 = vector.broadcast %and3A_1215 : i32 to vector<16xi32>
    %and3A_1217 = arith.andi %convert_element_type3A_1212, %and3A_1216 : vector<16xi32>
    %jit3A_1218 = arith.constant 0 : i32
    %broadcast_in_dim3A_1219 = vector.broadcast %jit3A_1218 : i32 to vector<16xi32>
    %select_n3A_1220 = arith.select %eq3A_1214, %and3A_1217, %broadcast_in_dim3A_1219 : vector<16xi1>, vector<16xi32>
    %sub3A_1221 = arith.subi %convert_element_type3A_1212, %select_n3A_1220 : vector<16xi32>
    %sub3A_1222 = arith.constant 1 : i32
    %sub3A_1223 = vector.broadcast %sub3A_1222 : i32 to vector<16xi32>
    %sub3A_1224 = arith.subi %sub3A_1221, %sub3A_1223 : vector<16xi32>
    %swap3A_1225 = arith.constant 3 : i32
    %swap3A_1226 = arith.index_cast %swap3A_1225 : i32 to index
    %swap3A_1227 = arith.constant 112 : index
    %swap3A_1228 = tpu.vector_load %arg6[%swap3A_1226, %swap3A_1227] {strides = array<i32>} : memref<5x128xi32, #tpu.memory_space<vmem>>, vector<1x16xi32>,
    %swap3A_1229 = vector.shape_cast %swap3A_1228 : vector<1x16xi32> to vector<16xi32>
    %swap3A_1230 = vector.shape_cast %sub3A_1224 : vector<16xi32> to vector<1x16xi32>
    tpu.vector_store %arg6[%swap3A_1226, %swap3A_1227], %swap3A_1230 {strides = array<i32>} : memref<5x128xi32, #tpu.memory_space<vmem>>, vector<1x16xi32>,
    %dma_start3A_1231 = arith.constant 3 : i32
    %dma_start3A_1232 = arith.constant 3 : i32
    %dma_start3A_1233 = arith.constant 3 : i32
    %dma_start3A_1234 = arith.constant 0 : i32
    %dma_start3A_1235 = arith.constant 0 : i32
    %dma_start3A_1236 = tpu.memref_slice %arg7[%dma_start3A_1232, %dma_start3A_1234, %dma_start3A_1235] : memref<5x128x128xf32, #tpu.memory_space<vmem>> -> memref<1x128x128xf32, #tpu.memory_space<vmem>>
    %dma_start3A_1237 = tpu.memref_squeeze %dma_start3A_1236 : memref<1x128x128xf32, #tpu.memory_space<vmem>> -> memref<128x128xf32, #tpu.memory_space<vmem>>
    %dma_start3A_1238 = arith.constant 0 : i32
    %dma_start3A_1239 = tpu.memref_slice %arg6[%dma_start3A_1231, %dma_start3A_1238] : memref<5x128xi32, #tpu.memory_space<vmem>> -> memref<1x128xi32, #tpu.memory_space<vmem>>
    %dma_start3A_1240 = tpu.memref_squeeze %dma_start3A_1239 : memref<1x128xi32, #tpu.memory_space<vmem>> -> memref<128xi32, #tpu.memory_space<vmem>>
    %dma_start3A_1241 = arith.constant 0 : i32
    %dma_start3A_1242 = arith.constant 0 : i32
    %dma_start3A_1243 = tpu.memref_slice %arg8[%dma_start3A_1241, %dma_start3A_1242] : memref<100x128xf32, #tpu.memory_space<vmem_shared>> -> memref<100x128xf32, #tpu.memory_space<vmem_shared>>
    %dma_start3A_1244 = tpu.memref_slice %arg10[%dma_start3A_1233] : memref<5x!tpu.dma_semaphore, #tpu.memory_space<semaphore_mem>> -> memref<1x!tpu.dma_semaphore, #tpu.memory_space<semaphore_mem>>
    %dma_start3A_1245 = tpu.memref_squeeze %dma_start3A_1244 : memref<1x!tpu.dma_semaphore, #tpu.memory_space<semaphore_mem>> -> memref<!tpu.dma_semaphore, #tpu.memory_space<semaphore_mem>>
    tpu.enqueue_indirect_dma source(%dma_start3A_1243 : memref<100x128xf32, #tpu.memory_space<vmem_shared>>) target(%dma_start3A_1237 : memref<128x128xf32, #tpu.memory_space<vmem>>) offsets(%dma_start3A_1240 : memref<128xi32, #tpu.memory_space<vmem>>) semaphore(%dma_start3A_1245 : memref<!tpu.dma_semaphore, #tpu.memory_space<semaphore_mem>>)
    %dma_wait3A_1246 = arith.constant 0 : i32
    %dma_wait3A_1247 = arith.constant 0 : i32
    %dma_wait3A_1248 = arith.constant 0 : i32
    %dma_wait3A_1249 = arith.constant 0 : i32
    %dma_wait3A_1250 = arith.constant 0 : i32
    %dma_wait3A_1251 = tpu.memref_slice %arg7[%dma_wait3A_1247, %dma_wait3A_1249, %dma_wait3A_1250] : memref<5x128x128xf32, #tpu.memory_space<vmem>> -> memref<1x128x128xf32, #tpu.memory_space<vmem>>
    %dma_wait3A_1252 = tpu.memref_squeeze %dma_wait3A_1251 : memref<1x128x128xf32, #tpu.memory_space<vmem>> -> memref<128x128xf32, #tpu.memory_space<vmem>>
    %dma_wait3A_1253 = arith.constant 0 : i32
    %dma_wait3A_1254 = tpu.memref_slice %arg6[%dma_wait3A_1246, %dma_wait3A_1253] : memref<5x128xi32, #tpu.memory_space<vmem>> -> memref<1x128xi32, #tpu.memory_space<vmem>>
    %dma_wait3A_1255 = tpu.memref_squeeze %dma_wait3A_1254 : memref<1x128xi32, #tpu.memory_space<vmem>> -> memref<128xi32, #tpu.memory_space<vmem>>
    %dma_wait3A_1256 = arith.constant 0 : i32
    %dma_wait3A_1257 = arith.constant 0 : i32
    %dma_wait3A_1258 = tpu.memref_slice %arg8[%dma_wait3A_1256, %dma_wait3A_1257] : memref<100x128xf32, #tpu.memory_space<vmem_shared>> -> memref<100x128xf32, #tpu.memory_space<vmem_shared>>
    %dma_wait3A_1259 = tpu.memref_slice %arg10[%dma_wait3A_1248] : memref<5x!tpu.dma_semaphore, #tpu.memory_space<semaphore_mem>> -> memref<1x!tpu.dma_semaphore, #tpu.memory_space<semaphore_mem>>
    %dma_wait3A_1260 = tpu.memref_squeeze %dma_wait3A_1259 : memref<1x!tpu.dma_semaphore, #tpu.memory_space<semaphore_mem>> -> memref<!tpu.dma_semaphore, #tpu.memory_space<semaphore_mem>>
    tpu.wait_indirect_dma semaphore(%dma_wait3A_1260 : memref<!tpu.dma_semaphore, #tpu.memory_space<semaphore_mem>>) src(%dma_wait3A_1258 : memref<100x128xf32, #tpu.memory_space<vmem_shared>>) dst(%dma_wait3A_1252 : memref<128x128xf32, #tpu.memory_space<vmem>>)
    %add3A_1261 = arith.constant 0 : i32
    %add3A_1262 = arith.addi %mul3A_2, %add3A_1261 : i32
    %dma_start3A_1263 = arith.constant 0 : i32
    %dma_start3A_1264 = arith.constant 0 : i32
    %dma_start3A_1265 = arith.constant 0 : i32
    %dma_start3A_1266 = arith.constant 0 : i32
    %dma_start3A_1267 = tpu.memref_slice %arg7[%dma_start3A_1263, %dma_start3A_1265, %dma_start3A_1266] : memref<5x128x128xf32, #tpu.memory_space<vmem>> -> memref<1x128x128xf32, #tpu.memory_space<vmem>>
    %dma_start3A_1268 = tpu.memref_squeeze %dma_start3A_1267 : memref<1x128x128xf32, #tpu.memory_space<vmem>> -> memref<128x128xf32, #tpu.memory_space<vmem>>
    %dma_start3A_1269 = arith.constant 0 : i32
    %dma_start3A_1270 = tpu.memref_slice %arg4[%add3A_1262, %dma_start3A_1269] : memref<819200x128xf32, #tpu.memory_space<hbm>> -> memref<128x128xf32, #tpu.memory_space<hbm>>
    %dma_start3A_1271 = tpu.memref_slice %arg11[%dma_start3A_1264] : memref<5x!tpu.dma_semaphore, #tpu.memory_space<semaphore_mem>> -> memref<1x!tpu.dma_semaphore, #tpu.memory_space<semaphore_mem>>
    %dma_start3A_1272 = tpu.memref_squeeze %dma_start3A_1271 : memref<1x!tpu.dma_semaphore, #tpu.memory_space<semaphore_mem>> -> memref<!tpu.dma_semaphore, #tpu.memory_space<semaphore_mem>>
    %dma_start3A_1273 = arith.constant 0 : i32
    %dma_start3A_1274 = tpu.memref_slice %arg4[%add3A_1262, %dma_start3A_1273] : memref<819200x128xf32, #tpu.memory_space<hbm>> -> memref<128x128xf32, #tpu.memory_space<hbm>>
    %dma_start3A_1275 = arith.constant 0 : i32
    %dma_start3A_1276 = arith.constant 0 : i32
    %dma_start3A_1277 = tpu.memref_slice %arg7[%dma_start3A_1263, %dma_start3A_1275, %dma_start3A_1276] : memref<5x128x128xf32, #tpu.memory_space<vmem>> -> memref<1x128x128xf32, #tpu.memory_space<vmem>>
    %dma_start3A_1278 = tpu.memref_squeeze %dma_start3A_1277 : memref<1x128x128xf32, #tpu.memory_space<vmem>> -> memref<128x128xf32, #tpu.memory_space<vmem>>
    tpu.enqueue_dma source(%dma_start3A_1278 : memref<128x128xf32, #tpu.memory_space<vmem>>) target(%dma_start3A_1274 : memref<128x128xf32, #tpu.memory_space<hbm>>) target_semaphore(%dma_start3A_1272 : memref<!tpu.dma_semaphore, #tpu.memory_space<semaphore_mem>>)
    %add3A_1279 = arith.constant 640 : i32
    %add3A_1280 = arith.addi %mul3A_2, %add3A_1279 : i32
    %min3A_1281 = arith.constant 819072 : i32
    %min3A_1282 = arith.minsi %add3A_1280, %min3A_1281 : i32
    %dma_start3A_1283 = arith.constant 0 : i32
    %dma_start3A_1284 = arith.constant 0 : i32
    %dma_start3A_1285 = arith.constant 0 : i32
    %dma_start3A_1286 = tpu.memref_slice %arg5[%dma_start3A_1283, %dma_start3A_1285] : memref<5x128xf32, #tpu.memory_space<vmem>> -> memref<1x128xf32, #tpu.memory_space<vmem>>
    %dma_start3A_1287 = tpu.memref_squeeze %dma_start3A_1286 : memref<1x128xf32, #tpu.memory_space<vmem>> -> memref<128xf32, #tpu.memory_space<vmem>>
    %dma_start3A_1288 = tpu.memref_slice %arg2[%min3A_1282] : memref<819200xf32, #tpu.memory_space<hbm>> -> memref<128xf32, #tpu.memory_space<hbm>>
    %dma_start3A_1289 = tpu.memref_slice %arg9[%dma_start3A_1284] : memref<5x!tpu.dma_semaphore, #tpu.memory_space<semaphore_mem>> -> memref<1x!tpu.dma_semaphore, #tpu.memory_space<semaphore_mem>>
    %dma_start3A_1290 = tpu.memref_squeeze %dma_start3A_1289 : memref<1x!tpu.dma_semaphore, #tpu.memory_space<semaphore_mem>> -> memref<!tpu.dma_semaphore, #tpu.memory_space<semaphore_mem>>
    %dma_start3A_1291 = arith.constant 0 : i32
    %dma_start3A_1292 = tpu.memref_slice %arg5[%dma_start3A_1283, %dma_start3A_1291] : memref<5x128xf32, #tpu.memory_space<vmem>> -> memref<1x128xf32, #tpu.memory_space<vmem>>
    %dma_start3A_1293 = tpu.memref_squeeze %dma_start3A_1292 : memref<1x128xf32, #tpu.memory_space<vmem>> -> memref<128xf32, #tpu.memory_space<vmem>>
    %dma_start3A_1294 = tpu.memref_slice %arg2[%min3A_1282] : memref<819200xf32, #tpu.memory_space<hbm>> -> memref<128xf32, #tpu.memory_space<hbm>>
    tpu.enqueue_dma source(%dma_start3A_1294 : memref<128xf32, #tpu.memory_space<hbm>>) target(%dma_start3A_1293 : memref<128xf32, #tpu.memory_space<vmem>>) target_semaphore(%dma_start3A_1290 : memref<!tpu.dma_semaphore, #tpu.memory_space<semaphore_mem>>)
    %dma_wait3A_1295 = arith.constant 4 : i32
    %dma_wait3A_1296 = arith.constant 4 : i32
    %dma_wait3A_1297 = arith.constant 0 : i32
    %dma_wait3A_1298 = tpu.memref_slice %arg5[%dma_wait3A_1295, %dma_wait3A_1297] : memref<5x128xf32, #tpu.memory_space<vmem>> -> memref<1x128xf32, #tpu.memory_space<vmem>>
    %dma_wait3A_1299 = tpu.memref_squeeze %dma_wait3A_1298 : memref<1x128xf32, #tpu.memory_space<vmem>> -> memref<128xf32, #tpu.memory_space<vmem>>
    %dma_wait3A_1300 = arith.constant 0 : i32
    %dma_wait3A_1301 = tpu.memref_slice %arg2[%dma_wait3A_1300] : memref<819200xf32, #tpu.memory_space<hbm>> -> memref<128xf32, #tpu.memory_space<hbm>>
    %dma_wait3A_1302 = tpu.memref_slice %arg9[%dma_wait3A_1296] : memref<5x!tpu.dma_semaphore, #tpu.memory_space<semaphore_mem>> -> memref<1x!tpu.dma_semaphore, #tpu.memory_space<semaphore_mem>>
    %dma_wait3A_1303 = tpu.memref_squeeze %dma_wait3A_1302 : memref<1x!tpu.dma_semaphore, #tpu.memory_space<semaphore_mem>> -> memref<!tpu.dma_semaphore, #tpu.memory_space<semaphore_mem>>
    %dma_wait3A_1304 = arith.constant 0 : i32
    %dma_wait3A_1305 = tpu.memref_slice %arg5[%dma_wait3A_1295, %dma_wait3A_1304] : memref<5x128xf32, #tpu.memory_space<vmem>> -> memref<1x128xf32, #tpu.memory_space<vmem>>
    %dma_wait3A_1306 = tpu.memref_squeeze %dma_wait3A_1305 : memref<1x128xf32, #tpu.memory_space<vmem>> -> memref<128xf32, #tpu.memory_space<vmem>>
    %dma_wait3A_1307 = arith.constant 0 : i32
    %dma_wait3A_1308 = tpu.memref_slice %arg2[%dma_wait3A_1307] : memref<819200xf32, #tpu.memory_space<hbm>> -> memref<128xf32, #tpu.memory_space<hbm>>
    tpu.wait_dma2 semaphore(%dma_wait3A_1303 : memref<!tpu.dma_semaphore, #tpu.memory_space<semaphore_mem>>) src(%dma_wait3A_1308 : memref<128xf32, #tpu.memory_space<hbm>>) dst(%dma_wait3A_1306 : memref<128xf32, #tpu.memory_space<vmem>>)
    %get3A_1309 = arith.constant 4 : i32
    %get3A_1310 = arith.index_cast %get3A_1309 : i32 to index
    %get3A_1311 = arith.constant 0 : index
    %get3A_1312 = tpu.vector_load %arg5[%get3A_1310, %get3A_1311] {strides = array<i32>} : memref<5x128xf32, #tpu.memory_space<vmem>>, vector<1x16xf32>,
    %get3A_1313 = vector.shape_cast %get3A_1312 : vector<1x16xf32> to vector<16xf32>
    %max3A_1314 = arith.constant 0.00999999977 : f32
    %max3A_1315 = vector.broadcast %max3A_1314 : f32 to vector<16xf32>
    %max3A_1316 = arith.maximumf %get3A_1313, %max3A_1315 : vector<16xf32>
    %mul3A_1317 = arith.constant 1.000000e+02 : f32
    %mul3A_1318 = vector.broadcast %mul3A_1317 : f32 to vector<16xf32>
    %mul3A_1319 = arith.mulf %max3A_1316, %mul3A_1318 : vector<16xf32>
    %add3A_1320 = arith.constant 5.000000e-01 : f32
    %add3A_1321 = vector.broadcast %add3A_1320 : f32 to vector<16xf32>
    %add3A_1322 = arith.addf %mul3A_1319, %add3A_1321 : vector<16xf32>
    %convert_element_type3A_1323 = arith.fptosi %add3A_1322 : vector<16xf32> to vector<16xi32>
    %convert_element_type3A_1324 = arith.sitofp %convert_element_type3A_1323 : vector<16xi32> to vector<16xf32>
    %eq3A_1325 = arith.cmpf oeq, %convert_element_type3A_1324, %add3A_1322 : vector<16xf32>
    %and3A_1326 = arith.constant 1 : i32
    %and3A_1327 = vector.broadcast %and3A_1326 : i32 to vector<16xi32>
    %and3A_1328 = arith.andi %convert_element_type3A_1323, %and3A_1327 : vector<16xi32>
    %jit3A_1329 = arith.constant 0 : i32
    %broadcast_in_dim3A_1330 = vector.broadcast %jit3A_1329 : i32 to vector<16xi32>
    %select_n3A_1331 = arith.select %eq3A_1325, %and3A_1328, %broadcast_in_dim3A_1330 : vector<16xi1>, vector<16xi32>
    %sub3A_1332 = arith.subi %convert_element_type3A_1323, %select_n3A_1331 : vector<16xi32>
    %sub3A_1333 = arith.constant 1 : i32
    %sub3A_1334 = vector.broadcast %sub3A_1333 : i32 to vector<16xi32>
    %sub3A_1335 = arith.subi %sub3A_1332, %sub3A_1334 : vector<16xi32>
    %swap3A_1336 = arith.constant 4 : i32
    %swap3A_1337 = arith.index_cast %swap3A_1336 : i32 to index
    %swap3A_1338 = arith.constant 0 : index
    %swap3A_1339 = tpu.vector_load %arg6[%swap3A_1337, %swap3A_1338] {strides = array<i32>} : memref<5x128xi32, #tpu.memory_space<vmem>>, vector<1x16xi32>,
    %swap3A_1340 = vector.shape_cast %swap3A_1339 : vector<1x16xi32> to vector<16xi32>
    %swap3A_1341 = vector.shape_cast %sub3A_1335 : vector<16xi32> to vector<1x16xi32>
    tpu.vector_store %arg6[%swap3A_1337, %swap3A_1338], %swap3A_1341 {strides = array<i32>} : memref<5x128xi32, #tpu.memory_space<vmem>>, vector<1x16xi32>,
    %get3A_1342 = arith.constant 4 : i32
    %get3A_1343 = arith.index_cast %get3A_1342 : i32 to index
    %get3A_1344 = arith.constant 16 : index
    %get3A_1345 = tpu.vector_load %arg5[%get3A_1343, %get3A_1344] {strides = array<i32>} : memref<5x128xf32, #tpu.memory_space<vmem>>, vector<1x16xf32>,
    %get3A_1346 = vector.shape_cast %get3A_1345 : vector<1x16xf32> to vector<16xf32>
    %max3A_1347 = arith.constant 0.00999999977 : f32
    %max3A_1348 = vector.broadcast %max3A_1347 : f32 to vector<16xf32>
    %max3A_1349 = arith.maximumf %get3A_1346, %max3A_1348 : vector<16xf32>
    %mul3A_1350 = arith.constant 1.000000e+02 : f32
    %mul3A_1351 = vector.broadcast %mul3A_1350 : f32 to vector<16xf32>
    %mul3A_1352 = arith.mulf %max3A_1349, %mul3A_1351 : vector<16xf32>
    %add3A_1353 = arith.constant 5.000000e-01 : f32
    %add3A_1354 = vector.broadcast %add3A_1353 : f32 to vector<16xf32>
    %add3A_1355 = arith.addf %mul3A_1352, %add3A_1354 : vector<16xf32>
    %convert_element_type3A_1356 = arith.fptosi %add3A_1355 : vector<16xf32> to vector<16xi32>
    %convert_element_type3A_1357 = arith.sitofp %convert_element_type3A_1356 : vector<16xi32> to vector<16xf32>
    %eq3A_1358 = arith.cmpf oeq, %convert_element_type3A_1357, %add3A_1355 : vector<16xf32>
    %and3A_1359 = arith.constant 1 : i32
    %and3A_1360 = vector.broadcast %and3A_1359 : i32 to vector<16xi32>
    %and3A_1361 = arith.andi %convert_element_type3A_1356, %and3A_1360 : vector<16xi32>
    %jit3A_1362 = arith.constant 0 : i32
    %broadcast_in_dim3A_1363 = vector.broadcast %jit3A_1362 : i32 to vector<16xi32>
    %select_n3A_1364 = arith.select %eq3A_1358, %and3A_1361, %broadcast_in_dim3A_1363 : vector<16xi1>, vector<16xi32>
    %sub3A_1365 = arith.subi %convert_element_type3A_1356, %select_n3A_1364 : vector<16xi32>
    %sub3A_1366 = arith.constant 1 : i32
    %sub3A_1367 = vector.broadcast %sub3A_1366 : i32 to vector<16xi32>
    %sub3A_1368 = arith.subi %sub3A_1365, %sub3A_1367 : vector<16xi32>
    %swap3A_1369 = arith.constant 4 : i32
    %swap3A_1370 = arith.index_cast %swap3A_1369 : i32 to index
    %swap3A_1371 = arith.constant 16 : index
    %swap3A_1372 = tpu.vector_load %arg6[%swap3A_1370, %swap3A_1371] {strides = array<i32>} : memref<5x128xi32, #tpu.memory_space<vmem>>, vector<1x16xi32>,
    %swap3A_1373 = vector.shape_cast %swap3A_1372 : vector<1x16xi32> to vector<16xi32>
    %swap3A_1374 = vector.shape_cast %sub3A_1368 : vector<16xi32> to vector<1x16xi32>
    tpu.vector_store %arg6[%swap3A_1370, %swap3A_1371], %swap3A_1374 {strides = array<i32>} : memref<5x128xi32, #tpu.memory_space<vmem>>, vector<1x16xi32>,
    %get3A_1375 = arith.constant 4 : i32
    %get3A_1376 = arith.index_cast %get3A_1375 : i32 to index
    %get3A_1377 = arith.constant 32 : index
    %get3A_1378 = tpu.vector_load %arg5[%get3A_1376, %get3A_1377] {strides = array<i32>} : memref<5x128xf32, #tpu.memory_space<vmem>>, vector<1x16xf32>,
    %get3A_1379 = vector.shape_cast %get3A_1378 : vector<1x16xf32> to vector<16xf32>
    %max3A_1380 = arith.constant 0.00999999977 : f32
    %max3A_1381 = vector.broadcast %max3A_1380 : f32 to vector<16xf32>
    %max3A_1382 = arith.maximumf %get3A_1379, %max3A_1381 : vector<16xf32>
    %mul3A_1383 = arith.constant 1.000000e+02 : f32
    %mul3A_1384 = vector.broadcast %mul3A_1383 : f32 to vector<16xf32>
    %mul3A_1385 = arith.mulf %max3A_1382, %mul3A_1384 : vector<16xf32>
    %add3A_1386 = arith.constant 5.000000e-01 : f32
    %add3A_1387 = vector.broadcast %add3A_1386 : f32 to vector<16xf32>
    %add3A_1388 = arith.addf %mul3A_1385, %add3A_1387 : vector<16xf32>
    %convert_element_type3A_1389 = arith.fptosi %add3A_1388 : vector<16xf32> to vector<16xi32>
    %convert_element_type3A_1390 = arith.sitofp %convert_element_type3A_1389 : vector<16xi32> to vector<16xf32>
    %eq3A_1391 = arith.cmpf oeq, %convert_element_type3A_1390, %add3A_1388 : vector<16xf32>
    %and3A_1392 = arith.constant 1 : i32
    %and3A_1393 = vector.broadcast %and3A_1392 : i32 to vector<16xi32>
    %and3A_1394 = arith.andi %convert_element_type3A_1389, %and3A_1393 : vector<16xi32>
    %jit3A_1395 = arith.constant 0 : i32
    %broadcast_in_dim3A_1396 = vector.broadcast %jit3A_1395 : i32 to vector<16xi32>
    %select_n3A_1397 = arith.select %eq3A_1391, %and3A_1394, %broadcast_in_dim3A_1396 : vector<16xi1>, vector<16xi32>
    %sub3A_1398 = arith.subi %convert_element_type3A_1389, %select_n3A_1397 : vector<16xi32>
    %sub3A_1399 = arith.constant 1 : i32
    %sub3A_1400 = vector.broadcast %sub3A_1399 : i32 to vector<16xi32>
    %sub3A_1401 = arith.subi %sub3A_1398, %sub3A_1400 : vector<16xi32>
    %swap3A_1402 = arith.constant 4 : i32
    %swap3A_1403 = arith.index_cast %swap3A_1402 : i32 to index
    %swap3A_1404 = arith.constant 32 : index
    %swap3A_1405 = tpu.vector_load %arg6[%swap3A_1403, %swap3A_1404] {strides = array<i32>} : memref<5x128xi32, #tpu.memory_space<vmem>>, vector<1x16xi32>,
    %swap3A_1406 = vector.shape_cast %swap3A_1405 : vector<1x16xi32> to vector<16xi32>
    %swap3A_1407 = vector.shape_cast %sub3A_1401 : vector<16xi32> to vector<1x16xi32>
    tpu.vector_store %arg6[%swap3A_1403, %swap3A_1404], %swap3A_1407 {strides = array<i32>} : memref<5x128xi32, #tpu.memory_space<vmem>>, vector<1x16xi32>,
    %get3A_1408 = arith.constant 4 : i32
    %get3A_1409 = arith.index_cast %get3A_1408 : i32 to index
    %get3A_1410 = arith.constant 48 : index
    %get3A_1411 = tpu.vector_load %arg5[%get3A_1409, %get3A_1410] {strides = array<i32>} : memref<5x128xf32, #tpu.memory_space<vmem>>, vector<1x16xf32>,
    %get3A_1412 = vector.shape_cast %get3A_1411 : vector<1x16xf32> to vector<16xf32>
    %max3A_1413 = arith.constant 0.00999999977 : f32
    %max3A_1414 = vector.broadcast %max3A_1413 : f32 to vector<16xf32>
    %max3A_1415 = arith.maximumf %get3A_1412, %max3A_1414 : vector<16xf32>
    %mul3A_1416 = arith.constant 1.000000e+02 : f32
    %mul3A_1417 = vector.broadcast %mul3A_1416 : f32 to vector<16xf32>
    %mul3A_1418 = arith.mulf %max3A_1415, %mul3A_1417 : vector<16xf32>
    %add3A_1419 = arith.constant 5.000000e-01 : f32
    %add3A_1420 = vector.broadcast %add3A_1419 : f32 to vector<16xf32>
    %add3A_1421 = arith.addf %mul3A_1418, %add3A_1420 : vector<16xf32>
    %convert_element_type3A_1422 = arith.fptosi %add3A_1421 : vector<16xf32> to vector<16xi32>
    %convert_element_type3A_1423 = arith.sitofp %convert_element_type3A_1422 : vector<16xi32> to vector<16xf32>
    %eq3A_1424 = arith.cmpf oeq, %convert_element_type3A_1423, %add3A_1421 : vector<16xf32>
    %and3A_1425 = arith.constant 1 : i32
    %and3A_1426 = vector.broadcast %and3A_1425 : i32 to vector<16xi32>
    %and3A_1427 = arith.andi %convert_element_type3A_1422, %and3A_1426 : vector<16xi32>
    %jit3A_1428 = arith.constant 0 : i32
    %broadcast_in_dim3A_1429 = vector.broadcast %jit3A_1428 : i32 to vector<16xi32>
    %select_n3A_1430 = arith.select %eq3A_1424, %and3A_1427, %broadcast_in_dim3A_1429 : vector<16xi1>, vector<16xi32>
    %sub3A_1431 = arith.subi %convert_element_type3A_1422, %select_n3A_1430 : vector<16xi32>
    %sub3A_1432 = arith.constant 1 : i32
    %sub3A_1433 = vector.broadcast %sub3A_1432 : i32 to vector<16xi32>
    %sub3A_1434 = arith.subi %sub3A_1431, %sub3A_1433 : vector<16xi32>
    %swap3A_1435 = arith.constant 4 : i32
    %swap3A_1436 = arith.index_cast %swap3A_1435 : i32 to index
    %swap3A_1437 = arith.constant 48 : index
    %swap3A_1438 = tpu.vector_load %arg6[%swap3A_1436, %swap3A_1437] {strides = array<i32>} : memref<5x128xi32, #tpu.memory_space<vmem>>, vector<1x16xi32>,
    %swap3A_1439 = vector.shape_cast %swap3A_1438 : vector<1x16xi32> to vector<16xi32>
    %swap3A_1440 = vector.shape_cast %sub3A_1434 : vector<16xi32> to vector<1x16xi32>
    tpu.vector_store %arg6[%swap3A_1436, %swap3A_1437], %swap3A_1440 {strides = array<i32>} : memref<5x128xi32, #tpu.memory_space<vmem>>, vector<1x16xi32>,
    %get3A_1441 = arith.constant 4 : i32
    %get3A_1442 = arith.index_cast %get3A_1441 : i32 to index
    %get3A_1443 = arith.constant 64 : index
    %get3A_1444 = tpu.vector_load %arg5[%get3A_1442, %get3A_1443] {strides = array<i32>} : memref<5x128xf32, #tpu.memory_space<vmem>>, vector<1x16xf32>,
    %get3A_1445 = vector.shape_cast %get3A_1444 : vector<1x16xf32> to vector<16xf32>
    %max3A_1446 = arith.constant 0.00999999977 : f32
    %max3A_1447 = vector.broadcast %max3A_1446 : f32 to vector<16xf32>
    %max3A_1448 = arith.maximumf %get3A_1445, %max3A_1447 : vector<16xf32>
    %mul3A_1449 = arith.constant 1.000000e+02 : f32
    %mul3A_1450 = vector.broadcast %mul3A_1449 : f32 to vector<16xf32>
    %mul3A_1451 = arith.mulf %max3A_1448, %mul3A_1450 : vector<16xf32>
    %add3A_1452 = arith.constant 5.000000e-01 : f32
    %add3A_1453 = vector.broadcast %add3A_1452 : f32 to vector<16xf32>
    %add3A_1454 = arith.addf %mul3A_1451, %add3A_1453 : vector<16xf32>
    %convert_element_type3A_1455 = arith.fptosi %add3A_1454 : vector<16xf32> to vector<16xi32>
    %convert_element_type3A_1456 = arith.sitofp %convert_element_type3A_1455 : vector<16xi32> to vector<16xf32>
    %eq3A_1457 = arith.cmpf oeq, %convert_element_type3A_1456, %add3A_1454 : vector<16xf32>
    %and3A_1458 = arith.constant 1 : i32
    %and3A_1459 = vector.broadcast %and3A_1458 : i32 to vector<16xi32>
    %and3A_1460 = arith.andi %convert_element_type3A_1455, %and3A_1459 : vector<16xi32>
    %jit3A_1461 = arith.constant 0 : i32
    %broadcast_in_dim3A_1462 = vector.broadcast %jit3A_1461 : i32 to vector<16xi32>
    %select_n3A_1463 = arith.select %eq3A_1457, %and3A_1460, %broadcast_in_dim3A_1462 : vector<16xi1>, vector<16xi32>
    %sub3A_1464 = arith.subi %convert_element_type3A_1455, %select_n3A_1463 : vector<16xi32>
    %sub3A_1465 = arith.constant 1 : i32
    %sub3A_1466 = vector.broadcast %sub3A_1465 : i32 to vector<16xi32>
    %sub3A_1467 = arith.subi %sub3A_1464, %sub3A_1466 : vector<16xi32>
    %swap3A_1468 = arith.constant 4 : i32
    %swap3A_1469 = arith.index_cast %swap3A_1468 : i32 to index
    %swap3A_1470 = arith.constant 64 : index
    %swap3A_1471 = tpu.vector_load %arg6[%swap3A_1469, %swap3A_1470] {strides = array<i32>} : memref<5x128xi32, #tpu.memory_space<vmem>>, vector<1x16xi32>,
    %swap3A_1472 = vector.shape_cast %swap3A_1471 : vector<1x16xi32> to vector<16xi32>
    %swap3A_1473 = vector.shape_cast %sub3A_1467 : vector<16xi32> to vector<1x16xi32>
    tpu.vector_store %arg6[%swap3A_1469, %swap3A_1470], %swap3A_1473 {strides = array<i32>} : memref<5x128xi32, #tpu.memory_space<vmem>>, vector<1x16xi32>,
    %get3A_1474 = arith.constant 4 : i32
    %get3A_1475 = arith.index_cast %get3A_1474 : i32 to index
    %get3A_1476 = arith.constant 80 : index
    %get3A_1477 = tpu.vector_load %arg5[%get3A_1475, %get3A_1476] {strides = array<i32>} : memref<5x128xf32, #tpu.memory_space<vmem>>, vector<1x16xf32>,
    %get3A_1478 = vector.shape_cast %get3A_1477 : vector<1x16xf32> to vector<16xf32>
    %max3A_1479 = arith.constant 0.00999999977 : f32
    %max3A_1480 = vector.broadcast %max3A_1479 : f32 to vector<16xf32>
    %max3A_1481 = arith.maximumf %get3A_1478, %max3A_1480 : vector<16xf32>
    %mul3A_1482 = arith.constant 1.000000e+02 : f32
    %mul3A_1483 = vector.broadcast %mul3A_1482 : f32 to vector<16xf32>
    %mul3A_1484 = arith.mulf %max3A_1481, %mul3A_1483 : vector<16xf32>
    %add3A_1485 = arith.constant 5.000000e-01 : f32
    %add3A_1486 = vector.broadcast %add3A_1485 : f32 to vector<16xf32>
    %add3A_1487 = arith.addf %mul3A_1484, %add3A_1486 : vector<16xf32>
    %convert_element_type3A_1488 = arith.fptosi %add3A_1487 : vector<16xf32> to vector<16xi32>
    %convert_element_type3A_1489 = arith.sitofp %convert_element_type3A_1488 : vector<16xi32> to vector<16xf32>
    %eq3A_1490 = arith.cmpf oeq, %convert_element_type3A_1489, %add3A_1487 : vector<16xf32>
    %and3A_1491 = arith.constant 1 : i32
    %and3A_1492 = vector.broadcast %and3A_1491 : i32 to vector<16xi32>
    %and3A_1493 = arith.andi %convert_element_type3A_1488, %and3A_1492 : vector<16xi32>
    %jit3A_1494 = arith.constant 0 : i32
    %broadcast_in_dim3A_1495 = vector.broadcast %jit3A_1494 : i32 to vector<16xi32>
    %select_n3A_1496 = arith.select %eq3A_1490, %and3A_1493, %broadcast_in_dim3A_1495 : vector<16xi1>, vector<16xi32>
    %sub3A_1497 = arith.subi %convert_element_type3A_1488, %select_n3A_1496 : vector<16xi32>
    %sub3A_1498 = arith.constant 1 : i32
    %sub3A_1499 = vector.broadcast %sub3A_1498 : i32 to vector<16xi32>
    %sub3A_1500 = arith.subi %sub3A_1497, %sub3A_1499 : vector<16xi32>
    %swap3A_1501 = arith.constant 4 : i32
    %swap3A_1502 = arith.index_cast %swap3A_1501 : i32 to index
    %swap3A_1503 = arith.constant 80 : index
    %swap3A_1504 = tpu.vector_load %arg6[%swap3A_1502, %swap3A_1503] {strides = array<i32>} : memref<5x128xi32, #tpu.memory_space<vmem>>, vector<1x16xi32>,
    %swap3A_1505 = vector.shape_cast %swap3A_1504 : vector<1x16xi32> to vector<16xi32>
    %swap3A_1506 = vector.shape_cast %sub3A_1500 : vector<16xi32> to vector<1x16xi32>
    tpu.vector_store %arg6[%swap3A_1502, %swap3A_1503], %swap3A_1506 {strides = array<i32>} : memref<5x128xi32, #tpu.memory_space<vmem>>, vector<1x16xi32>,
    %get3A_1507 = arith.constant 4 : i32
    %get3A_1508 = arith.index_cast %get3A_1507 : i32 to index
    %get3A_1509 = arith.constant 96 : index
    %get3A_1510 = tpu.vector_load %arg5[%get3A_1508, %get3A_1509] {strides = array<i32>} : memref<5x128xf32, #tpu.memory_space<vmem>>, vector<1x16xf32>,
    %get3A_1511 = vector.shape_cast %get3A_1510 : vector<1x16xf32> to vector<16xf32>
    %max3A_1512 = arith.constant 0.00999999977 : f32
    %max3A_1513 = vector.broadcast %max3A_1512 : f32 to vector<16xf32>
    %max3A_1514 = arith.maximumf %get3A_1511, %max3A_1513 : vector<16xf32>
    %mul3A_1515 = arith.constant 1.000000e+02 : f32
    %mul3A_1516 = vector.broadcast %mul3A_1515 : f32 to vector<16xf32>
    %mul3A_1517 = arith.mulf %max3A_1514, %mul3A_1516 : vector<16xf32>
    %add3A_1518 = arith.constant 5.000000e-01 : f32
    %add3A_1519 = vector.broadcast %add3A_1518 : f32 to vector<16xf32>
    %add3A_1520 = arith.addf %mul3A_1517, %add3A_1519 : vector<16xf32>
    %convert_element_type3A_1521 = arith.fptosi %add3A_1520 : vector<16xf32> to vector<16xi32>
    %convert_element_type3A_1522 = arith.sitofp %convert_element_type3A_1521 : vector<16xi32> to vector<16xf32>
    %eq3A_1523 = arith.cmpf oeq, %convert_element_type3A_1522, %add3A_1520 : vector<16xf32>
    %and3A_1524 = arith.constant 1 : i32
    %and3A_1525 = vector.broadcast %and3A_1524 : i32 to vector<16xi32>
    %and3A_1526 = arith.andi %convert_element_type3A_1521, %and3A_1525 : vector<16xi32>
    %jit3A_1527 = arith.constant 0 : i32
    %broadcast_in_dim3A_1528 = vector.broadcast %jit3A_1527 : i32 to vector<16xi32>
    %select_n3A_1529 = arith.select %eq3A_1523, %and3A_1526, %broadcast_in_dim3A_1528 : vector<16xi1>, vector<16xi32>
    %sub3A_1530 = arith.subi %convert_element_type3A_1521, %select_n3A_1529 : vector<16xi32>
    %sub3A_1531 = arith.constant 1 : i32
    %sub3A_1532 = vector.broadcast %sub3A_1531 : i32 to vector<16xi32>
    %sub3A_1533 = arith.subi %sub3A_1530, %sub3A_1532 : vector<16xi32>
    %swap3A_1534 = arith.constant 4 : i32
    %swap3A_1535 = arith.index_cast %swap3A_1534 : i32 to index
    %swap3A_1536 = arith.constant 96 : index
    %swap3A_1537 = tpu.vector_load %arg6[%swap3A_1535, %swap3A_1536] {strides = array<i32>} : memref<5x128xi32, #tpu.memory_space<vmem>>, vector<1x16xi32>,
    %swap3A_1538 = vector.shape_cast %swap3A_1537 : vector<1x16xi32> to vector<16xi32>
    %swap3A_1539 = vector.shape_cast %sub3A_1533 : vector<16xi32> to vector<1x16xi32>
    tpu.vector_store %arg6[%swap3A_1535, %swap3A_1536], %swap3A_1539 {strides = array<i32>} : memref<5x128xi32, #tpu.memory_space<vmem>>, vector<1x16xi32>,
    %get3A_1540 = arith.constant 4 : i32
    %get3A_1541 = arith.index_cast %get3A_1540 : i32 to index
    %get3A_1542 = arith.constant 112 : index
    %get3A_1543 = tpu.vector_load %arg5[%get3A_1541, %get3A_1542] {strides = array<i32>} : memref<5x128xf32, #tpu.memory_space<vmem>>, vector<1x16xf32>,
    %get3A_1544 = vector.shape_cast %get3A_1543 : vector<1x16xf32> to vector<16xf32>
    %max3A_1545 = arith.constant 0.00999999977 : f32
    %max3A_1546 = vector.broadcast %max3A_1545 : f32 to vector<16xf32>
    %max3A_1547 = arith.maximumf %get3A_1544, %max3A_1546 : vector<16xf32>
    %mul3A_1548 = arith.constant 1.000000e+02 : f32
    %mul3A_1549 = vector.broadcast %mul3A_1548 : f32 to vector<16xf32>
    %mul3A_1550 = arith.mulf %max3A_1547, %mul3A_1549 : vector<16xf32>
    %add3A_1551 = arith.constant 5.000000e-01 : f32
    %add3A_1552 = vector.broadcast %add3A_1551 : f32 to vector<16xf32>
    %add3A_1553 = arith.addf %mul3A_1550, %add3A_1552 : vector<16xf32>
    %convert_element_type3A_1554 = arith.fptosi %add3A_1553 : vector<16xf32> to vector<16xi32>
    %convert_element_type3A_1555 = arith.sitofp %convert_element_type3A_1554 : vector<16xi32> to vector<16xf32>
    %eq3A_1556 = arith.cmpf oeq, %convert_element_type3A_1555, %add3A_1553 : vector<16xf32>
    %and3A_1557 = arith.constant 1 : i32
    %and3A_1558 = vector.broadcast %and3A_1557 : i32 to vector<16xi32>
    %and3A_1559 = arith.andi %convert_element_type3A_1554, %and3A_1558 : vector<16xi32>
    %jit3A_1560 = arith.constant 0 : i32
    %broadcast_in_dim3A_1561 = vector.broadcast %jit3A_1560 : i32 to vector<16xi32>
    %select_n3A_1562 = arith.select %eq3A_1556, %and3A_1559, %broadcast_in_dim3A_1561 : vector<16xi1>, vector<16xi32>
    %sub3A_1563 = arith.subi %convert_element_type3A_1554, %select_n3A_1562 : vector<16xi32>
    %sub3A_1564 = arith.constant 1 : i32
    %sub3A_1565 = vector.broadcast %sub3A_1564 : i32 to vector<16xi32>
    %sub3A_1566 = arith.subi %sub3A_1563, %sub3A_1565 : vector<16xi32>
    %swap3A_1567 = arith.constant 4 : i32
    %swap3A_1568 = arith.index_cast %swap3A_1567 : i32 to index
    %swap3A_1569 = arith.constant 112 : index
    %swap3A_1570 = tpu.vector_load %arg6[%swap3A_1568, %swap3A_1569] {strides = array<i32>} : memref<5x128xi32, #tpu.memory_space<vmem>>, vector<1x16xi32>,
    %swap3A_1571 = vector.shape_cast %swap3A_1570 : vector<1x16xi32> to vector<16xi32>
    %swap3A_1572 = vector.shape_cast %sub3A_1566 : vector<16xi32> to vector<1x16xi32>
    tpu.vector_store %arg6[%swap3A_1568, %swap3A_1569], %swap3A_1572 {strides = array<i32>} : memref<5x128xi32, #tpu.memory_space<vmem>>, vector<1x16xi32>,
    %dma_start3A_1573 = arith.constant 4 : i32
    %dma_start3A_1574 = arith.constant 4 : i32
    %dma_start3A_1575 = arith.constant 4 : i32
    %dma_start3A_1576 = arith.constant 0 : i32
    %dma_start3A_1577 = arith.constant 0 : i32
    %dma_start3A_1578 = tpu.memref_slice %arg7[%dma_start3A_1574, %dma_start3A_1576, %dma_start3A_1577] : memref<5x128x128xf32, #tpu.memory_space<vmem>> -> memref<1x128x128xf32, #tpu.memory_space<vmem>>
    %dma_start3A_1579 = tpu.memref_squeeze %dma_start3A_1578 : memref<1x128x128xf32, #tpu.memory_space<vmem>> -> memref<128x128xf32, #tpu.memory_space<vmem>>
    %dma_start3A_1580 = arith.constant 0 : i32
    %dma_start3A_1581 = tpu.memref_slice %arg6[%dma_start3A_1573, %dma_start3A_1580] : memref<5x128xi32, #tpu.memory_space<vmem>> -> memref<1x128xi32, #tpu.memory_space<vmem>>
    %dma_start3A_1582 = tpu.memref_squeeze %dma_start3A_1581 : memref<1x128xi32, #tpu.memory_space<vmem>> -> memref<128xi32, #tpu.memory_space<vmem>>
    %dma_start3A_1583 = arith.constant 0 : i32
    %dma_start3A_1584 = arith.constant 0 : i32
    %dma_start3A_1585 = tpu.memref_slice %arg8[%dma_start3A_1583, %dma_start3A_1584] : memref<100x128xf32, #tpu.memory_space<vmem_shared>> -> memref<100x128xf32, #tpu.memory_space<vmem_shared>>
    %dma_start3A_1586 = tpu.memref_slice %arg10[%dma_start3A_1575] : memref<5x!tpu.dma_semaphore, #tpu.memory_space<semaphore_mem>> -> memref<1x!tpu.dma_semaphore, #tpu.memory_space<semaphore_mem>>
    %dma_start3A_1587 = tpu.memref_squeeze %dma_start3A_1586 : memref<1x!tpu.dma_semaphore, #tpu.memory_space<semaphore_mem>> -> memref<!tpu.dma_semaphore, #tpu.memory_space<semaphore_mem>>
    tpu.enqueue_indirect_dma source(%dma_start3A_1585 : memref<100x128xf32, #tpu.memory_space<vmem_shared>>) target(%dma_start3A_1579 : memref<128x128xf32, #tpu.memory_space<vmem>>) offsets(%dma_start3A_1582 : memref<128xi32, #tpu.memory_space<vmem>>) semaphore(%dma_start3A_1587 : memref<!tpu.dma_semaphore, #tpu.memory_space<semaphore_mem>>)
    %dma_wait3A_1588 = arith.constant 1 : i32
    %dma_wait3A_1589 = arith.constant 1 : i32
    %dma_wait3A_1590 = arith.constant 1 : i32
    %dma_wait3A_1591 = arith.constant 0 : i32
    %dma_wait3A_1592 = arith.constant 0 : i32
    %dma_wait3A_1593 = tpu.memref_slice %arg7[%dma_wait3A_1589, %dma_wait3A_1591, %dma_wait3A_1592] : memref<5x128x128xf32, #tpu.memory_space<vmem>> -> memref<1x128x128xf32, #tpu.memory_space<vmem>>
    %dma_wait3A_1594 = tpu.memref_squeeze %dma_wait3A_1593 : memref<1x128x128xf32, #tpu.memory_space<vmem>> -> memref<128x128xf32, #tpu.memory_space<vmem>>
    %dma_wait3A_1595 = arith.constant 0 : i32
    %dma_wait3A_1596 = tpu.memref_slice %arg6[%dma_wait3A_1588, %dma_wait3A_1595] : memref<5x128xi32, #tpu.memory_space<vmem>> -> memref<1x128xi32, #tpu.memory_space<vmem>>
    %dma_wait3A_1597 = tpu.memref_squeeze %dma_wait3A_1596 : memref<1x128xi32, #tpu.memory_space<vmem>> -> memref<128xi32, #tpu.memory_space<vmem>>
    %dma_wait3A_1598 = arith.constant 0 : i32
    %dma_wait3A_1599 = arith.constant 0 : i32
    %dma_wait3A_1600 = tpu.memref_slice %arg8[%dma_wait3A_1598, %dma_wait3A_1599] : memref<100x128xf32, #tpu.memory_space<vmem_shared>> -> memref<100x128xf32, #tpu.memory_space<vmem_shared>>
    %dma_wait3A_1601 = tpu.memref_slice %arg10[%dma_wait3A_1590] : memref<5x!tpu.dma_semaphore, #tpu.memory_space<semaphore_mem>> -> memref<1x!tpu.dma_semaphore, #tpu.memory_space<semaphore_mem>>
    %dma_wait3A_1602 = tpu.memref_squeeze %dma_wait3A_1601 : memref<1x!tpu.dma_semaphore, #tpu.memory_space<semaphore_mem>> -> memref<!tpu.dma_semaphore, #tpu.memory_space<semaphore_mem>>
    tpu.wait_indirect_dma semaphore(%dma_wait3A_1602 : memref<!tpu.dma_semaphore, #tpu.memory_space<semaphore_mem>>) src(%dma_wait3A_1600 : memref<100x128xf32, #tpu.memory_space<vmem_shared>>) dst(%dma_wait3A_1594 : memref<128x128xf32, #tpu.memory_space<vmem>>)
    %add3A_1603 = arith.constant 128 : i32
    %add3A_1604 = arith.addi %mul3A_2, %add3A_1603 : i32
    %dma_start3A_1605 = arith.constant 1 : i32
    %dma_start3A_1606 = arith.constant 1 : i32
    %dma_start3A_1607 = arith.constant 0 : i32
    %dma_start3A_1608 = arith.constant 0 : i32
    %dma_start3A_1609 = tpu.memref_slice %arg7[%dma_start3A_1605, %dma_start3A_1607, %dma_start3A_1608] : memref<5x128x128xf32, #tpu.memory_space<vmem>> -> memref<1x128x128xf32, #tpu.memory_space<vmem>>
    %dma_start3A_1610 = tpu.memref_squeeze %dma_start3A_1609 : memref<1x128x128xf32, #tpu.memory_space<vmem>> -> memref<128x128xf32, #tpu.memory_space<vmem>>
    %dma_start3A_1611 = arith.constant 0 : i32
    %dma_start3A_1612 = tpu.memref_slice %arg4[%add3A_1604, %dma_start3A_1611] : memref<819200x128xf32, #tpu.memory_space<hbm>> -> memref<128x128xf32, #tpu.memory_space<hbm>>
    %dma_start3A_1613 = tpu.memref_slice %arg11[%dma_start3A_1606] : memref<5x!tpu.dma_semaphore, #tpu.memory_space<semaphore_mem>> -> memref<1x!tpu.dma_semaphore, #tpu.memory_space<semaphore_mem>>
    %dma_start3A_1614 = tpu.memref_squeeze %dma_start3A_1613 : memref<1x!tpu.dma_semaphore, #tpu.memory_space<semaphore_mem>> -> memref<!tpu.dma_semaphore, #tpu.memory_space<semaphore_mem>>
    %dma_start3A_1615 = arith.constant 0 : i32
    %dma_start3A_1616 = tpu.memref_slice %arg4[%add3A_1604, %dma_start3A_1615] : memref<819200x128xf32, #tpu.memory_space<hbm>> -> memref<128x128xf32, #tpu.memory_space<hbm>>
    %dma_start3A_1617 = arith.constant 0 : i32
    %dma_start3A_1618 = arith.constant 0 : i32
    %dma_start3A_1619 = tpu.memref_slice %arg7[%dma_start3A_1605, %dma_start3A_1617, %dma_start3A_1618] : memref<5x128x128xf32, #tpu.memory_space<vmem>> -> memref<1x128x128xf32, #tpu.memory_space<vmem>>
    %dma_start3A_1620 = tpu.memref_squeeze %dma_start3A_1619 : memref<1x128x128xf32, #tpu.memory_space<vmem>> -> memref<128x128xf32, #tpu.memory_space<vmem>>
    tpu.enqueue_dma source(%dma_start3A_1620 : memref<128x128xf32, #tpu.memory_space<vmem>>) target(%dma_start3A_1616 : memref<128x128xf32, #tpu.memory_space<hbm>>) target_semaphore(%dma_start3A_1614 : memref<!tpu.dma_semaphore, #tpu.memory_space<semaphore_mem>>)
    %scan3A = arith.constant 0 : i32
    %scan3A_1621 = arith.constant 1 : i32
    %scan3A_1622 = arith.constant 39 : i32
    %scan3A_1623 = arith.addi %scan3A_1621, %scan3A_1622 : i32
    %scan3A_1624 = arith.constant 1 : i32
    scf.for %scan3A_1829 = %scan3A_1621 to %scan3A_1623 step %scan3A_1624  : i32 {
      %mul3A_1830 = arith.constant 5 : i32
      %mul3A_1831 = arith.muli %scan3A_1829, %mul3A_1830 : i32
      %add3A_1832 = arith.constant 0 : i32
      %add3A_1833 = arith.addi %mul3A_1831, %add3A_1832 : i32
      %dma_wait3A_1834 = arith.constant 2 : i32
      %dma_wait3A_1835 = arith.constant 2 : i32
      %dma_wait3A_1836 = arith.constant 2 : i32
      %dma_wait3A_1837 = arith.constant 0 : i32
      %dma_wait3A_1838 = arith.constant 0 : i32
      %dma_wait3A_1839 = tpu.memref_slice %arg7[%dma_wait3A_1835, %dma_wait3A_1837, %dma_wait3A_1838] : memref<5x128x128xf32, #tpu.memory_space<vmem>> -> memref<1x128x128xf32, #tpu.memory_space<vmem>>
      %dma_wait3A_1840 = tpu.memref_squeeze %dma_wait3A_1839 : memref<1x128x128xf32, #tpu.memory_space<vmem>> -> memref<128x128xf32, #tpu.memory_space<vmem>>
      %dma_wait3A_1841 = arith.constant 0 : i32
      %dma_wait3A_1842 = tpu.memref_slice %arg6[%dma_wait3A_1834, %dma_wait3A_1841] : memref<5x128xi32, #tpu.memory_space<vmem>> -> memref<1x128xi32, #tpu.memory_space<vmem>>
      %dma_wait3A_1843 = tpu.memref_squeeze %dma_wait3A_1842 : memref<1x128xi32, #tpu.memory_space<vmem>> -> memref<128xi32, #tpu.memory_space<vmem>>
      %dma_wait3A_1844 = arith.constant 0 : i32
      %dma_wait3A_1845 = arith.constant 0 : i32
      %dma_wait3A_1846 = tpu.memref_slice %arg8[%dma_wait3A_1844, %dma_wait3A_1845] : memref<100x128xf32, #tpu.memory_space<vmem_shared>> -> memref<100x128xf32, #tpu.memory_space<vmem_shared>>
      %dma_wait3A_1847 = tpu.memref_slice %arg10[%dma_wait3A_1836] : memref<5x!tpu.dma_semaphore, #tpu.memory_space<semaphore_mem>> -> memref<1x!tpu.dma_semaphore, #tpu.memory_space<semaphore_mem>>
      %dma_wait3A_1848 = tpu.memref_squeeze %dma_wait3A_1847 : memref<1x!tpu.dma_semaphore, #tpu.memory_space<semaphore_mem>> -> memref<!tpu.dma_semaphore, #tpu.memory_space<semaphore_mem>>
      tpu.wait_indirect_dma semaphore(%dma_wait3A_1848 : memref<!tpu.dma_semaphore, #tpu.memory_space<semaphore_mem>>) src(%dma_wait3A_1846 : memref<100x128xf32, #tpu.memory_space<vmem_shared>>) dst(%dma_wait3A_1840 : memref<128x128xf32, #tpu.memory_space<vmem>>)
      %sub3A_1849 = arith.constant 3 : i32
      %sub3A_1850 = arith.subi %add3A_1833, %sub3A_1849 : i32
      %mul3A_1851 = arith.constant 128 : i32
      %mul3A_1852 = arith.muli %sub3A_1850, %mul3A_1851 : i32
      %add3A_1853 = arith.addi %mul3A_2, %mul3A_1852 : i32
      %dma_start3A_1854 = arith.constant 2 : i32
      %dma_start3A_1855 = arith.constant 2 : i32
      %dma_start3A_1856 = arith.constant 0 : i32
      %dma_start3A_1857 = arith.constant 0 : i32
      %dma_start3A_1858 = tpu.memref_slice %arg7[%dma_start3A_1854, %dma_start3A_1856, %dma_start3A_1857] : memref<5x128x128xf32, #tpu.memory_space<vmem>> -> memref<1x128x128xf32, #tpu.memory_space<vmem>>
      %dma_start3A_1859 = tpu.memref_squeeze %dma_start3A_1858 : memref<1x128x128xf32, #tpu.memory_space<vmem>> -> memref<128x128xf32, #tpu.memory_space<vmem>>
      %dma_start3A_1860 = arith.constant 0 : i32
      %dma_start3A_1861 = tpu.memref_slice %arg4[%add3A_1853, %dma_start3A_1860] : memref<819200x128xf32, #tpu.memory_space<hbm>> -> memref<128x128xf32, #tpu.memory_space<hbm>>
      %dma_start3A_1862 = tpu.memref_slice %arg11[%dma_start3A_1855] : memref<5x!tpu.dma_semaphore, #tpu.memory_space<semaphore_mem>> -> memref<1x!tpu.dma_semaphore, #tpu.memory_space<semaphore_mem>>
      %dma_start3A_1863 = tpu.memref_squeeze %dma_start3A_1862 : memref<1x!tpu.dma_semaphore, #tpu.memory_space<semaphore_mem>> -> memref<!tpu.dma_semaphore, #tpu.memory_space<semaphore_mem>>
      %dma_start3A_1864 = arith.constant 0 : i32
      %dma_start3A_1865 = tpu.memref_slice %arg4[%add3A_1853, %dma_start3A_1864] : memref<819200x128xf32, #tpu.memory_space<hbm>> -> memref<128x128xf32, #tpu.memory_space<hbm>>
      %dma_start3A_1866 = arith.constant 0 : i32
      %dma_start3A_1867 = arith.constant 0 : i32
      %dma_start3A_1868 = tpu.memref_slice %arg7[%dma_start3A_1854, %dma_start3A_1866, %dma_start3A_1867] : memref<5x128x128xf32, #tpu.memory_space<vmem>> -> memref<1x128x128xf32, #tpu.memory_space<vmem>>
      %dma_start3A_1869 = tpu.memref_squeeze %dma_start3A_1868 : memref<1x128x128xf32, #tpu.memory_space<vmem>> -> memref<128x128xf32, #tpu.memory_space<vmem>>
      tpu.enqueue_dma source(%dma_start3A_1869 : memref<128x128xf32, #tpu.memory_space<vmem>>) target(%dma_start3A_1865 : memref<128x128xf32, #tpu.memory_space<hbm>>) target_semaphore(%dma_start3A_1863 : memref<!tpu.dma_semaphore, #tpu.memory_space<semaphore_mem>>)
      %dma_wait3A_1870 = arith.constant 0 : i32
      %dma_wait3A_1871 = arith.constant 0 : i32
      %dma_wait3A_1872 = arith.constant 0 : i32
      %dma_wait3A_1873 = arith.constant 0 : i32
      %dma_wait3A_1874 = tpu.memref_slice %arg7[%dma_wait3A_1870, %dma_wait3A_1872, %dma_wait3A_1873] : memref<5x128x128xf32, #tpu.memory_space<vmem>> -> memref<1x128x128xf32, #tpu.memory_space<vmem>>
      %dma_wait3A_1875 = tpu.memref_squeeze %dma_wait3A_1874 : memref<1x128x128xf32, #tpu.memory_space<vmem>> -> memref<128x128xf32, #tpu.memory_space<vmem>>
      %dma_wait3A_1876 = arith.constant 0 : i32
      %dma_wait3A_1877 = arith.constant 0 : i32
      %dma_wait3A_1878 = tpu.memref_slice %arg4[%dma_wait3A_1876, %dma_wait3A_1877] : memref<819200x128xf32, #tpu.memory_space<hbm>> -> memref<128x128xf32, #tpu.memory_space<hbm>>
      %dma_wait3A_1879 = tpu.memref_slice %arg11[%dma_wait3A_1871] : memref<5x!tpu.dma_semaphore, #tpu.memory_space<semaphore_mem>> -> memref<1x!tpu.dma_semaphore, #tpu.memory_space<semaphore_mem>>
      %dma_wait3A_1880 = tpu.memref_squeeze %dma_wait3A_1879 : memref<1x!tpu.dma_semaphore, #tpu.memory_space<semaphore_mem>> -> memref<!tpu.dma_semaphore, #tpu.memory_space<semaphore_mem>>
      %dma_wait3A_1881 = arith.constant 0 : i32
      %dma_wait3A_1882 = arith.constant 0 : i32
      %dma_wait3A_1883 = tpu.memref_slice %arg4[%dma_wait3A_1881, %dma_wait3A_1882] : memref<819200x128xf32, #tpu.memory_space<hbm>> -> memref<128x128xf32, #tpu.memory_space<hbm>>
      %dma_wait3A_1884 = arith.constant 0 : i32
      %dma_wait3A_1885 = arith.constant 0 : i32
      %dma_wait3A_1886 = tpu.memref_slice %arg7[%dma_wait3A_1870, %dma_wait3A_1884, %dma_wait3A_1885] : memref<5x128x128xf32, #tpu.memory_space<vmem>> -> memref<1x128x128xf32, #tpu.memory_space<vmem>>
      %dma_wait3A_1887 = tpu.memref_squeeze %dma_wait3A_1886 : memref<1x128x128xf32, #tpu.memory_space<vmem>> -> memref<128x128xf32, #tpu.memory_space<vmem>>
      tpu.wait_dma2 semaphore(%dma_wait3A_1880 : memref<!tpu.dma_semaphore, #tpu.memory_space<semaphore_mem>>) src(%dma_wait3A_1887 : memref<128x128xf32, #tpu.memory_space<vmem>>) dst(%dma_wait3A_1883 : memref<128x128xf32, #tpu.memory_space<hbm>>)
      %add3A_1888 = arith.constant 1 : i32
      %add3A_1889 = arith.addi %add3A_1833, %add3A_1888 : i32
      %mul3A_1890 = arith.constant 128 : i32
      %mul3A_1891 = arith.muli %add3A_1889, %mul3A_1890 : i32
      %add3A_1892 = arith.addi %mul3A_2, %mul3A_1891 : i32
      %min3A_1893 = arith.constant 819072 : i32
      %min3A_1894 = arith.minsi %add3A_1892, %min3A_1893 : i32
      %dma_start3A_1895 = arith.constant 1 : i32
      %dma_start3A_1896 = arith.constant 1 : i32
      %dma_start3A_1897 = arith.constant 0 : i32
      %dma_start3A_1898 = tpu.memref_slice %arg5[%dma_start3A_1895, %dma_start3A_1897] : memref<5x128xf32, #tpu.memory_space<vmem>> -> memref<1x128xf32, #tpu.memory_space<vmem>>
      %dma_start3A_1899 = tpu.memref_squeeze %dma_start3A_1898 : memref<1x128xf32, #tpu.memory_space<vmem>> -> memref<128xf32, #tpu.memory_space<vmem>>
      %dma_start3A_1900 = tpu.memref_slice %arg2[%min3A_1894] : memref<819200xf32, #tpu.memory_space<hbm>> -> memref<128xf32, #tpu.memory_space<hbm>>
      %dma_start3A_1901 = tpu.memref_slice %arg9[%dma_start3A_1896] : memref<5x!tpu.dma_semaphore, #tpu.memory_space<semaphore_mem>> -> memref<1x!tpu.dma_semaphore, #tpu.memory_space<semaphore_mem>>
      %dma_start3A_1902 = tpu.memref_squeeze %dma_start3A_1901 : memref<1x!tpu.dma_semaphore, #tpu.memory_space<semaphore_mem>> -> memref<!tpu.dma_semaphore, #tpu.memory_space<semaphore_mem>>
      %dma_start3A_1903 = arith.constant 0 : i32
      %dma_start3A_1904 = tpu.memref_slice %arg5[%dma_start3A_1895, %dma_start3A_1903] : memref<5x128xf32, #tpu.memory_space<vmem>> -> memref<1x128xf32, #tpu.memory_space<vmem>>
      %dma_start3A_1905 = tpu.memref_squeeze %dma_start3A_1904 : memref<1x128xf32, #tpu.memory_space<vmem>> -> memref<128xf32, #tpu.memory_space<vmem>>
      %dma_start3A_1906 = tpu.memref_slice %arg2[%min3A_1894] : memref<819200xf32, #tpu.memory_space<hbm>> -> memref<128xf32, #tpu.memory_space<hbm>>
      tpu.enqueue_dma source(%dma_start3A_1906 : memref<128xf32, #tpu.memory_space<hbm>>) target(%dma_start3A_1905 : memref<128xf32, #tpu.memory_space<vmem>>) target_semaphore(%dma_start3A_1902 : memref<!tpu.dma_semaphore, #tpu.memory_space<semaphore_mem>>)
      %dma_wait3A_1907 = arith.constant 0 : i32
      %dma_wait3A_1908 = arith.constant 0 : i32
      %dma_wait3A_1909 = arith.constant 0 : i32
      %dma_wait3A_1910 = tpu.memref_slice %arg5[%dma_wait3A_1907, %dma_wait3A_1909] : memref<5x128xf32, #tpu.memory_space<vmem>> -> memref<1x128xf32, #tpu.memory_space<vmem>>
      %dma_wait3A_1911 = tpu.memref_squeeze %dma_wait3A_1910 : memref<1x128xf32, #tpu.memory_space<vmem>> -> memref<128xf32, #tpu.memory_space<vmem>>
      %dma_wait3A_1912 = arith.constant 0 : i32
      %dma_wait3A_1913 = tpu.memref_slice %arg2[%dma_wait3A_1912] : memref<819200xf32, #tpu.memory_space<hbm>> -> memref<128xf32, #tpu.memory_space<hbm>>
      %dma_wait3A_1914 = tpu.memref_slice %arg9[%dma_wait3A_1908] : memref<5x!tpu.dma_semaphore, #tpu.memory_space<semaphore_mem>> -> memref<1x!tpu.dma_semaphore, #tpu.memory_space<semaphore_mem>>
      %dma_wait3A_1915 = tpu.memref_squeeze %dma_wait3A_1914 : memref<1x!tpu.dma_semaphore, #tpu.memory_space<semaphore_mem>> -> memref<!tpu.dma_semaphore, #tpu.memory_space<semaphore_mem>>
      %dma_wait3A_1916 = arith.constant 0 : i32
      %dma_wait3A_1917 = tpu.memref_slice %arg5[%dma_wait3A_1907, %dma_wait3A_1916] : memref<5x128xf32, #tpu.memory_space<vmem>> -> memref<1x128xf32, #tpu.memory_space<vmem>>
      %dma_wait3A_1918 = tpu.memref_squeeze %dma_wait3A_1917 : memref<1x128xf32, #tpu.memory_space<vmem>> -> memref<128xf32, #tpu.memory_space<vmem>>
      %dma_wait3A_1919 = arith.constant 0 : i32
      %dma_wait3A_1920 = tpu.memref_slice %arg2[%dma_wait3A_1919] : memref<819200xf32, #tpu.memory_space<hbm>> -> memref<128xf32, #tpu.memory_space<hbm>>
      tpu.wait_dma2 semaphore(%dma_wait3A_1915 : memref<!tpu.dma_semaphore, #tpu.memory_space<semaphore_mem>>) src(%dma_wait3A_1920 : memref<128xf32, #tpu.memory_space<hbm>>) dst(%dma_wait3A_1918 : memref<128xf32, #tpu.memory_space<vmem>>)
      %get3A_1921 = arith.constant 0 : i32
      %get3A_1922 = arith.index_cast %get3A_1921 : i32 to index
      %get3A_1923 = arith.constant 0 : index
      %get3A_1924 = tpu.vector_load %arg5[%get3A_1922, %get3A_1923] {strides = array<i32>} : memref<5x128xf32, #tpu.memory_space<vmem>>, vector<1x16xf32>,
      %get3A_1925 = vector.shape_cast %get3A_1924 : vector<1x16xf32> to vector<16xf32>
      %max3A_1926 = arith.constant 0.00999999977 : f32
      %max3A_1927 = vector.broadcast %max3A_1926 : f32 to vector<16xf32>
      %max3A_1928 = arith.maximumf %get3A_1925, %max3A_1927 : vector<16xf32>
      %mul3A_1929 = arith.constant 1.000000e+02 : f32
      %mul3A_1930 = vector.broadcast %mul3A_1929 : f32 to vector<16xf32>
      %mul3A_1931 = arith.mulf %max3A_1928, %mul3A_1930 : vector<16xf32>
      %add3A_1932 = arith.constant 5.000000e-01 : f32
      %add3A_1933 = vector.broadcast %add3A_1932 : f32 to vector<16xf32>
      %add3A_1934 = arith.addf %mul3A_1931, %add3A_1933 : vector<16xf32>
      %convert_element_type3A_1935 = arith.fptosi %add3A_1934 : vector<16xf32> to vector<16xi32>
      %convert_element_type3A_1936 = arith.sitofp %convert_element_type3A_1935 : vector<16xi32> to vector<16xf32>
      %eq3A_1937 = arith.cmpf oeq, %convert_element_type3A_1936, %add3A_1934 : vector<16xf32>
      %and3A_1938 = arith.constant 1 : i32
      %and3A_1939 = vector.broadcast %and3A_1938 : i32 to vector<16xi32>
      %and3A_1940 = arith.andi %convert_element_type3A_1935, %and3A_1939 : vector<16xi32>
      %jit3A_1941 = arith.constant 0 : i32
      %broadcast_in_dim3A_1942 = vector.broadcast %jit3A_1941 : i32 to vector<16xi32>
      %select_n3A_1943 = arith.select %eq3A_1937, %and3A_1940, %broadcast_in_dim3A_1942 : vector<16xi1>, vector<16xi32>
      %sub3A_1944 = arith.subi %convert_element_type3A_1935, %select_n3A_1943 : vector<16xi32>
      %sub3A_1945 = arith.constant 1 : i32
      %sub3A_1946 = vector.broadcast %sub3A_1945 : i32 to vector<16xi32>
      %sub3A_1947 = arith.subi %sub3A_1944, %sub3A_1946 : vector<16xi32>
      %swap3A_1948 = arith.constant 0 : i32
      %swap3A_1949 = arith.index_cast %swap3A_1948 : i32 to index
      %swap3A_1950 = arith.constant 0 : index
      %swap3A_1951 = tpu.vector_load %arg6[%swap3A_1949, %swap3A_1950] {strides = array<i32>} : memref<5x128xi32, #tpu.memory_space<vmem>>, vector<1x16xi32>,
      %swap3A_1952 = vector.shape_cast %swap3A_1951 : vector<1x16xi32> to vector<16xi32>
      %swap3A_1953 = vector.shape_cast %sub3A_1947 : vector<16xi32> to vector<1x16xi32>
      tpu.vector_store %arg6[%swap3A_1949, %swap3A_1950], %swap3A_1953 {strides = array<i32>} : memref<5x128xi32, #tpu.memory_space<vmem>>, vector<1x16xi32>,
      %get3A_1954 = arith.constant 0 : i32
      %get3A_1955 = arith.index_cast %get3A_1954 : i32 to index
      %get3A_1956 = arith.constant 16 : index
      %get3A_1957 = tpu.vector_load %arg5[%get3A_1955, %get3A_1956] {strides = array<i32>} : memref<5x128xf32, #tpu.memory_space<vmem>>, vector<1x16xf32>,
      %get3A_1958 = vector.shape_cast %get3A_1957 : vector<1x16xf32> to vector<16xf32>
      %max3A_1959 = arith.constant 0.00999999977 : f32
      %max3A_1960 = vector.broadcast %max3A_1959 : f32 to vector<16xf32>
      %max3A_1961 = arith.maximumf %get3A_1958, %max3A_1960 : vector<16xf32>
      %mul3A_1962 = arith.constant 1.000000e+02 : f32
      %mul3A_1963 = vector.broadcast %mul3A_1962 : f32 to vector<16xf32>
      %mul3A_1964 = arith.mulf %max3A_1961, %mul3A_1963 : vector<16xf32>
      %add3A_1965 = arith.constant 5.000000e-01 : f32
      %add3A_1966 = vector.broadcast %add3A_1965 : f32 to vector<16xf32>
      %add3A_1967 = arith.addf %mul3A_1964, %add3A_1966 : vector<16xf32>
      %convert_element_type3A_1968 = arith.fptosi %add3A_1967 : vector<16xf32> to vector<16xi32>
      %convert_element_type3A_1969 = arith.sitofp %convert_element_type3A_1968 : vector<16xi32> to vector<16xf32>
      %eq3A_1970 = arith.cmpf oeq, %convert_element_type3A_1969, %add3A_1967 : vector<16xf32>
      %and3A_1971 = arith.constant 1 : i32
      %and3A_1972 = vector.broadcast %and3A_1971 : i32 to vector<16xi32>
      %and3A_1973 = arith.andi %convert_element_type3A_1968, %and3A_1972 : vector<16xi32>
      %jit3A_1974 = arith.constant 0 : i32
      %broadcast_in_dim3A_1975 = vector.broadcast %jit3A_1974 : i32 to vector<16xi32>
      %select_n3A_1976 = arith.select %eq3A_1970, %and3A_1973, %broadcast_in_dim3A_1975 : vector<16xi1>, vector<16xi32>
      %sub3A_1977 = arith.subi %convert_element_type3A_1968, %select_n3A_1976 : vector<16xi32>
      %sub3A_1978 = arith.constant 1 : i32
      %sub3A_1979 = vector.broadcast %sub3A_1978 : i32 to vector<16xi32>
      %sub3A_1980 = arith.subi %sub3A_1977, %sub3A_1979 : vector<16xi32>
      %swap3A_1981 = arith.constant 0 : i32
      %swap3A_1982 = arith.index_cast %swap3A_1981 : i32 to index
      %swap3A_1983 = arith.constant 16 : index
      %swap3A_1984 = tpu.vector_load %arg6[%swap3A_1982, %swap3A_1983] {strides = array<i32>} : memref<5x128xi32, #tpu.memory_space<vmem>>, vector<1x16xi32>,
      %swap3A_1985 = vector.shape_cast %swap3A_1984 : vector<1x16xi32> to vector<16xi32>
      %swap3A_1986 = vector.shape_cast %sub3A_1980 : vector<16xi32> to vector<1x16xi32>
      tpu.vector_store %arg6[%swap3A_1982, %swap3A_1983], %swap3A_1986 {strides = array<i32>} : memref<5x128xi32, #tpu.memory_space<vmem>>, vector<1x16xi32>,
      %get3A_1987 = arith.constant 0 : i32
      %get3A_1988 = arith.index_cast %get3A_1987 : i32 to index
      %get3A_1989 = arith.constant 32 : index
      %get3A_1990 = tpu.vector_load %arg5[%get3A_1988, %get3A_1989] {strides = array<i32>} : memref<5x128xf32, #tpu.memory_space<vmem>>, vector<1x16xf32>,
      %get3A_1991 = vector.shape_cast %get3A_1990 : vector<1x16xf32> to vector<16xf32>
      %max3A_1992 = arith.constant 0.00999999977 : f32
      %max3A_1993 = vector.broadcast %max3A_1992 : f32 to vector<16xf32>
      %max3A_1994 = arith.maximumf %get3A_1991, %max3A_1993 : vector<16xf32>
      %mul3A_1995 = arith.constant 1.000000e+02 : f32
      %mul3A_1996 = vector.broadcast %mul3A_1995 : f32 to vector<16xf32>
      %mul3A_1997 = arith.mulf %max3A_1994, %mul3A_1996 : vector<16xf32>
      %add3A_1998 = arith.constant 5.000000e-01 : f32
      %add3A_1999 = vector.broadcast %add3A_1998 : f32 to vector<16xf32>
      %add3A_2000 = arith.addf %mul3A_1997, %add3A_1999 : vector<16xf32>
      %convert_element_type3A_2001 = arith.fptosi %add3A_2000 : vector<16xf32> to vector<16xi32>
      %convert_element_type3A_2002 = arith.sitofp %convert_element_type3A_2001 : vector<16xi32> to vector<16xf32>
      %eq3A_2003 = arith.cmpf oeq, %convert_element_type3A_2002, %add3A_2000 : vector<16xf32>
      %and3A_2004 = arith.constant 1 : i32
      %and3A_2005 = vector.broadcast %and3A_2004 : i32 to vector<16xi32>
      %and3A_2006 = arith.andi %convert_element_type3A_2001, %and3A_2005 : vector<16xi32>
      %jit3A_2007 = arith.constant 0 : i32
      %broadcast_in_dim3A_2008 = vector.broadcast %jit3A_2007 : i32 to vector<16xi32>
      %select_n3A_2009 = arith.select %eq3A_2003, %and3A_2006, %broadcast_in_dim3A_2008 : vector<16xi1>, vector<16xi32>
      %sub3A_2010 = arith.subi %convert_element_type3A_2001, %select_n3A_2009 : vector<16xi32>
      %sub3A_2011 = arith.constant 1 : i32
      %sub3A_2012 = vector.broadcast %sub3A_2011 : i32 to vector<16xi32>
      %sub3A_2013 = arith.subi %sub3A_2010, %sub3A_2012 : vector<16xi32>
      %swap3A_2014 = arith.constant 0 : i32
      %swap3A_2015 = arith.index_cast %swap3A_2014 : i32 to index
      %swap3A_2016 = arith.constant 32 : index
      %swap3A_2017 = tpu.vector_load %arg6[%swap3A_2015, %swap3A_2016] {strides = array<i32>} : memref<5x128xi32, #tpu.memory_space<vmem>>, vector<1x16xi32>,
      %swap3A_2018 = vector.shape_cast %swap3A_2017 : vector<1x16xi32> to vector<16xi32>
      %swap3A_2019 = vector.shape_cast %sub3A_2013 : vector<16xi32> to vector<1x16xi32>
      tpu.vector_store %arg6[%swap3A_2015, %swap3A_2016], %swap3A_2019 {strides = array<i32>} : memref<5x128xi32, #tpu.memory_space<vmem>>, vector<1x16xi32>,
      %get3A_2020 = arith.constant 0 : i32
      %get3A_2021 = arith.index_cast %get3A_2020 : i32 to index
      %get3A_2022 = arith.constant 48 : index
      %get3A_2023 = tpu.vector_load %arg5[%get3A_2021, %get3A_2022] {strides = array<i32>} : memref<5x128xf32, #tpu.memory_space<vmem>>, vector<1x16xf32>,
      %get3A_2024 = vector.shape_cast %get3A_2023 : vector<1x16xf32> to vector<16xf32>
      %max3A_2025 = arith.constant 0.00999999977 : f32
      %max3A_2026 = vector.broadcast %max3A_2025 : f32 to vector<16xf32>
      %max3A_2027 = arith.maximumf %get3A_2024, %max3A_2026 : vector<16xf32>
      %mul3A_2028 = arith.constant 1.000000e+02 : f32
      %mul3A_2029 = vector.broadcast %mul3A_2028 : f32 to vector<16xf32>
      %mul3A_2030 = arith.mulf %max3A_2027, %mul3A_2029 : vector<16xf32>
      %add3A_2031 = arith.constant 5.000000e-01 : f32
      %add3A_2032 = vector.broadcast %add3A_2031 : f32 to vector<16xf32>
      %add3A_2033 = arith.addf %mul3A_2030, %add3A_2032 : vector<16xf32>
      %convert_element_type3A_2034 = arith.fptosi %add3A_2033 : vector<16xf32> to vector<16xi32>
      %convert_element_type3A_2035 = arith.sitofp %convert_element_type3A_2034 : vector<16xi32> to vector<16xf32>
      %eq3A_2036 = arith.cmpf oeq, %convert_element_type3A_2035, %add3A_2033 : vector<16xf32>
      %and3A_2037 = arith.constant 1 : i32
      %and3A_2038 = vector.broadcast %and3A_2037 : i32 to vector<16xi32>
      %and3A_2039 = arith.andi %convert_element_type3A_2034, %and3A_2038 : vector<16xi32>
      %jit3A_2040 = arith.constant 0 : i32
      %broadcast_in_dim3A_2041 = vector.broadcast %jit3A_2040 : i32 to vector<16xi32>
      %select_n3A_2042 = arith.select %eq3A_2036, %and3A_2039, %broadcast_in_dim3A_2041 : vector<16xi1>, vector<16xi32>
      %sub3A_2043 = arith.subi %convert_element_type3A_2034, %select_n3A_2042 : vector<16xi32>
      %sub3A_2044 = arith.constant 1 : i32
      %sub3A_2045 = vector.broadcast %sub3A_2044 : i32 to vector<16xi32>
      %sub3A_2046 = arith.subi %sub3A_2043, %sub3A_2045 : vector<16xi32>
      %swap3A_2047 = arith.constant 0 : i32
      %swap3A_2048 = arith.index_cast %swap3A_2047 : i32 to index
      %swap3A_2049 = arith.constant 48 : index
      %swap3A_2050 = tpu.vector_load %arg6[%swap3A_2048, %swap3A_2049] {strides = array<i32>} : memref<5x128xi32, #tpu.memory_space<vmem>>, vector<1x16xi32>,
      %swap3A_2051 = vector.shape_cast %swap3A_2050 : vector<1x16xi32> to vector<16xi32>
      %swap3A_2052 = vector.shape_cast %sub3A_2046 : vector<16xi32> to vector<1x16xi32>
      tpu.vector_store %arg6[%swap3A_2048, %swap3A_2049], %swap3A_2052 {strides = array<i32>} : memref<5x128xi32, #tpu.memory_space<vmem>>, vector<1x16xi32>,
      %get3A_2053 = arith.constant 0 : i32
      %get3A_2054 = arith.index_cast %get3A_2053 : i32 to index
      %get3A_2055 = arith.constant 64 : index
      %get3A_2056 = tpu.vector_load %arg5[%get3A_2054, %get3A_2055] {strides = array<i32>} : memref<5x128xf32, #tpu.memory_space<vmem>>, vector<1x16xf32>,
      %get3A_2057 = vector.shape_cast %get3A_2056 : vector<1x16xf32> to vector<16xf32>
      %max3A_2058 = arith.constant 0.00999999977 : f32
      %max3A_2059 = vector.broadcast %max3A_2058 : f32 to vector<16xf32>
      %max3A_2060 = arith.maximumf %get3A_2057, %max3A_2059 : vector<16xf32>
      %mul3A_2061 = arith.constant 1.000000e+02 : f32
      %mul3A_2062 = vector.broadcast %mul3A_2061 : f32 to vector<16xf32>
      %mul3A_2063 = arith.mulf %max3A_2060, %mul3A_2062 : vector<16xf32>
      %add3A_2064 = arith.constant 5.000000e-01 : f32
      %add3A_2065 = vector.broadcast %add3A_2064 : f32 to vector<16xf32>
      %add3A_2066 = arith.addf %mul3A_2063, %add3A_2065 : vector<16xf32>
      %convert_element_type3A_2067 = arith.fptosi %add3A_2066 : vector<16xf32> to vector<16xi32>
      %convert_element_type3A_2068 = arith.sitofp %convert_element_type3A_2067 : vector<16xi32> to vector<16xf32>
      %eq3A_2069 = arith.cmpf oeq, %convert_element_type3A_2068, %add3A_2066 : vector<16xf32>
      %and3A_2070 = arith.constant 1 : i32
      %and3A_2071 = vector.broadcast %and3A_2070 : i32 to vector<16xi32>
      %and3A_2072 = arith.andi %convert_element_type3A_2067, %and3A_2071 : vector<16xi32>
      %jit3A_2073 = arith.constant 0 : i32
      %broadcast_in_dim3A_2074 = vector.broadcast %jit3A_2073 : i32 to vector<16xi32>
      %select_n3A_2075 = arith.select %eq3A_2069, %and3A_2072, %broadcast_in_dim3A_2074 : vector<16xi1>, vector<16xi32>
      %sub3A_2076 = arith.subi %convert_element_type3A_2067, %select_n3A_2075 : vector<16xi32>
      %sub3A_2077 = arith.constant 1 : i32
      %sub3A_2078 = vector.broadcast %sub3A_2077 : i32 to vector<16xi32>
      %sub3A_2079 = arith.subi %sub3A_2076, %sub3A_2078 : vector<16xi32>
      %swap3A_2080 = arith.constant 0 : i32
      %swap3A_2081 = arith.index_cast %swap3A_2080 : i32 to index
      %swap3A_2082 = arith.constant 64 : index
      %swap3A_2083 = tpu.vector_load %arg6[%swap3A_2081, %swap3A_2082] {strides = array<i32>} : memref<5x128xi32, #tpu.memory_space<vmem>>, vector<1x16xi32>,
      %swap3A_2084 = vector.shape_cast %swap3A_2083 : vector<1x16xi32> to vector<16xi32>
      %swap3A_2085 = vector.shape_cast %sub3A_2079 : vector<16xi32> to vector<1x16xi32>
      tpu.vector_store %arg6[%swap3A_2081, %swap3A_2082], %swap3A_2085 {strides = array<i32>} : memref<5x128xi32, #tpu.memory_space<vmem>>, vector<1x16xi32>,
      %get3A_2086 = arith.constant 0 : i32
      %get3A_2087 = arith.index_cast %get3A_2086 : i32 to index
      %get3A_2088 = arith.constant 80 : index
      %get3A_2089 = tpu.vector_load %arg5[%get3A_2087, %get3A_2088] {strides = array<i32>} : memref<5x128xf32, #tpu.memory_space<vmem>>, vector<1x16xf32>,
      %get3A_2090 = vector.shape_cast %get3A_2089 : vector<1x16xf32> to vector<16xf32>
      %max3A_2091 = arith.constant 0.00999999977 : f32
      %max3A_2092 = vector.broadcast %max3A_2091 : f32 to vector<16xf32>
      %max3A_2093 = arith.maximumf %get3A_2090, %max3A_2092 : vector<16xf32>
      %mul3A_2094 = arith.constant 1.000000e+02 : f32
      %mul3A_2095 = vector.broadcast %mul3A_2094 : f32 to vector<16xf32>
      %mul3A_2096 = arith.mulf %max3A_2093, %mul3A_2095 : vector<16xf32>
      %add3A_2097 = arith.constant 5.000000e-01 : f32
      %add3A_2098 = vector.broadcast %add3A_2097 : f32 to vector<16xf32>
      %add3A_2099 = arith.addf %mul3A_2096, %add3A_2098 : vector<16xf32>
      %convert_element_type3A_2100 = arith.fptosi %add3A_2099 : vector<16xf32> to vector<16xi32>
      %convert_element_type3A_2101 = arith.sitofp %convert_element_type3A_2100 : vector<16xi32> to vector<16xf32>
      %eq3A_2102 = arith.cmpf oeq, %convert_element_type3A_2101, %add3A_2099 : vector<16xf32>
      %and3A_2103 = arith.constant 1 : i32
      %and3A_2104 = vector.broadcast %and3A_2103 : i32 to vector<16xi32>
      %and3A_2105 = arith.andi %convert_element_type3A_2100, %and3A_2104 : vector<16xi32>
      %jit3A_2106 = arith.constant 0 : i32
      %broadcast_in_dim3A_2107 = vector.broadcast %jit3A_2106 : i32 to vector<16xi32>
      %select_n3A_2108 = arith.select %eq3A_2102, %and3A_2105, %broadcast_in_dim3A_2107 : vector<16xi1>, vector<16xi32>
      %sub3A_2109 = arith.subi %convert_element_type3A_2100, %select_n3A_2108 : vector<16xi32>
      %sub3A_2110 = arith.constant 1 : i32
      %sub3A_2111 = vector.broadcast %sub3A_2110 : i32 to vector<16xi32>
      %sub3A_2112 = arith.subi %sub3A_2109, %sub3A_2111 : vector<16xi32>
      %swap3A_2113 = arith.constant 0 : i32
      %swap3A_2114 = arith.index_cast %swap3A_2113 : i32 to index
      %swap3A_2115 = arith.constant 80 : index
      %swap3A_2116 = tpu.vector_load %arg6[%swap3A_2114, %swap3A_2115] {strides = array<i32>} : memref<5x128xi32, #tpu.memory_space<vmem>>, vector<1x16xi32>,
      %swap3A_2117 = vector.shape_cast %swap3A_2116 : vector<1x16xi32> to vector<16xi32>
      %swap3A_2118 = vector.shape_cast %sub3A_2112 : vector<16xi32> to vector<1x16xi32>
      tpu.vector_store %arg6[%swap3A_2114, %swap3A_2115], %swap3A_2118 {strides = array<i32>} : memref<5x128xi32, #tpu.memory_space<vmem>>, vector<1x16xi32>,
      %get3A_2119 = arith.constant 0 : i32
      %get3A_2120 = arith.index_cast %get3A_2119 : i32 to index
      %get3A_2121 = arith.constant 96 : index
      %get3A_2122 = tpu.vector_load %arg5[%get3A_2120, %get3A_2121] {strides = array<i32>} : memref<5x128xf32, #tpu.memory_space<vmem>>, vector<1x16xf32>,
      %get3A_2123 = vector.shape_cast %get3A_2122 : vector<1x16xf32> to vector<16xf32>
      %max3A_2124 = arith.constant 0.00999999977 : f32
      %max3A_2125 = vector.broadcast %max3A_2124 : f32 to vector<16xf32>
      %max3A_2126 = arith.maximumf %get3A_2123, %max3A_2125 : vector<16xf32>
      %mul3A_2127 = arith.constant 1.000000e+02 : f32
      %mul3A_2128 = vector.broadcast %mul3A_2127 : f32 to vector<16xf32>
      %mul3A_2129 = arith.mulf %max3A_2126, %mul3A_2128 : vector<16xf32>
      %add3A_2130 = arith.constant 5.000000e-01 : f32
      %add3A_2131 = vector.broadcast %add3A_2130 : f32 to vector<16xf32>
      %add3A_2132 = arith.addf %mul3A_2129, %add3A_2131 : vector<16xf32>
      %convert_element_type3A_2133 = arith.fptosi %add3A_2132 : vector<16xf32> to vector<16xi32>
      %convert_element_type3A_2134 = arith.sitofp %convert_element_type3A_2133 : vector<16xi32> to vector<16xf32>
      %eq3A_2135 = arith.cmpf oeq, %convert_element_type3A_2134, %add3A_2132 : vector<16xf32>
      %and3A_2136 = arith.constant 1 : i32
      %and3A_2137 = vector.broadcast %and3A_2136 : i32 to vector<16xi32>
      %and3A_2138 = arith.andi %convert_element_type3A_2133, %and3A_2137 : vector<16xi32>
      %jit3A_2139 = arith.constant 0 : i32
      %broadcast_in_dim3A_2140 = vector.broadcast %jit3A_2139 : i32 to vector<16xi32>
      %select_n3A_2141 = arith.select %eq3A_2135, %and3A_2138, %broadcast_in_dim3A_2140 : vector<16xi1>, vector<16xi32>
      %sub3A_2142 = arith.subi %convert_element_type3A_2133, %select_n3A_2141 : vector<16xi32>
      %sub3A_2143 = arith.constant 1 : i32
      %sub3A_2144 = vector.broadcast %sub3A_2143 : i32 to vector<16xi32>
      %sub3A_2145 = arith.subi %sub3A_2142, %sub3A_2144 : vector<16xi32>
      %swap3A_2146 = arith.constant 0 : i32
      %swap3A_2147 = arith.index_cast %swap3A_2146 : i32 to index
      %swap3A_2148 = arith.constant 96 : index
      %swap3A_2149 = tpu.vector_load %arg6[%swap3A_2147, %swap3A_2148] {strides = array<i32>} : memref<5x128xi32, #tpu.memory_space<vmem>>, vector<1x16xi32>,
      %swap3A_2150 = vector.shape_cast %swap3A_2149 : vector<1x16xi32> to vector<16xi32>
      %swap3A_2151 = vector.shape_cast %sub3A_2145 : vector<16xi32> to vector<1x16xi32>
      tpu.vector_store %arg6[%swap3A_2147, %swap3A_2148], %swap3A_2151 {strides = array<i32>} : memref<5x128xi32, #tpu.memory_space<vmem>>, vector<1x16xi32>,
      %get3A_2152 = arith.constant 0 : i32
      %get3A_2153 = arith.index_cast %get3A_2152 : i32 to index
      %get3A_2154 = arith.constant 112 : index
      %get3A_2155 = tpu.vector_load %arg5[%get3A_2153, %get3A_2154] {strides = array<i32>} : memref<5x128xf32, #tpu.memory_space<vmem>>, vector<1x16xf32>,
      %get3A_2156 = vector.shape_cast %get3A_2155 : vector<1x16xf32> to vector<16xf32>
      %max3A_2157 = arith.constant 0.00999999977 : f32
      %max3A_2158 = vector.broadcast %max3A_2157 : f32 to vector<16xf32>
      %max3A_2159 = arith.maximumf %get3A_2156, %max3A_2158 : vector<16xf32>
      %mul3A_2160 = arith.constant 1.000000e+02 : f32
      %mul3A_2161 = vector.broadcast %mul3A_2160 : f32 to vector<16xf32>
      %mul3A_2162 = arith.mulf %max3A_2159, %mul3A_2161 : vector<16xf32>
      %add3A_2163 = arith.constant 5.000000e-01 : f32
      %add3A_2164 = vector.broadcast %add3A_2163 : f32 to vector<16xf32>
      %add3A_2165 = arith.addf %mul3A_2162, %add3A_2164 : vector<16xf32>
      %convert_element_type3A_2166 = arith.fptosi %add3A_2165 : vector<16xf32> to vector<16xi32>
      %convert_element_type3A_2167 = arith.sitofp %convert_element_type3A_2166 : vector<16xi32> to vector<16xf32>
      %eq3A_2168 = arith.cmpf oeq, %convert_element_type3A_2167, %add3A_2165 : vector<16xf32>
      %and3A_2169 = arith.constant 1 : i32
      %and3A_2170 = vector.broadcast %and3A_2169 : i32 to vector<16xi32>
      %and3A_2171 = arith.andi %convert_element_type3A_2166, %and3A_2170 : vector<16xi32>
      %jit3A_2172 = arith.constant 0 : i32
      %broadcast_in_dim3A_2173 = vector.broadcast %jit3A_2172 : i32 to vector<16xi32>
      %select_n3A_2174 = arith.select %eq3A_2168, %and3A_2171, %broadcast_in_dim3A_2173 : vector<16xi1>, vector<16xi32>
      %sub3A_2175 = arith.subi %convert_element_type3A_2166, %select_n3A_2174 : vector<16xi32>
      %sub3A_2176 = arith.constant 1 : i32
      %sub3A_2177 = vector.broadcast %sub3A_2176 : i32 to vector<16xi32>
      %sub3A_2178 = arith.subi %sub3A_2175, %sub3A_2177 : vector<16xi32>
      %swap3A_2179 = arith.constant 0 : i32
      %swap3A_2180 = arith.index_cast %swap3A_2179 : i32 to index
      %swap3A_2181 = arith.constant 112 : index
      %swap3A_2182 = tpu.vector_load %arg6[%swap3A_2180, %swap3A_2181] {strides = array<i32>} : memref<5x128xi32, #tpu.memory_space<vmem>>, vector<1x16xi32>,
      %swap3A_2183 = vector.shape_cast %swap3A_2182 : vector<1x16xi32> to vector<16xi32>
      %swap3A_2184 = vector.shape_cast %sub3A_2178 : vector<16xi32> to vector<1x16xi32>
      tpu.vector_store %arg6[%swap3A_2180, %swap3A_2181], %swap3A_2184 {strides = array<i32>} : memref<5x128xi32, #tpu.memory_space<vmem>>, vector<1x16xi32>,
      %dma_start3A_2185 = arith.constant 0 : i32
      %dma_start3A_2186 = arith.constant 0 : i32
      %dma_start3A_2187 = arith.constant 0 : i32
      %dma_start3A_2188 = arith.constant 0 : i32
      %dma_start3A_2189 = arith.constant 0 : i32
      %dma_start3A_2190 = tpu.memref_slice %arg7[%dma_start3A_2186, %dma_start3A_2188, %dma_start3A_2189] : memref<5x128x128xf32, #tpu.memory_space<vmem>> -> memref<1x128x128xf32, #tpu.memory_space<vmem>>
      %dma_start3A_2191 = tpu.memref_squeeze %dma_start3A_2190 : memref<1x128x128xf32, #tpu.memory_space<vmem>> -> memref<128x128xf32, #tpu.memory_space<vmem>>
      %dma_start3A_2192 = arith.constant 0 : i32
      %dma_start3A_2193 = tpu.memref_slice %arg6[%dma_start3A_2185, %dma_start3A_2192] : memref<5x128xi32, #tpu.memory_space<vmem>> -> memref<1x128xi32, #tpu.memory_space<vmem>>
      %dma_start3A_2194 = tpu.memref_squeeze %dma_start3A_2193 : memref<1x128xi32, #tpu.memory_space<vmem>> -> memref<128xi32, #tpu.memory_space<vmem>>
      %dma_start3A_2195 = arith.constant 0 : i32
      %dma_start3A_2196 = arith.constant 0 : i32
      %dma_start3A_2197 = tpu.memref_slice %arg8[%dma_start3A_2195, %dma_start3A_2196] : memref<100x128xf32, #tpu.memory_space<vmem_shared>> -> memref<100x128xf32, #tpu.memory_space<vmem_shared>>
      %dma_start3A_2198 = tpu.memref_slice %arg10[%dma_start3A_2187] : memref<5x!tpu.dma_semaphore, #tpu.memory_space<semaphore_mem>> -> memref<1x!tpu.dma_semaphore, #tpu.memory_space<semaphore_mem>>
      %dma_start3A_2199 = tpu.memref_squeeze %dma_start3A_2198 : memref<1x!tpu.dma_semaphore, #tpu.memory_space<semaphore_mem>> -> memref<!tpu.dma_semaphore, #tpu.memory_space<semaphore_mem>>
      tpu.enqueue_indirect_dma source(%dma_start3A_2197 : memref<100x128xf32, #tpu.memory_space<vmem_shared>>) target(%dma_start3A_2191 : memref<128x128xf32, #tpu.memory_space<vmem>>) offsets(%dma_start3A_2194 : memref<128xi32, #tpu.memory_space<vmem>>) semaphore(%dma_start3A_2199 : memref<!tpu.dma_semaphore, #tpu.memory_space<semaphore_mem>>)
      %add3A_2200 = arith.constant 1 : i32
      %add3A_2201 = arith.addi %mul3A_1831, %add3A_2200 : i32
      %dma_wait3A_2202 = arith.constant 3 : i32
      %dma_wait3A_2203 = arith.constant 3 : i32
      %dma_wait3A_2204 = arith.constant 3 : i32
      %dma_wait3A_2205 = arith.constant 0 : i32
      %dma_wait3A_2206 = arith.constant 0 : i32
      %dma_wait3A_2207 = tpu.memref_slice %arg7[%dma_wait3A_2203, %dma_wait3A_2205, %dma_wait3A_2206] : memref<5x128x128xf32, #tpu.memory_space<vmem>> -> memref<1x128x128xf32, #tpu.memory_space<vmem>>
      %dma_wait3A_2208 = tpu.memref_squeeze %dma_wait3A_2207 : memref<1x128x128xf32, #tpu.memory_space<vmem>> -> memref<128x128xf32, #tpu.memory_space<vmem>>
      %dma_wait3A_2209 = arith.constant 0 : i32
      %dma_wait3A_2210 = tpu.memref_slice %arg6[%dma_wait3A_2202, %dma_wait3A_2209] : memref<5x128xi32, #tpu.memory_space<vmem>> -> memref<1x128xi32, #tpu.memory_space<vmem>>
      %dma_wait3A_2211 = tpu.memref_squeeze %dma_wait3A_2210 : memref<1x128xi32, #tpu.memory_space<vmem>> -> memref<128xi32, #tpu.memory_space<vmem>>
      %dma_wait3A_2212 = arith.constant 0 : i32
      %dma_wait3A_2213 = arith.constant 0 : i32
      %dma_wait3A_2214 = tpu.memref_slice %arg8[%dma_wait3A_2212, %dma_wait3A_2213] : memref<100x128xf32, #tpu.memory_space<vmem_shared>> -> memref<100x128xf32, #tpu.memory_space<vmem_shared>>
      %dma_wait3A_2215 = tpu.memref_slice %arg10[%dma_wait3A_2204] : memref<5x!tpu.dma_semaphore, #tpu.memory_space<semaphore_mem>> -> memref<1x!tpu.dma_semaphore, #tpu.memory_space<semaphore_mem>>
      %dma_wait3A_2216 = tpu.memref_squeeze %dma_wait3A_2215 : memref<1x!tpu.dma_semaphore, #tpu.memory_space<semaphore_mem>> -> memref<!tpu.dma_semaphore, #tpu.memory_space<semaphore_mem>>
      tpu.wait_indirect_dma semaphore(%dma_wait3A_2216 : memref<!tpu.dma_semaphore, #tpu.memory_space<semaphore_mem>>) src(%dma_wait3A_2214 : memref<100x128xf32, #tpu.memory_space<vmem_shared>>) dst(%dma_wait3A_2208 : memref<128x128xf32, #tpu.memory_space<vmem>>)
      %sub3A_2217 = arith.constant 3 : i32
      %sub3A_2218 = arith.subi %add3A_2201, %sub3A_2217 : i32
      %mul3A_2219 = arith.constant 128 : i32
      %mul3A_2220 = arith.muli %sub3A_2218, %mul3A_2219 : i32
      %add3A_2221 = arith.addi %mul3A_2, %mul3A_2220 : i32
      %dma_start3A_2222 = arith.constant 3 : i32
      %dma_start3A_2223 = arith.constant 3 : i32
      %dma_start3A_2224 = arith.constant 0 : i32
      %dma_start3A_2225 = arith.constant 0 : i32
      %dma_start3A_2226 = tpu.memref_slice %arg7[%dma_start3A_2222, %dma_start3A_2224, %dma_start3A_2225] : memref<5x128x128xf32, #tpu.memory_space<vmem>> -> memref<1x128x128xf32, #tpu.memory_space<vmem>>
      %dma_start3A_2227 = tpu.memref_squeeze %dma_start3A_2226 : memref<1x128x128xf32, #tpu.memory_space<vmem>> -> memref<128x128xf32, #tpu.memory_space<vmem>>
      %dma_start3A_2228 = arith.constant 0 : i32
      %dma_start3A_2229 = tpu.memref_slice %arg4[%add3A_2221, %dma_start3A_2228] : memref<819200x128xf32, #tpu.memory_space<hbm>> -> memref<128x128xf32, #tpu.memory_space<hbm>>
      %dma_start3A_2230 = tpu.memref_slice %arg11[%dma_start3A_2223] : memref<5x!tpu.dma_semaphore, #tpu.memory_space<semaphore_mem>> -> memref<1x!tpu.dma_semaphore, #tpu.memory_space<semaphore_mem>>
      %dma_start3A_2231 = tpu.memref_squeeze %dma_start3A_2230 : memref<1x!tpu.dma_semaphore, #tpu.memory_space<semaphore_mem>> -> memref<!tpu.dma_semaphore, #tpu.memory_space<semaphore_mem>>
      %dma_start3A_2232 = arith.constant 0 : i32
      %dma_start3A_2233 = tpu.memref_slice %arg4[%add3A_2221, %dma_start3A_2232] : memref<819200x128xf32, #tpu.memory_space<hbm>> -> memref<128x128xf32, #tpu.memory_space<hbm>>
      %dma_start3A_2234 = arith.constant 0 : i32
      %dma_start3A_2235 = arith.constant 0 : i32
      %dma_start3A_2236 = tpu.memref_slice %arg7[%dma_start3A_2222, %dma_start3A_2234, %dma_start3A_2235] : memref<5x128x128xf32, #tpu.memory_space<vmem>> -> memref<1x128x128xf32, #tpu.memory_space<vmem>>
      %dma_start3A_2237 = tpu.memref_squeeze %dma_start3A_2236 : memref<1x128x128xf32, #tpu.memory_space<vmem>> -> memref<128x128xf32, #tpu.memory_space<vmem>>
      tpu.enqueue_dma source(%dma_start3A_2237 : memref<128x128xf32, #tpu.memory_space<vmem>>) target(%dma_start3A_2233 : memref<128x128xf32, #tpu.memory_space<hbm>>) target_semaphore(%dma_start3A_2231 : memref<!tpu.dma_semaphore, #tpu.memory_space<semaphore_mem>>)
      %dma_wait3A_2238 = arith.constant 1 : i32
      %dma_wait3A_2239 = arith.constant 1 : i32
      %dma_wait3A_2240 = arith.constant 0 : i32
      %dma_wait3A_2241 = arith.constant 0 : i32
      %dma_wait3A_2242 = tpu.memref_slice %arg7[%dma_wait3A_2238, %dma_wait3A_2240, %dma_wait3A_2241] : memref<5x128x128xf32, #tpu.memory_space<vmem>> -> memref<1x128x128xf32, #tpu.memory_space<vmem>>
      %dma_wait3A_2243 = tpu.memref_squeeze %dma_wait3A_2242 : memref<1x128x128xf32, #tpu.memory_space<vmem>> -> memref<128x128xf32, #tpu.memory_space<vmem>>
      %dma_wait3A_2244 = arith.constant 0 : i32
      %dma_wait3A_2245 = arith.constant 0 : i32
      %dma_wait3A_2246 = tpu.memref_slice %arg4[%dma_wait3A_2244, %dma_wait3A_2245] : memref<819200x128xf32, #tpu.memory_space<hbm>> -> memref<128x128xf32, #tpu.memory_space<hbm>>
      %dma_wait3A_2247 = tpu.memref_slice %arg11[%dma_wait3A_2239] : memref<5x!tpu.dma_semaphore, #tpu.memory_space<semaphore_mem>> -> memref<1x!tpu.dma_semaphore, #tpu.memory_space<semaphore_mem>>
      %dma_wait3A_2248 = tpu.memref_squeeze %dma_wait3A_2247 : memref<1x!tpu.dma_semaphore, #tpu.memory_space<semaphore_mem>> -> memref<!tpu.dma_semaphore, #tpu.memory_space<semaphore_mem>>
      %dma_wait3A_2249 = arith.constant 0 : i32
      %dma_wait3A_2250 = arith.constant 0 : i32
      %dma_wait3A_2251 = tpu.memref_slice %arg4[%dma_wait3A_2249, %dma_wait3A_2250] : memref<819200x128xf32, #tpu.memory_space<hbm>> -> memref<128x128xf32, #tpu.memory_space<hbm>>
      %dma_wait3A_2252 = arith.constant 0 : i32
      %dma_wait3A_2253 = arith.constant 0 : i32
      %dma_wait3A_2254 = tpu.memref_slice %arg7[%dma_wait3A_2238, %dma_wait3A_2252, %dma_wait3A_2253] : memref<5x128x128xf32, #tpu.memory_space<vmem>> -> memref<1x128x128xf32, #tpu.memory_space<vmem>>
      %dma_wait3A_2255 = tpu.memref_squeeze %dma_wait3A_2254 : memref<1x128x128xf32, #tpu.memory_space<vmem>> -> memref<128x128xf32, #tpu.memory_space<vmem>>
      tpu.wait_dma2 semaphore(%dma_wait3A_2248 : memref<!tpu.dma_semaphore, #tpu.memory_space<semaphore_mem>>) src(%dma_wait3A_2255 : memref<128x128xf32, #tpu.memory_space<vmem>>) dst(%dma_wait3A_2251 : memref<128x128xf32, #tpu.memory_space<hbm>>)
      %add3A_2256 = arith.constant 1 : i32
      %add3A_2257 = arith.addi %add3A_2201, %add3A_2256 : i32
      %mul3A_2258 = arith.constant 128 : i32
      %mul3A_2259 = arith.muli %add3A_2257, %mul3A_2258 : i32
      %add3A_2260 = arith.addi %mul3A_2, %mul3A_2259 : i32
      %min3A_2261 = arith.constant 819072 : i32
      %min3A_2262 = arith.minsi %add3A_2260, %min3A_2261 : i32
      %dma_start3A_2263 = arith.constant 2 : i32
      %dma_start3A_2264 = arith.constant 2 : i32
      %dma_start3A_2265 = arith.constant 0 : i32
      %dma_start3A_2266 = tpu.memref_slice %arg5[%dma_start3A_2263, %dma_start3A_2265] : memref<5x128xf32, #tpu.memory_space<vmem>> -> memref<1x128xf32, #tpu.memory_space<vmem>>
      %dma_start3A_2267 = tpu.memref_squeeze %dma_start3A_2266 : memref<1x128xf32, #tpu.memory_space<vmem>> -> memref<128xf32, #tpu.memory_space<vmem>>
      %dma_start3A_2268 = tpu.memref_slice %arg2[%min3A_2262] : memref<819200xf32, #tpu.memory_space<hbm>> -> memref<128xf32, #tpu.memory_space<hbm>>
      %dma_start3A_2269 = tpu.memref_slice %arg9[%dma_start3A_2264] : memref<5x!tpu.dma_semaphore, #tpu.memory_space<semaphore_mem>> -> memref<1x!tpu.dma_semaphore, #tpu.memory_space<semaphore_mem>>
      %dma_start3A_2270 = tpu.memref_squeeze %dma_start3A_2269 : memref<1x!tpu.dma_semaphore, #tpu.memory_space<semaphore_mem>> -> memref<!tpu.dma_semaphore, #tpu.memory_space<semaphore_mem>>
      %dma_start3A_2271 = arith.constant 0 : i32
      %dma_start3A_2272 = tpu.memref_slice %arg5[%dma_start3A_2263, %dma_start3A_2271] : memref<5x128xf32, #tpu.memory_space<vmem>> -> memref<1x128xf32, #tpu.memory_space<vmem>>
      %dma_start3A_2273 = tpu.memref_squeeze %dma_start3A_2272 : memref<1x128xf32, #tpu.memory_space<vmem>> -> memref<128xf32, #tpu.memory_space<vmem>>
      %dma_start3A_2274 = tpu.memref_slice %arg2[%min3A_2262] : memref<819200xf32, #tpu.memory_space<hbm>> -> memref<128xf32, #tpu.memory_space<hbm>>
      tpu.enqueue_dma source(%dma_start3A_2274 : memref<128xf32, #tpu.memory_space<hbm>>) target(%dma_start3A_2273 : memref<128xf32, #tpu.memory_space<vmem>>) target_semaphore(%dma_start3A_2270 : memref<!tpu.dma_semaphore, #tpu.memory_space<semaphore_mem>>)
      %dma_wait3A_2275 = arith.constant 1 : i32
      %dma_wait3A_2276 = arith.constant 1 : i32
      %dma_wait3A_2277 = arith.constant 0 : i32
      %dma_wait3A_2278 = tpu.memref_slice %arg5[%dma_wait3A_2275, %dma_wait3A_2277] : memref<5x128xf32, #tpu.memory_space<vmem>> -> memref<1x128xf32, #tpu.memory_space<vmem>>
      %dma_wait3A_2279 = tpu.memref_squeeze %dma_wait3A_2278 : memref<1x128xf32, #tpu.memory_space<vmem>> -> memref<128xf32, #tpu.memory_space<vmem>>
      %dma_wait3A_2280 = arith.constant 0 : i32
      %dma_wait3A_2281 = tpu.memref_slice %arg2[%dma_wait3A_2280] : memref<819200xf32, #tpu.memory_space<hbm>> -> memref<128xf32, #tpu.memory_space<hbm>>
      %dma_wait3A_2282 = tpu.memref_slice %arg9[%dma_wait3A_2276] : memref<5x!tpu.dma_semaphore, #tpu.memory_space<semaphore_mem>> -> memref<1x!tpu.dma_semaphore, #tpu.memory_space<semaphore_mem>>
      %dma_wait3A_2283 = tpu.memref_squeeze %dma_wait3A_2282 : memref<1x!tpu.dma_semaphore, #tpu.memory_space<semaphore_mem>> -> memref<!tpu.dma_semaphore, #tpu.memory_space<semaphore_mem>>
      %dma_wait3A_2284 = arith.constant 0 : i32
      %dma_wait3A_2285 = tpu.memref_slice %arg5[%dma_wait3A_2275, %dma_wait3A_2284] : memref<5x128xf32, #tpu.memory_space<vmem>> -> memref<1x128xf32, #tpu.memory_space<vmem>>
      %dma_wait3A_2286 = tpu.memref_squeeze %dma_wait3A_2285 : memref<1x128xf32, #tpu.memory_space<vmem>> -> memref<128xf32, #tpu.memory_space<vmem>>
      %dma_wait3A_2287 = arith.constant 0 : i32
      %dma_wait3A_2288 = tpu.memref_slice %arg2[%dma_wait3A_2287] : memref<819200xf32, #tpu.memory_space<hbm>> -> memref<128xf32, #tpu.memory_space<hbm>>
      tpu.wait_dma2 semaphore(%dma_wait3A_2283 : memref<!tpu.dma_semaphore, #tpu.memory_space<semaphore_mem>>) src(%dma_wait3A_2288 : memref<128xf32, #tpu.memory_space<hbm>>) dst(%dma_wait3A_2286 : memref<128xf32, #tpu.memory_space<vmem>>)
      %get3A_2289 = arith.constant 1 : i32
      %get3A_2290 = arith.index_cast %get3A_2289 : i32 to index
      %get3A_2291 = arith.constant 0 : index
      %get3A_2292 = tpu.vector_load %arg5[%get3A_2290, %get3A_2291] {strides = array<i32>} : memref<5x128xf32, #tpu.memory_space<vmem>>, vector<1x16xf32>,
      %get3A_2293 = vector.shape_cast %get3A_2292 : vector<1x16xf32> to vector<16xf32>
      %max3A_2294 = arith.constant 0.00999999977 : f32
      %max3A_2295 = vector.broadcast %max3A_2294 : f32 to vector<16xf32>
      %max3A_2296 = arith.maximumf %get3A_2293, %max3A_2295 : vector<16xf32>
      %mul3A_2297 = arith.constant 1.000000e+02 : f32
      %mul3A_2298 = vector.broadcast %mul3A_2297 : f32 to vector<16xf32>
      %mul3A_2299 = arith.mulf %max3A_2296, %mul3A_2298 : vector<16xf32>
      %add3A_2300 = arith.constant 5.000000e-01 : f32
      %add3A_2301 = vector.broadcast %add3A_2300 : f32 to vector<16xf32>
      %add3A_2302 = arith.addf %mul3A_2299, %add3A_2301 : vector<16xf32>
      %convert_element_type3A_2303 = arith.fptosi %add3A_2302 : vector<16xf32> to vector<16xi32>
      %convert_element_type3A_2304 = arith.sitofp %convert_element_type3A_2303 : vector<16xi32> to vector<16xf32>
      %eq3A_2305 = arith.cmpf oeq, %convert_element_type3A_2304, %add3A_2302 : vector<16xf32>
      %and3A_2306 = arith.constant 1 : i32
      %and3A_2307 = vector.broadcast %and3A_2306 : i32 to vector<16xi32>
      %and3A_2308 = arith.andi %convert_element_type3A_2303, %and3A_2307 : vector<16xi32>
      %jit3A_2309 = arith.constant 0 : i32
      %broadcast_in_dim3A_2310 = vector.broadcast %jit3A_2309 : i32 to vector<16xi32>
      %select_n3A_2311 = arith.select %eq3A_2305, %and3A_2308, %broadcast_in_dim3A_2310 : vector<16xi1>, vector<16xi32>
      %sub3A_2312 = arith.subi %convert_element_type3A_2303, %select_n3A_2311 : vector<16xi32>
      %sub3A_2313 = arith.constant 1 : i32
      %sub3A_2314 = vector.broadcast %sub3A_2313 : i32 to vector<16xi32>
      %sub3A_2315 = arith.subi %sub3A_2312, %sub3A_2314 : vector<16xi32>
      %swap3A_2316 = arith.constant 1 : i32
      %swap3A_2317 = arith.index_cast %swap3A_2316 : i32 to index
      %swap3A_2318 = arith.constant 0 : index
      %swap3A_2319 = tpu.vector_load %arg6[%swap3A_2317, %swap3A_2318] {strides = array<i32>} : memref<5x128xi32, #tpu.memory_space<vmem>>, vector<1x16xi32>,
      %swap3A_2320 = vector.shape_cast %swap3A_2319 : vector<1x16xi32> to vector<16xi32>
      %swap3A_2321 = vector.shape_cast %sub3A_2315 : vector<16xi32> to vector<1x16xi32>
      tpu.vector_store %arg6[%swap3A_2317, %swap3A_2318], %swap3A_2321 {strides = array<i32>} : memref<5x128xi32, #tpu.memory_space<vmem>>, vector<1x16xi32>,
      %get3A_2322 = arith.constant 1 : i32
      %get3A_2323 = arith.index_cast %get3A_2322 : i32 to index
      %get3A_2324 = arith.constant 16 : index
      %get3A_2325 = tpu.vector_load %arg5[%get3A_2323, %get3A_2324] {strides = array<i32>} : memref<5x128xf32, #tpu.memory_space<vmem>>, vector<1x16xf32>,
      %get3A_2326 = vector.shape_cast %get3A_2325 : vector<1x16xf32> to vector<16xf32>
      %max3A_2327 = arith.constant 0.00999999977 : f32
      %max3A_2328 = vector.broadcast %max3A_2327 : f32 to vector<16xf32>
      %max3A_2329 = arith.maximumf %get3A_2326, %max3A_2328 : vector<16xf32>
      %mul3A_2330 = arith.constant 1.000000e+02 : f32
      %mul3A_2331 = vector.broadcast %mul3A_2330 : f32 to vector<16xf32>
      %mul3A_2332 = arith.mulf %max3A_2329, %mul3A_2331 : vector<16xf32>
      %add3A_2333 = arith.constant 5.000000e-01 : f32
      %add3A_2334 = vector.broadcast %add3A_2333 : f32 to vector<16xf32>
      %add3A_2335 = arith.addf %mul3A_2332, %add3A_2334 : vector<16xf32>
      %convert_element_type3A_2336 = arith.fptosi %add3A_2335 : vector<16xf32> to vector<16xi32>
      %convert_element_type3A_2337 = arith.sitofp %convert_element_type3A_2336 : vector<16xi32> to vector<16xf32>
      %eq3A_2338 = arith.cmpf oeq, %convert_element_type3A_2337, %add3A_2335 : vector<16xf32>
      %and3A_2339 = arith.constant 1 : i32
      %and3A_2340 = vector.broadcast %and3A_2339 : i32 to vector<16xi32>
      %and3A_2341 = arith.andi %convert_element_type3A_2336, %and3A_2340 : vector<16xi32>
      %jit3A_2342 = arith.constant 0 : i32
      %broadcast_in_dim3A_2343 = vector.broadcast %jit3A_2342 : i32 to vector<16xi32>
      %select_n3A_2344 = arith.select %eq3A_2338, %and3A_2341, %broadcast_in_dim3A_2343 : vector<16xi1>, vector<16xi32>
      %sub3A_2345 = arith.subi %convert_element_type3A_2336, %select_n3A_2344 : vector<16xi32>
      %sub3A_2346 = arith.constant 1 : i32
      %sub3A_2347 = vector.broadcast %sub3A_2346 : i32 to vector<16xi32>
      %sub3A_2348 = arith.subi %sub3A_2345, %sub3A_2347 : vector<16xi32>
      %swap3A_2349 = arith.constant 1 : i32
      %swap3A_2350 = arith.index_cast %swap3A_2349 : i32 to index
      %swap3A_2351 = arith.constant 16 : index
      %swap3A_2352 = tpu.vector_load %arg6[%swap3A_2350, %swap3A_2351] {strides = array<i32>} : memref<5x128xi32, #tpu.memory_space<vmem>>, vector<1x16xi32>,
      %swap3A_2353 = vector.shape_cast %swap3A_2352 : vector<1x16xi32> to vector<16xi32>
      %swap3A_2354 = vector.shape_cast %sub3A_2348 : vector<16xi32> to vector<1x16xi32>
      tpu.vector_store %arg6[%swap3A_2350, %swap3A_2351], %swap3A_2354 {strides = array<i32>} : memref<5x128xi32, #tpu.memory_space<vmem>>, vector<1x16xi32>,
      %get3A_2355 = arith.constant 1 : i32
      %get3A_2356 = arith.index_cast %get3A_2355 : i32 to index
      %get3A_2357 = arith.constant 32 : index
      %get3A_2358 = tpu.vector_load %arg5[%get3A_2356, %get3A_2357] {strides = array<i32>} : memref<5x128xf32, #tpu.memory_space<vmem>>, vector<1x16xf32>,
      %get3A_2359 = vector.shape_cast %get3A_2358 : vector<1x16xf32> to vector<16xf32>
      %max3A_2360 = arith.constant 0.00999999977 : f32
      %max3A_2361 = vector.broadcast %max3A_2360 : f32 to vector<16xf32>
      %max3A_2362 = arith.maximumf %get3A_2359, %max3A_2361 : vector<16xf32>
      %mul3A_2363 = arith.constant 1.000000e+02 : f32
      %mul3A_2364 = vector.broadcast %mul3A_2363 : f32 to vector<16xf32>
      %mul3A_2365 = arith.mulf %max3A_2362, %mul3A_2364 : vector<16xf32>
      %add3A_2366 = arith.constant 5.000000e-01 : f32
      %add3A_2367 = vector.broadcast %add3A_2366 : f32 to vector<16xf32>
      %add3A_2368 = arith.addf %mul3A_2365, %add3A_2367 : vector<16xf32>
      %convert_element_type3A_2369 = arith.fptosi %add3A_2368 : vector<16xf32> to vector<16xi32>
      %convert_element_type3A_2370 = arith.sitofp %convert_element_type3A_2369 : vector<16xi32> to vector<16xf32>
      %eq3A_2371 = arith.cmpf oeq, %convert_element_type3A_2370, %add3A_2368 : vector<16xf32>
      %and3A_2372 = arith.constant 1 : i32
      %and3A_2373 = vector.broadcast %and3A_2372 : i32 to vector<16xi32>
      %and3A_2374 = arith.andi %convert_element_type3A_2369, %and3A_2373 : vector<16xi32>
      %jit3A_2375 = arith.constant 0 : i32
      %broadcast_in_dim3A_2376 = vector.broadcast %jit3A_2375 : i32 to vector<16xi32>
      %select_n3A_2377 = arith.select %eq3A_2371, %and3A_2374, %broadcast_in_dim3A_2376 : vector<16xi1>, vector<16xi32>
      %sub3A_2378 = arith.subi %convert_element_type3A_2369, %select_n3A_2377 : vector<16xi32>
      %sub3A_2379 = arith.constant 1 : i32
      %sub3A_2380 = vector.broadcast %sub3A_2379 : i32 to vector<16xi32>
      %sub3A_2381 = arith.subi %sub3A_2378, %sub3A_2380 : vector<16xi32>
      %swap3A_2382 = arith.constant 1 : i32
      %swap3A_2383 = arith.index_cast %swap3A_2382 : i32 to index
      %swap3A_2384 = arith.constant 32 : index
      %swap3A_2385 = tpu.vector_load %arg6[%swap3A_2383, %swap3A_2384] {strides = array<i32>} : memref<5x128xi32, #tpu.memory_space<vmem>>, vector<1x16xi32>,
      %swap3A_2386 = vector.shape_cast %swap3A_2385 : vector<1x16xi32> to vector<16xi32>
      %swap3A_2387 = vector.shape_cast %sub3A_2381 : vector<16xi32> to vector<1x16xi32>
      tpu.vector_store %arg6[%swap3A_2383, %swap3A_2384], %swap3A_2387 {strides = array<i32>} : memref<5x128xi32, #tpu.memory_space<vmem>>, vector<1x16xi32>,
      %get3A_2388 = arith.constant 1 : i32
      %get3A_2389 = arith.index_cast %get3A_2388 : i32 to index
      %get3A_2390 = arith.constant 48 : index
      %get3A_2391 = tpu.vector_load %arg5[%get3A_2389, %get3A_2390] {strides = array<i32>} : memref<5x128xf32, #tpu.memory_space<vmem>>, vector<1x16xf32>,
      %get3A_2392 = vector.shape_cast %get3A_2391 : vector<1x16xf32> to vector<16xf32>
      %max3A_2393 = arith.constant 0.00999999977 : f32
      %max3A_2394 = vector.broadcast %max3A_2393 : f32 to vector<16xf32>
      %max3A_2395 = arith.maximumf %get3A_2392, %max3A_2394 : vector<16xf32>
      %mul3A_2396 = arith.constant 1.000000e+02 : f32
      %mul3A_2397 = vector.broadcast %mul3A_2396 : f32 to vector<16xf32>
      %mul3A_2398 = arith.mulf %max3A_2395, %mul3A_2397 : vector<16xf32>
      %add3A_2399 = arith.constant 5.000000e-01 : f32
      %add3A_2400 = vector.broadcast %add3A_2399 : f32 to vector<16xf32>
      %add3A_2401 = arith.addf %mul3A_2398, %add3A_2400 : vector<16xf32>
      %convert_element_type3A_2402 = arith.fptosi %add3A_2401 : vector<16xf32> to vector<16xi32>
      %convert_element_type3A_2403 = arith.sitofp %convert_element_type3A_2402 : vector<16xi32> to vector<16xf32>
      %eq3A_2404 = arith.cmpf oeq, %convert_element_type3A_2403, %add3A_2401 : vector<16xf32>
      %and3A_2405 = arith.constant 1 : i32
      %and3A_2406 = vector.broadcast %and3A_2405 : i32 to vector<16xi32>
      %and3A_2407 = arith.andi %convert_element_type3A_2402, %and3A_2406 : vector<16xi32>
      %jit3A_2408 = arith.constant 0 : i32
      %broadcast_in_dim3A_2409 = vector.broadcast %jit3A_2408 : i32 to vector<16xi32>
      %select_n3A_2410 = arith.select %eq3A_2404, %and3A_2407, %broadcast_in_dim3A_2409 : vector<16xi1>, vector<16xi32>
      %sub3A_2411 = arith.subi %convert_element_type3A_2402, %select_n3A_2410 : vector<16xi32>
      %sub3A_2412 = arith.constant 1 : i32
      %sub3A_2413 = vector.broadcast %sub3A_2412 : i32 to vector<16xi32>
      %sub3A_2414 = arith.subi %sub3A_2411, %sub3A_2413 : vector<16xi32>
      %swap3A_2415 = arith.constant 1 : i32
      %swap3A_2416 = arith.index_cast %swap3A_2415 : i32 to index
      %swap3A_2417 = arith.constant 48 : index
      %swap3A_2418 = tpu.vector_load %arg6[%swap3A_2416, %swap3A_2417] {strides = array<i32>} : memref<5x128xi32, #tpu.memory_space<vmem>>, vector<1x16xi32>,
      %swap3A_2419 = vector.shape_cast %swap3A_2418 : vector<1x16xi32> to vector<16xi32>
      %swap3A_2420 = vector.shape_cast %sub3A_2414 : vector<16xi32> to vector<1x16xi32>
      tpu.vector_store %arg6[%swap3A_2416, %swap3A_2417], %swap3A_2420 {strides = array<i32>} : memref<5x128xi32, #tpu.memory_space<vmem>>, vector<1x16xi32>,
      %get3A_2421 = arith.constant 1 : i32
      %get3A_2422 = arith.index_cast %get3A_2421 : i32 to index
      %get3A_2423 = arith.constant 64 : index
      %get3A_2424 = tpu.vector_load %arg5[%get3A_2422, %get3A_2423] {strides = array<i32>} : memref<5x128xf32, #tpu.memory_space<vmem>>, vector<1x16xf32>,
      %get3A_2425 = vector.shape_cast %get3A_2424 : vector<1x16xf32> to vector<16xf32>
      %max3A_2426 = arith.constant 0.00999999977 : f32
      %max3A_2427 = vector.broadcast %max3A_2426 : f32 to vector<16xf32>
      %max3A_2428 = arith.maximumf %get3A_2425, %max3A_2427 : vector<16xf32>
      %mul3A_2429 = arith.constant 1.000000e+02 : f32
      %mul3A_2430 = vector.broadcast %mul3A_2429 : f32 to vector<16xf32>
      %mul3A_2431 = arith.mulf %max3A_2428, %mul3A_2430 : vector<16xf32>
      %add3A_2432 = arith.constant 5.000000e-01 : f32
      %add3A_2433 = vector.broadcast %add3A_2432 : f32 to vector<16xf32>
      %add3A_2434 = arith.addf %mul3A_2431, %add3A_2433 : vector<16xf32>
      %convert_element_type3A_2435 = arith.fptosi %add3A_2434 : vector<16xf32> to vector<16xi32>
      %convert_element_type3A_2436 = arith.sitofp %convert_element_type3A_2435 : vector<16xi32> to vector<16xf32>
      %eq3A_2437 = arith.cmpf oeq, %convert_element_type3A_2436, %add3A_2434 : vector<16xf32>
      %and3A_2438 = arith.constant 1 : i32
      %and3A_2439 = vector.broadcast %and3A_2438 : i32 to vector<16xi32>
      %and3A_2440 = arith.andi %convert_element_type3A_2435, %and3A_2439 : vector<16xi32>
      %jit3A_2441 = arith.constant 0 : i32
      %broadcast_in_dim3A_2442 = vector.broadcast %jit3A_2441 : i32 to vector<16xi32>
      %select_n3A_2443 = arith.select %eq3A_2437, %and3A_2440, %broadcast_in_dim3A_2442 : vector<16xi1>, vector<16xi32>
      %sub3A_2444 = arith.subi %convert_element_type3A_2435, %select_n3A_2443 : vector<16xi32>
      %sub3A_2445 = arith.constant 1 : i32
      %sub3A_2446 = vector.broadcast %sub3A_2445 : i32 to vector<16xi32>
      %sub3A_2447 = arith.subi %sub3A_2444, %sub3A_2446 : vector<16xi32>
      %swap3A_2448 = arith.constant 1 : i32
      %swap3A_2449 = arith.index_cast %swap3A_2448 : i32 to index
      %swap3A_2450 = arith.constant 64 : index
      %swap3A_2451 = tpu.vector_load %arg6[%swap3A_2449, %swap3A_2450] {strides = array<i32>} : memref<5x128xi32, #tpu.memory_space<vmem>>, vector<1x16xi32>,
      %swap3A_2452 = vector.shape_cast %swap3A_2451 : vector<1x16xi32> to vector<16xi32>
      %swap3A_2453 = vector.shape_cast %sub3A_2447 : vector<16xi32> to vector<1x16xi32>
      tpu.vector_store %arg6[%swap3A_2449, %swap3A_2450], %swap3A_2453 {strides = array<i32>} : memref<5x128xi32, #tpu.memory_space<vmem>>, vector<1x16xi32>,
      %get3A_2454 = arith.constant 1 : i32
      %get3A_2455 = arith.index_cast %get3A_2454 : i32 to index
      %get3A_2456 = arith.constant 80 : index
      %get3A_2457 = tpu.vector_load %arg5[%get3A_2455, %get3A_2456] {strides = array<i32>} : memref<5x128xf32, #tpu.memory_space<vmem>>, vector<1x16xf32>,
      %get3A_2458 = vector.shape_cast %get3A_2457 : vector<1x16xf32> to vector<16xf32>
      %max3A_2459 = arith.constant 0.00999999977 : f32
      %max3A_2460 = vector.broadcast %max3A_2459 : f32 to vector<16xf32>
      %max3A_2461 = arith.maximumf %get3A_2458, %max3A_2460 : vector<16xf32>
      %mul3A_2462 = arith.constant 1.000000e+02 : f32
      %mul3A_2463 = vector.broadcast %mul3A_2462 : f32 to vector<16xf32>
      %mul3A_2464 = arith.mulf %max3A_2461, %mul3A_2463 : vector<16xf32>
      %add3A_2465 = arith.constant 5.000000e-01 : f32
      %add3A_2466 = vector.broadcast %add3A_2465 : f32 to vector<16xf32>
      %add3A_2467 = arith.addf %mul3A_2464, %add3A_2466 : vector<16xf32>
      %convert_element_type3A_2468 = arith.fptosi %add3A_2467 : vector<16xf32> to vector<16xi32>
      %convert_element_type3A_2469 = arith.sitofp %convert_element_type3A_2468 : vector<16xi32> to vector<16xf32>
      %eq3A_2470 = arith.cmpf oeq, %convert_element_type3A_2469, %add3A_2467 : vector<16xf32>
      %and3A_2471 = arith.constant 1 : i32
      %and3A_2472 = vector.broadcast %and3A_2471 : i32 to vector<16xi32>
      %and3A_2473 = arith.andi %convert_element_type3A_2468, %and3A_2472 : vector<16xi32>
      %jit3A_2474 = arith.constant 0 : i32
      %broadcast_in_dim3A_2475 = vector.broadcast %jit3A_2474 : i32 to vector<16xi32>
      %select_n3A_2476 = arith.select %eq3A_2470, %and3A_2473, %broadcast_in_dim3A_2475 : vector<16xi1>, vector<16xi32>
      %sub3A_2477 = arith.subi %convert_element_type3A_2468, %select_n3A_2476 : vector<16xi32>
      %sub3A_2478 = arith.constant 1 : i32
      %sub3A_2479 = vector.broadcast %sub3A_2478 : i32 to vector<16xi32>
      %sub3A_2480 = arith.subi %sub3A_2477, %sub3A_2479 : vector<16xi32>
      %swap3A_2481 = arith.constant 1 : i32
      %swap3A_2482 = arith.index_cast %swap3A_2481 : i32 to index
      %swap3A_2483 = arith.constant 80 : index
      %swap3A_2484 = tpu.vector_load %arg6[%swap3A_2482, %swap3A_2483] {strides = array<i32>} : memref<5x128xi32, #tpu.memory_space<vmem>>, vector<1x16xi32>,
      %swap3A_2485 = vector.shape_cast %swap3A_2484 : vector<1x16xi32> to vector<16xi32>
      %swap3A_2486 = vector.shape_cast %sub3A_2480 : vector<16xi32> to vector<1x16xi32>
      tpu.vector_store %arg6[%swap3A_2482, %swap3A_2483], %swap3A_2486 {strides = array<i32>} : memref<5x128xi32, #tpu.memory_space<vmem>>, vector<1x16xi32>,
      %get3A_2487 = arith.constant 1 : i32
      %get3A_2488 = arith.index_cast %get3A_2487 : i32 to index
      %get3A_2489 = arith.constant 96 : index
      %get3A_2490 = tpu.vector_load %arg5[%get3A_2488, %get3A_2489] {strides = array<i32>} : memref<5x128xf32, #tpu.memory_space<vmem>>, vector<1x16xf32>,
      %get3A_2491 = vector.shape_cast %get3A_2490 : vector<1x16xf32> to vector<16xf32>
      %max3A_2492 = arith.constant 0.00999999977 : f32
      %max3A_2493 = vector.broadcast %max3A_2492 : f32 to vector<16xf32>
      %max3A_2494 = arith.maximumf %get3A_2491, %max3A_2493 : vector<16xf32>
      %mul3A_2495 = arith.constant 1.000000e+02 : f32
      %mul3A_2496 = vector.broadcast %mul3A_2495 : f32 to vector<16xf32>
      %mul3A_2497 = arith.mulf %max3A_2494, %mul3A_2496 : vector<16xf32>
      %add3A_2498 = arith.constant 5.000000e-01 : f32
      %add3A_2499 = vector.broadcast %add3A_2498 : f32 to vector<16xf32>
      %add3A_2500 = arith.addf %mul3A_2497, %add3A_2499 : vector<16xf32>
      %convert_element_type3A_2501 = arith.fptosi %add3A_2500 : vector<16xf32> to vector<16xi32>
      %convert_element_type3A_2502 = arith.sitofp %convert_element_type3A_2501 : vector<16xi32> to vector<16xf32>
      %eq3A_2503 = arith.cmpf oeq, %convert_element_type3A_2502, %add3A_2500 : vector<16xf32>
      %and3A_2504 = arith.constant 1 : i32
      %and3A_2505 = vector.broadcast %and3A_2504 : i32 to vector<16xi32>
      %and3A_2506 = arith.andi %convert_element_type3A_2501, %and3A_2505 : vector<16xi32>
      %jit3A_2507 = arith.constant 0 : i32
      %broadcast_in_dim3A_2508 = vector.broadcast %jit3A_2507 : i32 to vector<16xi32>
      %select_n3A_2509 = arith.select %eq3A_2503, %and3A_2506, %broadcast_in_dim3A_2508 : vector<16xi1>, vector<16xi32>
      %sub3A_2510 = arith.subi %convert_element_type3A_2501, %select_n3A_2509 : vector<16xi32>
      %sub3A_2511 = arith.constant 1 : i32
      %sub3A_2512 = vector.broadcast %sub3A_2511 : i32 to vector<16xi32>
      %sub3A_2513 = arith.subi %sub3A_2510, %sub3A_2512 : vector<16xi32>
      %swap3A_2514 = arith.constant 1 : i32
      %swap3A_2515 = arith.index_cast %swap3A_2514 : i32 to index
      %swap3A_2516 = arith.constant 96 : index
      %swap3A_2517 = tpu.vector_load %arg6[%swap3A_2515, %swap3A_2516] {strides = array<i32>} : memref<5x128xi32, #tpu.memory_space<vmem>>, vector<1x16xi32>,
      %swap3A_2518 = vector.shape_cast %swap3A_2517 : vector<1x16xi32> to vector<16xi32>
      %swap3A_2519 = vector.shape_cast %sub3A_2513 : vector<16xi32> to vector<1x16xi32>
      tpu.vector_store %arg6[%swap3A_2515, %swap3A_2516], %swap3A_2519 {strides = array<i32>} : memref<5x128xi32, #tpu.memory_space<vmem>>, vector<1x16xi32>,
      %get3A_2520 = arith.constant 1 : i32
      %get3A_2521 = arith.index_cast %get3A_2520 : i32 to index
      %get3A_2522 = arith.constant 112 : index
      %get3A_2523 = tpu.vector_load %arg5[%get3A_2521, %get3A_2522] {strides = array<i32>} : memref<5x128xf32, #tpu.memory_space<vmem>>, vector<1x16xf32>,
      %get3A_2524 = vector.shape_cast %get3A_2523 : vector<1x16xf32> to vector<16xf32>
      %max3A_2525 = arith.constant 0.00999999977 : f32
      %max3A_2526 = vector.broadcast %max3A_2525 : f32 to vector<16xf32>
      %max3A_2527 = arith.maximumf %get3A_2524, %max3A_2526 : vector<16xf32>
      %mul3A_2528 = arith.constant 1.000000e+02 : f32
      %mul3A_2529 = vector.broadcast %mul3A_2528 : f32 to vector<16xf32>
      %mul3A_2530 = arith.mulf %max3A_2527, %mul3A_2529 : vector<16xf32>
      %add3A_2531 = arith.constant 5.000000e-01 : f32
      %add3A_2532 = vector.broadcast %add3A_2531 : f32 to vector<16xf32>
      %add3A_2533 = arith.addf %mul3A_2530, %add3A_2532 : vector<16xf32>
      %convert_element_type3A_2534 = arith.fptosi %add3A_2533 : vector<16xf32> to vector<16xi32>
      %convert_element_type3A_2535 = arith.sitofp %convert_element_type3A_2534 : vector<16xi32> to vector<16xf32>
      %eq3A_2536 = arith.cmpf oeq, %convert_element_type3A_2535, %add3A_2533 : vector<16xf32>
      %and3A_2537 = arith.constant 1 : i32
      %and3A_2538 = vector.broadcast %and3A_2537 : i32 to vector<16xi32>
      %and3A_2539 = arith.andi %convert_element_type3A_2534, %and3A_2538 : vector<16xi32>
      %jit3A_2540 = arith.constant 0 : i32
      %broadcast_in_dim3A_2541 = vector.broadcast %jit3A_2540 : i32 to vector<16xi32>
      %select_n3A_2542 = arith.select %eq3A_2536, %and3A_2539, %broadcast_in_dim3A_2541 : vector<16xi1>, vector<16xi32>
      %sub3A_2543 = arith.subi %convert_element_type3A_2534, %select_n3A_2542 : vector<16xi32>
      %sub3A_2544 = arith.constant 1 : i32
      %sub3A_2545 = vector.broadcast %sub3A_2544 : i32 to vector<16xi32>
      %sub3A_2546 = arith.subi %sub3A_2543, %sub3A_2545 : vector<16xi32>
      %swap3A_2547 = arith.constant 1 : i32
      %swap3A_2548 = arith.index_cast %swap3A_2547 : i32 to index
      %swap3A_2549 = arith.constant 112 : index
      %swap3A_2550 = tpu.vector_load %arg6[%swap3A_2548, %swap3A_2549] {strides = array<i32>} : memref<5x128xi32, #tpu.memory_space<vmem>>, vector<1x16xi32>,
      %swap3A_2551 = vector.shape_cast %swap3A_2550 : vector<1x16xi32> to vector<16xi32>
      %swap3A_2552 = vector.shape_cast %sub3A_2546 : vector<16xi32> to vector<1x16xi32>
      tpu.vector_store %arg6[%swap3A_2548, %swap3A_2549], %swap3A_2552 {strides = array<i32>} : memref<5x128xi32, #tpu.memory_space<vmem>>, vector<1x16xi32>,
      %dma_start3A_2553 = arith.constant 1 : i32
      %dma_start3A_2554 = arith.constant 1 : i32
      %dma_start3A_2555 = arith.constant 1 : i32
      %dma_start3A_2556 = arith.constant 0 : i32
      %dma_start3A_2557 = arith.constant 0 : i32
      %dma_start3A_2558 = tpu.memref_slice %arg7[%dma_start3A_2554, %dma_start3A_2556, %dma_start3A_2557] : memref<5x128x128xf32, #tpu.memory_space<vmem>> -> memref<1x128x128xf32, #tpu.memory_space<vmem>>
      %dma_start3A_2559 = tpu.memref_squeeze %dma_start3A_2558 : memref<1x128x128xf32, #tpu.memory_space<vmem>> -> memref<128x128xf32, #tpu.memory_space<vmem>>
      %dma_start3A_2560 = arith.constant 0 : i32
      %dma_start3A_2561 = tpu.memref_slice %arg6[%dma_start3A_2553, %dma_start3A_2560] : memref<5x128xi32, #tpu.memory_space<vmem>> -> memref<1x128xi32, #tpu.memory_space<vmem>>
      %dma_start3A_2562 = tpu.memref_squeeze %dma_start3A_2561 : memref<1x128xi32, #tpu.memory_space<vmem>> -> memref<128xi32, #tpu.memory_space<vmem>>
      %dma_start3A_2563 = arith.constant 0 : i32
      %dma_start3A_2564 = arith.constant 0 : i32
      %dma_start3A_2565 = tpu.memref_slice %arg8[%dma_start3A_2563, %dma_start3A_2564] : memref<100x128xf32, #tpu.memory_space<vmem_shared>> -> memref<100x128xf32, #tpu.memory_space<vmem_shared>>
      %dma_start3A_2566 = tpu.memref_slice %arg10[%dma_start3A_2555] : memref<5x!tpu.dma_semaphore, #tpu.memory_space<semaphore_mem>> -> memref<1x!tpu.dma_semaphore, #tpu.memory_space<semaphore_mem>>
      %dma_start3A_2567 = tpu.memref_squeeze %dma_start3A_2566 : memref<1x!tpu.dma_semaphore, #tpu.memory_space<semaphore_mem>> -> memref<!tpu.dma_semaphore, #tpu.memory_space<semaphore_mem>>
      tpu.enqueue_indirect_dma source(%dma_start3A_2565 : memref<100x128xf32, #tpu.memory_space<vmem_shared>>) target(%dma_start3A_2559 : memref<128x128xf32, #tpu.memory_space<vmem>>) offsets(%dma_start3A_2562 : memref<128xi32, #tpu.memory_space<vmem>>) semaphore(%dma_start3A_2567 : memref<!tpu.dma_semaphore, #tpu.memory_space<semaphore_mem>>)
      %add3A_2568 = arith.constant 2 : i32
      %add3A_2569 = arith.addi %mul3A_1831, %add3A_2568 : i32
      %dma_wait3A_2570 = arith.constant 4 : i32
      %dma_wait3A_2571 = arith.constant 4 : i32
      %dma_wait3A_2572 = arith.constant 4 : i32
      %dma_wait3A_2573 = arith.constant 0 : i32
      %dma_wait3A_2574 = arith.constant 0 : i32
      %dma_wait3A_2575 = tpu.memref_slice %arg7[%dma_wait3A_2571, %dma_wait3A_2573, %dma_wait3A_2574] : memref<5x128x128xf32, #tpu.memory_space<vmem>> -> memref<1x128x128xf32, #tpu.memory_space<vmem>>
      %dma_wait3A_2576 = tpu.memref_squeeze %dma_wait3A_2575 : memref<1x128x128xf32, #tpu.memory_space<vmem>> -> memref<128x128xf32, #tpu.memory_space<vmem>>
      %dma_wait3A_2577 = arith.constant 0 : i32
      %dma_wait3A_2578 = tpu.memref_slice %arg6[%dma_wait3A_2570, %dma_wait3A_2577] : memref<5x128xi32, #tpu.memory_space<vmem>> -> memref<1x128xi32, #tpu.memory_space<vmem>>
      %dma_wait3A_2579 = tpu.memref_squeeze %dma_wait3A_2578 : memref<1x128xi32, #tpu.memory_space<vmem>> -> memref<128xi32, #tpu.memory_space<vmem>>
      %dma_wait3A_2580 = arith.constant 0 : i32
      %dma_wait3A_2581 = arith.constant 0 : i32
      %dma_wait3A_2582 = tpu.memref_slice %arg8[%dma_wait3A_2580, %dma_wait3A_2581] : memref<100x128xf32, #tpu.memory_space<vmem_shared>> -> memref<100x128xf32, #tpu.memory_space<vmem_shared>>
      %dma_wait3A_2583 = tpu.memref_slice %arg10[%dma_wait3A_2572] : memref<5x!tpu.dma_semaphore, #tpu.memory_space<semaphore_mem>> -> memref<1x!tpu.dma_semaphore, #tpu.memory_space<semaphore_mem>>
      %dma_wait3A_2584 = tpu.memref_squeeze %dma_wait3A_2583 : memref<1x!tpu.dma_semaphore, #tpu.memory_space<semaphore_mem>> -> memref<!tpu.dma_semaphore, #tpu.memory_space<semaphore_mem>>
      tpu.wait_indirect_dma semaphore(%dma_wait3A_2584 : memref<!tpu.dma_semaphore, #tpu.memory_space<semaphore_mem>>) src(%dma_wait3A_2582 : memref<100x128xf32, #tpu.memory_space<vmem_shared>>) dst(%dma_wait3A_2576 : memref<128x128xf32, #tpu.memory_space<vmem>>)
      %sub3A_2585 = arith.constant 3 : i32
      %sub3A_2586 = arith.subi %add3A_2569, %sub3A_2585 : i32
      %mul3A_2587 = arith.constant 128 : i32
      %mul3A_2588 = arith.muli %sub3A_2586, %mul3A_2587 : i32
      %add3A_2589 = arith.addi %mul3A_2, %mul3A_2588 : i32
      %dma_start3A_2590 = arith.constant 4 : i32
      %dma_start3A_2591 = arith.constant 4 : i32
      %dma_start3A_2592 = arith.constant 0 : i32
      %dma_start3A_2593 = arith.constant 0 : i32
      %dma_start3A_2594 = tpu.memref_slice %arg7[%dma_start3A_2590, %dma_start3A_2592, %dma_start3A_2593] : memref<5x128x128xf32, #tpu.memory_space<vmem>> -> memref<1x128x128xf32, #tpu.memory_space<vmem>>
      %dma_start3A_2595 = tpu.memref_squeeze %dma_start3A_2594 : memref<1x128x128xf32, #tpu.memory_space<vmem>> -> memref<128x128xf32, #tpu.memory_space<vmem>>
      %dma_start3A_2596 = arith.constant 0 : i32
      %dma_start3A_2597 = tpu.memref_slice %arg4[%add3A_2589, %dma_start3A_2596] : memref<819200x128xf32, #tpu.memory_space<hbm>> -> memref<128x128xf32, #tpu.memory_space<hbm>>
      %dma_start3A_2598 = tpu.memref_slice %arg11[%dma_start3A_2591] : memref<5x!tpu.dma_semaphore, #tpu.memory_space<semaphore_mem>> -> memref<1x!tpu.dma_semaphore, #tpu.memory_space<semaphore_mem>>
      %dma_start3A_2599 = tpu.memref_squeeze %dma_start3A_2598 : memref<1x!tpu.dma_semaphore, #tpu.memory_space<semaphore_mem>> -> memref<!tpu.dma_semaphore, #tpu.memory_space<semaphore_mem>>
      %dma_start3A_2600 = arith.constant 0 : i32
      %dma_start3A_2601 = tpu.memref_slice %arg4[%add3A_2589, %dma_start3A_2600] : memref<819200x128xf32, #tpu.memory_space<hbm>> -> memref<128x128xf32, #tpu.memory_space<hbm>>
      %dma_start3A_2602 = arith.constant 0 : i32
      %dma_start3A_2603 = arith.constant 0 : i32
      %dma_start3A_2604 = tpu.memref_slice %arg7[%dma_start3A_2590, %dma_start3A_2602, %dma_start3A_2603] : memref<5x128x128xf32, #tpu.memory_space<vmem>> -> memref<1x128x128xf32, #tpu.memory_space<vmem>>
      %dma_start3A_2605 = tpu.memref_squeeze %dma_start3A_2604 : memref<1x128x128xf32, #tpu.memory_space<vmem>> -> memref<128x128xf32, #tpu.memory_space<vmem>>
      tpu.enqueue_dma source(%dma_start3A_2605 : memref<128x128xf32, #tpu.memory_space<vmem>>) target(%dma_start3A_2601 : memref<128x128xf32, #tpu.memory_space<hbm>>) target_semaphore(%dma_start3A_2599 : memref<!tpu.dma_semaphore, #tpu.memory_space<semaphore_mem>>)
      %dma_wait3A_2606 = arith.constant 2 : i32
      %dma_wait3A_2607 = arith.constant 2 : i32
      %dma_wait3A_2608 = arith.constant 0 : i32
      %dma_wait3A_2609 = arith.constant 0 : i32
      %dma_wait3A_2610 = tpu.memref_slice %arg7[%dma_wait3A_2606, %dma_wait3A_2608, %dma_wait3A_2609] : memref<5x128x128xf32, #tpu.memory_space<vmem>> -> memref<1x128x128xf32, #tpu.memory_space<vmem>>
      %dma_wait3A_2611 = tpu.memref_squeeze %dma_wait3A_2610 : memref<1x128x128xf32, #tpu.memory_space<vmem>> -> memref<128x128xf32, #tpu.memory_space<vmem>>
      %dma_wait3A_2612 = arith.constant 0 : i32
      %dma_wait3A_2613 = arith.constant 0 : i32
      %dma_wait3A_2614 = tpu.memref_slice %arg4[%dma_wait3A_2612, %dma_wait3A_2613] : memref<819200x128xf32, #tpu.memory_space<hbm>> -> memref<128x128xf32, #tpu.memory_space<hbm>>
      %dma_wait3A_2615 = tpu.memref_slice %arg11[%dma_wait3A_2607] : memref<5x!tpu.dma_semaphore, #tpu.memory_space<semaphore_mem>> -> memref<1x!tpu.dma_semaphore, #tpu.memory_space<semaphore_mem>>
      %dma_wait3A_2616 = tpu.memref_squeeze %dma_wait3A_2615 : memref<1x!tpu.dma_semaphore, #tpu.memory_space<semaphore_mem>> -> memref<!tpu.dma_semaphore, #tpu.memory_space<semaphore_mem>>
      %dma_wait3A_2617 = arith.constant 0 : i32
      %dma_wait3A_2618 = arith.constant 0 : i32
      %dma_wait3A_2619 = tpu.memref_slice %arg4[%dma_wait3A_2617, %dma_wait3A_2618] : memref<819200x128xf32, #tpu.memory_space<hbm>> -> memref<128x128xf32, #tpu.memory_space<hbm>>
      %dma_wait3A_2620 = arith.constant 0 : i32
      %dma_wait3A_2621 = arith.constant 0 : i32
      %dma_wait3A_2622 = tpu.memref_slice %arg7[%dma_wait3A_2606, %dma_wait3A_2620, %dma_wait3A_2621] : memref<5x128x128xf32, #tpu.memory_space<vmem>> -> memref<1x128x128xf32, #tpu.memory_space<vmem>>
      %dma_wait3A_2623 = tpu.memref_squeeze %dma_wait3A_2622 : memref<1x128x128xf32, #tpu.memory_space<vmem>> -> memref<128x128xf32, #tpu.memory_space<vmem>>
      tpu.wait_dma2 semaphore(%dma_wait3A_2616 : memref<!tpu.dma_semaphore, #tpu.memory_space<semaphore_mem>>) src(%dma_wait3A_2623 : memref<128x128xf32, #tpu.memory_space<vmem>>) dst(%dma_wait3A_2619 : memref<128x128xf32, #tpu.memory_space<hbm>>)
      %add3A_2624 = arith.constant 1 : i32
      %add3A_2625 = arith.addi %add3A_2569, %add3A_2624 : i32
      %mul3A_2626 = arith.constant 128 : i32
      %mul3A_2627 = arith.muli %add3A_2625, %mul3A_2626 : i32
      %add3A_2628 = arith.addi %mul3A_2, %mul3A_2627 : i32
      %min3A_2629 = arith.constant 819072 : i32
      %min3A_2630 = arith.minsi %add3A_2628, %min3A_2629 : i32
      %dma_start3A_2631 = arith.constant 3 : i32
      %dma_start3A_2632 = arith.constant 3 : i32
      %dma_start3A_2633 = arith.constant 0 : i32
      %dma_start3A_2634 = tpu.memref_slice %arg5[%dma_start3A_2631, %dma_start3A_2633] : memref<5x128xf32, #tpu.memory_space<vmem>> -> memref<1x128xf32, #tpu.memory_space<vmem>>
      %dma_start3A_2635 = tpu.memref_squeeze %dma_start3A_2634 : memref<1x128xf32, #tpu.memory_space<vmem>> -> memref<128xf32, #tpu.memory_space<vmem>>
      %dma_start3A_2636 = tpu.memref_slice %arg2[%min3A_2630] : memref<819200xf32, #tpu.memory_space<hbm>> -> memref<128xf32, #tpu.memory_space<hbm>>
      %dma_start3A_2637 = tpu.memref_slice %arg9[%dma_start3A_2632] : memref<5x!tpu.dma_semaphore, #tpu.memory_space<semaphore_mem>> -> memref<1x!tpu.dma_semaphore, #tpu.memory_space<semaphore_mem>>
      %dma_start3A_2638 = tpu.memref_squeeze %dma_start3A_2637 : memref<1x!tpu.dma_semaphore, #tpu.memory_space<semaphore_mem>> -> memref<!tpu.dma_semaphore, #tpu.memory_space<semaphore_mem>>
      %dma_start3A_2639 = arith.constant 0 : i32
      %dma_start3A_2640 = tpu.memref_slice %arg5[%dma_start3A_2631, %dma_start3A_2639] : memref<5x128xf32, #tpu.memory_space<vmem>> -> memref<1x128xf32, #tpu.memory_space<vmem>>
      %dma_start3A_2641 = tpu.memref_squeeze %dma_start3A_2640 : memref<1x128xf32, #tpu.memory_space<vmem>> -> memref<128xf32, #tpu.memory_space<vmem>>
      %dma_start3A_2642 = tpu.memref_slice %arg2[%min3A_2630] : memref<819200xf32, #tpu.memory_space<hbm>> -> memref<128xf32, #tpu.memory_space<hbm>>
      tpu.enqueue_dma source(%dma_start3A_2642 : memref<128xf32, #tpu.memory_space<hbm>>) target(%dma_start3A_2641 : memref<128xf32, #tpu.memory_space<vmem>>) target_semaphore(%dma_start3A_2638 : memref<!tpu.dma_semaphore, #tpu.memory_space<semaphore_mem>>)
      %dma_wait3A_2643 = arith.constant 2 : i32
      %dma_wait3A_2644 = arith.constant 2 : i32
      %dma_wait3A_2645 = arith.constant 0 : i32
      %dma_wait3A_2646 = tpu.memref_slice %arg5[%dma_wait3A_2643, %dma_wait3A_2645] : memref<5x128xf32, #tpu.memory_space<vmem>> -> memref<1x128xf32, #tpu.memory_space<vmem>>
      %dma_wait3A_2647 = tpu.memref_squeeze %dma_wait3A_2646 : memref<1x128xf32, #tpu.memory_space<vmem>> -> memref<128xf32, #tpu.memory_space<vmem>>
      %dma_wait3A_2648 = arith.constant 0 : i32
      %dma_wait3A_2649 = tpu.memref_slice %arg2[%dma_wait3A_2648] : memref<819200xf32, #tpu.memory_space<hbm>> -> memref<128xf32, #tpu.memory_space<hbm>>
      %dma_wait3A_2650 = tpu.memref_slice %arg9[%dma_wait3A_2644] : memref<5x!tpu.dma_semaphore, #tpu.memory_space<semaphore_mem>> -> memref<1x!tpu.dma_semaphore, #tpu.memory_space<semaphore_mem>>
      %dma_wait3A_2651 = tpu.memref_squeeze %dma_wait3A_2650 : memref<1x!tpu.dma_semaphore, #tpu.memory_space<semaphore_mem>> -> memref<!tpu.dma_semaphore, #tpu.memory_space<semaphore_mem>>
      %dma_wait3A_2652 = arith.constant 0 : i32
      %dma_wait3A_2653 = tpu.memref_slice %arg5[%dma_wait3A_2643, %dma_wait3A_2652] : memref<5x128xf32, #tpu.memory_space<vmem>> -> memref<1x128xf32, #tpu.memory_space<vmem>>
      %dma_wait3A_2654 = tpu.memref_squeeze %dma_wait3A_2653 : memref<1x128xf32, #tpu.memory_space<vmem>> -> memref<128xf32, #tpu.memory_space<vmem>>
      %dma_wait3A_2655 = arith.constant 0 : i32
      %dma_wait3A_2656 = tpu.memref_slice %arg2[%dma_wait3A_2655] : memref<819200xf32, #tpu.memory_space<hbm>> -> memref<128xf32, #tpu.memory_space<hbm>>
      tpu.wait_dma2 semaphore(%dma_wait3A_2651 : memref<!tpu.dma_semaphore, #tpu.memory_space<semaphore_mem>>) src(%dma_wait3A_2656 : memref<128xf32, #tpu.memory_space<hbm>>) dst(%dma_wait3A_2654 : memref<128xf32, #tpu.memory_space<vmem>>)
      %get3A_2657 = arith.constant 2 : i32
      %get3A_2658 = arith.index_cast %get3A_2657 : i32 to index
      %get3A_2659 = arith.constant 0 : index
      %get3A_2660 = tpu.vector_load %arg5[%get3A_2658, %get3A_2659] {strides = array<i32>} : memref<5x128xf32, #tpu.memory_space<vmem>>, vector<1x16xf32>,
      %get3A_2661 = vector.shape_cast %get3A_2660 : vector<1x16xf32> to vector<16xf32>
      %max3A_2662 = arith.constant 0.00999999977 : f32
      %max3A_2663 = vector.broadcast %max3A_2662 : f32 to vector<16xf32>
      %max3A_2664 = arith.maximumf %get3A_2661, %max3A_2663 : vector<16xf32>
      %mul3A_2665 = arith.constant 1.000000e+02 : f32
      %mul3A_2666 = vector.broadcast %mul3A_2665 : f32 to vector<16xf32>
      %mul3A_2667 = arith.mulf %max3A_2664, %mul3A_2666 : vector<16xf32>
      %add3A_2668 = arith.constant 5.000000e-01 : f32
      %add3A_2669 = vector.broadcast %add3A_2668 : f32 to vector<16xf32>
      %add3A_2670 = arith.addf %mul3A_2667, %add3A_2669 : vector<16xf32>
      %convert_element_type3A_2671 = arith.fptosi %add3A_2670 : vector<16xf32> to vector<16xi32>
      %convert_element_type3A_2672 = arith.sitofp %convert_element_type3A_2671 : vector<16xi32> to vector<16xf32>
      %eq3A_2673 = arith.cmpf oeq, %convert_element_type3A_2672, %add3A_2670 : vector<16xf32>
      %and3A_2674 = arith.constant 1 : i32
      %and3A_2675 = vector.broadcast %and3A_2674 : i32 to vector<16xi32>
      %and3A_2676 = arith.andi %convert_element_type3A_2671, %and3A_2675 : vector<16xi32>
      %jit3A_2677 = arith.constant 0 : i32
      %broadcast_in_dim3A_2678 = vector.broadcast %jit3A_2677 : i32 to vector<16xi32>
      %select_n3A_2679 = arith.select %eq3A_2673, %and3A_2676, %broadcast_in_dim3A_2678 : vector<16xi1>, vector<16xi32>
      %sub3A_2680 = arith.subi %convert_element_type3A_2671, %select_n3A_2679 : vector<16xi32>
      %sub3A_2681 = arith.constant 1 : i32
      %sub3A_2682 = vector.broadcast %sub3A_2681 : i32 to vector<16xi32>
      %sub3A_2683 = arith.subi %sub3A_2680, %sub3A_2682 : vector<16xi32>
      %swap3A_2684 = arith.constant 2 : i32
      %swap3A_2685 = arith.index_cast %swap3A_2684 : i32 to index
      %swap3A_2686 = arith.constant 0 : index
      %swap3A_2687 = tpu.vector_load %arg6[%swap3A_2685, %swap3A_2686] {strides = array<i32>} : memref<5x128xi32, #tpu.memory_space<vmem>>, vector<1x16xi32>,
      %swap3A_2688 = vector.shape_cast %swap3A_2687 : vector<1x16xi32> to vector<16xi32>
      %swap3A_2689 = vector.shape_cast %sub3A_2683 : vector<16xi32> to vector<1x16xi32>
      tpu.vector_store %arg6[%swap3A_2685, %swap3A_2686], %swap3A_2689 {strides = array<i32>} : memref<5x128xi32, #tpu.memory_space<vmem>>, vector<1x16xi32>,
      %get3A_2690 = arith.constant 2 : i32
      %get3A_2691 = arith.index_cast %get3A_2690 : i32 to index
      %get3A_2692 = arith.constant 16 : index
      %get3A_2693 = tpu.vector_load %arg5[%get3A_2691, %get3A_2692] {strides = array<i32>} : memref<5x128xf32, #tpu.memory_space<vmem>>, vector<1x16xf32>,
      %get3A_2694 = vector.shape_cast %get3A_2693 : vector<1x16xf32> to vector<16xf32>
      %max3A_2695 = arith.constant 0.00999999977 : f32
      %max3A_2696 = vector.broadcast %max3A_2695 : f32 to vector<16xf32>
      %max3A_2697 = arith.maximumf %get3A_2694, %max3A_2696 : vector<16xf32>
      %mul3A_2698 = arith.constant 1.000000e+02 : f32
      %mul3A_2699 = vector.broadcast %mul3A_2698 : f32 to vector<16xf32>
      %mul3A_2700 = arith.mulf %max3A_2697, %mul3A_2699 : vector<16xf32>
      %add3A_2701 = arith.constant 5.000000e-01 : f32
      %add3A_2702 = vector.broadcast %add3A_2701 : f32 to vector<16xf32>
      %add3A_2703 = arith.addf %mul3A_2700, %add3A_2702 : vector<16xf32>
      %convert_element_type3A_2704 = arith.fptosi %add3A_2703 : vector<16xf32> to vector<16xi32>
      %convert_element_type3A_2705 = arith.sitofp %convert_element_type3A_2704 : vector<16xi32> to vector<16xf32>
      %eq3A_2706 = arith.cmpf oeq, %convert_element_type3A_2705, %add3A_2703 : vector<16xf32>
      %and3A_2707 = arith.constant 1 : i32
      %and3A_2708 = vector.broadcast %and3A_2707 : i32 to vector<16xi32>
      %and3A_2709 = arith.andi %convert_element_type3A_2704, %and3A_2708 : vector<16xi32>
      %jit3A_2710 = arith.constant 0 : i32
      %broadcast_in_dim3A_2711 = vector.broadcast %jit3A_2710 : i32 to vector<16xi32>
      %select_n3A_2712 = arith.select %eq3A_2706, %and3A_2709, %broadcast_in_dim3A_2711 : vector<16xi1>, vector<16xi32>
      %sub3A_2713 = arith.subi %convert_element_type3A_2704, %select_n3A_2712 : vector<16xi32>
      %sub3A_2714 = arith.constant 1 : i32
      %sub3A_2715 = vector.broadcast %sub3A_2714 : i32 to vector<16xi32>
      %sub3A_2716 = arith.subi %sub3A_2713, %sub3A_2715 : vector<16xi32>
      %swap3A_2717 = arith.constant 2 : i32
      %swap3A_2718 = arith.index_cast %swap3A_2717 : i32 to index
      %swap3A_2719 = arith.constant 16 : index
      %swap3A_2720 = tpu.vector_load %arg6[%swap3A_2718, %swap3A_2719] {strides = array<i32>} : memref<5x128xi32, #tpu.memory_space<vmem>>, vector<1x16xi32>,
      %swap3A_2721 = vector.shape_cast %swap3A_2720 : vector<1x16xi32> to vector<16xi32>
      %swap3A_2722 = vector.shape_cast %sub3A_2716 : vector<16xi32> to vector<1x16xi32>
      tpu.vector_store %arg6[%swap3A_2718, %swap3A_2719], %swap3A_2722 {strides = array<i32>} : memref<5x128xi32, #tpu.memory_space<vmem>>, vector<1x16xi32>,
      %get3A_2723 = arith.constant 2 : i32
      %get3A_2724 = arith.index_cast %get3A_2723 : i32 to index
      %get3A_2725 = arith.constant 32 : index
      %get3A_2726 = tpu.vector_load %arg5[%get3A_2724, %get3A_2725] {strides = array<i32>} : memref<5x128xf32, #tpu.memory_space<vmem>>, vector<1x16xf32>,
      %get3A_2727 = vector.shape_cast %get3A_2726 : vector<1x16xf32> to vector<16xf32>
      %max3A_2728 = arith.constant 0.00999999977 : f32
      %max3A_2729 = vector.broadcast %max3A_2728 : f32 to vector<16xf32>
      %max3A_2730 = arith.maximumf %get3A_2727, %max3A_2729 : vector<16xf32>
      %mul3A_2731 = arith.constant 1.000000e+02 : f32
      %mul3A_2732 = vector.broadcast %mul3A_2731 : f32 to vector<16xf32>
      %mul3A_2733 = arith.mulf %max3A_2730, %mul3A_2732 : vector<16xf32>
      %add3A_2734 = arith.constant 5.000000e-01 : f32
      %add3A_2735 = vector.broadcast %add3A_2734 : f32 to vector<16xf32>
      %add3A_2736 = arith.addf %mul3A_2733, %add3A_2735 : vector<16xf32>
      %convert_element_type3A_2737 = arith.fptosi %add3A_2736 : vector<16xf32> to vector<16xi32>
      %convert_element_type3A_2738 = arith.sitofp %convert_element_type3A_2737 : vector<16xi32> to vector<16xf32>
      %eq3A_2739 = arith.cmpf oeq, %convert_element_type3A_2738, %add3A_2736 : vector<16xf32>
      %and3A_2740 = arith.constant 1 : i32
      %and3A_2741 = vector.broadcast %and3A_2740 : i32 to vector<16xi32>
      %and3A_2742 = arith.andi %convert_element_type3A_2737, %and3A_2741 : vector<16xi32>
      %jit3A_2743 = arith.constant 0 : i32
      %broadcast_in_dim3A_2744 = vector.broadcast %jit3A_2743 : i32 to vector<16xi32>
      %select_n3A_2745 = arith.select %eq3A_2739, %and3A_2742, %broadcast_in_dim3A_2744 : vector<16xi1>, vector<16xi32>
      %sub3A_2746 = arith.subi %convert_element_type3A_2737, %select_n3A_2745 : vector<16xi32>
      %sub3A_2747 = arith.constant 1 : i32
      %sub3A_2748 = vector.broadcast %sub3A_2747 : i32 to vector<16xi32>
      %sub3A_2749 = arith.subi %sub3A_2746, %sub3A_2748 : vector<16xi32>
      %swap3A_2750 = arith.constant 2 : i32
      %swap3A_2751 = arith.index_cast %swap3A_2750 : i32 to index
      %swap3A_2752 = arith.constant 32 : index
      %swap3A_2753 = tpu.vector_load %arg6[%swap3A_2751, %swap3A_2752] {strides = array<i32>} : memref<5x128xi32, #tpu.memory_space<vmem>>, vector<1x16xi32>,
      %swap3A_2754 = vector.shape_cast %swap3A_2753 : vector<1x16xi32> to vector<16xi32>
      %swap3A_2755 = vector.shape_cast %sub3A_2749 : vector<16xi32> to vector<1x16xi32>
      tpu.vector_store %arg6[%swap3A_2751, %swap3A_2752], %swap3A_2755 {strides = array<i32>} : memref<5x128xi32, #tpu.memory_space<vmem>>, vector<1x16xi32>,
      %get3A_2756 = arith.constant 2 : i32
      %get3A_2757 = arith.index_cast %get3A_2756 : i32 to index
      %get3A_2758 = arith.constant 48 : index
      %get3A_2759 = tpu.vector_load %arg5[%get3A_2757, %get3A_2758] {strides = array<i32>} : memref<5x128xf32, #tpu.memory_space<vmem>>, vector<1x16xf32>,
      %get3A_2760 = vector.shape_cast %get3A_2759 : vector<1x16xf32> to vector<16xf32>
      %max3A_2761 = arith.constant 0.00999999977 : f32
      %max3A_2762 = vector.broadcast %max3A_2761 : f32 to vector<16xf32>
      %max3A_2763 = arith.maximumf %get3A_2760, %max3A_2762 : vector<16xf32>
      %mul3A_2764 = arith.constant 1.000000e+02 : f32
      %mul3A_2765 = vector.broadcast %mul3A_2764 : f32 to vector<16xf32>
      %mul3A_2766 = arith.mulf %max3A_2763, %mul3A_2765 : vector<16xf32>
      %add3A_2767 = arith.constant 5.000000e-01 : f32
      %add3A_2768 = vector.broadcast %add3A_2767 : f32 to vector<16xf32>
      %add3A_2769 = arith.addf %mul3A_2766, %add3A_2768 : vector<16xf32>
      %convert_element_type3A_2770 = arith.fptosi %add3A_2769 : vector<16xf32> to vector<16xi32>
      %convert_element_type3A_2771 = arith.sitofp %convert_element_type3A_2770 : vector<16xi32> to vector<16xf32>
      %eq3A_2772 = arith.cmpf oeq, %convert_element_type3A_2771, %add3A_2769 : vector<16xf32>
      %and3A_2773 = arith.constant 1 : i32
      %and3A_2774 = vector.broadcast %and3A_2773 : i32 to vector<16xi32>
      %and3A_2775 = arith.andi %convert_element_type3A_2770, %and3A_2774 : vector<16xi32>
      %jit3A_2776 = arith.constant 0 : i32
      %broadcast_in_dim3A_2777 = vector.broadcast %jit3A_2776 : i32 to vector<16xi32>
      %select_n3A_2778 = arith.select %eq3A_2772, %and3A_2775, %broadcast_in_dim3A_2777 : vector<16xi1>, vector<16xi32>
      %sub3A_2779 = arith.subi %convert_element_type3A_2770, %select_n3A_2778 : vector<16xi32>
      %sub3A_2780 = arith.constant 1 : i32
      %sub3A_2781 = vector.broadcast %sub3A_2780 : i32 to vector<16xi32>
      %sub3A_2782 = arith.subi %sub3A_2779, %sub3A_2781 : vector<16xi32>
      %swap3A_2783 = arith.constant 2 : i32
      %swap3A_2784 = arith.index_cast %swap3A_2783 : i32 to index
      %swap3A_2785 = arith.constant 48 : index
      %swap3A_2786 = tpu.vector_load %arg6[%swap3A_2784, %swap3A_2785] {strides = array<i32>} : memref<5x128xi32, #tpu.memory_space<vmem>>, vector<1x16xi32>,
      %swap3A_2787 = vector.shape_cast %swap3A_2786 : vector<1x16xi32> to vector<16xi32>
      %swap3A_2788 = vector.shape_cast %sub3A_2782 : vector<16xi32> to vector<1x16xi32>
      tpu.vector_store %arg6[%swap3A_2784, %swap3A_2785], %swap3A_2788 {strides = array<i32>} : memref<5x128xi32, #tpu.memory_space<vmem>>, vector<1x16xi32>,
      %get3A_2789 = arith.constant 2 : i32
      %get3A_2790 = arith.index_cast %get3A_2789 : i32 to index
      %get3A_2791 = arith.constant 64 : index
      %get3A_2792 = tpu.vector_load %arg5[%get3A_2790, %get3A_2791] {strides = array<i32>} : memref<5x128xf32, #tpu.memory_space<vmem>>, vector<1x16xf32>,
      %get3A_2793 = vector.shape_cast %get3A_2792 : vector<1x16xf32> to vector<16xf32>
      %max3A_2794 = arith.constant 0.00999999977 : f32
      %max3A_2795 = vector.broadcast %max3A_2794 : f32 to vector<16xf32>
      %max3A_2796 = arith.maximumf %get3A_2793, %max3A_2795 : vector<16xf32>
      %mul3A_2797 = arith.constant 1.000000e+02 : f32
      %mul3A_2798 = vector.broadcast %mul3A_2797 : f32 to vector<16xf32>
      %mul3A_2799 = arith.mulf %max3A_2796, %mul3A_2798 : vector<16xf32>
      %add3A_2800 = arith.constant 5.000000e-01 : f32
      %add3A_2801 = vector.broadcast %add3A_2800 : f32 to vector<16xf32>
      %add3A_2802 = arith.addf %mul3A_2799, %add3A_2801 : vector<16xf32>
      %convert_element_type3A_2803 = arith.fptosi %add3A_2802 : vector<16xf32> to vector<16xi32>
      %convert_element_type3A_2804 = arith.sitofp %convert_element_type3A_2803 : vector<16xi32> to vector<16xf32>
      %eq3A_2805 = arith.cmpf oeq, %convert_element_type3A_2804, %add3A_2802 : vector<16xf32>
      %and3A_2806 = arith.constant 1 : i32
      %and3A_2807 = vector.broadcast %and3A_2806 : i32 to vector<16xi32>
      %and3A_2808 = arith.andi %convert_element_type3A_2803, %and3A_2807 : vector<16xi32>
      %jit3A_2809 = arith.constant 0 : i32
      %broadcast_in_dim3A_2810 = vector.broadcast %jit3A_2809 : i32 to vector<16xi32>
      %select_n3A_2811 = arith.select %eq3A_2805, %and3A_2808, %broadcast_in_dim3A_2810 : vector<16xi1>, vector<16xi32>
      %sub3A_2812 = arith.subi %convert_element_type3A_2803, %select_n3A_2811 : vector<16xi32>
      %sub3A_2813 = arith.constant 1 : i32
      %sub3A_2814 = vector.broadcast %sub3A_2813 : i32 to vector<16xi32>
      %sub3A_2815 = arith.subi %sub3A_2812, %sub3A_2814 : vector<16xi32>
      %swap3A_2816 = arith.constant 2 : i32
      %swap3A_2817 = arith.index_cast %swap3A_2816 : i32 to index
      %swap3A_2818 = arith.constant 64 : index
      %swap3A_2819 = tpu.vector_load %arg6[%swap3A_2817, %swap3A_2818] {strides = array<i32>} : memref<5x128xi32, #tpu.memory_space<vmem>>, vector<1x16xi32>,
      %swap3A_2820 = vector.shape_cast %swap3A_2819 : vector<1x16xi32> to vector<16xi32>
      %swap3A_2821 = vector.shape_cast %sub3A_2815 : vector<16xi32> to vector<1x16xi32>
      tpu.vector_store %arg6[%swap3A_2817, %swap3A_2818], %swap3A_2821 {strides = array<i32>} : memref<5x128xi32, #tpu.memory_space<vmem>>, vector<1x16xi32>,
      %get3A_2822 = arith.constant 2 : i32
      %get3A_2823 = arith.index_cast %get3A_2822 : i32 to index
      %get3A_2824 = arith.constant 80 : index
      %get3A_2825 = tpu.vector_load %arg5[%get3A_2823, %get3A_2824] {strides = array<i32>} : memref<5x128xf32, #tpu.memory_space<vmem>>, vector<1x16xf32>,
      %get3A_2826 = vector.shape_cast %get3A_2825 : vector<1x16xf32> to vector<16xf32>
      %max3A_2827 = arith.constant 0.00999999977 : f32
      %max3A_2828 = vector.broadcast %max3A_2827 : f32 to vector<16xf32>
      %max3A_2829 = arith.maximumf %get3A_2826, %max3A_2828 : vector<16xf32>
      %mul3A_2830 = arith.constant 1.000000e+02 : f32
      %mul3A_2831 = vector.broadcast %mul3A_2830 : f32 to vector<16xf32>
      %mul3A_2832 = arith.mulf %max3A_2829, %mul3A_2831 : vector<16xf32>
      %add3A_2833 = arith.constant 5.000000e-01 : f32
      %add3A_2834 = vector.broadcast %add3A_2833 : f32 to vector<16xf32>
      %add3A_2835 = arith.addf %mul3A_2832, %add3A_2834 : vector<16xf32>
      %convert_element_type3A_2836 = arith.fptosi %add3A_2835 : vector<16xf32> to vector<16xi32>
      %convert_element_type3A_2837 = arith.sitofp %convert_element_type3A_2836 : vector<16xi32> to vector<16xf32>
      %eq3A_2838 = arith.cmpf oeq, %convert_element_type3A_2837, %add3A_2835 : vector<16xf32>
      %and3A_2839 = arith.constant 1 : i32
      %and3A_2840 = vector.broadcast %and3A_2839 : i32 to vector<16xi32>
      %and3A_2841 = arith.andi %convert_element_type3A_2836, %and3A_2840 : vector<16xi32>
      %jit3A_2842 = arith.constant 0 : i32
      %broadcast_in_dim3A_2843 = vector.broadcast %jit3A_2842 : i32 to vector<16xi32>
      %select_n3A_2844 = arith.select %eq3A_2838, %and3A_2841, %broadcast_in_dim3A_2843 : vector<16xi1>, vector<16xi32>
      %sub3A_2845 = arith.subi %convert_element_type3A_2836, %select_n3A_2844 : vector<16xi32>
      %sub3A_2846 = arith.constant 1 : i32
      %sub3A_2847 = vector.broadcast %sub3A_2846 : i32 to vector<16xi32>
      %sub3A_2848 = arith.subi %sub3A_2845, %sub3A_2847 : vector<16xi32>
      %swap3A_2849 = arith.constant 2 : i32
      %swap3A_2850 = arith.index_cast %swap3A_2849 : i32 to index
      %swap3A_2851 = arith.constant 80 : index
      %swap3A_2852 = tpu.vector_load %arg6[%swap3A_2850, %swap3A_2851] {strides = array<i32>} : memref<5x128xi32, #tpu.memory_space<vmem>>, vector<1x16xi32>,
      %swap3A_2853 = vector.shape_cast %swap3A_2852 : vector<1x16xi32> to vector<16xi32>
      %swap3A_2854 = vector.shape_cast %sub3A_2848 : vector<16xi32> to vector<1x16xi32>
      tpu.vector_store %arg6[%swap3A_2850, %swap3A_2851], %swap3A_2854 {strides = array<i32>} : memref<5x128xi32, #tpu.memory_space<vmem>>, vector<1x16xi32>,
      %get3A_2855 = arith.constant 2 : i32
      %get3A_2856 = arith.index_cast %get3A_2855 : i32 to index
      %get3A_2857 = arith.constant 96 : index
      %get3A_2858 = tpu.vector_load %arg5[%get3A_2856, %get3A_2857] {strides = array<i32>} : memref<5x128xf32, #tpu.memory_space<vmem>>, vector<1x16xf32>,
      %get3A_2859 = vector.shape_cast %get3A_2858 : vector<1x16xf32> to vector<16xf32>
      %max3A_2860 = arith.constant 0.00999999977 : f32
      %max3A_2861 = vector.broadcast %max3A_2860 : f32 to vector<16xf32>
      %max3A_2862 = arith.maximumf %get3A_2859, %max3A_2861 : vector<16xf32>
      %mul3A_2863 = arith.constant 1.000000e+02 : f32
      %mul3A_2864 = vector.broadcast %mul3A_2863 : f32 to vector<16xf32>
      %mul3A_2865 = arith.mulf %max3A_2862, %mul3A_2864 : vector<16xf32>
      %add3A_2866 = arith.constant 5.000000e-01 : f32
      %add3A_2867 = vector.broadcast %add3A_2866 : f32 to vector<16xf32>
      %add3A_2868 = arith.addf %mul3A_2865, %add3A_2867 : vector<16xf32>
      %convert_element_type3A_2869 = arith.fptosi %add3A_2868 : vector<16xf32> to vector<16xi32>
      %convert_element_type3A_2870 = arith.sitofp %convert_element_type3A_2869 : vector<16xi32> to vector<16xf32>
      %eq3A_2871 = arith.cmpf oeq, %convert_element_type3A_2870, %add3A_2868 : vector<16xf32>
      %and3A_2872 = arith.constant 1 : i32
      %and3A_2873 = vector.broadcast %and3A_2872 : i32 to vector<16xi32>
      %and3A_2874 = arith.andi %convert_element_type3A_2869, %and3A_2873 : vector<16xi32>
      %jit3A_2875 = arith.constant 0 : i32
      %broadcast_in_dim3A_2876 = vector.broadcast %jit3A_2875 : i32 to vector<16xi32>
      %select_n3A_2877 = arith.select %eq3A_2871, %and3A_2874, %broadcast_in_dim3A_2876 : vector<16xi1>, vector<16xi32>
      %sub3A_2878 = arith.subi %convert_element_type3A_2869, %select_n3A_2877 : vector<16xi32>
      %sub3A_2879 = arith.constant 1 : i32
      %sub3A_2880 = vector.broadcast %sub3A_2879 : i32 to vector<16xi32>
      %sub3A_2881 = arith.subi %sub3A_2878, %sub3A_2880 : vector<16xi32>
      %swap3A_2882 = arith.constant 2 : i32
      %swap3A_2883 = arith.index_cast %swap3A_2882 : i32 to index
      %swap3A_2884 = arith.constant 96 : index
      %swap3A_2885 = tpu.vector_load %arg6[%swap3A_2883, %swap3A_2884] {strides = array<i32>} : memref<5x128xi32, #tpu.memory_space<vmem>>, vector<1x16xi32>,
      %swap3A_2886 = vector.shape_cast %swap3A_2885 : vector<1x16xi32> to vector<16xi32>
      %swap3A_2887 = vector.shape_cast %sub3A_2881 : vector<16xi32> to vector<1x16xi32>
      tpu.vector_store %arg6[%swap3A_2883, %swap3A_2884], %swap3A_2887 {strides = array<i32>} : memref<5x128xi32, #tpu.memory_space<vmem>>, vector<1x16xi32>,
      %get3A_2888 = arith.constant 2 : i32
      %get3A_2889 = arith.index_cast %get3A_2888 : i32 to index
      %get3A_2890 = arith.constant 112 : index
      %get3A_2891 = tpu.vector_load %arg5[%get3A_2889, %get3A_2890] {strides = array<i32>} : memref<5x128xf32, #tpu.memory_space<vmem>>, vector<1x16xf32>,
      %get3A_2892 = vector.shape_cast %get3A_2891 : vector<1x16xf32> to vector<16xf32>
      %max3A_2893 = arith.constant 0.00999999977 : f32
      %max3A_2894 = vector.broadcast %max3A_2893 : f32 to vector<16xf32>
      %max3A_2895 = arith.maximumf %get3A_2892, %max3A_2894 : vector<16xf32>
      %mul3A_2896 = arith.constant 1.000000e+02 : f32
      %mul3A_2897 = vector.broadcast %mul3A_2896 : f32 to vector<16xf32>
      %mul3A_2898 = arith.mulf %max3A_2895, %mul3A_2897 : vector<16xf32>
      %add3A_2899 = arith.constant 5.000000e-01 : f32
      %add3A_2900 = vector.broadcast %add3A_2899 : f32 to vector<16xf32>
      %add3A_2901 = arith.addf %mul3A_2898, %add3A_2900 : vector<16xf32>
      %convert_element_type3A_2902 = arith.fptosi %add3A_2901 : vector<16xf32> to vector<16xi32>
      %convert_element_type3A_2903 = arith.sitofp %convert_element_type3A_2902 : vector<16xi32> to vector<16xf32>
      %eq3A_2904 = arith.cmpf oeq, %convert_element_type3A_2903, %add3A_2901 : vector<16xf32>
      %and3A_2905 = arith.constant 1 : i32
      %and3A_2906 = vector.broadcast %and3A_2905 : i32 to vector<16xi32>
      %and3A_2907 = arith.andi %convert_element_type3A_2902, %and3A_2906 : vector<16xi32>
      %jit3A_2908 = arith.constant 0 : i32
      %broadcast_in_dim3A_2909 = vector.broadcast %jit3A_2908 : i32 to vector<16xi32>
      %select_n3A_2910 = arith.select %eq3A_2904, %and3A_2907, %broadcast_in_dim3A_2909 : vector<16xi1>, vector<16xi32>
      %sub3A_2911 = arith.subi %convert_element_type3A_2902, %select_n3A_2910 : vector<16xi32>
      %sub3A_2912 = arith.constant 1 : i32
      %sub3A_2913 = vector.broadcast %sub3A_2912 : i32 to vector<16xi32>
      %sub3A_2914 = arith.subi %sub3A_2911, %sub3A_2913 : vector<16xi32>
      %swap3A_2915 = arith.constant 2 : i32
      %swap3A_2916 = arith.index_cast %swap3A_2915 : i32 to index
      %swap3A_2917 = arith.constant 112 : index
      %swap3A_2918 = tpu.vector_load %arg6[%swap3A_2916, %swap3A_2917] {strides = array<i32>} : memref<5x128xi32, #tpu.memory_space<vmem>>, vector<1x16xi32>,
      %swap3A_2919 = vector.shape_cast %swap3A_2918 : vector<1x16xi32> to vector<16xi32>
      %swap3A_2920 = vector.shape_cast %sub3A_2914 : vector<16xi32> to vector<1x16xi32>
      tpu.vector_store %arg6[%swap3A_2916, %swap3A_2917], %swap3A_2920 {strides = array<i32>} : memref<5x128xi32, #tpu.memory_space<vmem>>, vector<1x16xi32>,
      %dma_start3A_2921 = arith.constant 2 : i32
      %dma_start3A_2922 = arith.constant 2 : i32
      %dma_start3A_2923 = arith.constant 2 : i32
      %dma_start3A_2924 = arith.constant 0 : i32
      %dma_start3A_2925 = arith.constant 0 : i32
      %dma_start3A_2926 = tpu.memref_slice %arg7[%dma_start3A_2922, %dma_start3A_2924, %dma_start3A_2925] : memref<5x128x128xf32, #tpu.memory_space<vmem>> -> memref<1x128x128xf32, #tpu.memory_space<vmem>>
      %dma_start3A_2927 = tpu.memref_squeeze %dma_start3A_2926 : memref<1x128x128xf32, #tpu.memory_space<vmem>> -> memref<128x128xf32, #tpu.memory_space<vmem>>
      %dma_start3A_2928 = arith.constant 0 : i32
      %dma_start3A_2929 = tpu.memref_slice %arg6[%dma_start3A_2921, %dma_start3A_2928] : memref<5x128xi32, #tpu.memory_space<vmem>> -> memref<1x128xi32, #tpu.memory_space<vmem>>
      %dma_start3A_2930 = tpu.memref_squeeze %dma_start3A_2929 : memref<1x128xi32, #tpu.memory_space<vmem>> -> memref<128xi32, #tpu.memory_space<vmem>>
      %dma_start3A_2931 = arith.constant 0 : i32
      %dma_start3A_2932 = arith.constant 0 : i32
      %dma_start3A_2933 = tpu.memref_slice %arg8[%dma_start3A_2931, %dma_start3A_2932] : memref<100x128xf32, #tpu.memory_space<vmem_shared>> -> memref<100x128xf32, #tpu.memory_space<vmem_shared>>
      %dma_start3A_2934 = tpu.memref_slice %arg10[%dma_start3A_2923] : memref<5x!tpu.dma_semaphore, #tpu.memory_space<semaphore_mem>> -> memref<1x!tpu.dma_semaphore, #tpu.memory_space<semaphore_mem>>
      %dma_start3A_2935 = tpu.memref_squeeze %dma_start3A_2934 : memref<1x!tpu.dma_semaphore, #tpu.memory_space<semaphore_mem>> -> memref<!tpu.dma_semaphore, #tpu.memory_space<semaphore_mem>>
      tpu.enqueue_indirect_dma source(%dma_start3A_2933 : memref<100x128xf32, #tpu.memory_space<vmem_shared>>) target(%dma_start3A_2927 : memref<128x128xf32, #tpu.memory_space<vmem>>) offsets(%dma_start3A_2930 : memref<128xi32, #tpu.memory_space<vmem>>) semaphore(%dma_start3A_2935 : memref<!tpu.dma_semaphore, #tpu.memory_space<semaphore_mem>>)
      %add3A_2936 = arith.constant 3 : i32
      %add3A_2937 = arith.addi %mul3A_1831, %add3A_2936 : i32
      %dma_wait3A_2938 = arith.constant 0 : i32
      %dma_wait3A_2939 = arith.constant 0 : i32
      %dma_wait3A_2940 = arith.constant 0 : i32
      %dma_wait3A_2941 = arith.constant 0 : i32
      %dma_wait3A_2942 = arith.constant 0 : i32
      %dma_wait3A_2943 = tpu.memref_slice %arg7[%dma_wait3A_2939, %dma_wait3A_2941, %dma_wait3A_2942] : memref<5x128x128xf32, #tpu.memory_space<vmem>> -> memref<1x128x128xf32, #tpu.memory_space<vmem>>
      %dma_wait3A_2944 = tpu.memref_squeeze %dma_wait3A_2943 : memref<1x128x128xf32, #tpu.memory_space<vmem>> -> memref<128x128xf32, #tpu.memory_space<vmem>>
      %dma_wait3A_2945 = arith.constant 0 : i32
      %dma_wait3A_2946 = tpu.memref_slice %arg6[%dma_wait3A_2938, %dma_wait3A_2945] : memref<5x128xi32, #tpu.memory_space<vmem>> -> memref<1x128xi32, #tpu.memory_space<vmem>>
      %dma_wait3A_2947 = tpu.memref_squeeze %dma_wait3A_2946 : memref<1x128xi32, #tpu.memory_space<vmem>> -> memref<128xi32, #tpu.memory_space<vmem>>
      %dma_wait3A_2948 = arith.constant 0 : i32
      %dma_wait3A_2949 = arith.constant 0 : i32
      %dma_wait3A_2950 = tpu.memref_slice %arg8[%dma_wait3A_2948, %dma_wait3A_2949] : memref<100x128xf32, #tpu.memory_space<vmem_shared>> -> memref<100x128xf32, #tpu.memory_space<vmem_shared>>
      %dma_wait3A_2951 = tpu.memref_slice %arg10[%dma_wait3A_2940] : memref<5x!tpu.dma_semaphore, #tpu.memory_space<semaphore_mem>> -> memref<1x!tpu.dma_semaphore, #tpu.memory_space<semaphore_mem>>
      %dma_wait3A_2952 = tpu.memref_squeeze %dma_wait3A_2951 : memref<1x!tpu.dma_semaphore, #tpu.memory_space<semaphore_mem>> -> memref<!tpu.dma_semaphore, #tpu.memory_space<semaphore_mem>>
      tpu.wait_indirect_dma semaphore(%dma_wait3A_2952 : memref<!tpu.dma_semaphore, #tpu.memory_space<semaphore_mem>>) src(%dma_wait3A_2950 : memref<100x128xf32, #tpu.memory_space<vmem_shared>>) dst(%dma_wait3A_2944 : memref<128x128xf32, #tpu.memory_space<vmem>>)
      %sub3A_2953 = arith.constant 3 : i32
      %sub3A_2954 = arith.subi %add3A_2937, %sub3A_2953 : i32
      %mul3A_2955 = arith.constant 128 : i32
      %mul3A_2956 = arith.muli %sub3A_2954, %mul3A_2955 : i32
      %add3A_2957 = arith.addi %mul3A_2, %mul3A_2956 : i32
      %dma_start3A_2958 = arith.constant 0 : i32
      %dma_start3A_2959 = arith.constant 0 : i32
      %dma_start3A_2960 = arith.constant 0 : i32
      %dma_start3A_2961 = arith.constant 0 : i32
      %dma_start3A_2962 = tpu.memref_slice %arg7[%dma_start3A_2958, %dma_start3A_2960, %dma_start3A_2961] : memref<5x128x128xf32, #tpu.memory_space<vmem>> -> memref<1x128x128xf32, #tpu.memory_space<vmem>>
      %dma_start3A_2963 = tpu.memref_squeeze %dma_start3A_2962 : memref<1x128x128xf32, #tpu.memory_space<vmem>> -> memref<128x128xf32, #tpu.memory_space<vmem>>
      %dma_start3A_2964 = arith.constant 0 : i32
      %dma_start3A_2965 = tpu.memref_slice %arg4[%add3A_2957, %dma_start3A_2964] : memref<819200x128xf32, #tpu.memory_space<hbm>> -> memref<128x128xf32, #tpu.memory_space<hbm>>
      %dma_start3A_2966 = tpu.memref_slice %arg11[%dma_start3A_2959] : memref<5x!tpu.dma_semaphore, #tpu.memory_space<semaphore_mem>> -> memref<1x!tpu.dma_semaphore, #tpu.memory_space<semaphore_mem>>
      %dma_start3A_2967 = tpu.memref_squeeze %dma_start3A_2966 : memref<1x!tpu.dma_semaphore, #tpu.memory_space<semaphore_mem>> -> memref<!tpu.dma_semaphore, #tpu.memory_space<semaphore_mem>>
      %dma_start3A_2968 = arith.constant 0 : i32
      %dma_start3A_2969 = tpu.memref_slice %arg4[%add3A_2957, %dma_start3A_2968] : memref<819200x128xf32, #tpu.memory_space<hbm>> -> memref<128x128xf32, #tpu.memory_space<hbm>>
      %dma_start3A_2970 = arith.constant 0 : i32
      %dma_start3A_2971 = arith.constant 0 : i32
      %dma_start3A_2972 = tpu.memref_slice %arg7[%dma_start3A_2958, %dma_start3A_2970, %dma_start3A_2971] : memref<5x128x128xf32, #tpu.memory_space<vmem>> -> memref<1x128x128xf32, #tpu.memory_space<vmem>>
      %dma_start3A_2973 = tpu.memref_squeeze %dma_start3A_2972 : memref<1x128x128xf32, #tpu.memory_space<vmem>> -> memref<128x128xf32, #tpu.memory_space<vmem>>
      tpu.enqueue_dma source(%dma_start3A_2973 : memref<128x128xf32, #tpu.memory_space<vmem>>) target(%dma_start3A_2969 : memref<128x128xf32, #tpu.memory_space<hbm>>) target_semaphore(%dma_start3A_2967 : memref<!tpu.dma_semaphore, #tpu.memory_space<semaphore_mem>>)
      %dma_wait3A_2974 = arith.constant 3 : i32
      %dma_wait3A_2975 = arith.constant 3 : i32
      %dma_wait3A_2976 = arith.constant 0 : i32
      %dma_wait3A_2977 = arith.constant 0 : i32
      %dma_wait3A_2978 = tpu.memref_slice %arg7[%dma_wait3A_2974, %dma_wait3A_2976, %dma_wait3A_2977] : memref<5x128x128xf32, #tpu.memory_space<vmem>> -> memref<1x128x128xf32, #tpu.memory_space<vmem>>
      %dma_wait3A_2979 = tpu.memref_squeeze %dma_wait3A_2978 : memref<1x128x128xf32, #tpu.memory_space<vmem>> -> memref<128x128xf32, #tpu.memory_space<vmem>>
      %dma_wait3A_2980 = arith.constant 0 : i32
      %dma_wait3A_2981 = arith.constant 0 : i32
      %dma_wait3A_2982 = tpu.memref_slice %arg4[%dma_wait3A_2980, %dma_wait3A_2981] : memref<819200x128xf32, #tpu.memory_space<hbm>> -> memref<128x128xf32, #tpu.memory_space<hbm>>
      %dma_wait3A_2983 = tpu.memref_slice %arg11[%dma_wait3A_2975] : memref<5x!tpu.dma_semaphore, #tpu.memory_space<semaphore_mem>> -> memref<1x!tpu.dma_semaphore, #tpu.memory_space<semaphore_mem>>
      %dma_wait3A_2984 = tpu.memref_squeeze %dma_wait3A_2983 : memref<1x!tpu.dma_semaphore, #tpu.memory_space<semaphore_mem>> -> memref<!tpu.dma_semaphore, #tpu.memory_space<semaphore_mem>>
      %dma_wait3A_2985 = arith.constant 0 : i32
      %dma_wait3A_2986 = arith.constant 0 : i32
      %dma_wait3A_2987 = tpu.memref_slice %arg4[%dma_wait3A_2985, %dma_wait3A_2986] : memref<819200x128xf32, #tpu.memory_space<hbm>> -> memref<128x128xf32, #tpu.memory_space<hbm>>
      %dma_wait3A_2988 = arith.constant 0 : i32
      %dma_wait3A_2989 = arith.constant 0 : i32
      %dma_wait3A_2990 = tpu.memref_slice %arg7[%dma_wait3A_2974, %dma_wait3A_2988, %dma_wait3A_2989] : memref<5x128x128xf32, #tpu.memory_space<vmem>> -> memref<1x128x128xf32, #tpu.memory_space<vmem>>
      %dma_wait3A_2991 = tpu.memref_squeeze %dma_wait3A_2990 : memref<1x128x128xf32, #tpu.memory_space<vmem>> -> memref<128x128xf32, #tpu.memory_space<vmem>>
      tpu.wait_dma2 semaphore(%dma_wait3A_2984 : memref<!tpu.dma_semaphore, #tpu.memory_space<semaphore_mem>>) src(%dma_wait3A_2991 : memref<128x128xf32, #tpu.memory_space<vmem>>) dst(%dma_wait3A_2987 : memref<128x128xf32, #tpu.memory_space<hbm>>)
      %add3A_2992 = arith.constant 1 : i32
      %add3A_2993 = arith.addi %add3A_2937, %add3A_2992 : i32
      %mul3A_2994 = arith.constant 128 : i32
      %mul3A_2995 = arith.muli %add3A_2993, %mul3A_2994 : i32
      %add3A_2996 = arith.addi %mul3A_2, %mul3A_2995 : i32
      %min3A_2997 = arith.constant 819072 : i32
      %min3A_2998 = arith.minsi %add3A_2996, %min3A_2997 : i32
      %dma_start3A_2999 = arith.constant 4 : i32
      %dma_start3A_3000 = arith.constant 4 : i32
      %dma_start3A_3001 = arith.constant 0 : i32
      %dma_start3A_3002 = tpu.memref_slice %arg5[%dma_start3A_2999, %dma_start3A_3001] : memref<5x128xf32, #tpu.memory_space<vmem>> -> memref<1x128xf32, #tpu.memory_space<vmem>>
      %dma_start3A_3003 = tpu.memref_squeeze %dma_start3A_3002 : memref<1x128xf32, #tpu.memory_space<vmem>> -> memref<128xf32, #tpu.memory_space<vmem>>
      %dma_start3A_3004 = tpu.memref_slice %arg2[%min3A_2998] : memref<819200xf32, #tpu.memory_space<hbm>> -> memref<128xf32, #tpu.memory_space<hbm>>
      %dma_start3A_3005 = tpu.memref_slice %arg9[%dma_start3A_3000] : memref<5x!tpu.dma_semaphore, #tpu.memory_space<semaphore_mem>> -> memref<1x!tpu.dma_semaphore, #tpu.memory_space<semaphore_mem>>
      %dma_start3A_3006 = tpu.memref_squeeze %dma_start3A_3005 : memref<1x!tpu.dma_semaphore, #tpu.memory_space<semaphore_mem>> -> memref<!tpu.dma_semaphore, #tpu.memory_space<semaphore_mem>>
      %dma_start3A_3007 = arith.constant 0 : i32
      %dma_start3A_3008 = tpu.memref_slice %arg5[%dma_start3A_2999, %dma_start3A_3007] : memref<5x128xf32, #tpu.memory_space<vmem>> -> memref<1x128xf32, #tpu.memory_space<vmem>>
      %dma_start3A_3009 = tpu.memref_squeeze %dma_start3A_3008 : memref<1x128xf32, #tpu.memory_space<vmem>> -> memref<128xf32, #tpu.memory_space<vmem>>
      %dma_start3A_3010 = tpu.memref_slice %arg2[%min3A_2998] : memref<819200xf32, #tpu.memory_space<hbm>> -> memref<128xf32, #tpu.memory_space<hbm>>
      tpu.enqueue_dma source(%dma_start3A_3010 : memref<128xf32, #tpu.memory_space<hbm>>) target(%dma_start3A_3009 : memref<128xf32, #tpu.memory_space<vmem>>) target_semaphore(%dma_start3A_3006 : memref<!tpu.dma_semaphore, #tpu.memory_space<semaphore_mem>>)
      %dma_wait3A_3011 = arith.constant 3 : i32
      %dma_wait3A_3012 = arith.constant 3 : i32
      %dma_wait3A_3013 = arith.constant 0 : i32
      %dma_wait3A_3014 = tpu.memref_slice %arg5[%dma_wait3A_3011, %dma_wait3A_3013] : memref<5x128xf32, #tpu.memory_space<vmem>> -> memref<1x128xf32, #tpu.memory_space<vmem>>
      %dma_wait3A_3015 = tpu.memref_squeeze %dma_wait3A_3014 : memref<1x128xf32, #tpu.memory_space<vmem>> -> memref<128xf32, #tpu.memory_space<vmem>>
      %dma_wait3A_3016 = arith.constant 0 : i32
      %dma_wait3A_3017 = tpu.memref_slice %arg2[%dma_wait3A_3016] : memref<819200xf32, #tpu.memory_space<hbm>> -> memref<128xf32, #tpu.memory_space<hbm>>
      %dma_wait3A_3018 = tpu.memref_slice %arg9[%dma_wait3A_3012] : memref<5x!tpu.dma_semaphore, #tpu.memory_space<semaphore_mem>> -> memref<1x!tpu.dma_semaphore, #tpu.memory_space<semaphore_mem>>
      %dma_wait3A_3019 = tpu.memref_squeeze %dma_wait3A_3018 : memref<1x!tpu.dma_semaphore, #tpu.memory_space<semaphore_mem>> -> memref<!tpu.dma_semaphore, #tpu.memory_space<semaphore_mem>>
      %dma_wait3A_3020 = arith.constant 0 : i32
      %dma_wait3A_3021 = tpu.memref_slice %arg5[%dma_wait3A_3011, %dma_wait3A_3020] : memref<5x128xf32, #tpu.memory_space<vmem>> -> memref<1x128xf32, #tpu.memory_space<vmem>>
      %dma_wait3A_3022 = tpu.memref_squeeze %dma_wait3A_3021 : memref<1x128xf32, #tpu.memory_space<vmem>> -> memref<128xf32, #tpu.memory_space<vmem>>
      %dma_wait3A_3023 = arith.constant 0 : i32
      %dma_wait3A_3024 = tpu.memref_slice %arg2[%dma_wait3A_3023] : memref<819200xf32, #tpu.memory_space<hbm>> -> memref<128xf32, #tpu.memory_space<hbm>>
      tpu.wait_dma2 semaphore(%dma_wait3A_3019 : memref<!tpu.dma_semaphore, #tpu.memory_space<semaphore_mem>>) src(%dma_wait3A_3024 : memref<128xf32, #tpu.memory_space<hbm>>) dst(%dma_wait3A_3022 : memref<128xf32, #tpu.memory_space<vmem>>)
      %get3A_3025 = arith.constant 3 : i32
      %get3A_3026 = arith.index_cast %get3A_3025 : i32 to index
      %get3A_3027 = arith.constant 0 : index
      %get3A_3028 = tpu.vector_load %arg5[%get3A_3026, %get3A_3027] {strides = array<i32>} : memref<5x128xf32, #tpu.memory_space<vmem>>, vector<1x16xf32>,
      %get3A_3029 = vector.shape_cast %get3A_3028 : vector<1x16xf32> to vector<16xf32>
      %max3A_3030 = arith.constant 0.00999999977 : f32
      %max3A_3031 = vector.broadcast %max3A_3030 : f32 to vector<16xf32>
      %max3A_3032 = arith.maximumf %get3A_3029, %max3A_3031 : vector<16xf32>
      %mul3A_3033 = arith.constant 1.000000e+02 : f32
      %mul3A_3034 = vector.broadcast %mul3A_3033 : f32 to vector<16xf32>
      %mul3A_3035 = arith.mulf %max3A_3032, %mul3A_3034 : vector<16xf32>
      %add3A_3036 = arith.constant 5.000000e-01 : f32
      %add3A_3037 = vector.broadcast %add3A_3036 : f32 to vector<16xf32>
      %add3A_3038 = arith.addf %mul3A_3035, %add3A_3037 : vector<16xf32>
      %convert_element_type3A_3039 = arith.fptosi %add3A_3038 : vector<16xf32> to vector<16xi32>
      %convert_element_type3A_3040 = arith.sitofp %convert_element_type3A_3039 : vector<16xi32> to vector<16xf32>
      %eq3A_3041 = arith.cmpf oeq, %convert_element_type3A_3040, %add3A_3038 : vector<16xf32>
      %and3A_3042 = arith.constant 1 : i32
      %and3A_3043 = vector.broadcast %and3A_3042 : i32 to vector<16xi32>
      %and3A_3044 = arith.andi %convert_element_type3A_3039, %and3A_3043 : vector<16xi32>
      %jit3A_3045 = arith.constant 0 : i32
      %broadcast_in_dim3A_3046 = vector.broadcast %jit3A_3045 : i32 to vector<16xi32>
      %select_n3A_3047 = arith.select %eq3A_3041, %and3A_3044, %broadcast_in_dim3A_3046 : vector<16xi1>, vector<16xi32>
      %sub3A_3048 = arith.subi %convert_element_type3A_3039, %select_n3A_3047 : vector<16xi32>
      %sub3A_3049 = arith.constant 1 : i32
      %sub3A_3050 = vector.broadcast %sub3A_3049 : i32 to vector<16xi32>
      %sub3A_3051 = arith.subi %sub3A_3048, %sub3A_3050 : vector<16xi32>
      %swap3A_3052 = arith.constant 3 : i32
      %swap3A_3053 = arith.index_cast %swap3A_3052 : i32 to index
      %swap3A_3054 = arith.constant 0 : index
      %swap3A_3055 = tpu.vector_load %arg6[%swap3A_3053, %swap3A_3054] {strides = array<i32>} : memref<5x128xi32, #tpu.memory_space<vmem>>, vector<1x16xi32>,
      %swap3A_3056 = vector.shape_cast %swap3A_3055 : vector<1x16xi32> to vector<16xi32>
      %swap3A_3057 = vector.shape_cast %sub3A_3051 : vector<16xi32> to vector<1x16xi32>
      tpu.vector_store %arg6[%swap3A_3053, %swap3A_3054], %swap3A_3057 {strides = array<i32>} : memref<5x128xi32, #tpu.memory_space<vmem>>, vector<1x16xi32>,
      %get3A_3058 = arith.constant 3 : i32
      %get3A_3059 = arith.index_cast %get3A_3058 : i32 to index
      %get3A_3060 = arith.constant 16 : index
      %get3A_3061 = tpu.vector_load %arg5[%get3A_3059, %get3A_3060] {strides = array<i32>} : memref<5x128xf32, #tpu.memory_space<vmem>>, vector<1x16xf32>,
      %get3A_3062 = vector.shape_cast %get3A_3061 : vector<1x16xf32> to vector<16xf32>
      %max3A_3063 = arith.constant 0.00999999977 : f32
      %max3A_3064 = vector.broadcast %max3A_3063 : f32 to vector<16xf32>
      %max3A_3065 = arith.maximumf %get3A_3062, %max3A_3064 : vector<16xf32>
      %mul3A_3066 = arith.constant 1.000000e+02 : f32
      %mul3A_3067 = vector.broadcast %mul3A_3066 : f32 to vector<16xf32>
      %mul3A_3068 = arith.mulf %max3A_3065, %mul3A_3067 : vector<16xf32>
      %add3A_3069 = arith.constant 5.000000e-01 : f32
      %add3A_3070 = vector.broadcast %add3A_3069 : f32 to vector<16xf32>
      %add3A_3071 = arith.addf %mul3A_3068, %add3A_3070 : vector<16xf32>
      %convert_element_type3A_3072 = arith.fptosi %add3A_3071 : vector<16xf32> to vector<16xi32>
      %convert_element_type3A_3073 = arith.sitofp %convert_element_type3A_3072 : vector<16xi32> to vector<16xf32>
      %eq3A_3074 = arith.cmpf oeq, %convert_element_type3A_3073, %add3A_3071 : vector<16xf32>
      %and3A_3075 = arith.constant 1 : i32
      %and3A_3076 = vector.broadcast %and3A_3075 : i32 to vector<16xi32>
      %and3A_3077 = arith.andi %convert_element_type3A_3072, %and3A_3076 : vector<16xi32>
      %jit3A_3078 = arith.constant 0 : i32
      %broadcast_in_dim3A_3079 = vector.broadcast %jit3A_3078 : i32 to vector<16xi32>
      %select_n3A_3080 = arith.select %eq3A_3074, %and3A_3077, %broadcast_in_dim3A_3079 : vector<16xi1>, vector<16xi32>
      %sub3A_3081 = arith.subi %convert_element_type3A_3072, %select_n3A_3080 : vector<16xi32>
      %sub3A_3082 = arith.constant 1 : i32
      %sub3A_3083 = vector.broadcast %sub3A_3082 : i32 to vector<16xi32>
      %sub3A_3084 = arith.subi %sub3A_3081, %sub3A_3083 : vector<16xi32>
      %swap3A_3085 = arith.constant 3 : i32
      %swap3A_3086 = arith.index_cast %swap3A_3085 : i32 to index
      %swap3A_3087 = arith.constant 16 : index
      %swap3A_3088 = tpu.vector_load %arg6[%swap3A_3086, %swap3A_3087] {strides = array<i32>} : memref<5x128xi32, #tpu.memory_space<vmem>>, vector<1x16xi32>,
      %swap3A_3089 = vector.shape_cast %swap3A_3088 : vector<1x16xi32> to vector<16xi32>
      %swap3A_3090 = vector.shape_cast %sub3A_3084 : vector<16xi32> to vector<1x16xi32>
      tpu.vector_store %arg6[%swap3A_3086, %swap3A_3087], %swap3A_3090 {strides = array<i32>} : memref<5x128xi32, #tpu.memory_space<vmem>>, vector<1x16xi32>,
      %get3A_3091 = arith.constant 3 : i32
      %get3A_3092 = arith.index_cast %get3A_3091 : i32 to index
      %get3A_3093 = arith.constant 32 : index
      %get3A_3094 = tpu.vector_load %arg5[%get3A_3092, %get3A_3093] {strides = array<i32>} : memref<5x128xf32, #tpu.memory_space<vmem>>, vector<1x16xf32>,
      %get3A_3095 = vector.shape_cast %get3A_3094 : vector<1x16xf32> to vector<16xf32>
      %max3A_3096 = arith.constant 0.00999999977 : f32
      %max3A_3097 = vector.broadcast %max3A_3096 : f32 to vector<16xf32>
      %max3A_3098 = arith.maximumf %get3A_3095, %max3A_3097 : vector<16xf32>
      %mul3A_3099 = arith.constant 1.000000e+02 : f32
      %mul3A_3100 = vector.broadcast %mul3A_3099 : f32 to vector<16xf32>
      %mul3A_3101 = arith.mulf %max3A_3098, %mul3A_3100 : vector<16xf32>
      %add3A_3102 = arith.constant 5.000000e-01 : f32
      %add3A_3103 = vector.broadcast %add3A_3102 : f32 to vector<16xf32>
      %add3A_3104 = arith.addf %mul3A_3101, %add3A_3103 : vector<16xf32>
      %convert_element_type3A_3105 = arith.fptosi %add3A_3104 : vector<16xf32> to vector<16xi32>
      %convert_element_type3A_3106 = arith.sitofp %convert_element_type3A_3105 : vector<16xi32> to vector<16xf32>
      %eq3A_3107 = arith.cmpf oeq, %convert_element_type3A_3106, %add3A_3104 : vector<16xf32>
      %and3A_3108 = arith.constant 1 : i32
      %and3A_3109 = vector.broadcast %and3A_3108 : i32 to vector<16xi32>
      %and3A_3110 = arith.andi %convert_element_type3A_3105, %and3A_3109 : vector<16xi32>
      %jit3A_3111 = arith.constant 0 : i32
      %broadcast_in_dim3A_3112 = vector.broadcast %jit3A_3111 : i32 to vector<16xi32>
      %select_n3A_3113 = arith.select %eq3A_3107, %and3A_3110, %broadcast_in_dim3A_3112 : vector<16xi1>, vector<16xi32>
      %sub3A_3114 = arith.subi %convert_element_type3A_3105, %select_n3A_3113 : vector<16xi32>
      %sub3A_3115 = arith.constant 1 : i32
      %sub3A_3116 = vector.broadcast %sub3A_3115 : i32 to vector<16xi32>
      %sub3A_3117 = arith.subi %sub3A_3114, %sub3A_3116 : vector<16xi32>
      %swap3A_3118 = arith.constant 3 : i32
      %swap3A_3119 = arith.index_cast %swap3A_3118 : i32 to index
      %swap3A_3120 = arith.constant 32 : index
      %swap3A_3121 = tpu.vector_load %arg6[%swap3A_3119, %swap3A_3120] {strides = array<i32>} : memref<5x128xi32, #tpu.memory_space<vmem>>, vector<1x16xi32>,
      %swap3A_3122 = vector.shape_cast %swap3A_3121 : vector<1x16xi32> to vector<16xi32>
      %swap3A_3123 = vector.shape_cast %sub3A_3117 : vector<16xi32> to vector<1x16xi32>
      tpu.vector_store %arg6[%swap3A_3119, %swap3A_3120], %swap3A_3123 {strides = array<i32>} : memref<5x128xi32, #tpu.memory_space<vmem>>, vector<1x16xi32>,
      %get3A_3124 = arith.constant 3 : i32
      %get3A_3125 = arith.index_cast %get3A_3124 : i32 to index
      %get3A_3126 = arith.constant 48 : index
      %get3A_3127 = tpu.vector_load %arg5[%get3A_3125, %get3A_3126] {strides = array<i32>} : memref<5x128xf32, #tpu.memory_space<vmem>>, vector<1x16xf32>,
      %get3A_3128 = vector.shape_cast %get3A_3127 : vector<1x16xf32> to vector<16xf32>
      %max3A_3129 = arith.constant 0.00999999977 : f32
      %max3A_3130 = vector.broadcast %max3A_3129 : f32 to vector<16xf32>
      %max3A_3131 = arith.maximumf %get3A_3128, %max3A_3130 : vector<16xf32>
      %mul3A_3132 = arith.constant 1.000000e+02 : f32
      %mul3A_3133 = vector.broadcast %mul3A_3132 : f32 to vector<16xf32>
      %mul3A_3134 = arith.mulf %max3A_3131, %mul3A_3133 : vector<16xf32>
      %add3A_3135 = arith.constant 5.000000e-01 : f32
      %add3A_3136 = vector.broadcast %add3A_3135 : f32 to vector<16xf32>
      %add3A_3137 = arith.addf %mul3A_3134, %add3A_3136 : vector<16xf32>
      %convert_element_type3A_3138 = arith.fptosi %add3A_3137 : vector<16xf32> to vector<16xi32>
      %convert_element_type3A_3139 = arith.sitofp %convert_element_type3A_3138 : vector<16xi32> to vector<16xf32>
      %eq3A_3140 = arith.cmpf oeq, %convert_element_type3A_3139, %add3A_3137 : vector<16xf32>
      %and3A_3141 = arith.constant 1 : i32
      %and3A_3142 = vector.broadcast %and3A_3141 : i32 to vector<16xi32>
      %and3A_3143 = arith.andi %convert_element_type3A_3138, %and3A_3142 : vector<16xi32>
      %jit3A_3144 = arith.constant 0 : i32
      %broadcast_in_dim3A_3145 = vector.broadcast %jit3A_3144 : i32 to vector<16xi32>
      %select_n3A_3146 = arith.select %eq3A_3140, %and3A_3143, %broadcast_in_dim3A_3145 : vector<16xi1>, vector<16xi32>
      %sub3A_3147 = arith.subi %convert_element_type3A_3138, %select_n3A_3146 : vector<16xi32>
      %sub3A_3148 = arith.constant 1 : i32
      %sub3A_3149 = vector.broadcast %sub3A_3148 : i32 to vector<16xi32>
      %sub3A_3150 = arith.subi %sub3A_3147, %sub3A_3149 : vector<16xi32>
      %swap3A_3151 = arith.constant 3 : i32
      %swap3A_3152 = arith.index_cast %swap3A_3151 : i32 to index
      %swap3A_3153 = arith.constant 48 : index
      %swap3A_3154 = tpu.vector_load %arg6[%swap3A_3152, %swap3A_3153] {strides = array<i32>} : memref<5x128xi32, #tpu.memory_space<vmem>>, vector<1x16xi32>,
      %swap3A_3155 = vector.shape_cast %swap3A_3154 : vector<1x16xi32> to vector<16xi32>
      %swap3A_3156 = vector.shape_cast %sub3A_3150 : vector<16xi32> to vector<1x16xi32>
      tpu.vector_store %arg6[%swap3A_3152, %swap3A_3153], %swap3A_3156 {strides = array<i32>} : memref<5x128xi32, #tpu.memory_space<vmem>>, vector<1x16xi32>,
      %get3A_3157 = arith.constant 3 : i32
      %get3A_3158 = arith.index_cast %get3A_3157 : i32 to index
      %get3A_3159 = arith.constant 64 : index
      %get3A_3160 = tpu.vector_load %arg5[%get3A_3158, %get3A_3159] {strides = array<i32>} : memref<5x128xf32, #tpu.memory_space<vmem>>, vector<1x16xf32>,
      %get3A_3161 = vector.shape_cast %get3A_3160 : vector<1x16xf32> to vector<16xf32>
      %max3A_3162 = arith.constant 0.00999999977 : f32
      %max3A_3163 = vector.broadcast %max3A_3162 : f32 to vector<16xf32>
      %max3A_3164 = arith.maximumf %get3A_3161, %max3A_3163 : vector<16xf32>
      %mul3A_3165 = arith.constant 1.000000e+02 : f32
      %mul3A_3166 = vector.broadcast %mul3A_3165 : f32 to vector<16xf32>
      %mul3A_3167 = arith.mulf %max3A_3164, %mul3A_3166 : vector<16xf32>
      %add3A_3168 = arith.constant 5.000000e-01 : f32
      %add3A_3169 = vector.broadcast %add3A_3168 : f32 to vector<16xf32>
      %add3A_3170 = arith.addf %mul3A_3167, %add3A_3169 : vector<16xf32>
      %convert_element_type3A_3171 = arith.fptosi %add3A_3170 : vector<16xf32> to vector<16xi32>
      %convert_element_type3A_3172 = arith.sitofp %convert_element_type3A_3171 : vector<16xi32> to vector<16xf32>
      %eq3A_3173 = arith.cmpf oeq, %convert_element_type3A_3172, %add3A_3170 : vector<16xf32>
      %and3A_3174 = arith.constant 1 : i32
      %and3A_3175 = vector.broadcast %and3A_3174 : i32 to vector<16xi32>
      %and3A_3176 = arith.andi %convert_element_type3A_3171, %and3A_3175 : vector<16xi32>
      %jit3A_3177 = arith.constant 0 : i32
      %broadcast_in_dim3A_3178 = vector.broadcast %jit3A_3177 : i32 to vector<16xi32>
      %select_n3A_3179 = arith.select %eq3A_3173, %and3A_3176, %broadcast_in_dim3A_3178 : vector<16xi1>, vector<16xi32>
      %sub3A_3180 = arith.subi %convert_element_type3A_3171, %select_n3A_3179 : vector<16xi32>
      %sub3A_3181 = arith.constant 1 : i32
      %sub3A_3182 = vector.broadcast %sub3A_3181 : i32 to vector<16xi32>
      %sub3A_3183 = arith.subi %sub3A_3180, %sub3A_3182 : vector<16xi32>
      %swap3A_3184 = arith.constant 3 : i32
      %swap3A_3185 = arith.index_cast %swap3A_3184 : i32 to index
      %swap3A_3186 = arith.constant 64 : index
      %swap3A_3187 = tpu.vector_load %arg6[%swap3A_3185, %swap3A_3186] {strides = array<i32>} : memref<5x128xi32, #tpu.memory_space<vmem>>, vector<1x16xi32>,
      %swap3A_3188 = vector.shape_cast %swap3A_3187 : vector<1x16xi32> to vector<16xi32>
      %swap3A_3189 = vector.shape_cast %sub3A_3183 : vector<16xi32> to vector<1x16xi32>
      tpu.vector_store %arg6[%swap3A_3185, %swap3A_3186], %swap3A_3189 {strides = array<i32>} : memref<5x128xi32, #tpu.memory_space<vmem>>, vector<1x16xi32>,
      %get3A_3190 = arith.constant 3 : i32
      %get3A_3191 = arith.index_cast %get3A_3190 : i32 to index
      %get3A_3192 = arith.constant 80 : index
      %get3A_3193 = tpu.vector_load %arg5[%get3A_3191, %get3A_3192] {strides = array<i32>} : memref<5x128xf32, #tpu.memory_space<vmem>>, vector<1x16xf32>,
      %get3A_3194 = vector.shape_cast %get3A_3193 : vector<1x16xf32> to vector<16xf32>
      %max3A_3195 = arith.constant 0.00999999977 : f32
      %max3A_3196 = vector.broadcast %max3A_3195 : f32 to vector<16xf32>
      %max3A_3197 = arith.maximumf %get3A_3194, %max3A_3196 : vector<16xf32>
      %mul3A_3198 = arith.constant 1.000000e+02 : f32
      %mul3A_3199 = vector.broadcast %mul3A_3198 : f32 to vector<16xf32>
      %mul3A_3200 = arith.mulf %max3A_3197, %mul3A_3199 : vector<16xf32>
      %add3A_3201 = arith.constant 5.000000e-01 : f32
      %add3A_3202 = vector.broadcast %add3A_3201 : f32 to vector<16xf32>
      %add3A_3203 = arith.addf %mul3A_3200, %add3A_3202 : vector<16xf32>
      %convert_element_type3A_3204 = arith.fptosi %add3A_3203 : vector<16xf32> to vector<16xi32>
      %convert_element_type3A_3205 = arith.sitofp %convert_element_type3A_3204 : vector<16xi32> to vector<16xf32>
      %eq3A_3206 = arith.cmpf oeq, %convert_element_type3A_3205, %add3A_3203 : vector<16xf32>
      %and3A_3207 = arith.constant 1 : i32
      %and3A_3208 = vector.broadcast %and3A_3207 : i32 to vector<16xi32>
      %and3A_3209 = arith.andi %convert_element_type3A_3204, %and3A_3208 : vector<16xi32>
      %jit3A_3210 = arith.constant 0 : i32
      %broadcast_in_dim3A_3211 = vector.broadcast %jit3A_3210 : i32 to vector<16xi32>
      %select_n3A_3212 = arith.select %eq3A_3206, %and3A_3209, %broadcast_in_dim3A_3211 : vector<16xi1>, vector<16xi32>
      %sub3A_3213 = arith.subi %convert_element_type3A_3204, %select_n3A_3212 : vector<16xi32>
      %sub3A_3214 = arith.constant 1 : i32
      %sub3A_3215 = vector.broadcast %sub3A_3214 : i32 to vector<16xi32>
      %sub3A_3216 = arith.subi %sub3A_3213, %sub3A_3215 : vector<16xi32>
      %swap3A_3217 = arith.constant 3 : i32
      %swap3A_3218 = arith.index_cast %swap3A_3217 : i32 to index
      %swap3A_3219 = arith.constant 80 : index
      %swap3A_3220 = tpu.vector_load %arg6[%swap3A_3218, %swap3A_3219] {strides = array<i32>} : memref<5x128xi32, #tpu.memory_space<vmem>>, vector<1x16xi32>,
      %swap3A_3221 = vector.shape_cast %swap3A_3220 : vector<1x16xi32> to vector<16xi32>
      %swap3A_3222 = vector.shape_cast %sub3A_3216 : vector<16xi32> to vector<1x16xi32>
      tpu.vector_store %arg6[%swap3A_3218, %swap3A_3219], %swap3A_3222 {strides = array<i32>} : memref<5x128xi32, #tpu.memory_space<vmem>>, vector<1x16xi32>,
      %get3A_3223 = arith.constant 3 : i32
      %get3A_3224 = arith.index_cast %get3A_3223 : i32 to index
      %get3A_3225 = arith.constant 96 : index
      %get3A_3226 = tpu.vector_load %arg5[%get3A_3224, %get3A_3225] {strides = array<i32>} : memref<5x128xf32, #tpu.memory_space<vmem>>, vector<1x16xf32>,
      %get3A_3227 = vector.shape_cast %get3A_3226 : vector<1x16xf32> to vector<16xf32>
      %max3A_3228 = arith.constant 0.00999999977 : f32
      %max3A_3229 = vector.broadcast %max3A_3228 : f32 to vector<16xf32>
      %max3A_3230 = arith.maximumf %get3A_3227, %max3A_3229 : vector<16xf32>
      %mul3A_3231 = arith.constant 1.000000e+02 : f32
      %mul3A_3232 = vector.broadcast %mul3A_3231 : f32 to vector<16xf32>
      %mul3A_3233 = arith.mulf %max3A_3230, %mul3A_3232 : vector<16xf32>
      %add3A_3234 = arith.constant 5.000000e-01 : f32
      %add3A_3235 = vector.broadcast %add3A_3234 : f32 to vector<16xf32>
      %add3A_3236 = arith.addf %mul3A_3233, %add3A_3235 : vector<16xf32>
      %convert_element_type3A_3237 = arith.fptosi %add3A_3236 : vector<16xf32> to vector<16xi32>
      %convert_element_type3A_3238 = arith.sitofp %convert_element_type3A_3237 : vector<16xi32> to vector<16xf32>
      %eq3A_3239 = arith.cmpf oeq, %convert_element_type3A_3238, %add3A_3236 : vector<16xf32>
      %and3A_3240 = arith.constant 1 : i32
      %and3A_3241 = vector.broadcast %and3A_3240 : i32 to vector<16xi32>
      %and3A_3242 = arith.andi %convert_element_type3A_3237, %and3A_3241 : vector<16xi32>
      %jit3A_3243 = arith.constant 0 : i32
      %broadcast_in_dim3A_3244 = vector.broadcast %jit3A_3243 : i32 to vector<16xi32>
      %select_n3A_3245 = arith.select %eq3A_3239, %and3A_3242, %broadcast_in_dim3A_3244 : vector<16xi1>, vector<16xi32>
      %sub3A_3246 = arith.subi %convert_element_type3A_3237, %select_n3A_3245 : vector<16xi32>
      %sub3A_3247 = arith.constant 1 : i32
      %sub3A_3248 = vector.broadcast %sub3A_3247 : i32 to vector<16xi32>
      %sub3A_3249 = arith.subi %sub3A_3246, %sub3A_3248 : vector<16xi32>
      %swap3A_3250 = arith.constant 3 : i32
      %swap3A_3251 = arith.index_cast %swap3A_3250 : i32 to index
      %swap3A_3252 = arith.constant 96 : index
      %swap3A_3253 = tpu.vector_load %arg6[%swap3A_3251, %swap3A_3252] {strides = array<i32>} : memref<5x128xi32, #tpu.memory_space<vmem>>, vector<1x16xi32>,
      %swap3A_3254 = vector.shape_cast %swap3A_3253 : vector<1x16xi32> to vector<16xi32>
      %swap3A_3255 = vector.shape_cast %sub3A_3249 : vector<16xi32> to vector<1x16xi32>
      tpu.vector_store %arg6[%swap3A_3251, %swap3A_3252], %swap3A_3255 {strides = array<i32>} : memref<5x128xi32, #tpu.memory_space<vmem>>, vector<1x16xi32>,
      %get3A_3256 = arith.constant 3 : i32
      %get3A_3257 = arith.index_cast %get3A_3256 : i32 to index
      %get3A_3258 = arith.constant 112 : index
      %get3A_3259 = tpu.vector_load %arg5[%get3A_3257, %get3A_3258] {strides = array<i32>} : memref<5x128xf32, #tpu.memory_space<vmem>>, vector<1x16xf32>,
      %get3A_3260 = vector.shape_cast %get3A_3259 : vector<1x16xf32> to vector<16xf32>
      %max3A_3261 = arith.constant 0.00999999977 : f32
      %max3A_3262 = vector.broadcast %max3A_3261 : f32 to vector<16xf32>
      %max3A_3263 = arith.maximumf %get3A_3260, %max3A_3262 : vector<16xf32>
      %mul3A_3264 = arith.constant 1.000000e+02 : f32
      %mul3A_3265 = vector.broadcast %mul3A_3264 : f32 to vector<16xf32>
      %mul3A_3266 = arith.mulf %max3A_3263, %mul3A_3265 : vector<16xf32>
      %add3A_3267 = arith.constant 5.000000e-01 : f32
      %add3A_3268 = vector.broadcast %add3A_3267 : f32 to vector<16xf32>
      %add3A_3269 = arith.addf %mul3A_3266, %add3A_3268 : vector<16xf32>
      %convert_element_type3A_3270 = arith.fptosi %add3A_3269 : vector<16xf32> to vector<16xi32>
      %convert_element_type3A_3271 = arith.sitofp %convert_element_type3A_3270 : vector<16xi32> to vector<16xf32>
      %eq3A_3272 = arith.cmpf oeq, %convert_element_type3A_3271, %add3A_3269 : vector<16xf32>
      %and3A_3273 = arith.constant 1 : i32
      %and3A_3274 = vector.broadcast %and3A_3273 : i32 to vector<16xi32>
      %and3A_3275 = arith.andi %convert_element_type3A_3270, %and3A_3274 : vector<16xi32>
      %jit3A_3276 = arith.constant 0 : i32
      %broadcast_in_dim3A_3277 = vector.broadcast %jit3A_3276 : i32 to vector<16xi32>
      %select_n3A_3278 = arith.select %eq3A_3272, %and3A_3275, %broadcast_in_dim3A_3277 : vector<16xi1>, vector<16xi32>
      %sub3A_3279 = arith.subi %convert_element_type3A_3270, %select_n3A_3278 : vector<16xi32>
      %sub3A_3280 = arith.constant 1 : i32
      %sub3A_3281 = vector.broadcast %sub3A_3280 : i32 to vector<16xi32>
      %sub3A_3282 = arith.subi %sub3A_3279, %sub3A_3281 : vector<16xi32>
      %swap3A_3283 = arith.constant 3 : i32
      %swap3A_3284 = arith.index_cast %swap3A_3283 : i32 to index
      %swap3A_3285 = arith.constant 112 : index
      %swap3A_3286 = tpu.vector_load %arg6[%swap3A_3284, %swap3A_3285] {strides = array<i32>} : memref<5x128xi32, #tpu.memory_space<vmem>>, vector<1x16xi32>,
      %swap3A_3287 = vector.shape_cast %swap3A_3286 : vector<1x16xi32> to vector<16xi32>
      %swap3A_3288 = vector.shape_cast %sub3A_3282 : vector<16xi32> to vector<1x16xi32>
      tpu.vector_store %arg6[%swap3A_3284, %swap3A_3285], %swap3A_3288 {strides = array<i32>} : memref<5x128xi32, #tpu.memory_space<vmem>>, vector<1x16xi32>,
      %dma_start3A_3289 = arith.constant 3 : i32
      %dma_start3A_3290 = arith.constant 3 : i32
      %dma_start3A_3291 = arith.constant 3 : i32
      %dma_start3A_3292 = arith.constant 0 : i32
      %dma_start3A_3293 = arith.constant 0 : i32
      %dma_start3A_3294 = tpu.memref_slice %arg7[%dma_start3A_3290, %dma_start3A_3292, %dma_start3A_3293] : memref<5x128x128xf32, #tpu.memory_space<vmem>> -> memref<1x128x128xf32, #tpu.memory_space<vmem>>
      %dma_start3A_3295 = tpu.memref_squeeze %dma_start3A_3294 : memref<1x128x128xf32, #tpu.memory_space<vmem>> -> memref<128x128xf32, #tpu.memory_space<vmem>>
      %dma_start3A_3296 = arith.constant 0 : i32
      %dma_start3A_3297 = tpu.memref_slice %arg6[%dma_start3A_3289, %dma_start3A_3296] : memref<5x128xi32, #tpu.memory_space<vmem>> -> memref<1x128xi32, #tpu.memory_space<vmem>>
      %dma_start3A_3298 = tpu.memref_squeeze %dma_start3A_3297 : memref<1x128xi32, #tpu.memory_space<vmem>> -> memref<128xi32, #tpu.memory_space<vmem>>
      %dma_start3A_3299 = arith.constant 0 : i32
      %dma_start3A_3300 = arith.constant 0 : i32
      %dma_start3A_3301 = tpu.memref_slice %arg8[%dma_start3A_3299, %dma_start3A_3300] : memref<100x128xf32, #tpu.memory_space<vmem_shared>> -> memref<100x128xf32, #tpu.memory_space<vmem_shared>>
      %dma_start3A_3302 = tpu.memref_slice %arg10[%dma_start3A_3291] : memref<5x!tpu.dma_semaphore, #tpu.memory_space<semaphore_mem>> -> memref<1x!tpu.dma_semaphore, #tpu.memory_space<semaphore_mem>>
      %dma_start3A_3303 = tpu.memref_squeeze %dma_start3A_3302 : memref<1x!tpu.dma_semaphore, #tpu.memory_space<semaphore_mem>> -> memref<!tpu.dma_semaphore, #tpu.memory_space<semaphore_mem>>
      tpu.enqueue_indirect_dma source(%dma_start3A_3301 : memref<100x128xf32, #tpu.memory_space<vmem_shared>>) target(%dma_start3A_3295 : memref<128x128xf32, #tpu.memory_space<vmem>>) offsets(%dma_start3A_3298 : memref<128xi32, #tpu.memory_space<vmem>>) semaphore(%dma_start3A_3303 : memref<!tpu.dma_semaphore, #tpu.memory_space<semaphore_mem>>)
      %add3A_3304 = arith.constant 4 : i32
      %add3A_3305 = arith.addi %mul3A_1831, %add3A_3304 : i32
      %dma_wait3A_3306 = arith.constant 1 : i32
      %dma_wait3A_3307 = arith.constant 1 : i32
      %dma_wait3A_3308 = arith.constant 1 : i32
      %dma_wait3A_3309 = arith.constant 0 : i32
      %dma_wait3A_3310 = arith.constant 0 : i32
      %dma_wait3A_3311 = tpu.memref_slice %arg7[%dma_wait3A_3307, %dma_wait3A_3309, %dma_wait3A_3310] : memref<5x128x128xf32, #tpu.memory_space<vmem>> -> memref<1x128x128xf32, #tpu.memory_space<vmem>>
      %dma_wait3A_3312 = tpu.memref_squeeze %dma_wait3A_3311 : memref<1x128x128xf32, #tpu.memory_space<vmem>> -> memref<128x128xf32, #tpu.memory_space<vmem>>
      %dma_wait3A_3313 = arith.constant 0 : i32
      %dma_wait3A_3314 = tpu.memref_slice %arg6[%dma_wait3A_3306, %dma_wait3A_3313] : memref<5x128xi32, #tpu.memory_space<vmem>> -> memref<1x128xi32, #tpu.memory_space<vmem>>
      %dma_wait3A_3315 = tpu.memref_squeeze %dma_wait3A_3314 : memref<1x128xi32, #tpu.memory_space<vmem>> -> memref<128xi32, #tpu.memory_space<vmem>>
      %dma_wait3A_3316 = arith.constant 0 : i32
      %dma_wait3A_3317 = arith.constant 0 : i32
      %dma_wait3A_3318 = tpu.memref_slice %arg8[%dma_wait3A_3316, %dma_wait3A_3317] : memref<100x128xf32, #tpu.memory_space<vmem_shared>> -> memref<100x128xf32, #tpu.memory_space<vmem_shared>>
      %dma_wait3A_3319 = tpu.memref_slice %arg10[%dma_wait3A_3308] : memref<5x!tpu.dma_semaphore, #tpu.memory_space<semaphore_mem>> -> memref<1x!tpu.dma_semaphore, #tpu.memory_space<semaphore_mem>>
      %dma_wait3A_3320 = tpu.memref_squeeze %dma_wait3A_3319 : memref<1x!tpu.dma_semaphore, #tpu.memory_space<semaphore_mem>> -> memref<!tpu.dma_semaphore, #tpu.memory_space<semaphore_mem>>
      tpu.wait_indirect_dma semaphore(%dma_wait3A_3320 : memref<!tpu.dma_semaphore, #tpu.memory_space<semaphore_mem>>) src(%dma_wait3A_3318 : memref<100x128xf32, #tpu.memory_space<vmem_shared>>) dst(%dma_wait3A_3312 : memref<128x128xf32, #tpu.memory_space<vmem>>)
      %sub3A_3321 = arith.constant 3 : i32
      %sub3A_3322 = arith.subi %add3A_3305, %sub3A_3321 : i32
      %mul3A_3323 = arith.constant 128 : i32
      %mul3A_3324 = arith.muli %sub3A_3322, %mul3A_3323 : i32
      %add3A_3325 = arith.addi %mul3A_2, %mul3A_3324 : i32
      %dma_start3A_3326 = arith.constant 1 : i32
      %dma_start3A_3327 = arith.constant 1 : i32
      %dma_start3A_3328 = arith.constant 0 : i32
      %dma_start3A_3329 = arith.constant 0 : i32
      %dma_start3A_3330 = tpu.memref_slice %arg7[%dma_start3A_3326, %dma_start3A_3328, %dma_start3A_3329] : memref<5x128x128xf32, #tpu.memory_space<vmem>> -> memref<1x128x128xf32, #tpu.memory_space<vmem>>
      %dma_start3A_3331 = tpu.memref_squeeze %dma_start3A_3330 : memref<1x128x128xf32, #tpu.memory_space<vmem>> -> memref<128x128xf32, #tpu.memory_space<vmem>>
      %dma_start3A_3332 = arith.constant 0 : i32
      %dma_start3A_3333 = tpu.memref_slice %arg4[%add3A_3325, %dma_start3A_3332] : memref<819200x128xf32, #tpu.memory_space<hbm>> -> memref<128x128xf32, #tpu.memory_space<hbm>>
      %dma_start3A_3334 = tpu.memref_slice %arg11[%dma_start3A_3327] : memref<5x!tpu.dma_semaphore, #tpu.memory_space<semaphore_mem>> -> memref<1x!tpu.dma_semaphore, #tpu.memory_space<semaphore_mem>>
      %dma_start3A_3335 = tpu.memref_squeeze %dma_start3A_3334 : memref<1x!tpu.dma_semaphore, #tpu.memory_space<semaphore_mem>> -> memref<!tpu.dma_semaphore, #tpu.memory_space<semaphore_mem>>
      %dma_start3A_3336 = arith.constant 0 : i32
      %dma_start3A_3337 = tpu.memref_slice %arg4[%add3A_3325, %dma_start3A_3336] : memref<819200x128xf32, #tpu.memory_space<hbm>> -> memref<128x128xf32, #tpu.memory_space<hbm>>
      %dma_start3A_3338 = arith.constant 0 : i32
      %dma_start3A_3339 = arith.constant 0 : i32
      %dma_start3A_3340 = tpu.memref_slice %arg7[%dma_start3A_3326, %dma_start3A_3338, %dma_start3A_3339] : memref<5x128x128xf32, #tpu.memory_space<vmem>> -> memref<1x128x128xf32, #tpu.memory_space<vmem>>
      %dma_start3A_3341 = tpu.memref_squeeze %dma_start3A_3340 : memref<1x128x128xf32, #tpu.memory_space<vmem>> -> memref<128x128xf32, #tpu.memory_space<vmem>>
      tpu.enqueue_dma source(%dma_start3A_3341 : memref<128x128xf32, #tpu.memory_space<vmem>>) target(%dma_start3A_3337 : memref<128x128xf32, #tpu.memory_space<hbm>>) target_semaphore(%dma_start3A_3335 : memref<!tpu.dma_semaphore, #tpu.memory_space<semaphore_mem>>)
      %dma_wait3A_3342 = arith.constant 4 : i32
      %dma_wait3A_3343 = arith.constant 4 : i32
      %dma_wait3A_3344 = arith.constant 0 : i32
      %dma_wait3A_3345 = arith.constant 0 : i32
      %dma_wait3A_3346 = tpu.memref_slice %arg7[%dma_wait3A_3342, %dma_wait3A_3344, %dma_wait3A_3345] : memref<5x128x128xf32, #tpu.memory_space<vmem>> -> memref<1x128x128xf32, #tpu.memory_space<vmem>>
      %dma_wait3A_3347 = tpu.memref_squeeze %dma_wait3A_3346 : memref<1x128x128xf32, #tpu.memory_space<vmem>> -> memref<128x128xf32, #tpu.memory_space<vmem>>
      %dma_wait3A_3348 = arith.constant 0 : i32
      %dma_wait3A_3349 = arith.constant 0 : i32
      %dma_wait3A_3350 = tpu.memref_slice %arg4[%dma_wait3A_3348, %dma_wait3A_3349] : memref<819200x128xf32, #tpu.memory_space<hbm>> -> memref<128x128xf32, #tpu.memory_space<hbm>>
      %dma_wait3A_3351 = tpu.memref_slice %arg11[%dma_wait3A_3343] : memref<5x!tpu.dma_semaphore, #tpu.memory_space<semaphore_mem>> -> memref<1x!tpu.dma_semaphore, #tpu.memory_space<semaphore_mem>>
      %dma_wait3A_3352 = tpu.memref_squeeze %dma_wait3A_3351 : memref<1x!tpu.dma_semaphore, #tpu.memory_space<semaphore_mem>> -> memref<!tpu.dma_semaphore, #tpu.memory_space<semaphore_mem>>
      %dma_wait3A_3353 = arith.constant 0 : i32
      %dma_wait3A_3354 = arith.constant 0 : i32
      %dma_wait3A_3355 = tpu.memref_slice %arg4[%dma_wait3A_3353, %dma_wait3A_3354] : memref<819200x128xf32, #tpu.memory_space<hbm>> -> memref<128x128xf32, #tpu.memory_space<hbm>>
      %dma_wait3A_3356 = arith.constant 0 : i32
      %dma_wait3A_3357 = arith.constant 0 : i32
      %dma_wait3A_3358 = tpu.memref_slice %arg7[%dma_wait3A_3342, %dma_wait3A_3356, %dma_wait3A_3357] : memref<5x128x128xf32, #tpu.memory_space<vmem>> -> memref<1x128x128xf32, #tpu.memory_space<vmem>>
      %dma_wait3A_3359 = tpu.memref_squeeze %dma_wait3A_3358 : memref<1x128x128xf32, #tpu.memory_space<vmem>> -> memref<128x128xf32, #tpu.memory_space<vmem>>
      tpu.wait_dma2 semaphore(%dma_wait3A_3352 : memref<!tpu.dma_semaphore, #tpu.memory_space<semaphore_mem>>) src(%dma_wait3A_3359 : memref<128x128xf32, #tpu.memory_space<vmem>>) dst(%dma_wait3A_3355 : memref<128x128xf32, #tpu.memory_space<hbm>>)
      %add3A_3360 = arith.constant 1 : i32
      %add3A_3361 = arith.addi %add3A_3305, %add3A_3360 : i32
      %mul3A_3362 = arith.constant 128 : i32
      %mul3A_3363 = arith.muli %add3A_3361, %mul3A_3362 : i32
      %add3A_3364 = arith.addi %mul3A_2, %mul3A_3363 : i32
      %min3A_3365 = arith.constant 819072 : i32
      %min3A_3366 = arith.minsi %add3A_3364, %min3A_3365 : i32
      %dma_start3A_3367 = arith.constant 0 : i32
      %dma_start3A_3368 = arith.constant 0 : i32
      %dma_start3A_3369 = arith.constant 0 : i32
      %dma_start3A_3370 = tpu.memref_slice %arg5[%dma_start3A_3367, %dma_start3A_3369] : memref<5x128xf32, #tpu.memory_space<vmem>> -> memref<1x128xf32, #tpu.memory_space<vmem>>
      %dma_start3A_3371 = tpu.memref_squeeze %dma_start3A_3370 : memref<1x128xf32, #tpu.memory_space<vmem>> -> memref<128xf32, #tpu.memory_space<vmem>>
      %dma_start3A_3372 = tpu.memref_slice %arg2[%min3A_3366] : memref<819200xf32, #tpu.memory_space<hbm>> -> memref<128xf32, #tpu.memory_space<hbm>>
      %dma_start3A_3373 = tpu.memref_slice %arg9[%dma_start3A_3368] : memref<5x!tpu.dma_semaphore, #tpu.memory_space<semaphore_mem>> -> memref<1x!tpu.dma_semaphore, #tpu.memory_space<semaphore_mem>>
      %dma_start3A_3374 = tpu.memref_squeeze %dma_start3A_3373 : memref<1x!tpu.dma_semaphore, #tpu.memory_space<semaphore_mem>> -> memref<!tpu.dma_semaphore, #tpu.memory_space<semaphore_mem>>
      %dma_start3A_3375 = arith.constant 0 : i32
      %dma_start3A_3376 = tpu.memref_slice %arg5[%dma_start3A_3367, %dma_start3A_3375] : memref<5x128xf32, #tpu.memory_space<vmem>> -> memref<1x128xf32, #tpu.memory_space<vmem>>
      %dma_start3A_3377 = tpu.memref_squeeze %dma_start3A_3376 : memref<1x128xf32, #tpu.memory_space<vmem>> -> memref<128xf32, #tpu.memory_space<vmem>>
      %dma_start3A_3378 = tpu.memref_slice %arg2[%min3A_3366] : memref<819200xf32, #tpu.memory_space<hbm>> -> memref<128xf32, #tpu.memory_space<hbm>>
      tpu.enqueue_dma source(%dma_start3A_3378 : memref<128xf32, #tpu.memory_space<hbm>>) target(%dma_start3A_3377 : memref<128xf32, #tpu.memory_space<vmem>>) target_semaphore(%dma_start3A_3374 : memref<!tpu.dma_semaphore, #tpu.memory_space<semaphore_mem>>)
      %dma_wait3A_3379 = arith.constant 4 : i32
      %dma_wait3A_3380 = arith.constant 4 : i32
      %dma_wait3A_3381 = arith.constant 0 : i32
      %dma_wait3A_3382 = tpu.memref_slice %arg5[%dma_wait3A_3379, %dma_wait3A_3381] : memref<5x128xf32, #tpu.memory_space<vmem>> -> memref<1x128xf32, #tpu.memory_space<vmem>>
      %dma_wait3A_3383 = tpu.memref_squeeze %dma_wait3A_3382 : memref<1x128xf32, #tpu.memory_space<vmem>> -> memref<128xf32, #tpu.memory_space<vmem>>
      %dma_wait3A_3384 = arith.constant 0 : i32
      %dma_wait3A_3385 = tpu.memref_slice %arg2[%dma_wait3A_3384] : memref<819200xf32, #tpu.memory_space<hbm>> -> memref<128xf32, #tpu.memory_space<hbm>>
      %dma_wait3A_3386 = tpu.memref_slice %arg9[%dma_wait3A_3380] : memref<5x!tpu.dma_semaphore, #tpu.memory_space<semaphore_mem>> -> memref<1x!tpu.dma_semaphore, #tpu.memory_space<semaphore_mem>>
      %dma_wait3A_3387 = tpu.memref_squeeze %dma_wait3A_3386 : memref<1x!tpu.dma_semaphore, #tpu.memory_space<semaphore_mem>> -> memref<!tpu.dma_semaphore, #tpu.memory_space<semaphore_mem>>
      %dma_wait3A_3388 = arith.constant 0 : i32
      %dma_wait3A_3389 = tpu.memref_slice %arg5[%dma_wait3A_3379, %dma_wait3A_3388] : memref<5x128xf32, #tpu.memory_space<vmem>> -> memref<1x128xf32, #tpu.memory_space<vmem>>
      %dma_wait3A_3390 = tpu.memref_squeeze %dma_wait3A_3389 : memref<1x128xf32, #tpu.memory_space<vmem>> -> memref<128xf32, #tpu.memory_space<vmem>>
      %dma_wait3A_3391 = arith.constant 0 : i32
      %dma_wait3A_3392 = tpu.memref_slice %arg2[%dma_wait3A_3391] : memref<819200xf32, #tpu.memory_space<hbm>> -> memref<128xf32, #tpu.memory_space<hbm>>
      tpu.wait_dma2 semaphore(%dma_wait3A_3387 : memref<!tpu.dma_semaphore, #tpu.memory_space<semaphore_mem>>) src(%dma_wait3A_3392 : memref<128xf32, #tpu.memory_space<hbm>>) dst(%dma_wait3A_3390 : memref<128xf32, #tpu.memory_space<vmem>>)
      %get3A_3393 = arith.constant 4 : i32
      %get3A_3394 = arith.index_cast %get3A_3393 : i32 to index
      %get3A_3395 = arith.constant 0 : index
      %get3A_3396 = tpu.vector_load %arg5[%get3A_3394, %get3A_3395] {strides = array<i32>} : memref<5x128xf32, #tpu.memory_space<vmem>>, vector<1x16xf32>,
      %get3A_3397 = vector.shape_cast %get3A_3396 : vector<1x16xf32> to vector<16xf32>
      %max3A_3398 = arith.constant 0.00999999977 : f32
      %max3A_3399 = vector.broadcast %max3A_3398 : f32 to vector<16xf32>
      %max3A_3400 = arith.maximumf %get3A_3397, %max3A_3399 : vector<16xf32>
      %mul3A_3401 = arith.constant 1.000000e+02 : f32
      %mul3A_3402 = vector.broadcast %mul3A_3401 : f32 to vector<16xf32>
      %mul3A_3403 = arith.mulf %max3A_3400, %mul3A_3402 : vector<16xf32>
      %add3A_3404 = arith.constant 5.000000e-01 : f32
      %add3A_3405 = vector.broadcast %add3A_3404 : f32 to vector<16xf32>
      %add3A_3406 = arith.addf %mul3A_3403, %add3A_3405 : vector<16xf32>
      %convert_element_type3A_3407 = arith.fptosi %add3A_3406 : vector<16xf32> to vector<16xi32>
      %convert_element_type3A_3408 = arith.sitofp %convert_element_type3A_3407 : vector<16xi32> to vector<16xf32>
      %eq3A_3409 = arith.cmpf oeq, %convert_element_type3A_3408, %add3A_3406 : vector<16xf32>
      %and3A_3410 = arith.constant 1 : i32
      %and3A_3411 = vector.broadcast %and3A_3410 : i32 to vector<16xi32>
      %and3A_3412 = arith.andi %convert_element_type3A_3407, %and3A_3411 : vector<16xi32>
      %jit3A_3413 = arith.constant 0 : i32
      %broadcast_in_dim3A_3414 = vector.broadcast %jit3A_3413 : i32 to vector<16xi32>
      %select_n3A_3415 = arith.select %eq3A_3409, %and3A_3412, %broadcast_in_dim3A_3414 : vector<16xi1>, vector<16xi32>
      %sub3A_3416 = arith.subi %convert_element_type3A_3407, %select_n3A_3415 : vector<16xi32>
      %sub3A_3417 = arith.constant 1 : i32
      %sub3A_3418 = vector.broadcast %sub3A_3417 : i32 to vector<16xi32>
      %sub3A_3419 = arith.subi %sub3A_3416, %sub3A_3418 : vector<16xi32>
      %swap3A_3420 = arith.constant 4 : i32
      %swap3A_3421 = arith.index_cast %swap3A_3420 : i32 to index
      %swap3A_3422 = arith.constant 0 : index
      %swap3A_3423 = tpu.vector_load %arg6[%swap3A_3421, %swap3A_3422] {strides = array<i32>} : memref<5x128xi32, #tpu.memory_space<vmem>>, vector<1x16xi32>,
      %swap3A_3424 = vector.shape_cast %swap3A_3423 : vector<1x16xi32> to vector<16xi32>
      %swap3A_3425 = vector.shape_cast %sub3A_3419 : vector<16xi32> to vector<1x16xi32>
      tpu.vector_store %arg6[%swap3A_3421, %swap3A_3422], %swap3A_3425 {strides = array<i32>} : memref<5x128xi32, #tpu.memory_space<vmem>>, vector<1x16xi32>,
      %get3A_3426 = arith.constant 4 : i32
      %get3A_3427 = arith.index_cast %get3A_3426 : i32 to index
      %get3A_3428 = arith.constant 16 : index
      %get3A_3429 = tpu.vector_load %arg5[%get3A_3427, %get3A_3428] {strides = array<i32>} : memref<5x128xf32, #tpu.memory_space<vmem>>, vector<1x16xf32>,
      %get3A_3430 = vector.shape_cast %get3A_3429 : vector<1x16xf32> to vector<16xf32>
      %max3A_3431 = arith.constant 0.00999999977 : f32
      %max3A_3432 = vector.broadcast %max3A_3431 : f32 to vector<16xf32>
      %max3A_3433 = arith.maximumf %get3A_3430, %max3A_3432 : vector<16xf32>
      %mul3A_3434 = arith.constant 1.000000e+02 : f32
      %mul3A_3435 = vector.broadcast %mul3A_3434 : f32 to vector<16xf32>
      %mul3A_3436 = arith.mulf %max3A_3433, %mul3A_3435 : vector<16xf32>
      %add3A_3437 = arith.constant 5.000000e-01 : f32
      %add3A_3438 = vector.broadcast %add3A_3437 : f32 to vector<16xf32>
      %add3A_3439 = arith.addf %mul3A_3436, %add3A_3438 : vector<16xf32>
      %convert_element_type3A_3440 = arith.fptosi %add3A_3439 : vector<16xf32> to vector<16xi32>
      %convert_element_type3A_3441 = arith.sitofp %convert_element_type3A_3440 : vector<16xi32> to vector<16xf32>
      %eq3A_3442 = arith.cmpf oeq, %convert_element_type3A_3441, %add3A_3439 : vector<16xf32>
      %and3A_3443 = arith.constant 1 : i32
      %and3A_3444 = vector.broadcast %and3A_3443 : i32 to vector<16xi32>
      %and3A_3445 = arith.andi %convert_element_type3A_3440, %and3A_3444 : vector<16xi32>
      %jit3A_3446 = arith.constant 0 : i32
      %broadcast_in_dim3A_3447 = vector.broadcast %jit3A_3446 : i32 to vector<16xi32>
      %select_n3A_3448 = arith.select %eq3A_3442, %and3A_3445, %broadcast_in_dim3A_3447 : vector<16xi1>, vector<16xi32>
      %sub3A_3449 = arith.subi %convert_element_type3A_3440, %select_n3A_3448 : vector<16xi32>
      %sub3A_3450 = arith.constant 1 : i32
      %sub3A_3451 = vector.broadcast %sub3A_3450 : i32 to vector<16xi32>
      %sub3A_3452 = arith.subi %sub3A_3449, %sub3A_3451 : vector<16xi32>
      %swap3A_3453 = arith.constant 4 : i32
      %swap3A_3454 = arith.index_cast %swap3A_3453 : i32 to index
      %swap3A_3455 = arith.constant 16 : index
      %swap3A_3456 = tpu.vector_load %arg6[%swap3A_3454, %swap3A_3455] {strides = array<i32>} : memref<5x128xi32, #tpu.memory_space<vmem>>, vector<1x16xi32>,
      %swap3A_3457 = vector.shape_cast %swap3A_3456 : vector<1x16xi32> to vector<16xi32>
      %swap3A_3458 = vector.shape_cast %sub3A_3452 : vector<16xi32> to vector<1x16xi32>
      tpu.vector_store %arg6[%swap3A_3454, %swap3A_3455], %swap3A_3458 {strides = array<i32>} : memref<5x128xi32, #tpu.memory_space<vmem>>, vector<1x16xi32>,
      %get3A_3459 = arith.constant 4 : i32
      %get3A_3460 = arith.index_cast %get3A_3459 : i32 to index
      %get3A_3461 = arith.constant 32 : index
      %get3A_3462 = tpu.vector_load %arg5[%get3A_3460, %get3A_3461] {strides = array<i32>} : memref<5x128xf32, #tpu.memory_space<vmem>>, vector<1x16xf32>,
      %get3A_3463 = vector.shape_cast %get3A_3462 : vector<1x16xf32> to vector<16xf32>
      %max3A_3464 = arith.constant 0.00999999977 : f32
      %max3A_3465 = vector.broadcast %max3A_3464 : f32 to vector<16xf32>
      %max3A_3466 = arith.maximumf %get3A_3463, %max3A_3465 : vector<16xf32>
      %mul3A_3467 = arith.constant 1.000000e+02 : f32
      %mul3A_3468 = vector.broadcast %mul3A_3467 : f32 to vector<16xf32>
      %mul3A_3469 = arith.mulf %max3A_3466, %mul3A_3468 : vector<16xf32>
      %add3A_3470 = arith.constant 5.000000e-01 : f32
      %add3A_3471 = vector.broadcast %add3A_3470 : f32 to vector<16xf32>
      %add3A_3472 = arith.addf %mul3A_3469, %add3A_3471 : vector<16xf32>
      %convert_element_type3A_3473 = arith.fptosi %add3A_3472 : vector<16xf32> to vector<16xi32>
      %convert_element_type3A_3474 = arith.sitofp %convert_element_type3A_3473 : vector<16xi32> to vector<16xf32>
      %eq3A_3475 = arith.cmpf oeq, %convert_element_type3A_3474, %add3A_3472 : vector<16xf32>
      %and3A_3476 = arith.constant 1 : i32
      %and3A_3477 = vector.broadcast %and3A_3476 : i32 to vector<16xi32>
      %and3A_3478 = arith.andi %convert_element_type3A_3473, %and3A_3477 : vector<16xi32>
      %jit3A_3479 = arith.constant 0 : i32
      %broadcast_in_dim3A_3480 = vector.broadcast %jit3A_3479 : i32 to vector<16xi32>
      %select_n3A_3481 = arith.select %eq3A_3475, %and3A_3478, %broadcast_in_dim3A_3480 : vector<16xi1>, vector<16xi32>
      %sub3A_3482 = arith.subi %convert_element_type3A_3473, %select_n3A_3481 : vector<16xi32>
      %sub3A_3483 = arith.constant 1 : i32
      %sub3A_3484 = vector.broadcast %sub3A_3483 : i32 to vector<16xi32>
      %sub3A_3485 = arith.subi %sub3A_3482, %sub3A_3484 : vector<16xi32>
      %swap3A_3486 = arith.constant 4 : i32
      %swap3A_3487 = arith.index_cast %swap3A_3486 : i32 to index
      %swap3A_3488 = arith.constant 32 : index
      %swap3A_3489 = tpu.vector_load %arg6[%swap3A_3487, %swap3A_3488] {strides = array<i32>} : memref<5x128xi32, #tpu.memory_space<vmem>>, vector<1x16xi32>,
      %swap3A_3490 = vector.shape_cast %swap3A_3489 : vector<1x16xi32> to vector<16xi32>
      %swap3A_3491 = vector.shape_cast %sub3A_3485 : vector<16xi32> to vector<1x16xi32>
      tpu.vector_store %arg6[%swap3A_3487, %swap3A_3488], %swap3A_3491 {strides = array<i32>} : memref<5x128xi32, #tpu.memory_space<vmem>>, vector<1x16xi32>,
      %get3A_3492 = arith.constant 4 : i32
      %get3A_3493 = arith.index_cast %get3A_3492 : i32 to index
      %get3A_3494 = arith.constant 48 : index
      %get3A_3495 = tpu.vector_load %arg5[%get3A_3493, %get3A_3494] {strides = array<i32>} : memref<5x128xf32, #tpu.memory_space<vmem>>, vector<1x16xf32>,
      %get3A_3496 = vector.shape_cast %get3A_3495 : vector<1x16xf32> to vector<16xf32>
      %max3A_3497 = arith.constant 0.00999999977 : f32
      %max3A_3498 = vector.broadcast %max3A_3497 : f32 to vector<16xf32>
      %max3A_3499 = arith.maximumf %get3A_3496, %max3A_3498 : vector<16xf32>
      %mul3A_3500 = arith.constant 1.000000e+02 : f32
      %mul3A_3501 = vector.broadcast %mul3A_3500 : f32 to vector<16xf32>
      %mul3A_3502 = arith.mulf %max3A_3499, %mul3A_3501 : vector<16xf32>
      %add3A_3503 = arith.constant 5.000000e-01 : f32
      %add3A_3504 = vector.broadcast %add3A_3503 : f32 to vector<16xf32>
      %add3A_3505 = arith.addf %mul3A_3502, %add3A_3504 : vector<16xf32>
      %convert_element_type3A_3506 = arith.fptosi %add3A_3505 : vector<16xf32> to vector<16xi32>
      %convert_element_type3A_3507 = arith.sitofp %convert_element_type3A_3506 : vector<16xi32> to vector<16xf32>
      %eq3A_3508 = arith.cmpf oeq, %convert_element_type3A_3507, %add3A_3505 : vector<16xf32>
      %and3A_3509 = arith.constant 1 : i32
      %and3A_3510 = vector.broadcast %and3A_3509 : i32 to vector<16xi32>
      %and3A_3511 = arith.andi %convert_element_type3A_3506, %and3A_3510 : vector<16xi32>
      %jit3A_3512 = arith.constant 0 : i32
      %broadcast_in_dim3A_3513 = vector.broadcast %jit3A_3512 : i32 to vector<16xi32>
      %select_n3A_3514 = arith.select %eq3A_3508, %and3A_3511, %broadcast_in_dim3A_3513 : vector<16xi1>, vector<16xi32>
      %sub3A_3515 = arith.subi %convert_element_type3A_3506, %select_n3A_3514 : vector<16xi32>
      %sub3A_3516 = arith.constant 1 : i32
      %sub3A_3517 = vector.broadcast %sub3A_3516 : i32 to vector<16xi32>
      %sub3A_3518 = arith.subi %sub3A_3515, %sub3A_3517 : vector<16xi32>
      %swap3A_3519 = arith.constant 4 : i32
      %swap3A_3520 = arith.index_cast %swap3A_3519 : i32 to index
      %swap3A_3521 = arith.constant 48 : index
      %swap3A_3522 = tpu.vector_load %arg6[%swap3A_3520, %swap3A_3521] {strides = array<i32>} : memref<5x128xi32, #tpu.memory_space<vmem>>, vector<1x16xi32>,
      %swap3A_3523 = vector.shape_cast %swap3A_3522 : vector<1x16xi32> to vector<16xi32>
      %swap3A_3524 = vector.shape_cast %sub3A_3518 : vector<16xi32> to vector<1x16xi32>
      tpu.vector_store %arg6[%swap3A_3520, %swap3A_3521], %swap3A_3524 {strides = array<i32>} : memref<5x128xi32, #tpu.memory_space<vmem>>, vector<1x16xi32>,
      %get3A_3525 = arith.constant 4 : i32
      %get3A_3526 = arith.index_cast %get3A_3525 : i32 to index
      %get3A_3527 = arith.constant 64 : index
      %get3A_3528 = tpu.vector_load %arg5[%get3A_3526, %get3A_3527] {strides = array<i32>} : memref<5x128xf32, #tpu.memory_space<vmem>>, vector<1x16xf32>,
      %get3A_3529 = vector.shape_cast %get3A_3528 : vector<1x16xf32> to vector<16xf32>
      %max3A_3530 = arith.constant 0.00999999977 : f32
      %max3A_3531 = vector.broadcast %max3A_3530 : f32 to vector<16xf32>
      %max3A_3532 = arith.maximumf %get3A_3529, %max3A_3531 : vector<16xf32>
      %mul3A_3533 = arith.constant 1.000000e+02 : f32
      %mul3A_3534 = vector.broadcast %mul3A_3533 : f32 to vector<16xf32>
      %mul3A_3535 = arith.mulf %max3A_3532, %mul3A_3534 : vector<16xf32>
      %add3A_3536 = arith.constant 5.000000e-01 : f32
      %add3A_3537 = vector.broadcast %add3A_3536 : f32 to vector<16xf32>
      %add3A_3538 = arith.addf %mul3A_3535, %add3A_3537 : vector<16xf32>
      %convert_element_type3A_3539 = arith.fptosi %add3A_3538 : vector<16xf32> to vector<16xi32>
      %convert_element_type3A_3540 = arith.sitofp %convert_element_type3A_3539 : vector<16xi32> to vector<16xf32>
      %eq3A_3541 = arith.cmpf oeq, %convert_element_type3A_3540, %add3A_3538 : vector<16xf32>
      %and3A_3542 = arith.constant 1 : i32
      %and3A_3543 = vector.broadcast %and3A_3542 : i32 to vector<16xi32>
      %and3A_3544 = arith.andi %convert_element_type3A_3539, %and3A_3543 : vector<16xi32>
      %jit3A_3545 = arith.constant 0 : i32
      %broadcast_in_dim3A_3546 = vector.broadcast %jit3A_3545 : i32 to vector<16xi32>
      %select_n3A_3547 = arith.select %eq3A_3541, %and3A_3544, %broadcast_in_dim3A_3546 : vector<16xi1>, vector<16xi32>
      %sub3A_3548 = arith.subi %convert_element_type3A_3539, %select_n3A_3547 : vector<16xi32>
      %sub3A_3549 = arith.constant 1 : i32
      %sub3A_3550 = vector.broadcast %sub3A_3549 : i32 to vector<16xi32>
      %sub3A_3551 = arith.subi %sub3A_3548, %sub3A_3550 : vector<16xi32>
      %swap3A_3552 = arith.constant 4 : i32
      %swap3A_3553 = arith.index_cast %swap3A_3552 : i32 to index
      %swap3A_3554 = arith.constant 64 : index
      %swap3A_3555 = tpu.vector_load %arg6[%swap3A_3553, %swap3A_3554] {strides = array<i32>} : memref<5x128xi32, #tpu.memory_space<vmem>>, vector<1x16xi32>,
      %swap3A_3556 = vector.shape_cast %swap3A_3555 : vector<1x16xi32> to vector<16xi32>
      %swap3A_3557 = vector.shape_cast %sub3A_3551 : vector<16xi32> to vector<1x16xi32>
      tpu.vector_store %arg6[%swap3A_3553, %swap3A_3554], %swap3A_3557 {strides = array<i32>} : memref<5x128xi32, #tpu.memory_space<vmem>>, vector<1x16xi32>,
      %get3A_3558 = arith.constant 4 : i32
      %get3A_3559 = arith.index_cast %get3A_3558 : i32 to index
      %get3A_3560 = arith.constant 80 : index
      %get3A_3561 = tpu.vector_load %arg5[%get3A_3559, %get3A_3560] {strides = array<i32>} : memref<5x128xf32, #tpu.memory_space<vmem>>, vector<1x16xf32>,
      %get3A_3562 = vector.shape_cast %get3A_3561 : vector<1x16xf32> to vector<16xf32>
      %max3A_3563 = arith.constant 0.00999999977 : f32
      %max3A_3564 = vector.broadcast %max3A_3563 : f32 to vector<16xf32>
      %max3A_3565 = arith.maximumf %get3A_3562, %max3A_3564 : vector<16xf32>
      %mul3A_3566 = arith.constant 1.000000e+02 : f32
      %mul3A_3567 = vector.broadcast %mul3A_3566 : f32 to vector<16xf32>
      %mul3A_3568 = arith.mulf %max3A_3565, %mul3A_3567 : vector<16xf32>
      %add3A_3569 = arith.constant 5.000000e-01 : f32
      %add3A_3570 = vector.broadcast %add3A_3569 : f32 to vector<16xf32>
      %add3A_3571 = arith.addf %mul3A_3568, %add3A_3570 : vector<16xf32>
      %convert_element_type3A_3572 = arith.fptosi %add3A_3571 : vector<16xf32> to vector<16xi32>
      %convert_element_type3A_3573 = arith.sitofp %convert_element_type3A_3572 : vector<16xi32> to vector<16xf32>
      %eq3A_3574 = arith.cmpf oeq, %convert_element_type3A_3573, %add3A_3571 : vector<16xf32>
      %and3A_3575 = arith.constant 1 : i32
      %and3A_3576 = vector.broadcast %and3A_3575 : i32 to vector<16xi32>
      %and3A_3577 = arith.andi %convert_element_type3A_3572, %and3A_3576 : vector<16xi32>
      %jit3A_3578 = arith.constant 0 : i32
      %broadcast_in_dim3A_3579 = vector.broadcast %jit3A_3578 : i32 to vector<16xi32>
      %select_n3A_3580 = arith.select %eq3A_3574, %and3A_3577, %broadcast_in_dim3A_3579 : vector<16xi1>, vector<16xi32>
      %sub3A_3581 = arith.subi %convert_element_type3A_3572, %select_n3A_3580 : vector<16xi32>
      %sub3A_3582 = arith.constant 1 : i32
      %sub3A_3583 = vector.broadcast %sub3A_3582 : i32 to vector<16xi32>
      %sub3A_3584 = arith.subi %sub3A_3581, %sub3A_3583 : vector<16xi32>
      %swap3A_3585 = arith.constant 4 : i32
      %swap3A_3586 = arith.index_cast %swap3A_3585 : i32 to index
      %swap3A_3587 = arith.constant 80 : index
      %swap3A_3588 = tpu.vector_load %arg6[%swap3A_3586, %swap3A_3587] {strides = array<i32>} : memref<5x128xi32, #tpu.memory_space<vmem>>, vector<1x16xi32>,
      %swap3A_3589 = vector.shape_cast %swap3A_3588 : vector<1x16xi32> to vector<16xi32>
      %swap3A_3590 = vector.shape_cast %sub3A_3584 : vector<16xi32> to vector<1x16xi32>
      tpu.vector_store %arg6[%swap3A_3586, %swap3A_3587], %swap3A_3590 {strides = array<i32>} : memref<5x128xi32, #tpu.memory_space<vmem>>, vector<1x16xi32>,
      %get3A_3591 = arith.constant 4 : i32
      %get3A_3592 = arith.index_cast %get3A_3591 : i32 to index
      %get3A_3593 = arith.constant 96 : index
      %get3A_3594 = tpu.vector_load %arg5[%get3A_3592, %get3A_3593] {strides = array<i32>} : memref<5x128xf32, #tpu.memory_space<vmem>>, vector<1x16xf32>,
      %get3A_3595 = vector.shape_cast %get3A_3594 : vector<1x16xf32> to vector<16xf32>
      %max3A_3596 = arith.constant 0.00999999977 : f32
      %max3A_3597 = vector.broadcast %max3A_3596 : f32 to vector<16xf32>
      %max3A_3598 = arith.maximumf %get3A_3595, %max3A_3597 : vector<16xf32>
      %mul3A_3599 = arith.constant 1.000000e+02 : f32
      %mul3A_3600 = vector.broadcast %mul3A_3599 : f32 to vector<16xf32>
      %mul3A_3601 = arith.mulf %max3A_3598, %mul3A_3600 : vector<16xf32>
      %add3A_3602 = arith.constant 5.000000e-01 : f32
      %add3A_3603 = vector.broadcast %add3A_3602 : f32 to vector<16xf32>
      %add3A_3604 = arith.addf %mul3A_3601, %add3A_3603 : vector<16xf32>
      %convert_element_type3A_3605 = arith.fptosi %add3A_3604 : vector<16xf32> to vector<16xi32>
      %convert_element_type3A_3606 = arith.sitofp %convert_element_type3A_3605 : vector<16xi32> to vector<16xf32>
      %eq3A_3607 = arith.cmpf oeq, %convert_element_type3A_3606, %add3A_3604 : vector<16xf32>
      %and3A_3608 = arith.constant 1 : i32
      %and3A_3609 = vector.broadcast %and3A_3608 : i32 to vector<16xi32>
      %and3A_3610 = arith.andi %convert_element_type3A_3605, %and3A_3609 : vector<16xi32>
      %jit3A_3611 = arith.constant 0 : i32
      %broadcast_in_dim3A_3612 = vector.broadcast %jit3A_3611 : i32 to vector<16xi32>
      %select_n3A_3613 = arith.select %eq3A_3607, %and3A_3610, %broadcast_in_dim3A_3612 : vector<16xi1>, vector<16xi32>
      %sub3A_3614 = arith.subi %convert_element_type3A_3605, %select_n3A_3613 : vector<16xi32>
      %sub3A_3615 = arith.constant 1 : i32
      %sub3A_3616 = vector.broadcast %sub3A_3615 : i32 to vector<16xi32>
      %sub3A_3617 = arith.subi %sub3A_3614, %sub3A_3616 : vector<16xi32>
      %swap3A_3618 = arith.constant 4 : i32
      %swap3A_3619 = arith.index_cast %swap3A_3618 : i32 to index
      %swap3A_3620 = arith.constant 96 : index
      %swap3A_3621 = tpu.vector_load %arg6[%swap3A_3619, %swap3A_3620] {strides = array<i32>} : memref<5x128xi32, #tpu.memory_space<vmem>>, vector<1x16xi32>,
      %swap3A_3622 = vector.shape_cast %swap3A_3621 : vector<1x16xi32> to vector<16xi32>
      %swap3A_3623 = vector.shape_cast %sub3A_3617 : vector<16xi32> to vector<1x16xi32>
      tpu.vector_store %arg6[%swap3A_3619, %swap3A_3620], %swap3A_3623 {strides = array<i32>} : memref<5x128xi32, #tpu.memory_space<vmem>>, vector<1x16xi32>,
      %get3A_3624 = arith.constant 4 : i32
      %get3A_3625 = arith.index_cast %get3A_3624 : i32 to index
      %get3A_3626 = arith.constant 112 : index
      %get3A_3627 = tpu.vector_load %arg5[%get3A_3625, %get3A_3626] {strides = array<i32>} : memref<5x128xf32, #tpu.memory_space<vmem>>, vector<1x16xf32>,
      %get3A_3628 = vector.shape_cast %get3A_3627 : vector<1x16xf32> to vector<16xf32>
      %max3A_3629 = arith.constant 0.00999999977 : f32
      %max3A_3630 = vector.broadcast %max3A_3629 : f32 to vector<16xf32>
      %max3A_3631 = arith.maximumf %get3A_3628, %max3A_3630 : vector<16xf32>
      %mul3A_3632 = arith.constant 1.000000e+02 : f32
      %mul3A_3633 = vector.broadcast %mul3A_3632 : f32 to vector<16xf32>
      %mul3A_3634 = arith.mulf %max3A_3631, %mul3A_3633 : vector<16xf32>
      %add3A_3635 = arith.constant 5.000000e-01 : f32
      %add3A_3636 = vector.broadcast %add3A_3635 : f32 to vector<16xf32>
      %add3A_3637 = arith.addf %mul3A_3634, %add3A_3636 : vector<16xf32>
      %convert_element_type3A_3638 = arith.fptosi %add3A_3637 : vector<16xf32> to vector<16xi32>
      %convert_element_type3A_3639 = arith.sitofp %convert_element_type3A_3638 : vector<16xi32> to vector<16xf32>
      %eq3A_3640 = arith.cmpf oeq, %convert_element_type3A_3639, %add3A_3637 : vector<16xf32>
      %and3A_3641 = arith.constant 1 : i32
      %and3A_3642 = vector.broadcast %and3A_3641 : i32 to vector<16xi32>
      %and3A_3643 = arith.andi %convert_element_type3A_3638, %and3A_3642 : vector<16xi32>
      %jit3A_3644 = arith.constant 0 : i32
      %broadcast_in_dim3A_3645 = vector.broadcast %jit3A_3644 : i32 to vector<16xi32>
      %select_n3A_3646 = arith.select %eq3A_3640, %and3A_3643, %broadcast_in_dim3A_3645 : vector<16xi1>, vector<16xi32>
      %sub3A_3647 = arith.subi %convert_element_type3A_3638, %select_n3A_3646 : vector<16xi32>
      %sub3A_3648 = arith.constant 1 : i32
      %sub3A_3649 = vector.broadcast %sub3A_3648 : i32 to vector<16xi32>
      %sub3A_3650 = arith.subi %sub3A_3647, %sub3A_3649 : vector<16xi32>
      %swap3A_3651 = arith.constant 4 : i32
      %swap3A_3652 = arith.index_cast %swap3A_3651 : i32 to index
      %swap3A_3653 = arith.constant 112 : index
      %swap3A_3654 = tpu.vector_load %arg6[%swap3A_3652, %swap3A_3653] {strides = array<i32>} : memref<5x128xi32, #tpu.memory_space<vmem>>, vector<1x16xi32>,
      %swap3A_3655 = vector.shape_cast %swap3A_3654 : vector<1x16xi32> to vector<16xi32>
      %swap3A_3656 = vector.shape_cast %sub3A_3650 : vector<16xi32> to vector<1x16xi32>
      tpu.vector_store %arg6[%swap3A_3652, %swap3A_3653], %swap3A_3656 {strides = array<i32>} : memref<5x128xi32, #tpu.memory_space<vmem>>, vector<1x16xi32>,
      %dma_start3A_3657 = arith.constant 4 : i32
      %dma_start3A_3658 = arith.constant 4 : i32
      %dma_start3A_3659 = arith.constant 4 : i32
      %dma_start3A_3660 = arith.constant 0 : i32
      %dma_start3A_3661 = arith.constant 0 : i32
      %dma_start3A_3662 = tpu.memref_slice %arg7[%dma_start3A_3658, %dma_start3A_3660, %dma_start3A_3661] : memref<5x128x128xf32, #tpu.memory_space<vmem>> -> memref<1x128x128xf32, #tpu.memory_space<vmem>>
      %dma_start3A_3663 = tpu.memref_squeeze %dma_start3A_3662 : memref<1x128x128xf32, #tpu.memory_space<vmem>> -> memref<128x128xf32, #tpu.memory_space<vmem>>
      %dma_start3A_3664 = arith.constant 0 : i32
      %dma_start3A_3665 = tpu.memref_slice %arg6[%dma_start3A_3657, %dma_start3A_3664] : memref<5x128xi32, #tpu.memory_space<vmem>> -> memref<1x128xi32, #tpu.memory_space<vmem>>
      %dma_start3A_3666 = tpu.memref_squeeze %dma_start3A_3665 : memref<1x128xi32, #tpu.memory_space<vmem>> -> memref<128xi32, #tpu.memory_space<vmem>>
      %dma_start3A_3667 = arith.constant 0 : i32
      %dma_start3A_3668 = arith.constant 0 : i32
      %dma_start3A_3669 = tpu.memref_slice %arg8[%dma_start3A_3667, %dma_start3A_3668] : memref<100x128xf32, #tpu.memory_space<vmem_shared>> -> memref<100x128xf32, #tpu.memory_space<vmem_shared>>
      %dma_start3A_3670 = tpu.memref_slice %arg10[%dma_start3A_3659] : memref<5x!tpu.dma_semaphore, #tpu.memory_space<semaphore_mem>> -> memref<1x!tpu.dma_semaphore, #tpu.memory_space<semaphore_mem>>
      %dma_start3A_3671 = tpu.memref_squeeze %dma_start3A_3670 : memref<1x!tpu.dma_semaphore, #tpu.memory_space<semaphore_mem>> -> memref<!tpu.dma_semaphore, #tpu.memory_space<semaphore_mem>>
      tpu.enqueue_indirect_dma source(%dma_start3A_3669 : memref<100x128xf32, #tpu.memory_space<vmem_shared>>) target(%dma_start3A_3663 : memref<128x128xf32, #tpu.memory_space<vmem>>) offsets(%dma_start3A_3666 : memref<128xi32, #tpu.memory_space<vmem>>) semaphore(%dma_start3A_3671 : memref<!tpu.dma_semaphore, #tpu.memory_space<semaphore_mem>>)
    }
    %scan3A_1625 = arith.constant 39 : i32
    %dma_wait3A_1626 = arith.constant 2 : i32
    %dma_wait3A_1627 = arith.constant 2 : i32
    %dma_wait3A_1628 = arith.constant 2 : i32
    %dma_wait3A_1629 = arith.constant 0 : i32
    %dma_wait3A_1630 = arith.constant 0 : i32
    %dma_wait3A_1631 = tpu.memref_slice %arg7[%dma_wait3A_1627, %dma_wait3A_1629, %dma_wait3A_1630] : memref<5x128x128xf32, #tpu.memory_space<vmem>> -> memref<1x128x128xf32, #tpu.memory_space<vmem>>
    %dma_wait3A_1632 = tpu.memref_squeeze %dma_wait3A_1631 : memref<1x128x128xf32, #tpu.memory_space<vmem>> -> memref<128x128xf32, #tpu.memory_space<vmem>>
    %dma_wait3A_1633 = arith.constant 0 : i32
    %dma_wait3A_1634 = tpu.memref_slice %arg6[%dma_wait3A_1626, %dma_wait3A_1633] : memref<5x128xi32, #tpu.memory_space<vmem>> -> memref<1x128xi32, #tpu.memory_space<vmem>>
    %dma_wait3A_1635 = tpu.memref_squeeze %dma_wait3A_1634 : memref<1x128xi32, #tpu.memory_space<vmem>> -> memref<128xi32, #tpu.memory_space<vmem>>
    %dma_wait3A_1636 = arith.constant 0 : i32
    %dma_wait3A_1637 = arith.constant 0 : i32
    %dma_wait3A_1638 = tpu.memref_slice %arg8[%dma_wait3A_1636, %dma_wait3A_1637] : memref<100x128xf32, #tpu.memory_space<vmem_shared>> -> memref<100x128xf32, #tpu.memory_space<vmem_shared>>
    %dma_wait3A_1639 = tpu.memref_slice %arg10[%dma_wait3A_1628] : memref<5x!tpu.dma_semaphore, #tpu.memory_space<semaphore_mem>> -> memref<1x!tpu.dma_semaphore, #tpu.memory_space<semaphore_mem>>
    %dma_wait3A_1640 = tpu.memref_squeeze %dma_wait3A_1639 : memref<1x!tpu.dma_semaphore, #tpu.memory_space<semaphore_mem>> -> memref<!tpu.dma_semaphore, #tpu.memory_space<semaphore_mem>>
    tpu.wait_indirect_dma semaphore(%dma_wait3A_1640 : memref<!tpu.dma_semaphore, #tpu.memory_space<semaphore_mem>>) src(%dma_wait3A_1638 : memref<100x128xf32, #tpu.memory_space<vmem_shared>>) dst(%dma_wait3A_1632 : memref<128x128xf32, #tpu.memory_space<vmem>>)
    %add3A_1641 = arith.constant 25216 : i32
    %add3A_1642 = arith.addi %mul3A_2, %add3A_1641 : i32
    %dma_start3A_1643 = arith.constant 2 : i32
    %dma_start3A_1644 = arith.constant 2 : i32
    %dma_start3A_1645 = arith.constant 0 : i32
    %dma_start3A_1646 = arith.constant 0 : i32
    %dma_start3A_1647 = tpu.memref_slice %arg7[%dma_start3A_1643, %dma_start3A_1645, %dma_start3A_1646] : memref<5x128x128xf32, #tpu.memory_space<vmem>> -> memref<1x128x128xf32, #tpu.memory_space<vmem>>
    %dma_start3A_1648 = tpu.memref_squeeze %dma_start3A_1647 : memref<1x128x128xf32, #tpu.memory_space<vmem>> -> memref<128x128xf32, #tpu.memory_space<vmem>>
    %dma_start3A_1649 = arith.constant 0 : i32
    %dma_start3A_1650 = tpu.memref_slice %arg4[%add3A_1642, %dma_start3A_1649] : memref<819200x128xf32, #tpu.memory_space<hbm>> -> memref<128x128xf32, #tpu.memory_space<hbm>>
    %dma_start3A_1651 = tpu.memref_slice %arg11[%dma_start3A_1644] : memref<5x!tpu.dma_semaphore, #tpu.memory_space<semaphore_mem>> -> memref<1x!tpu.dma_semaphore, #tpu.memory_space<semaphore_mem>>
    %dma_start3A_1652 = tpu.memref_squeeze %dma_start3A_1651 : memref<1x!tpu.dma_semaphore, #tpu.memory_space<semaphore_mem>> -> memref<!tpu.dma_semaphore, #tpu.memory_space<semaphore_mem>>
    %dma_start3A_1653 = arith.constant 0 : i32
    %dma_start3A_1654 = tpu.memref_slice %arg4[%add3A_1642, %dma_start3A_1653] : memref<819200x128xf32, #tpu.memory_space<hbm>> -> memref<128x128xf32, #tpu.memory_space<hbm>>
    %dma_start3A_1655 = arith.constant 0 : i32
    %dma_start3A_1656 = arith.constant 0 : i32
    %dma_start3A_1657 = tpu.memref_slice %arg7[%dma_start3A_1643, %dma_start3A_1655, %dma_start3A_1656] : memref<5x128x128xf32, #tpu.memory_space<vmem>> -> memref<1x128x128xf32, #tpu.memory_space<vmem>>
    %dma_start3A_1658 = tpu.memref_squeeze %dma_start3A_1657 : memref<1x128x128xf32, #tpu.memory_space<vmem>> -> memref<128x128xf32, #tpu.memory_space<vmem>>
    tpu.enqueue_dma source(%dma_start3A_1658 : memref<128x128xf32, #tpu.memory_space<vmem>>) target(%dma_start3A_1654 : memref<128x128xf32, #tpu.memory_space<hbm>>) target_semaphore(%dma_start3A_1652 : memref<!tpu.dma_semaphore, #tpu.memory_space<semaphore_mem>>)
    %dma_wait3A_1659 = arith.constant 3 : i32
    %dma_wait3A_1660 = arith.constant 3 : i32
    %dma_wait3A_1661 = arith.constant 3 : i32
    %dma_wait3A_1662 = arith.constant 0 : i32
    %dma_wait3A_1663 = arith.constant 0 : i32
    %dma_wait3A_1664 = tpu.memref_slice %arg7[%dma_wait3A_1660, %dma_wait3A_1662, %dma_wait3A_1663] : memref<5x128x128xf32, #tpu.memory_space<vmem>> -> memref<1x128x128xf32, #tpu.memory_space<vmem>>
    %dma_wait3A_1665 = tpu.memref_squeeze %dma_wait3A_1664 : memref<1x128x128xf32, #tpu.memory_space<vmem>> -> memref<128x128xf32, #tpu.memory_space<vmem>>
    %dma_wait3A_1666 = arith.constant 0 : i32
    %dma_wait3A_1667 = tpu.memref_slice %arg6[%dma_wait3A_1659, %dma_wait3A_1666] : memref<5x128xi32, #tpu.memory_space<vmem>> -> memref<1x128xi32, #tpu.memory_space<vmem>>
    %dma_wait3A_1668 = tpu.memref_squeeze %dma_wait3A_1667 : memref<1x128xi32, #tpu.memory_space<vmem>> -> memref<128xi32, #tpu.memory_space<vmem>>
    %dma_wait3A_1669 = arith.constant 0 : i32
    %dma_wait3A_1670 = arith.constant 0 : i32
    %dma_wait3A_1671 = tpu.memref_slice %arg8[%dma_wait3A_1669, %dma_wait3A_1670] : memref<100x128xf32, #tpu.memory_space<vmem_shared>> -> memref<100x128xf32, #tpu.memory_space<vmem_shared>>
    %dma_wait3A_1672 = tpu.memref_slice %arg10[%dma_wait3A_1661] : memref<5x!tpu.dma_semaphore, #tpu.memory_space<semaphore_mem>> -> memref<1x!tpu.dma_semaphore, #tpu.memory_space<semaphore_mem>>
    %dma_wait3A_1673 = tpu.memref_squeeze %dma_wait3A_1672 : memref<1x!tpu.dma_semaphore, #tpu.memory_space<semaphore_mem>> -> memref<!tpu.dma_semaphore, #tpu.memory_space<semaphore_mem>>
    tpu.wait_indirect_dma semaphore(%dma_wait3A_1673 : memref<!tpu.dma_semaphore, #tpu.memory_space<semaphore_mem>>) src(%dma_wait3A_1671 : memref<100x128xf32, #tpu.memory_space<vmem_shared>>) dst(%dma_wait3A_1665 : memref<128x128xf32, #tpu.memory_space<vmem>>)
    %add3A_1674 = arith.constant 25344 : i32
    %add3A_1675 = arith.addi %mul3A_2, %add3A_1674 : i32
    %dma_start3A_1676 = arith.constant 3 : i32
    %dma_start3A_1677 = arith.constant 3 : i32
    %dma_start3A_1678 = arith.constant 0 : i32
    %dma_start3A_1679 = arith.constant 0 : i32
    %dma_start3A_1680 = tpu.memref_slice %arg7[%dma_start3A_1676, %dma_start3A_1678, %dma_start3A_1679] : memref<5x128x128xf32, #tpu.memory_space<vmem>> -> memref<1x128x128xf32, #tpu.memory_space<vmem>>
    %dma_start3A_1681 = tpu.memref_squeeze %dma_start3A_1680 : memref<1x128x128xf32, #tpu.memory_space<vmem>> -> memref<128x128xf32, #tpu.memory_space<vmem>>
    %dma_start3A_1682 = arith.constant 0 : i32
    %dma_start3A_1683 = tpu.memref_slice %arg4[%add3A_1675, %dma_start3A_1682] : memref<819200x128xf32, #tpu.memory_space<hbm>> -> memref<128x128xf32, #tpu.memory_space<hbm>>
    %dma_start3A_1684 = tpu.memref_slice %arg11[%dma_start3A_1677] : memref<5x!tpu.dma_semaphore, #tpu.memory_space<semaphore_mem>> -> memref<1x!tpu.dma_semaphore, #tpu.memory_space<semaphore_mem>>
    %dma_start3A_1685 = tpu.memref_squeeze %dma_start3A_1684 : memref<1x!tpu.dma_semaphore, #tpu.memory_space<semaphore_mem>> -> memref<!tpu.dma_semaphore, #tpu.memory_space<semaphore_mem>>
    %dma_start3A_1686 = arith.constant 0 : i32
    %dma_start3A_1687 = tpu.memref_slice %arg4[%add3A_1675, %dma_start3A_1686] : memref<819200x128xf32, #tpu.memory_space<hbm>> -> memref<128x128xf32, #tpu.memory_space<hbm>>
    %dma_start3A_1688 = arith.constant 0 : i32
    %dma_start3A_1689 = arith.constant 0 : i32
    %dma_start3A_1690 = tpu.memref_slice %arg7[%dma_start3A_1676, %dma_start3A_1688, %dma_start3A_1689] : memref<5x128x128xf32, #tpu.memory_space<vmem>> -> memref<1x128x128xf32, #tpu.memory_space<vmem>>
    %dma_start3A_1691 = tpu.memref_squeeze %dma_start3A_1690 : memref<1x128x128xf32, #tpu.memory_space<vmem>> -> memref<128x128xf32, #tpu.memory_space<vmem>>
    tpu.enqueue_dma source(%dma_start3A_1691 : memref<128x128xf32, #tpu.memory_space<vmem>>) target(%dma_start3A_1687 : memref<128x128xf32, #tpu.memory_space<hbm>>) target_semaphore(%dma_start3A_1685 : memref<!tpu.dma_semaphore, #tpu.memory_space<semaphore_mem>>)
    %dma_wait3A_1692 = arith.constant 4 : i32
    %dma_wait3A_1693 = arith.constant 4 : i32
    %dma_wait3A_1694 = arith.constant 4 : i32
    %dma_wait3A_1695 = arith.constant 0 : i32
    %dma_wait3A_1696 = arith.constant 0 : i32
    %dma_wait3A_1697 = tpu.memref_slice %arg7[%dma_wait3A_1693, %dma_wait3A_1695, %dma_wait3A_1696] : memref<5x128x128xf32, #tpu.memory_space<vmem>> -> memref<1x128x128xf32, #tpu.memory_space<vmem>>
    %dma_wait3A_1698 = tpu.memref_squeeze %dma_wait3A_1697 : memref<1x128x128xf32, #tpu.memory_space<vmem>> -> memref<128x128xf32, #tpu.memory_space<vmem>>
    %dma_wait3A_1699 = arith.constant 0 : i32
    %dma_wait3A_1700 = tpu.memref_slice %arg6[%dma_wait3A_1692, %dma_wait3A_1699] : memref<5x128xi32, #tpu.memory_space<vmem>> -> memref<1x128xi32, #tpu.memory_space<vmem>>
    %dma_wait3A_1701 = tpu.memref_squeeze %dma_wait3A_1700 : memref<1x128xi32, #tpu.memory_space<vmem>> -> memref<128xi32, #tpu.memory_space<vmem>>
    %dma_wait3A_1702 = arith.constant 0 : i32
    %dma_wait3A_1703 = arith.constant 0 : i32
    %dma_wait3A_1704 = tpu.memref_slice %arg8[%dma_wait3A_1702, %dma_wait3A_1703] : memref<100x128xf32, #tpu.memory_space<vmem_shared>> -> memref<100x128xf32, #tpu.memory_space<vmem_shared>>
    %dma_wait3A_1705 = tpu.memref_slice %arg10[%dma_wait3A_1694] : memref<5x!tpu.dma_semaphore, #tpu.memory_space<semaphore_mem>> -> memref<1x!tpu.dma_semaphore, #tpu.memory_space<semaphore_mem>>
    %dma_wait3A_1706 = tpu.memref_squeeze %dma_wait3A_1705 : memref<1x!tpu.dma_semaphore, #tpu.memory_space<semaphore_mem>> -> memref<!tpu.dma_semaphore, #tpu.memory_space<semaphore_mem>>
    tpu.wait_indirect_dma semaphore(%dma_wait3A_1706 : memref<!tpu.dma_semaphore, #tpu.memory_space<semaphore_mem>>) src(%dma_wait3A_1704 : memref<100x128xf32, #tpu.memory_space<vmem_shared>>) dst(%dma_wait3A_1698 : memref<128x128xf32, #tpu.memory_space<vmem>>)
    %add3A_1707 = arith.constant 25472 : i32
    %add3A_1708 = arith.addi %mul3A_2, %add3A_1707 : i32
    %dma_start3A_1709 = arith.constant 4 : i32
    %dma_start3A_1710 = arith.constant 4 : i32
    %dma_start3A_1711 = arith.constant 0 : i32
    %dma_start3A_1712 = arith.constant 0 : i32
    %dma_start3A_1713 = tpu.memref_slice %arg7[%dma_start3A_1709, %dma_start3A_1711, %dma_start3A_1712] : memref<5x128x128xf32, #tpu.memory_space<vmem>> -> memref<1x128x128xf32, #tpu.memory_space<vmem>>
    %dma_start3A_1714 = tpu.memref_squeeze %dma_start3A_1713 : memref<1x128x128xf32, #tpu.memory_space<vmem>> -> memref<128x128xf32, #tpu.memory_space<vmem>>
    %dma_start3A_1715 = arith.constant 0 : i32
    %dma_start3A_1716 = tpu.memref_slice %arg4[%add3A_1708, %dma_start3A_1715] : memref<819200x128xf32, #tpu.memory_space<hbm>> -> memref<128x128xf32, #tpu.memory_space<hbm>>
    %dma_start3A_1717 = tpu.memref_slice %arg11[%dma_start3A_1710] : memref<5x!tpu.dma_semaphore, #tpu.memory_space<semaphore_mem>> -> memref<1x!tpu.dma_semaphore, #tpu.memory_space<semaphore_mem>>
    %dma_start3A_1718 = tpu.memref_squeeze %dma_start3A_1717 : memref<1x!tpu.dma_semaphore, #tpu.memory_space<semaphore_mem>> -> memref<!tpu.dma_semaphore, #tpu.memory_space<semaphore_mem>>
    %dma_start3A_1719 = arith.constant 0 : i32
    %dma_start3A_1720 = tpu.memref_slice %arg4[%add3A_1708, %dma_start3A_1719] : memref<819200x128xf32, #tpu.memory_space<hbm>> -> memref<128x128xf32, #tpu.memory_space<hbm>>
    %dma_start3A_1721 = arith.constant 0 : i32
    %dma_start3A_1722 = arith.constant 0 : i32
    %dma_start3A_1723 = tpu.memref_slice %arg7[%dma_start3A_1709, %dma_start3A_1721, %dma_start3A_1722] : memref<5x128x128xf32, #tpu.memory_space<vmem>> -> memref<1x128x128xf32, #tpu.memory_space<vmem>>
    %dma_start3A_1724 = tpu.memref_squeeze %dma_start3A_1723 : memref<1x128x128xf32, #tpu.memory_space<vmem>> -> memref<128x128xf32, #tpu.memory_space<vmem>>
    tpu.enqueue_dma source(%dma_start3A_1724 : memref<128x128xf32, #tpu.memory_space<vmem>>) target(%dma_start3A_1720 : memref<128x128xf32, #tpu.memory_space<hbm>>) target_semaphore(%dma_start3A_1718 : memref<!tpu.dma_semaphore, #tpu.memory_space<semaphore_mem>>)
    %dma_wait3A_1725 = arith.constant 0 : i32
    %dma_wait3A_1726 = arith.constant 0 : i32
    %dma_wait3A_1727 = arith.constant 0 : i32
    %dma_wait3A_1728 = tpu.memref_slice %arg5[%dma_wait3A_1725, %dma_wait3A_1727] : memref<5x128xf32, #tpu.memory_space<vmem>> -> memref<1x128xf32, #tpu.memory_space<vmem>>
    %dma_wait3A_1729 = tpu.memref_squeeze %dma_wait3A_1728 : memref<1x128xf32, #tpu.memory_space<vmem>> -> memref<128xf32, #tpu.memory_space<vmem>>
    %dma_wait3A_1730 = arith.constant 0 : i32
    %dma_wait3A_1731 = tpu.memref_slice %arg2[%dma_wait3A_1730] : memref<819200xf32, #tpu.memory_space<hbm>> -> memref<128xf32, #tpu.memory_space<hbm>>
    %dma_wait3A_1732 = tpu.memref_slice %arg9[%dma_wait3A_1726] : memref<5x!tpu.dma_semaphore, #tpu.memory_space<semaphore_mem>> -> memref<1x!tpu.dma_semaphore, #tpu.memory_space<semaphore_mem>>
    %dma_wait3A_1733 = tpu.memref_squeeze %dma_wait3A_1732 : memref<1x!tpu.dma_semaphore, #tpu.memory_space<semaphore_mem>> -> memref<!tpu.dma_semaphore, #tpu.memory_space<semaphore_mem>>
    %dma_wait3A_1734 = arith.constant 0 : i32
    %dma_wait3A_1735 = tpu.memref_slice %arg5[%dma_wait3A_1725, %dma_wait3A_1734] : memref<5x128xf32, #tpu.memory_space<vmem>> -> memref<1x128xf32, #tpu.memory_space<vmem>>
    %dma_wait3A_1736 = tpu.memref_squeeze %dma_wait3A_1735 : memref<1x128xf32, #tpu.memory_space<vmem>> -> memref<128xf32, #tpu.memory_space<vmem>>
    %dma_wait3A_1737 = arith.constant 0 : i32
    %dma_wait3A_1738 = tpu.memref_slice %arg2[%dma_wait3A_1737] : memref<819200xf32, #tpu.memory_space<hbm>> -> memref<128xf32, #tpu.memory_space<hbm>>
    tpu.wait_dma2 semaphore(%dma_wait3A_1733 : memref<!tpu.dma_semaphore, #tpu.memory_space<semaphore_mem>>) src(%dma_wait3A_1738 : memref<128xf32, #tpu.memory_space<hbm>>) dst(%dma_wait3A_1736 : memref<128xf32, #tpu.memory_space<vmem>>)
    %dma_wait3A_1739 = arith.constant 0 : i32
    %dma_wait3A_1740 = arith.constant 0 : i32
    %dma_wait3A_1741 = arith.constant 0 : i32
    %dma_wait3A_1742 = arith.constant 0 : i32
    %dma_wait3A_1743 = tpu.memref_slice %arg7[%dma_wait3A_1739, %dma_wait3A_1741, %dma_wait3A_1742] : memref<5x128x128xf32, #tpu.memory_space<vmem>> -> memref<1x128x128xf32, #tpu.memory_space<vmem>>
    %dma_wait3A_1744 = tpu.memref_squeeze %dma_wait3A_1743 : memref<1x128x128xf32, #tpu.memory_space<vmem>> -> memref<128x128xf32, #tpu.memory_space<vmem>>
    %dma_wait3A_1745 = arith.constant 0 : i32
    %dma_wait3A_1746 = arith.constant 0 : i32
    %dma_wait3A_1747 = tpu.memref_slice %arg4[%dma_wait3A_1745, %dma_wait3A_1746] : memref<819200x128xf32, #tpu.memory_space<hbm>> -> memref<128x128xf32, #tpu.memory_space<hbm>>
    %dma_wait3A_1748 = tpu.memref_slice %arg11[%dma_wait3A_1740] : memref<5x!tpu.dma_semaphore, #tpu.memory_space<semaphore_mem>> -> memref<1x!tpu.dma_semaphore, #tpu.memory_space<semaphore_mem>>
    %dma_wait3A_1749 = tpu.memref_squeeze %dma_wait3A_1748 : memref<1x!tpu.dma_semaphore, #tpu.memory_space<semaphore_mem>> -> memref<!tpu.dma_semaphore, #tpu.memory_space<semaphore_mem>>
    %dma_wait3A_1750 = arith.constant 0 : i32
    %dma_wait3A_1751 = arith.constant 0 : i32
    %dma_wait3A_1752 = tpu.memref_slice %arg4[%dma_wait3A_1750, %dma_wait3A_1751] : memref<819200x128xf32, #tpu.memory_space<hbm>> -> memref<128x128xf32, #tpu.memory_space<hbm>>
    %dma_wait3A_1753 = arith.constant 0 : i32
    %dma_wait3A_1754 = arith.constant 0 : i32
    %dma_wait3A_1755 = tpu.memref_slice %arg7[%dma_wait3A_1739, %dma_wait3A_1753, %dma_wait3A_1754] : memref<5x128x128xf32, #tpu.memory_space<vmem>> -> memref<1x128x128xf32, #tpu.memory_space<vmem>>
    %dma_wait3A_1756 = tpu.memref_squeeze %dma_wait3A_1755 : memref<1x128x128xf32, #tpu.memory_space<vmem>> -> memref<128x128xf32, #tpu.memory_space<vmem>>
    tpu.wait_dma2 semaphore(%dma_wait3A_1749 : memref<!tpu.dma_semaphore, #tpu.memory_space<semaphore_mem>>) src(%dma_wait3A_1756 : memref<128x128xf32, #tpu.memory_space<vmem>>) dst(%dma_wait3A_1752 : memref<128x128xf32, #tpu.memory_space<hbm>>)
    %dma_wait3A_1757 = arith.constant 1 : i32
    %dma_wait3A_1758 = arith.constant 1 : i32
    %dma_wait3A_1759 = arith.constant 0 : i32
    %dma_wait3A_1760 = arith.constant 0 : i32
    %dma_wait3A_1761 = tpu.memref_slice %arg7[%dma_wait3A_1757, %dma_wait3A_1759, %dma_wait3A_1760] : memref<5x128x128xf32, #tpu.memory_space<vmem>> -> memref<1x128x128xf32, #tpu.memory_space<vmem>>
    %dma_wait3A_1762 = tpu.memref_squeeze %dma_wait3A_1761 : memref<1x128x128xf32, #tpu.memory_space<vmem>> -> memref<128x128xf32, #tpu.memory_space<vmem>>
    %dma_wait3A_1763 = arith.constant 0 : i32
    %dma_wait3A_1764 = arith.constant 0 : i32
    %dma_wait3A_1765 = tpu.memref_slice %arg4[%dma_wait3A_1763, %dma_wait3A_1764] : memref<819200x128xf32, #tpu.memory_space<hbm>> -> memref<128x128xf32, #tpu.memory_space<hbm>>
    %dma_wait3A_1766 = tpu.memref_slice %arg11[%dma_wait3A_1758] : memref<5x!tpu.dma_semaphore, #tpu.memory_space<semaphore_mem>> -> memref<1x!tpu.dma_semaphore, #tpu.memory_space<semaphore_mem>>
    %dma_wait3A_1767 = tpu.memref_squeeze %dma_wait3A_1766 : memref<1x!tpu.dma_semaphore, #tpu.memory_space<semaphore_mem>> -> memref<!tpu.dma_semaphore, #tpu.memory_space<semaphore_mem>>
    %dma_wait3A_1768 = arith.constant 0 : i32
    %dma_wait3A_1769 = arith.constant 0 : i32
    %dma_wait3A_1770 = tpu.memref_slice %arg4[%dma_wait3A_1768, %dma_wait3A_1769] : memref<819200x128xf32, #tpu.memory_space<hbm>> -> memref<128x128xf32, #tpu.memory_space<hbm>>
    %dma_wait3A_1771 = arith.constant 0 : i32
    %dma_wait3A_1772 = arith.constant 0 : i32
    %dma_wait3A_1773 = tpu.memref_slice %arg7[%dma_wait3A_1757, %dma_wait3A_1771, %dma_wait3A_1772] : memref<5x128x128xf32, #tpu.memory_space<vmem>> -> memref<1x128x128xf32, #tpu.memory_space<vmem>>
    %dma_wait3A_1774 = tpu.memref_squeeze %dma_wait3A_1773 : memref<1x128x128xf32, #tpu.memory_space<vmem>> -> memref<128x128xf32, #tpu.memory_space<vmem>>
    tpu.wait_dma2 semaphore(%dma_wait3A_1767 : memref<!tpu.dma_semaphore, #tpu.memory_space<semaphore_mem>>) src(%dma_wait3A_1774 : memref<128x128xf32, #tpu.memory_space<vmem>>) dst(%dma_wait3A_1770 : memref<128x128xf32, #tpu.memory_space<hbm>>)
    %dma_wait3A_1775 = arith.constant 2 : i32
    %dma_wait3A_1776 = arith.constant 2 : i32
    %dma_wait3A_1777 = arith.constant 0 : i32
    %dma_wait3A_1778 = arith.constant 0 : i32
    %dma_wait3A_1779 = tpu.memref_slice %arg7[%dma_wait3A_1775, %dma_wait3A_1777, %dma_wait3A_1778] : memref<5x128x128xf32, #tpu.memory_space<vmem>> -> memref<1x128x128xf32, #tpu.memory_space<vmem>>
    %dma_wait3A_1780 = tpu.memref_squeeze %dma_wait3A_1779 : memref<1x128x128xf32, #tpu.memory_space<vmem>> -> memref<128x128xf32, #tpu.memory_space<vmem>>
    %dma_wait3A_1781 = arith.constant 0 : i32
    %dma_wait3A_1782 = arith.constant 0 : i32
    %dma_wait3A_1783 = tpu.memref_slice %arg4[%dma_wait3A_1781, %dma_wait3A_1782] : memref<819200x128xf32, #tpu.memory_space<hbm>> -> memref<128x128xf32, #tpu.memory_space<hbm>>
    %dma_wait3A_1784 = tpu.memref_slice %arg11[%dma_wait3A_1776] : memref<5x!tpu.dma_semaphore, #tpu.memory_space<semaphore_mem>> -> memref<1x!tpu.dma_semaphore, #tpu.memory_space<semaphore_mem>>
    %dma_wait3A_1785 = tpu.memref_squeeze %dma_wait3A_1784 : memref<1x!tpu.dma_semaphore, #tpu.memory_space<semaphore_mem>> -> memref<!tpu.dma_semaphore, #tpu.memory_space<semaphore_mem>>
    %dma_wait3A_1786 = arith.constant 0 : i32
    %dma_wait3A_1787 = arith.constant 0 : i32
    %dma_wait3A_1788 = tpu.memref_slice %arg4[%dma_wait3A_1786, %dma_wait3A_1787] : memref<819200x128xf32, #tpu.memory_space<hbm>> -> memref<128x128xf32, #tpu.memory_space<hbm>>
    %dma_wait3A_1789 = arith.constant 0 : i32
    %dma_wait3A_1790 = arith.constant 0 : i32
    %dma_wait3A_1791 = tpu.memref_slice %arg7[%dma_wait3A_1775, %dma_wait3A_1789, %dma_wait3A_1790] : memref<5x128x128xf32, #tpu.memory_space<vmem>> -> memref<1x128x128xf32, #tpu.memory_space<vmem>>
    %dma_wait3A_1792 = tpu.memref_squeeze %dma_wait3A_1791 : memref<1x128x128xf32, #tpu.memory_space<vmem>> -> memref<128x128xf32, #tpu.memory_space<vmem>>
    tpu.wait_dma2 semaphore(%dma_wait3A_1785 : memref<!tpu.dma_semaphore, #tpu.memory_space<semaphore_mem>>) src(%dma_wait3A_1792 : memref<128x128xf32, #tpu.memory_space<vmem>>) dst(%dma_wait3A_1788 : memref<128x128xf32, #tpu.memory_space<hbm>>)
    %dma_wait3A_1793 = arith.constant 3 : i32
    %dma_wait3A_1794 = arith.constant 3 : i32
    %dma_wait3A_1795 = arith.constant 0 : i32
    %dma_wait3A_1796 = arith.constant 0 : i32
    %dma_wait3A_1797 = tpu.memref_slice %arg7[%dma_wait3A_1793, %dma_wait3A_1795, %dma_wait3A_1796] : memref<5x128x128xf32, #tpu.memory_space<vmem>> -> memref<1x128x128xf32, #tpu.memory_space<vmem>>
    %dma_wait3A_1798 = tpu.memref_squeeze %dma_wait3A_1797 : memref<1x128x128xf32, #tpu.memory_space<vmem>> -> memref<128x128xf32, #tpu.memory_space<vmem>>
    %dma_wait3A_1799 = arith.constant 0 : i32
    %dma_wait3A_1800 = arith.constant 0 : i32
    %dma_wait3A_1801 = tpu.memref_slice %arg4[%dma_wait3A_1799, %dma_wait3A_1800] : memref<819200x128xf32, #tpu.memory_space<hbm>> -> memref<128x128xf32, #tpu.memory_space<hbm>>
    %dma_wait3A_1802 = tpu.memref_slice %arg11[%dma_wait3A_1794] : memref<5x!tpu.dma_semaphore, #tpu.memory_space<semaphore_mem>> -> memref<1x!tpu.dma_semaphore, #tpu.memory_space<semaphore_mem>>
    %dma_wait3A_1803 = tpu.memref_squeeze %dma_wait3A_1802 : memref<1x!tpu.dma_semaphore, #tpu.memory_space<semaphore_mem>> -> memref<!tpu.dma_semaphore, #tpu.memory_space<semaphore_mem>>
    %dma_wait3A_1804 = arith.constant 0 : i32
    %dma_wait3A_1805 = arith.constant 0 : i32
    %dma_wait3A_1806 = tpu.memref_slice %arg4[%dma_wait3A_1804, %dma_wait3A_1805] : memref<819200x128xf32, #tpu.memory_space<hbm>> -> memref<128x128xf32, #tpu.memory_space<hbm>>
    %dma_wait3A_1807 = arith.constant 0 : i32
    %dma_wait3A_1808 = arith.constant 0 : i32
    %dma_wait3A_1809 = tpu.memref_slice %arg7[%dma_wait3A_1793, %dma_wait3A_1807, %dma_wait3A_1808] : memref<5x128x128xf32, #tpu.memory_space<vmem>> -> memref<1x128x128xf32, #tpu.memory_space<vmem>>
    %dma_wait3A_1810 = tpu.memref_squeeze %dma_wait3A_1809 : memref<1x128x128xf32, #tpu.memory_space<vmem>> -> memref<128x128xf32, #tpu.memory_space<vmem>>
    tpu.wait_dma2 semaphore(%dma_wait3A_1803 : memref<!tpu.dma_semaphore, #tpu.memory_space<semaphore_mem>>) src(%dma_wait3A_1810 : memref<128x128xf32, #tpu.memory_space<vmem>>) dst(%dma_wait3A_1806 : memref<128x128xf32, #tpu.memory_space<hbm>>)
    %dma_wait3A_1811 = arith.constant 4 : i32
    %dma_wait3A_1812 = arith.constant 4 : i32
    %dma_wait3A_1813 = arith.constant 0 : i32
    %dma_wait3A_1814 = arith.constant 0 : i32
    %dma_wait3A_1815 = tpu.memref_slice %arg7[%dma_wait3A_1811, %dma_wait3A_1813, %dma_wait3A_1814] : memref<5x128x128xf32, #tpu.memory_space<vmem>> -> memref<1x128x128xf32, #tpu.memory_space<vmem>>
    %dma_wait3A_1816 = tpu.memref_squeeze %dma_wait3A_1815 : memref<1x128x128xf32, #tpu.memory_space<vmem>> -> memref<128x128xf32, #tpu.memory_space<vmem>>
    %dma_wait3A_1817 = arith.constant 0 : i32
    %dma_wait3A_1818 = arith.constant 0 : i32
    %dma_wait3A_1819 = tpu.memref_slice %arg4[%dma_wait3A_1817, %dma_wait3A_1818] : memref<819200x128xf32, #tpu.memory_space<hbm>> -> memref<128x128xf32, #tpu.memory_space<hbm>>
    %dma_wait3A_1820 = tpu.memref_slice %arg11[%dma_wait3A_1812] : memref<5x!tpu.dma_semaphore, #tpu.memory_space<semaphore_mem>> -> memref<1x!tpu.dma_semaphore, #tpu.memory_space<semaphore_mem>>
    %dma_wait3A_1821 = tpu.memref_squeeze %dma_wait3A_1820 : memref<1x!tpu.dma_semaphore, #tpu.memory_space<semaphore_mem>> -> memref<!tpu.dma_semaphore, #tpu.memory_space<semaphore_mem>>
    %dma_wait3A_1822 = arith.constant 0 : i32
    %dma_wait3A_1823 = arith.constant 0 : i32
    %dma_wait3A_1824 = tpu.memref_slice %arg4[%dma_wait3A_1822, %dma_wait3A_1823] : memref<819200x128xf32, #tpu.memory_space<hbm>> -> memref<128x128xf32, #tpu.memory_space<hbm>>
    %dma_wait3A_1825 = arith.constant 0 : i32
    %dma_wait3A_1826 = arith.constant 0 : i32
    %dma_wait3A_1827 = tpu.memref_slice %arg7[%dma_wait3A_1811, %dma_wait3A_1825, %dma_wait3A_1826] : memref<5x128x128xf32, #tpu.memory_space<vmem>> -> memref<1x128x128xf32, #tpu.memory_space<vmem>>
    %dma_wait3A_1828 = tpu.memref_squeeze %dma_wait3A_1827 : memref<1x128x128xf32, #tpu.memory_space<vmem>> -> memref<128x128xf32, #tpu.memory_space<vmem>>
    tpu.wait_dma2 semaphore(%dma_wait3A_1821 : memref<!tpu.dma_semaphore, #tpu.memory_space<semaphore_mem>>) src(%dma_wait3A_1828 : memref<128x128xf32, #tpu.memory_space<vmem>>) dst(%dma_wait3A_1824 : memref<128x128xf32, #tpu.memory_space<hbm>>)
    return
  }
}

</mosaic_0001>

<sc_bundles>
// kernel: kernel.3.cloned.1.call-start
scs
__scs_entry_jumppad:
0x0: {  	(pc) =	sbr.rel $0x88, $3  }
0x1: {  	(tag) =	ssettag $0x0;
	lr =	simm.s32 $0x1  }
0x2: {  	[smem:$0x3F9F] =	sst lr;
	_ =	strace $0xD0000000  }
0x3: {  	_ = 	snop  }
0x4: {  	_ = 	snop  }
0x5: {  	_ = 	snop  }
0x6: {  	_ = 	snop  }
0x7: {  	_ = 	snop  }
__scs_overlays_trampoline_lowered:
0x8: {  	[smem:$0x3FAE] =	sst s0  }
0x9: {  	[smem:$0x3FAF] =	sst s1  }
0xa: {  	[smem:$0x3FB0] =	sst s2  }
0xb: {  	[smem:$0x3FB1] =	sst s3  }
0xc: {  	[smem:$0x3FB2] =	sst s4  }
0xd: {  	[smem:$0x3FB3] =	sst s5  }
0xe: {  	[smem:$0x3FB4] =	sst s6  }
0xf: {  	[smem:$0x3FB5] =	sst s7  }
0x10: {  	[smem:$0x3FB6] =	sst s8  }
0x11: {  	[smem:$0x3FB7] =	sst s9;
	s0 =	simm.s32 @!p0 $0x0  }
0x12: {  	s1 =	sld [smem:$0x3F9D];
	s0 =	simm.s32 @p0 $0x1  }
0x13: {  	[smem:$0x3FB8] =	sst s0;
	s0 =	simm.s32 @!p1 $0x0  }
0x14: {  	s2 =	sld [smem:$0x3F9C];
	s0 =	simm.s32 @p1 $0x1  }
0x15: {  	[smem:$0x3FB9] =	sst s0;
	s0 =	simm.s32 @!p2 $0x0  }
0x16: {  	s3 =	sld [smem:$0x3FDB];
	s0 =	simm.s32 @p2 $0x1  }
0x17: {  	s4 =	simm.s32 $0x1BF5;
	[smem:$0x3FBB] =	sst s0  }
0x18: {  	s0 =	sld [smem:$0x3F9E];
	_ =	swait.ge [sflag:s4], $0x0  }
0x19: {  	s7 =	sld [smem:$0x3F9F]  }
0x1a: {  	s8 =	sadd.s32 $0xFFFFE003, lr  }
0x1b: {  	s9 =	sadd.s32 $0xFFFFFEF7, lr;
	s5 =	simm.s32 $0xFFFFFFFF;
	p2 =	slt.u32 s8, $0xFFFFF086  }
0x1c: {  	p1 =	slt.u32 s9, $0xF7A;
	s5 =	simm.s32 @!p2 $0x0  }
0x1d: {  	s5 =	simm.s32 @p1 $0x1;
	p0 =	seq.s32 s7, s2  }
0x1e: {  	s7 =	smul.u32 @!p0 $0xF7A, s2;
	p2 =	seq.s32 @!p0 s5, $0x0  }
0x1f: {  	s9 =	smul.u32 $0xF7A, s1;
	s8 =	simm.s32 @!p0 $0x1BF5;
	p2 =	por !p2, p0  }
0x20: {  	[sflag:s8] =	ssyncset.s32 @!p0 $0xFFFFF086;
	s6 =	sadd.s32 @!p0 s3, s7;
	s7 =	simm.s32 @!p0 $0x108  }
0x21: {  	s3 =	sadd.s32 s3, s9;
	s6 =	sadd.s32 @!p0 $0x88, s6;
	s7 =	simm.s32 @p2 $0x1082  }
0x22: {  	[simem:s7], [sflag:s8] =	dma.local @!p0 [hbm:s6], $0xF7A  }
0x23: {  	s9 =	sor.u32 $0xD0000000, s2;
	s6 =	simm.s32 $0x108;
	_ =	swait.ge @!p0 [sflag:s8], $0x0  }
0x24: {  	s3 =	sadd.s32 $0x88, s3;
	s6 =	simm.s32 @!p1 $0x1082;
	[sflag:s4] =	ssyncset.s32 $0xFFFFF086  }
0x25: {  	[simem:s6], [sflag:s4] =	dma.local [hbm:s3], $0xF7A  }
0x26: {  	[smem:$0x3F9F] =	sst s1;
	(tag) =	ssettag s2;
	_ =	strace s9  }
0x27: {  	s1 =	sld [smem:$0x3FAF]  }
0x28: {  	s2 =	sld [smem:$0x3FB0]  }
0x29: {  	s4 =	sld [smem:$0x3FB2]  }
0x2a: {  	p0 =	seq.s32 s5, $0x0;
	s5 =	sld [smem:$0x3FB3]  }
0x2b: {  	s6 =	sld [smem:$0x3FB4]  }
0x2c: {  	s7 =	sld [smem:$0x3FB5]  }
0x2d: {  	s3 =	simm.s32 $0x108;
	s8 =	sld [smem:$0x3FB6]  }
0x2e: {  	s3 =	simm.s32 @!p0 $0x1082;
	s9 =	sld [smem:$0x3FB7]  }
0x2f: {  	lr =	sadd.s32 s0, s3;
	s0 =	sld [smem:$0x3FAE]  }
0x30: {  	s3 =	sld [smem:$0x3FB1]  }
0x31: {  	[smem:$0x3FBA] =	sst s10  }
0x32: {  	s10 =	sld [smem:$0x3FB8];
	_ =	sdelay $0x3  }
0x33: {  	p0 =	seq.s32 s10, $0x1;
	s10 =	sld [smem:$0x3FBA];
	_ =	sdelay $0x3  }
0x34: {  	[smem:$0x3FBA] =	sst s10  }
0x35: {  	s10 =	sld [smem:$0x3FB9];
	_ =	sdelay $0x3  }
0x36: {  	p1 =	seq.s32 s10, $0x1;
	s10 =	sld [smem:$0x3FBA];
	_ =	sdelay $0x3  }
0x37: {  	[smem:$0x3FBA] =	sst s10  }
0x38: {  	s10 =	sld [smem:$0x3FBB]  }
0x39: {  	_ = 	snop;
	(pc) =	sbr.ind lr, $3  }
0x3a: {  	_ = 	snop  }
0x3b: {  	_ = 	snop  }
0x3c: {  	p2 =	seq.s32 s10, $0x1;
	s10 =	sld [smem:$0x3FBA]  }
0x3d: {  	_ =	shalt  }
0x3e: {  	_ =	shalt  }
0x3f: {  	_ =	shalt  }
0x40: {  	_ =	shalt  }
0x41: {  	_ =	shalt  }
0x42: {  	_ =	shalt  }
0x43: {  	_ =	shalt  }
0x44: {  	_ =	shalt  }
0x45: {  	_ =	shalt  }
0x46: {  	_ =	shalt  }
0x47: {  	_ =	shalt  }
0x48: {  	_ =	shalt  }
0x49: {  	_ =	shalt  }
0x4a: {  	_ =	shalt  }
0x4b: {  	_ =	shalt  }
0x4c: {  	_ =	shalt  }
0x4d: {  	_ =	shalt  }
0x4e: {  	_ =	shalt  }
0x4f: {  	_ =	shalt  }
0x50: {  	_ =	shalt  }
0x51: {  	_ =	shalt  }
0x52: {  	_ =	shalt  }
0x53: {  	_ =	shalt  }
0x54: {  	_ =	shalt  }
0x55: {  	_ =	shalt  }
0x56: {  	_ =	shalt  }
0x57: {  	_ =	shalt  }
0x58: {  	_ =	shalt  }
0x59: {  	_ =	shalt  }
0x5a: {  	_ =	shalt  }
0x5b: {  	_ =	shalt  }
0x5c: {  	_ =	shalt  }
0x5d: {  	_ =	shalt  }
0x5e: {  	_ =	shalt  }
0x5f: {  	_ =	shalt  }
0x60: {  	_ =	shalt  }
0x61: {  	_ =	shalt  }
0x62: {  	_ =	shalt  }
0x63: {  	_ =	shalt  }
0x64: {  	_ =	shalt  }
0x65: {  	_ =	shalt  }
0x66: {  	_ =	shalt  }
0x67: {  	_ =	shalt  }
0x68: {  	_ =	shalt  }
0x69: {  	_ =	shalt  }
0x6a: {  	_ =	shalt  }
0x6b: {  	_ =	shalt  }
0x6c: {  	_ =	shalt  }
0x6d: {  	_ =	shalt  }
0x6e: {  	_ =	shalt  }
0x6f: {  	_ =	shalt  }
0x70: {  	_ =	shalt  }
0x71: {  	_ =	shalt  }
0x72: {  	_ =	shalt  }
0x73: {  	_ =	shalt  }
0x74: {  	_ =	shalt  }
0x75: {  	_ =	shalt  }
0x76: {  	_ =	shalt  }
0x77: {  	_ =	shalt  }
0x78: {  	_ =	shalt  }
0x79: {  	_ =	shalt  }
0x7a: {  	_ =	shalt  }
0x7b: {  	_ =	shalt  }
0x7c: {  	_ =	shalt  }
0x7d: {  	_ =	shalt  }
0x7e: {  	_ =	shalt  }
0x7f: {  	_ =	shalt  }
0x80: {  	_ =	shalt  }
0x81: {  	_ =	shalt  }
0x82: {  	_ =	shalt  }
0x83: {  	_ =	shalt  }
0x84: {  	_ =	shalt  }
0x85: {  	_ =	shalt  }
0x86: {  	_ =	shalt  }
0x87: {  	_ =	shalt  }
.Lfunc_end0:
.L_simem_size_0:
called_computation_lowered:
.L_overlay_start_0:
0x88: {  	s2 =	sld [smem:$0x3FD9]  }
0x89: {  	s3 =	sld [smem:$0x3FFE];
	_ =	sdelay $0x1  }
0x8a: {  	s1 =	srdreg.scid  }
0x8b: {  	s0 =	sand.u32 $0x1, s1  }
0x8c: {  	s17 =	sshll.u32 s0, $0xA;
	s2 =	sadd.s32 s3, s2  }
0x8d: {  	s2 =	sadd.s32 s2, s17  }
0x8e: {  	[smem:$0x3FC6] =	sst s2  }
0x8f: {  	_ = 	snop  }
0x90: {  	s2 =	sld [smem:$0x3FC8]  }
0x91: {  	s18 =	sld [smem:$0x3FD0];
	(tm) =	ssettm $0x1  }
0x92: {  	s4 =	sld [smem:$0x3FFB];
	_ =	sdelay $0x3  }
0x93: {  	_ =	strace s4  }
0x94: {  	s4 =	sld [smem:$0x3FFC];
	_ =	sdelay $0x3  }
0x95: {  	_ =	strace s4  }
0x96: {  	s4 =	sld [smem:$0x3FFD];
	_ =	sdelay $0x3  }
0x97: {  	_ =	strace s4  }
0x98: {  	_ =	strace $0x8FFFFFFF  }
0x99: {  	s19 =	sld [smem:$0x3FDB];
	_ =	sdelay $0x1  }
0x9a: {  	s5 =	simm.s32 $_scs_section_size  }
0x9b: {  	s6 =	simm.s32 $_size__tile_overlayer_lowered;
	s7 =	simm.s32 $_tile_overlayer_lowered  }
0x9c: {  	s22 =	simm.s32 $0x1BFF;
	s21 =	sshll.u32 s7, $0x1;
	s4 =	sadd.s32 s5, s19  }
0x9d: {  	s8 =	simm.s32 $0x0;
	s20 =	sshll.u32 s6, $0x1;
	s6 =	sadd.s32 s21, s4  }
0x9e: {  	[timem:s8], [sflag:s22] =	dma.local [hbm:s6], s20  }
0x9f: {  	_ =	swait.ge [sflag:s22], s20  }
0xa0: {  	s5 =	ssub.s32 $0x0, s20;
	[sflag:s22] =	ssyncset.done $0x0  }
0xa1: {  	[sflag:s22] =	ssyncadd.s32 s5;
	_ =	sdelay $0x1  }
0xa2: {  	s23 =	simm.s32 $0x1B8B  }
0xa3: {  	_ =	swait.ge [sflag:s23], $0x1  }
0xa4: {  	[sflag:s23] =	ssyncset.done $0x0  }
0xa5: {  	s25 =	simm.s32 $0x1B8E;
	s24 =	sld [smem:$0x3FFE];
	[sflag:s23] =	ssyncadd.s32 $0xFFFFFFFF  }
0xa6: {  	s26 =	simm.s32 $execute0_lowered;
	[smem:$0x3FD2] =	sst s25  }
0xa7: {  	s6 =	sshll.u32 s26, $0x1;
	_ =	strace $0x80000046;
	[dreg:$0x1] =	wrdreg $0xFFFFFFFF  }
0xa8: {  	s28 =	simm.s32 $_size_execute0_lowered;
	s4 =	sadd.s32 s4, s6;
	[dreg:$0x0] =	wrdreg $0x0  }
0xa9: {  	s6 =	sshll.u32 s28, $0x1;
	[dreg:$0x2] =	wrdreg s4  }
0xaa: {  	[dreg:$0x3] =	wrdreg s6  }
0xab: {  	[dreg:$0x4] =	wrdreg $0xC0  }
0xac: {  	_ =	task [dreg:s8], $0x5FFFF  }
0xad: {  	[dreg:$0x1] =	wrdreg $0xFFFFFFFF  }
0xae: {  	[dreg:$0x0] =	wrdreg $0x60  }
0xaf: {  	[dreg:$0x2] =	wrdreg s24  }
0xb0: {  	[dreg:$0x3] =	wrdreg s2  }
0xb1: {  	[dreg:$0x4] =	wrdreg s18  }
0xb2: {  	[dreg:$0x5] =	wrdreg $0x148000  }
0xb3: {  	[dreg:$0x6] =	wrdreg $0x9  }
0xb4: {  	_ =	task.clear_ibuf [dreg:s8], $0x7FFFF;
	_ =	strace $0x90000046  }
0xb5: {  	s29 =	simm.s32 $0x9;
	_ =	strace $0x80000048  }
0xb6: {  	_ =	swait.ge [sflag:s29], $0x1  }
0xb7: {  	[sflag:s29] =	ssyncadd.s32 $0xFFFFFFFF  }
0xb8: {  	_ =	strace $0x90000048  }
0xb9: {  	_ =	sfence  }
0xba: {  	s30 =	sld [smem:$0x0];
	_ =	sdelay $0x2  }
0xbb: {  	s31 =	sshll.u32 s1, $0xD;
	s1 =	sshrl.u32 s1, $0x2  }
0xbc: {  	s3 =	sand.u32 $0x4000, s31;
	s1 =	sadd.s32 s1, s30  }
0xbd: {  	s0 =	sor.u32 s3, s0;
	s1 =	sshll.u32 s1, $0x11  }
0xbe: {  	s0 =	sor.u32 s1, s0  }
0xbf: {  	s0 =	sadd.s32 $0x8F2B, s0  }
0xc0: {  	[sflag:s0] =	ssyncadd.remote.s32 $0x1  }
0xc1: {  	_ =	sfence.sel $0xFFFF  }
0xc2: {  	[dreg:$0x0] =	wrdreg $0xFFFFFFFF;
	(pc) =	sbr.abs _section_cstart, $3  }
0xc3: {  	[dreg:$0x1] =	wrdreg $0xFFFFFFFF  }
0xc4: {  	_ =	task.clear_ibuf [dreg:s8], $0x2FFFF;
	_ =	strace $0x9FFFFFFF  }
0xc5: {  	(tm) =	ssettm $0x7FFFFFFF  }
tec
execute0_lowered:
.L_overlay_start_1:
0x0: {  	(tag) =	ssettag $0x1  }
0x1: {  	s1 =	rddreg [dreg:$0x0]  }
0x2: {  	s5 =	rddreg [dreg:$0x2]  }
0x3: {  	s3 =	srdreg.scid;
	s0 =	stileid.u32  }
0x4: {  	s2 =	rddreg [dreg:$0x3];
	s29 =	simm.s32 $0x480;
	s30 =	simm.s32 $0x180  }
0x5: {  	s31 =	simm.s32 $0x500;
	s6 =	sand.u32 $0x1, s3;
	s4 =	sshll.u32 s0, $0x1  }
0x6: {  	s28 =	simm.s32 $0xC800;
	s3 =	simm.s32 $0x0;
	s7 =	sor.u32 s6, s4  }
0x7: {  	s12 =	sadd.s32 $0x400, s1;
	p0 =	sne.s32 s0, $0x0;
	s9 =	smul.u32 $0x6400, s7  }
0x8: {  	[smem:$0x7FF] =	sst s3;
	s8 =	ssub.s32 $0x2, s6;
	s20 =	smul.u32 $0x64000, s7  }
0x9: {  	_ =	strace $0x80000047;
	s24 =	sshrl.u32 s8, $0x1;
	s7 =	smul.u32 $0x320000, s7  }
0xa: {  	s1 =	ssub.s32 s8, s24;
	s24 =	smul.u32 $0xC800, s0;
	s25 =	sshrl.u32 s9, $0x3  }
0xb: {  	s10 =	sor.u32 $0x80, s9;
	s11 =	sor.u32 $0x100, s9;
	s14 =	sor.u32 $0x180, s9  }
0xc: {  	s17 =	sor.u32 $0x200, s9;
	s22 =	sor.u32 $0x280, s9;
	s23 =	sadd.s32 s5, s20  }
0xd: {  	s7 =	sshrl.u32 s7, $0x3;
	s1 =	smax.u32 s1, $0x1;
	s9 =	simm.s32 $0x8800  }
0xe: {  	s26 =	sadd.s32 s12, s25;
	s4 =	sshrl.u32 s10, $0x3;
	s13 =	sshrl.u32 s11, $0x3  }
0xf: {  	s16 =	sshrl.u32 s14, $0x3;
	s19 =	sshrl.u32 s17, $0x3;
	[dreg:$0xb] =	wrdreg s23  }
0x10: {  	s10 =	sshll.u32 s10, $0x4;
	s25 =	smul.u32 $0x6400, s6;
	[dreg:$0x11] =	wrdreg s1  }
0x11: {  	s7 =	sadd.s32 s5, s7;
	[dreg:$0x6] =	wrdreg s26;
	s8 =	sadd.s32 s12, s4  }
0x12: {  	s6 =	smul.u32 $0x64000, s6;
	s15 =	sadd.s32 s12, s13;
	[dreg:$0x7] =	wrdreg s8  }
0x13: {  	s11 =	simm.s32 $0x580;
	s18 =	sadd.s32 s12, s16;
	[dreg:$0x8] =	wrdreg s15  }
0x14: {  	s21 =	sadd.s32 s12, s19;
	s13 =	sadd.s32 $0x63000, s7;
	[dreg:$0x9] =	wrdreg s18  }
0x15: {  	s19 =	smul.u32 $0xC8000, s0;
	s4 =	simm.s32 $0x0;
	[dreg:$0xa] =	wrdreg s21  }
0x16: {  	s8 =	sshrl.u32 s22, $0x3;
	[dreg:$0xf] =	wrdreg s13;
	s14 =	sadd.s32 s25, s24  }
0x17: {  	s15 =	sadd.s32 $0x63800, s7;
	s13 =	simm.s32 $0x200;
	s26 =	sadd.s32 s12, s8  }
0x18: {  	s8 =	sadd.s32 s5, s10;
	s10 =	sadd.s32 $0x62800, s7;
	[dreg:$0x10] =	wrdreg s15  }
0x19: {  	s16 =	sadd.s32 $0x500, s14;
	s17 =	sadd.s32 $0x480, s14;
	s18 =	sadd.s32 $0x400, s14  }
0x1a: {  	s21 =	sadd.s32 s19, s5;
	s22 =	sor.u32 $0x380, s14;
	[dreg:$0xc] =	wrdreg s26  }
0x1b: {  	s23 =	sor.u32 $0x300, s14;
	s15 =	simm.s32 $0x800;
	[dreg:$0xd] =	wrdreg s8  }
0x1c: {  	s5 =	simm.s32 $0x4800;
	s19 =	simm.s32 $0xB;
	[dreg:$0xe] =	wrdreg s10  }
0x1d: {  	s14 =	simm.s32 $0x6;
	[dreg:$0x12] =	wrdreg s16;
	s1 =	sshrl.u32 s17, $0x3  }
0x1e: {  	s7 =	sshrl.u32 s18, $0x3;
	s24 =	sshrl.u32 s22, $0x3;
	s25 =	sshrl.u32 s23, $0x3  }
0x1f: {  	s22 =	simm.s32 $0x80;
	s8 =	simm.s32 $0x400;
	s10 =	simm.s32 $0x4  }
0x20: {  	s17 =	simm.s32 $0x600;
	s18 =	simm.s32 $0x8;
	s23 =	simm.s32 $0xD  }
0x21: {  	s16 =	simm.s32 $0x7;
	s1 =	sadd.s32 s1, s12;
	s20 =	sadd.s32 s7, s12  }
0x22: {  	s26 =	sadd.s32 s25, s12;
	s7 =	simm.s32 $0x3;
	[dreg:$0x13] =	wrdreg s1  }
0x23: {  	s25 =	simm.s32 $0x10800;
	[dreg:$0x14] =	wrdreg s20;
	s1 =	sadd.s32 s6, s21  }
0x24: {  	[dreg:$0x16] =	wrdreg s26;
	s26 =	simm.s32 $0x100;
	s20 =	simm.s32 $0x9  }
0x25: {  	s21 =	simm.s32 $0xC;
	[dreg:$0x5] =	wrdreg s1;
	s1 =	sadd.s32 s24, s12  }
0x26: {  	s24 =	simm.s32 $0xA;
	[dreg:$0x15] =	wrdreg s1;
	s1 =	simm.s32 $0x2  }
.LBB2_1:
0x27: {  	[dreg:$0x17] =	wrdreg s4  }
0x28: {  	s0 =	sshrl.u32 @!p0 s2, $0x3;
	s6 =	simm.s32 @!p0 $0x1C10;
	s4 =	rddreg [dreg:$0x1]  }
0x29: {  	[spmem:s0], [sflag:s6] =	dma.local @!p0 [hbm:s4], $0x640  }
0x2a: {  	s0 =	simm.s32 @!p0 $0x10  }
0x2b: {  	_ =	swait.ge @!p0 [sflag:s0], $0x640  }
0x2c: {  	[sflag:s0] =	ssyncset.done @!p0 $0x0  }
0x2d: {  	[sflag:s0] =	ssyncadd.s32 @!p0 $0xFFFFF9C0  }
0x2e: {  	[bflag:$0x0] =	sbarrier.arrive $0xFFFF  }
0x2f: {  	s4 =	rddreg [dreg:$0x6]  }
0x30: {  	[tilespmem:s3], [sflag:$0x1] =	stream.linear.gather [hbm4b:s4+s3], $0x80, $0x38;
	[tilespmem:$0x14B20] =	vst v63  }
0x31: {  	s6 =	rddreg [dreg:$0x7];
	s4 =	simm.s32 $0x1  }
0x32: {  	[tilespmem:s22], [sflag:$0x2] =	stream.linear.gather [hbm4b:s6+s3], $0x80, $0x38;
	[tilespmem:$0x14B20] =	vst v63  }
0x33: {  	_ =	swait.ge [sflag:s4], $0x80  }
0x34: {  	[sflag:s4] =	ssyncset.done $0x0  }
0x35: {  	[sflag:s4] =	ssyncadd.s32 $0xFFFFFF80  }
0x36: {  	v0 =	vld [tilespmem:$0x0]  }
0x37: {  	v1 =	vld [tilespmem:$0x10]  }
0x38: {  	v2 =	vld [tilespmem:$0x20]  }
0x39: {  	v3 =	vld [tilespmem:$0x30]  }
0x3a: {  	v7 =	vld [tilespmem:$0x40];
	_ =	sdelay $0x2  }
0x3b: {  	v0 =	vmax.f32 v0, $9.999999770e-03;
	v1 =	vmax.f32 v1, $9.999999770e-03;
	v2 =	vmax.f32 v2, $9.999999770e-03  }
0x3c: {  	v11 =	vld [tilespmem:$0x50];
	v3 =	vmax.f32 v3, $9.999999770e-03;
	v0 =	vmul.f32 $1.000000000e+02, v0;
	v1 =	vmul.f32 $1.000000000e+02, v1  }
0x3d: {  	v7 =	vmax.f32 v7, $9.999999770e-03;
	v2 =	vmul.f32 $1.000000000e+02, v2;
	v3 =	vmul.f32 $1.000000000e+02, v3  }
0x3e: {  	v7 =	vmul.f32 $1.000000000e+02, v7;
	v0 =	vadd.f32 $5.000000000e-01, v0;
	v1 =	vadd.f32 $5.000000000e-01, v1  }
0x3f: {  	v2 =	vadd.f32 $5.000000000e-01, v2;
	v3 =	vadd.f32 $5.000000000e-01, v3  }
0x40: {  	v24 =	vld [tilespmem:$0x60];
	v7 =	vadd.f32 $5.000000000e-01, v7;
	v4 =	vtrunc.f32 v0;
	v19 =	vtrunc.f32 v1  }
0x41: {  	v27 =	vmax.f32 v11, $9.999999770e-03;
	v8 =	vtrunc.f32 v2;
	v22 =	vtrunc.f32 v3  }
0x42: {  	v28 =	vtrunc.f32 v7;
	v5 =	vcvt.f32.s32 v4;
	vm0 =	veq.f32 v0, v4  }
0x43: {  	v6 =	vcvt.f32.s32 v19;
	v10 =	vcvt.f32.s32 v8;
	vm14 =	veq.f32 v1, v19  }
0x44: {  	vm1 =	veq.f32 v2, v8;
	v23 =	vcvt.f32.s32 v22;
	vm15 =	veq.f32 v3, v22  }
0x45: {  	v25 =	vld [tilespmem:$0x70];
	v4 =	vmul.f32 $1.000000000e+02, v27;
	v8 =	vmax.f32 v24, $9.999999770e-03;
	v29 =	vcvt.f32.s32 v28  }
0x46: {  	vm4 =	veq.f32 v7, v28;
	v8 =	vmul.f32 $1.000000000e+02, v8;
	v18 =	vand.u32 $0x1, v5  }
0x47: {  	v9 =	vand.u32 $0x1, v6;
	v21 =	vand.u32 $0x1, v10;
	v26 =	vand.u32 $0x1, v23  }
0x48: {  	v4 =	vadd.f32 $5.000000000e-01, v4;
	v31 =	vand.u32 $0x1, v29;
	v0 =	vxor.u32 $0xFFFFFFFF, v18  }
0x49: {  	v20 =	vxor.u32 $0xFFFFFFFF, v9;
	v2 =	vxor.u32 $0xFFFFFFFF, v21;
	v3 =	vxor.u32 $0xFFFFFFFF, v26  }
0x4a: {  	v9 =	vmax.f32 v25, $9.999999770e-03;
	v8 =	vadd.f32 $5.000000000e-01, v8;
	v32 =	vxor.u32 $0xFFFFFFFF, v31  }
0x4b: {  	v0 =	vnsel vm0, $0xFFFFFFFF, v0;
	v1 =	vnsel vm14, $0xFFFFFFFF, v20;
	v2 =	vnsel vm1, $0xFFFFFFFF, v2  }
0x4c: {  	v3 =	vnsel vm15, $0xFFFFFFFF, v3;
	v30 =	vtrunc.f32 v4;
	v9 =	vmul.f32 $1.000000000e+02, v9  }
0x4d: {  	v38 =	vnsel vm4, $0xFFFFFFFF, v32;
	v0 =	vadd.s32 v5, v0;
	v1 =	vadd.s32 v6, v1  }
0x4e: {  	v2 =	vadd.s32 v10, v2;
	v12 =	vcvt.f32.s32 v30;
	v33 =	vadd.f32 $5.000000000e-01, v9  }
0x4f: {  	v3 =	vadd.s32 v23, v3;
	vm5 =	veq.f32 v4, v30;
	v35 =	vtrunc.f32 v8  }
0x50: {  	[tilespmem:$0x400] =	vst v0;
	v37 =	vcvt.f32.s32 v35;
	v34 =	vand.u32 $0x1, v12;
	v9 =	vtrunc.f32 v33  }
0x51: {  	[tilespmem:$0x410] =	vst v1;
	v1 =	vadd.s32 v29, v38;
	v36 =	vxor.u32 $0xFFFFFFFF, v34;
	v39 =	vcvt.f32.s32 v9  }
0x52: {  	[tilespmem:$0x420] =	vst v2;
	vm6 =	veq.f32 v8, v35;
	v40 =	vand.u32 $0x1, v37;
	v0 =	vnsel vm5, $0xFFFFFFFF, v36  }
0x53: {  	[tilespmem:$0x430] =	vst v3;
	v2 =	vxor.u32 $0xFFFFFFFF, v40;
	vm7 =	veq.f32 v33, v9;
	v41 =	vand.u32 $0x1, v39  }
0x54: {  	[tilespmem:$0x440] =	vst v1;
	v0 =	vadd.s32 v12, v0;
	v42 =	vnsel vm6, $0xFFFFFFFF, v2;
	v43 =	vxor.u32 $0xFFFFFFFF, v41  }
0x55: {  	[tilespmem:$0x450] =	vst v0;
	v44 =	vadd.s32 v37, v42;
	v45 =	vnsel vm7, $0xFFFFFFFF, v43  }
0x56: {  	[tilespmem:$0x460] =	vst v44;
	v46 =	vadd.s32 v39, v45  }
0x57: {  	[tilespmem:$0x470] =	vst v46  }
0x58: {  	[tilespmem:s15], [sflag:$0x6] =	stream.indirect.gather [spmem:s2], $0x80, s8, s22, $0xb8;
	[tilespmem:$0x14B20] =	vst v63  }
0x59: {  	s6 =	rddreg [dreg:$0x8]  }
0x5a: {  	[tilespmem:s26], [sflag:$0x3] =	stream.linear.gather [hbm4b:s6+s3], $0x80, $0x38;
	[tilespmem:$0x14B20] =	vst v63  }
0x5b: {  	_ =	swait.ge [sflag:s1], $0x80  }
0x5c: {  	[sflag:s1] =	ssyncset.done $0x0  }
0x5d: {  	[sflag:s1] =	ssyncadd.s32 $0xFFFFFF80  }
0x5e: {  	v47 =	vld [tilespmem:$0x80]  }
0x5f: {  	v48 =	vld [tilespmem:$0x90]  }
0x60: {  	v49 =	vld [tilespmem:$0xA0]  }
0x61: {  	v50 =	vld [tilespmem:$0xB0]  }
0x62: {  	v56 =	vld [tilespmem:$0xC0]  }
0x63: {  	v60 =	vld [tilespmem:$0xD0]  }
0x64: {  	v13 =	vld [tilespmem:$0xE0]  }
0x65: {  	v14 =	vld [tilespmem:$0xF0]  }
0x66: {  	v0 =	vmax.f32 v47, $9.999999770e-03  }
0x67: {  	v1 =	vmax.f32 v48, $9.999999770e-03;
	v2 =	vmax.f32 v49, $9.999999770e-03;
	v3 =	vmax.f32 v50, $9.999999770e-03  }
0x68: {  	v7 =	vmax.f32 v56, $9.999999770e-03;
	v16 =	vmax.f32 v60, $9.999999770e-03;
	v0 =	vmul.f32 $1.000000000e+02, v0  }
0x69: {  	v8 =	vmax.f32 v13, $9.999999770e-03;
	v1 =	vmul.f32 $1.000000000e+02, v1;
	v2 =	vmul.f32 $1.000000000e+02, v2  }
0x6a: {  	v9 =	vmax.f32 v14, $9.999999770e-03;
	v3 =	vmul.f32 $1.000000000e+02, v3;
	v7 =	vmul.f32 $1.000000000e+02, v7  }
0x6b: {  	v4 =	vmul.f32 $1.000000000e+02, v16;
	v0 =	vadd.f32 $5.000000000e-01, v0;
	v1 =	vadd.f32 $5.000000000e-01, v1  }
0x6c: {  	v8 =	vmul.f32 $1.000000000e+02, v8;
	v2 =	vadd.f32 $5.000000000e-01, v2;
	v3 =	vadd.f32 $5.000000000e-01, v3  }
0x6d: {  	v9 =	vmul.f32 $1.000000000e+02, v9;
	v7 =	vadd.f32 $5.000000000e-01, v7;
	v4 =	vadd.f32 $5.000000000e-01, v4  }
0x6e: {  	v8 =	vadd.f32 $5.000000000e-01, v8;
	v51 =	vtrunc.f32 v0;
	v54 =	vtrunc.f32 v1  }
0x6f: {  	v23 =	vadd.f32 $5.000000000e-01, v9;
	v57 =	vtrunc.f32 v2;
	v63 =	vtrunc.f32 v3  }
0x70: {  	v17 =	vtrunc.f32 v7;
	v19 =	vtrunc.f32 v4  }
0x71: {  	v25 =	vtrunc.f32 v8;
	v9 =	vtrunc.f32 v23  }
0x72: {  	v52 =	vcvt.f32.s32 v51;
	vm8 =	veq.f32 v0, v51;
	v55 =	vcvt.f32.s32 v54  }
0x73: {  	v59 =	vcvt.f32.s32 v57;
	vm9 =	veq.f32 v1, v54;
	vm10 =	veq.f32 v2, v57  }
0x74: {  	v12 =	vcvt.f32.s32 v63;
	vm11 =	veq.f32 v3, v63;
	v18 =	vcvt.f32.s32 v17  }
0x75: {  	v21 =	vcvt.f32.s32 v19;
	vm12 =	veq.f32 v7, v17;
	vm13 =	veq.f32 v4, v19  }
0x76: {  	v27 =	vcvt.f32.s32 v25;
	v29 =	vcvt.f32.s32 v9;
	vm14 =	veq.f32 v8, v25  }
0x77: {  	vm15 =	veq.f32 v23, v9;
	v53 =	vand.u32 $0x1, v52;
	v58 =	vand.u32 $0x1, v55  }
0x78: {  	v62 =	vand.u32 $0x1, v59;
	v15 =	vand.u32 $0x1, v12;
	v20 =	vand.u32 $0x1, v18  }
0x79: {  	v24 =	vand.u32 $0x1, v21;
	v30 =	vand.u32 $0x1, v27;
	v0 =	vxor.u32 $0xFFFFFFFF, v53  }
0x7a: {  	v31 =	vand.u32 $0x1, v29;
	v61 =	vxor.u32 $0xFFFFFFFF, v58;
	v0 =	vnsel vm8, $0xFFFFFFFF, v0  }
0x7b: {  	v2 =	vxor.u32 $0xFFFFFFFF, v62;
	v1 =	vnsel vm9, $0xFFFFFFFF, v61;
	v0 =	vadd.s32 v52, v0  }
0x7c: {  	v3 =	vxor.u32 $0xFFFFFFFF, v15;
	v2 =	vnsel vm10, $0xFFFFFFFF, v2;
	v1 =	vadd.s32 v55, v1;
	[tilespmem:$0x480] =	vst v0  }
0x7d: {  	v33 =	vxor.u32 $0xFFFFFFFF, v31;
	v3 =	vnsel vm11, $0xFFFFFFFF, v3;
	v2 =	vadd.s32 v59, v2;
	[tilespmem:$0x490] =	vst v1  }
0x7e: {  	v22 =	vxor.u32 $0xFFFFFFFF, v20;
	v35 =	vnsel vm15, $0xFFFFFFFF, v33;
	v3 =	vadd.s32 v12, v3;
	[tilespmem:$0x4A0] =	vst v2  }
0x7f: {  	v26 =	vxor.u32 $0xFFFFFFFF, v24;
	v28 =	vnsel vm12, $0xFFFFFFFF, v22;
	v36 =	vadd.s32 v29, v35;
	[tilespmem:$0x4B0] =	vst v3  }
0x80: {  	v0 =	vnsel vm13, $0xFFFFFFFF, v26;
	v1 =	vadd.s32 v18, v28;
	v2 =	vxor.u32 $0xFFFFFFFF, v30;
	[tilespmem:$0x4F0] =	vst v36  }
0x81: {  	v0 =	vadd.s32 v21, v0;
	[tilespmem:$0x4C0] =	vst v1;
	v32 =	vnsel vm14, $0xFFFFFFFF, v2  }
0x82: {  	[tilespmem:$0x4D0] =	vst v0;
	v34 =	vadd.s32 v27, v32  }
0x83: {  	[tilespmem:$0x4E0] =	vst v34  }
0x84: {  	[tilespmem:s5], [sflag:$0x7] =	stream.indirect.gather [spmem:s2], $0x80, s29, s22, $0xb8;
	[tilespmem:$0x14B20] =	vst v63  }
0x85: {  	s8 =	rddreg [dreg:$0x9]  }
0x86: {  	[tilespmem:s30], [sflag:$0x4] =	stream.linear.gather [hbm4b:s8+s3], $0x80, $0x38;
	[tilespmem:$0x14B20] =	vst v63  }
0x87: {  	_ =	swait.ge [sflag:s7], $0x80  }
0x88: {  	[sflag:s7] =	ssyncset.done $0x0  }
0x89: {  	[sflag:s7] =	ssyncadd.s32 $0xFFFFFF80  }
0x8a: {  	v37 =	vld [tilespmem:$0x100]  }
0x8b: {  	v38 =	vld [tilespmem:$0x110]  }
0x8c: {  	v39 =	vld [tilespmem:$0x120]  }
0x8d: {  	v40 =	vld [tilespmem:$0x130]  }
0x8e: {  	v46 =	vld [tilespmem:$0x140]  }
0x8f: {  	v50 =	vld [tilespmem:$0x150]  }
0x90: {  	v55 =	vld [tilespmem:$0x160]  }
0x91: {  	v56 =	vld [tilespmem:$0x170]  }
0x92: {  	v0 =	vmax.f32 v37, $9.999999770e-03  }
0x93: {  	v1 =	vmax.f32 v38, $9.999999770e-03;
	v2 =	vmax.f32 v39, $9.999999770e-03;
	v3 =	vmax.f32 v40, $9.999999770e-03  }
0x94: {  	v7 =	vmax.f32 v46, $9.999999770e-03;
	v58 =	vmax.f32 v50, $9.999999770e-03;
	v0 =	vmul.f32 $1.000000000e+02, v0  }
0x95: {  	v8 =	vmax.f32 v55, $9.999999770e-03;
	v1 =	vmul.f32 $1.000000000e+02, v1;
	v2 =	vmul.f32 $1.000000000e+02, v2  }
0x96: {  	v9 =	vmax.f32 v56, $9.999999770e-03;
	v3 =	vmul.f32 $1.000000000e+02, v3;
	v7 =	vmul.f32 $1.000000000e+02, v7  }
0x97: {  	v4 =	vmul.f32 $1.000000000e+02, v58;
	v0 =	vadd.f32 $5.000000000e-01, v0;
	v1 =	vadd.f32 $5.000000000e-01, v1  }
0x98: {  	v8 =	vmul.f32 $1.000000000e+02, v8;
	v2 =	vadd.f32 $5.000000000e-01, v2;
	v3 =	vadd.f32 $5.000000000e-01, v3  }
0x99: {  	v9 =	vmul.f32 $1.000000000e+02, v9;
	v7 =	vadd.f32 $5.000000000e-01, v7;
	v4 =	vadd.f32 $5.000000000e-01, v4  }
0x9a: {  	v8 =	vadd.f32 $5.000000000e-01, v8;
	v41 =	vtrunc.f32 v0;
	v44 =	vtrunc.f32 v1  }
0x9b: {  	v16 =	vadd.f32 $5.000000000e-01, v9;
	v47 =	vtrunc.f32 v2;
	v53 =	vtrunc.f32 v3  }
0x9c: {  	v59 =	vtrunc.f32 v7;
	v61 =	vtrunc.f32 v4  }
0x9d: {  	v18 =	vtrunc.f32 v8;
	v9 =	vtrunc.f32 v16  }
0x9e: {  	v42 =	vcvt.f32.s32 v41;
	vm4 =	veq.f32 v0, v41;
	v45 =	vcvt.f32.s32 v44  }
0x9f: {  	v49 =	vcvt.f32.s32 v47;
	vm5 =	veq.f32 v1, v44;
	vm6 =	veq.f32 v2, v47  }
0xa0: {  	v54 =	vcvt.f32.s32 v53;
	vm7 =	veq.f32 v3, v53;
	v60 =	vcvt.f32.s32 v59  }
0xa1: {  	v63 =	vcvt.f32.s32 v61;
	vm8 =	veq.f32 v7, v59;
	vm9 =	veq.f32 v4, v61  }
0xa2: {  	v20 =	vcvt.f32.s32 v18;
	v22 =	vcvt.f32.s32 v9;
	vm10 =	veq.f32 v8, v18  }
0xa3: {  	vm11 =	veq.f32 v16, v9;
	v43 =	vand.u32 $0x1, v42;
	v48 =	vand.u32 $0x1, v45  }
0xa4: {  	v52 =	vand.u32 $0x1, v49;
	v57 =	vand.u32 $0x1, v54;
	v62 =	vand.u32 $0x1, v60  }
0xa5: {  	v17 =	vand.u32 $0x1, v63;
	v23 =	vand.u32 $0x1, v20;
	v0 =	vxor.u32 $0xFFFFFFFF, v43  }
0xa6: {  	v24 =	vand.u32 $0x1, v22;
	v51 =	vxor.u32 $0xFFFFFFFF, v48;
	v0 =	vnsel vm4, $0xFFFFFFFF, v0  }
0xa7: {  	v2 =	vxor.u32 $0xFFFFFFFF, v52;
	v1 =	vnsel vm5, $0xFFFFFFFF, v51;
	v0 =	vadd.s32 v42, v0  }
0xa8: {  	v3 =	vxor.u32 $0xFFFFFFFF, v57;
	v2 =	vnsel vm6, $0xFFFFFFFF, v2;
	v1 =	vadd.s32 v45, v1;
	[tilespmem:$0x500] =	vst v0  }
0xa9: {  	v26 =	vxor.u32 $0xFFFFFFFF, v24;
	v3 =	vnsel vm7, $0xFFFFFFFF, v3;
	v2 =	vadd.s32 v49, v2;
	[tilespmem:$0x510] =	vst v1  }
0xaa: {  	v15 =	vxor.u32 $0xFFFFFFFF, v62;
	v28 =	vnsel vm11, $0xFFFFFFFF, v26;
	v3 =	vadd.s32 v54, v3;
	[tilespmem:$0x520] =	vst v2  }
0xab: {  	v19 =	vxor.u32 $0xFFFFFFFF, v17;
	v21 =	vnsel vm8, $0xFFFFFFFF, v15;
	v29 =	vadd.s32 v22, v28;
	[tilespmem:$0x530] =	vst v3  }
0xac: {  	v0 =	vnsel vm9, $0xFFFFFFFF, v19;
	v1 =	vadd.s32 v60, v21;
	v2 =	vxor.u32 $0xFFFFFFFF, v23;
	[tilespmem:$0x570] =	vst v29  }
0xad: {  	v0 =	vadd.s32 v63, v0;
	[tilespmem:$0x540] =	vst v1;
	v25 =	vnsel vm10, $0xFFFFFFFF, v2  }
0xae: {  	[tilespmem:$0x550] =	vst v0;
	v27 =	vadd.s32 v20, v25  }
0xaf: {  	[tilespmem:$0x560] =	vst v27  }
0xb0: {  	[tilespmem:s9], [sflag:$0x8] =	stream.indirect.gather [spmem:s2], $0x80, s31, s22, $0xb8;
	[tilespmem:$0x14B20] =	vst v63  }
0xb1: {  	s9 =	rddreg [dreg:$0xa]  }
0xb2: {  	[tilespmem:s13], [sflag:$0x5] =	stream.linear.gather [hbm4b:s9+s3], $0x80, $0x38;
	[tilespmem:$0x14B20] =	vst v63  }
0xb3: {  	_ =	swait.ge [sflag:s10], $0x80  }
0xb4: {  	[sflag:s10] =	ssyncset.done $0x0  }
0xb5: {  	[sflag:s10] =	ssyncadd.s32 $0xFFFFFF80  }
0xb6: {  	v30 =	vld [tilespmem:$0x180]  }
0xb7: {  	v31 =	vld [tilespmem:$0x190]  }
0xb8: {  	v32 =	vld [tilespmem:$0x1A0]  }
0xb9: {  	v33 =	vld [tilespmem:$0x1B0]  }
0xba: {  	v38 =	vld [tilespmem:$0x1C0]  }
0xbb: {  	v43 =	vld [tilespmem:$0x1D0]  }
0xbc: {  	v48 =	vld [tilespmem:$0x1E0]  }
0xbd: {  	v49 =	vld [tilespmem:$0x1F0];
	_ =	sdelay $0x1  }
0xbe: {  	v0 =	vmax.f32 v30, $9.999999770e-03;
	v1 =	vmax.f32 v31, $9.999999770e-03;
	v2 =	vmax.f32 v32, $9.999999770e-03  }
0xbf: {  	v3 =	vmax.f32 v33, $9.999999770e-03;
	v6 =	vmax.f32 v38, $9.999999770e-03;
	v11 =	vmax.f32 v43, $9.999999770e-03  }
0xc0: {  	v9 =	vmax.f32 v48, $9.999999770e-03;
	v0 =	vmul.f32 $1.000000000e+02, v0;
	v1 =	vmul.f32 $1.000000000e+02, v1  }
0xc1: {  	v5 =	vmax.f32 v49, $9.999999770e-03;
	v2 =	vmul.f32 $1.000000000e+02, v2;
	v3 =	vmul.f32 $1.000000000e+02, v3  }
0xc2: {  	v6 =	vmul.f32 $1.000000000e+02, v6;
	v52 =	vmul.f32 $1.000000000e+02, v11;
	v0 =	vadd.f32 $5.000000000e-01, v0  }
0xc3: {  	v55 =	vmul.f32 $1.000000000e+02, v9;
	v1 =	vadd.f32 $5.000000000e-01, v1;
	v2 =	vadd.f32 $5.000000000e-01, v2  }
0xc4: {  	v5 =	vmul.f32 $1.000000000e+02, v5;
	v3 =	vadd.f32 $5.000000000e-01, v3;
	v6 =	vadd.f32 $5.000000000e-01, v6  }
0xc5: {  	v4 =	vadd.f32 $5.000000000e-01, v52;
	v34 =	vtrunc.f32 v0;
	v37 =	vtrunc.f32 v1  }
0xc6: {  	v5 =	vadd.f32 $5.000000000e-01, v5;
	v40 =	vtrunc.f32 v2;
	v46 =	vtrunc.f32 v3  }
0xc7: {  	v53 =	vtrunc.f32 v6;
	v57 =	vtrunc.f32 v4  }
0xc8: {  	v63 =	vtrunc.f32 v5;
	v35 =	vcvt.f32.s32 v34;
	vm12 =	veq.f32 v0, v34  }
0xc9: {  	v39 =	vcvt.f32.s32 v37;
	v42 =	vcvt.f32.s32 v40;
	vm13 =	veq.f32 v1, v37  }
0xca: {  	vm14 =	veq.f32 v2, v40;
	v47 =	vcvt.f32.s32 v46;
	vm15 =	veq.f32 v3, v46  }
0xcb: {  	v54 =	vcvt.f32.s32 v53;
	vm4 =	veq.f32 v6, v53;
	v58 =	vcvt.f32.s32 v57  }
0xcc: {  	v6 =	vadd.f32 $5.000000000e-01, v55;
	vm5 =	veq.f32 v4, v57;
	v14 =	vcvt.f32.s32 v63  }
0xcd: {  	vm7 =	veq.f32 v5, v63;
	v36 =	vand.u32 $0x1, v35;
	v41 =	vand.u32 $0x1, v39  }
0xce: {  	v45 =	vand.u32 $0x1, v42;
	v50 =	vand.u32 $0x1, v47;
	v56 =	vand.u32 $0x1, v54  }
0xcf: {  	v59 =	vand.u32 $0x1, v58;
	v60 =	vtrunc.f32 v6;
	v18 =	vand.u32 $0x1, v14  }
0xd0: {  	v0 =	vxor.u32 $0xFFFFFFFF, v36;
	v44 =	vxor.u32 $0xFFFFFFFF, v41;
	v2 =	vxor.u32 $0xFFFFFFFF, v45  }
0xd1: {  	v51 =	vxor.u32 $0xFFFFFFFF, v50;
	v7 =	vxor.u32 $0xFFFFFFFF, v56;
	v0 =	vnsel vm12, $0xFFFFFFFF, v0  }
0xd2: {  	v61 =	vxor.u32 $0xFFFFFFFF, v59;
	v1 =	vnsel vm13, $0xFFFFFFFF, v44;
	v0 =	vadd.s32 v35, v0  }
0xd3: {  	v62 =	vcvt.f32.s32 v60;
	v2 =	vnsel vm14, $0xFFFFFFFF, v2;
	v1 =	vadd.s32 v39, v1;
	[tilespmem:$0x580] =	vst v0  }
0xd4: {  	vm6 =	veq.f32 v6, v60;
	v3 =	vnsel vm15, $0xFFFFFFFF, v51;
	v2 =	vadd.s32 v42, v2;
	[tilespmem:$0x590] =	vst v1  }
0xd5: {  	v19 =	vxor.u32 $0xFFFFFFFF, v18;
	v7 =	vnsel vm4, $0xFFFFFFFF, v7;
	v13 =	vadd.s32 v47, v3;
	[tilespmem:$0x5A0] =	vst v2  }
0xd6: {  	v21 =	vnsel vm7, $0xFFFFFFFF, v19;
	v15 =	vadd.s32 v54, v7;
	v16 =	vand.u32 $0x1, v62;
	[tilespmem:$0x5B0] =	vst v13  }
0xd7: {  	v22 =	vadd.s32 v14, v21;
	v0 =	vnsel vm5, $0xFFFFFFFF, v61;
	v17 =	vxor.u32 $0xFFFFFFFF, v16;
	[tilespmem:$0x5C0] =	vst v15  }
0xd8: {  	[tilespmem:$0x5F0] =	vst v22;
	v0 =	vadd.s32 v58, v0;
	v1 =	vnsel vm6, $0xFFFFFFFF, v17  }
0xd9: {  	[tilespmem:$0x5D0] =	vst v0;
	v20 =	vadd.s32 v62, v1  }
0xda: {  	[tilespmem:$0x5E0] =	vst v20  }
0xdb: {  	[tilespmem:s28], [sflag:$0x9] =	stream.indirect.gather [spmem:s2], $0x80, s11, s22, $0xb8;
	[tilespmem:$0x14B20] =	vst v63  }
0xdc: {  	_ =	swait.ge [sflag:s14], $0x4000  }
0xdd: {  	[sflag:s14] =	ssyncset.done $0x0  }
0xde: {  	s13 =	rddreg [dreg:$0xb];
	[sflag:s14] =	ssyncadd.s32 $0xFFFFC000  }
0xdf: {  	[hbm4b:s13+s3] =	stream.linear.scatter [tilespmem:s15], [sflag:$0xB], $0x4000, $0x38;
	[tilespmem:$0x14B20] =	vst v63  }
0xe0: {  	s26 =	rddreg [dreg:$0xc];
	s15 =	simm.s32 $0x5  }
0xe1: {  	[tilespmem:s3], [sflag:$0x1] =	stream.linear.gather [hbm4b:s26+s3], $0x80, $0x38;
	[tilespmem:$0x14B20] =	vst v63  }
0xe2: {  	_ =	swait.ge [sflag:s15], $0x80  }
0xe3: {  	[sflag:s15] =	ssyncset.done $0x0  }
0xe4: {  	[sflag:s15] =	ssyncadd.s32 $0xFFFFFF80  }
0xe5: {  	v23 =	vld [tilespmem:$0x200]  }
0xe6: {  	v24 =	vld [tilespmem:$0x210]  }
0xe7: {  	v25 =	vld [tilespmem:$0x220]  }
0xe8: {  	v26 =	vld [tilespmem:$0x230]  }
0xe9: {  	v32 =	vld [tilespmem:$0x240]  }
0xea: {  	v36 =	vld [tilespmem:$0x250]  }
0xeb: {  	v39 =	vld [tilespmem:$0x260]  }
0xec: {  	v42 =	vld [tilespmem:$0x270]  }
0xed: {  	v0 =	vmax.f32 v23, $9.999999770e-03  }
0xee: {  	v1 =	vmax.f32 v24, $9.999999770e-03;
	v2 =	vmax.f32 v25, $9.999999770e-03;
	v3 =	vmax.f32 v26, $9.999999770e-03  }
0xef: {  	v7 =	vmax.f32 v32, $9.999999770e-03;
	v43 =	vmax.f32 v36, $9.999999770e-03;
	v0 =	vmul.f32 $1.000000000e+02, v0  }
0xf0: {  	v4 =	vmax.f32 v39, $9.999999770e-03;
	v1 =	vmul.f32 $1.000000000e+02, v1;
	v2 =	vmul.f32 $1.000000000e+02, v2  }
0xf1: {  	v48 =	vmax.f32 v42, $9.999999770e-03;
	v3 =	vmul.f32 $1.000000000e+02, v3;
	v7 =	vmul.f32 $1.000000000e+02, v7  }
0xf2: {  	v6 =	vmul.f32 $1.000000000e+02, v43;
	v0 =	vadd.f32 $5.000000000e-01, v0;
	v1 =	vadd.f32 $5.000000000e-01, v1  }
0xf3: {  	v4 =	vmul.f32 $1.000000000e+02, v4;
	v2 =	vadd.f32 $5.000000000e-01, v2;
	v3 =	vadd.f32 $5.000000000e-01, v3  }
0xf4: {  	v10 =	vmul.f32 $1.000000000e+02, v48;
	v7 =	vadd.f32 $5.000000000e-01, v7;
	v6 =	vadd.f32 $5.000000000e-01, v6  }
0xf5: {  	v4 =	vadd.f32 $5.000000000e-01, v4;
	v27 =	vtrunc.f32 v0;
	v30 =	vtrunc.f32 v1  }
0xf6: {  	v10 =	vadd.f32 $5.000000000e-01, v10;
	v33 =	vtrunc.f32 v2;
	v40 =	vtrunc.f32 v3  }
0xf7: {  	v46 =	vtrunc.f32 v7;
	v49 =	vtrunc.f32 v6  }
0xf8: {  	v52 =	vtrunc.f32 v4;
	v54 =	vtrunc.f32 v10  }
0xf9: {  	v28 =	vcvt.f32.s32 v27;
	vm8 =	veq.f32 v0, v27;
	v31 =	vcvt.f32.s32 v30  }
0xfa: {  	v35 =	vcvt.f32.s32 v33;
	vm9 =	veq.f32 v1, v30;
	vm10 =	veq.f32 v2, v33  }
0xfb: {  	v41 =	vcvt.f32.s32 v40;
	vm11 =	veq.f32 v3, v40;
	v47 =	vcvt.f32.s32 v46  }
0xfc: {  	vm12 =	veq.f32 v7, v46;
	v51 =	vcvt.f32.s32 v49;
	v14 =	vcvt.f32.s32 v52  }
0xfd: {  	vm13 =	veq.f32 v6, v49;
	v56 =	vcvt.f32.s32 v54;
	vm14 =	veq.f32 v4, v52  }
0xfe: {  	vm15 =	veq.f32 v10, v54;
	v29 =	vand.u32 $0x1, v28;
	v34 =	vand.u32 $0x1, v31  }
0xff: {  	v38 =	vand.u32 $0x1, v35;
	v44 =	vand.u32 $0x1, v41;
	v50 =	vand.u32 $0x1, v47  }
0x100: {  	v13 =	vand.u32 $0x1, v51;
	v55 =	vand.u32 $0x1, v14;
	v0 =	vxor.u32 $0xFFFFFFFF, v29  }
0x101: {  	v59 =	vand.u32 $0x1, v56;
	v37 =	vxor.u32 $0xFFFFFFFF, v34;
	v0 =	vnsel vm8, $0xFFFFFFFF, v0  }
0x102: {  	v2 =	vxor.u32 $0xFFFFFFFF, v38;
	v1 =	vnsel vm9, $0xFFFFFFFF, v37;
	v0 =	vadd.s32 v28, v0  }
0x103: {  	v45 =	vxor.u32 $0xFFFFFFFF, v44;
	v2 =	vnsel vm10, $0xFFFFFFFF, v2;
	v1 =	vadd.s32 v31, v1;
	[tilespmem:$0x600] =	vst v0  }
0x104: {  	v5 =	vxor.u32 $0xFFFFFFFF, v50;
	v3 =	vnsel vm11, $0xFFFFFFFF, v45;
	v2 =	vadd.s32 v35, v2;
	[tilespmem:$0x610] =	vst v1  }
0x105: {  	v60 =	vxor.u32 $0xFFFFFFFF, v59;
	v5 =	vnsel vm12, $0xFFFFFFFF, v5;
	v57 =	vadd.s32 v41, v3;
	[tilespmem:$0x620] =	vst v2  }
0x106: {  	v53 =	vxor.u32 $0xFFFFFFFF, v13;
	v62 =	vnsel vm15, $0xFFFFFFFF, v60;
	v58 =	vadd.s32 v47, v5;
	[tilespmem:$0x630] =	vst v57  }
0x107: {  	v63 =	vadd.s32 v56, v62;
	v0 =	vnsel vm13, $0xFFFFFFFF, v53;
	v1 =	vxor.u32 $0xFFFFFFFF, v55;
	[tilespmem:$0x640] =	vst v58  }
0x108: {  	[tilespmem:$0x670] =	vst v63;
	v1 =	vnsel vm14, $0xFFFFFFFF, v1;
	v0 =	vadd.s32 v51, v0  }
0x109: {  	[tilespmem:$0x650] =	vst v0;
	v61 =	vadd.s32 v14, v1  }
0x10a: {  	[tilespmem:$0x660] =	vst v61  }
0x10b: {  	[tilespmem:s25], [sflag:$0xA] =	stream.indirect.gather [spmem:s2], $0x80, s17, s22, $0xb8;
	[tilespmem:$0x14B20] =	vst v63  }
0x10c: {  	_ =	swait.ge [sflag:s16], $0x4000  }
0x10d: {  	s28 =	rddreg [dreg:$0xd]  }
0x10e: {  	s26 =	rddreg [dreg:$0x16]  }
0x10f: {  	s8 =	simm.s32 $0x0;
	s30 =	simm.s32 $0x800;
	s29 =	rddreg [dreg:$0x15]  }
0x110: {  	s7 =	simm.s32 $0x2;
	[sflag:s16] =	ssyncset.done $0x0;
	s31 =	rddreg [dreg:$0x14]  }
0x111: {  	s10 =	simm.s32 $0x3;
	s0 =	rddreg [dreg:$0x13];
	[sflag:s16] =	ssyncadd.s32 $0xFFFFC000  }
0x112: {  	[hbm4b:s28+s3] =	stream.linear.scatter [tilespmem:s5], [sflag:$0xC], $0x4000, $0x38;
	[tilespmem:$0x14B20] =	vst v63  }
0x113: {  	s11 =	simm.s32 $0x4;
	s6 =	rddreg [dreg:$0x12];
	s5 =	simm.s32 $0x4800  }
.LBB2_2:
0x114: {  	_ =	swait.ge [sflag:s18], $0x4000  }
0x115: {  	s1 =	rddreg [dreg:$0x5]  }
0x116: {  	s25 =	smov.u32 s12;
	[sflag:s18] =	ssyncset.done $0x0;
	s12 =	sadd.s32 s8, s1  }
0x117: {  	s13 =	simm.s32 $0x8800;
	[sflag:s18] =	ssyncadd.s32 $0xFFFFC000;
	s4 =	sadd.s32 $0x1000, s12  }
0x118: {  	[hbm4b:s4+s3] =	stream.linear.scatter [tilespmem:s13], [sflag:$0xD], $0x4000, $0x38;
	[tilespmem:$0x14B20] =	vst v63  }
0x119: {  	_ =	swait.ge [sflag:s19], $0x4000  }
0x11a: {  	[sflag:s19] =	ssyncset.done $0x0  }
0x11b: {  	s1 =	simm.s32 $0x1;
	[sflag:s19] =	ssyncadd.s32 $0xFFFFC000  }
0x11c: {  	[tilespmem:s22], [sflag:$0x2] =	stream.linear.gather [hbm4b:s26+s3], $0x80, $0x38;
	[tilespmem:$0x14B20] =	vst v63  }
0x11d: {  	_ =	swait.ge [sflag:s1], $0x80  }
0x11e: {  	[sflag:s1] =	ssyncset.done $0x0  }
0x11f: {  	[sflag:s1] =	ssyncadd.s32 $0xFFFFFF80  }
0x120: {  	v0 =	vld [tilespmem:$0x0]  }
0x121: {  	v1 =	vld [tilespmem:$0x10]  }
0x122: {  	v2 =	vld [tilespmem:$0x20]  }
0x123: {  	v3 =	vld [tilespmem:$0x30]  }
0x124: {  	v7 =	vld [tilespmem:$0x40];
	_ =	sdelay $0x2  }
0x125: {  	v0 =	vmax.f32 v0, $9.999999770e-03;
	v1 =	vmax.f32 v1, $9.999999770e-03;
	v2 =	vmax.f32 v2, $9.999999770e-03  }
0x126: {  	v11 =	vld [tilespmem:$0x50];
	v3 =	vmax.f32 v3, $9.999999770e-03;
	v0 =	vmul.f32 $1.000000000e+02, v0;
	v1 =	vmul.f32 $1.000000000e+02, v1  }
0x127: {  	v7 =	vmax.f32 v7, $9.999999770e-03;
	v2 =	vmul.f32 $1.000000000e+02, v2;
	v3 =	vmul.f32 $1.000000000e+02, v3  }
0x128: {  	v7 =	vmul.f32 $1.000000000e+02, v7;
	v0 =	vadd.f32 $5.000000000e-01, v0;
	v1 =	vadd.f32 $5.000000000e-01, v1  }
0x129: {  	v2 =	vadd.f32 $5.000000000e-01, v2;
	v3 =	vadd.f32 $5.000000000e-01, v3  }
0x12a: {  	v24 =	vld [tilespmem:$0x60];
	v7 =	vadd.f32 $5.000000000e-01, v7;
	v4 =	vtrunc.f32 v0;
	v19 =	vtrunc.f32 v1  }
0x12b: {  	v27 =	vmax.f32 v11, $9.999999770e-03;
	v8 =	vtrunc.f32 v2;
	v22 =	vtrunc.f32 v3  }
0x12c: {  	v28 =	vtrunc.f32 v7;
	v5 =	vcvt.f32.s32 v4;
	vm0 =	veq.f32 v0, v4  }
0x12d: {  	v6 =	vcvt.f32.s32 v19;
	v10 =	vcvt.f32.s32 v8;
	vm14 =	veq.f32 v1, v19  }
0x12e: {  	vm1 =	veq.f32 v2, v8;
	v23 =	vcvt.f32.s32 v22;
	vm15 =	veq.f32 v3, v22  }
0x12f: {  	v25 =	vld [tilespmem:$0x70];
	v4 =	vmul.f32 $1.000000000e+02, v27;
	v8 =	vmax.f32 v24, $9.999999770e-03;
	v29 =	vcvt.f32.s32 v28  }
0x130: {  	vm4 =	veq.f32 v7, v28;
	v8 =	vmul.f32 $1.000000000e+02, v8;
	v18 =	vand.u32 $0x1, v5  }
0x131: {  	v9 =	vand.u32 $0x1, v6;
	v21 =	vand.u32 $0x1, v10;
	v26 =	vand.u32 $0x1, v23  }
0x132: {  	v4 =	vadd.f32 $5.000000000e-01, v4;
	v31 =	vand.u32 $0x1, v29;
	v0 =	vxor.u32 $0xFFFFFFFF, v18  }
0x133: {  	v20 =	vxor.u32 $0xFFFFFFFF, v9;
	v2 =	vxor.u32 $0xFFFFFFFF, v21;
	v3 =	vxor.u32 $0xFFFFFFFF, v26  }
0x134: {  	v9 =	vmax.f32 v25, $9.999999770e-03;
	v8 =	vadd.f32 $5.000000000e-01, v8;
	v32 =	vxor.u32 $0xFFFFFFFF, v31  }
0x135: {  	v0 =	vnsel vm0, $0xFFFFFFFF, v0;
	v1 =	vnsel vm14, $0xFFFFFFFF, v20;
	v2 =	vnsel vm1, $0xFFFFFFFF, v2  }
0x136: {  	v3 =	vnsel vm15, $0xFFFFFFFF, v3;
	v30 =	vtrunc.f32 v4;
	v9 =	vmul.f32 $1.000000000e+02, v9  }
0x137: {  	v38 =	vnsel vm4, $0xFFFFFFFF, v32;
	v0 =	vadd.s32 v5, v0;
	v1 =	vadd.s32 v6, v1  }
0x138: {  	v2 =	vadd.s32 v10, v2;
	v12 =	vcvt.f32.s32 v30;
	v33 =	vadd.f32 $5.000000000e-01, v9  }
0x139: {  	v3 =	vadd.s32 v23, v3;
	vm5 =	veq.f32 v4, v30;
	v35 =	vtrunc.f32 v8  }
0x13a: {  	[tilespmem:$0x400] =	vst v0;
	v37 =	vcvt.f32.s32 v35;
	v34 =	vand.u32 $0x1, v12;
	v9 =	vtrunc.f32 v33  }
0x13b: {  	[tilespmem:$0x410] =	vst v1;
	v1 =	vadd.s32 v29, v38;
	v36 =	vxor.u32 $0xFFFFFFFF, v34;
	v39 =	vcvt.f32.s32 v9  }
0x13c: {  	[tilespmem:$0x420] =	vst v2;
	vm6 =	veq.f32 v8, v35;
	v40 =	vand.u32 $0x1, v37;
	v0 =	vnsel vm5, $0xFFFFFFFF, v36  }
0x13d: {  	[tilespmem:$0x430] =	vst v3;
	v2 =	vxor.u32 $0xFFFFFFFF, v40;
	vm7 =	veq.f32 v33, v9;
	v41 =	vand.u32 $0x1, v39  }
0x13e: {  	[tilespmem:$0x440] =	vst v1;
	v0 =	vadd.s32 v12, v0;
	v42 =	vnsel vm6, $0xFFFFFFFF, v2;
	v43 =	vxor.u32 $0xFFFFFFFF, v41  }
0x13f: {  	[tilespmem:$0x450] =	vst v0;
	v44 =	vadd.s32 v37, v42;
	v45 =	vnsel vm7, $0xFFFFFFFF, v43  }
0x140: {  	[tilespmem:$0x460] =	vst v44;
	v46 =	vadd.s32 v39, v45  }
0x141: {  	s4 =	simm.s32 $0x400;
	[tilespmem:$0x470] =	vst v46  }
0x142: {  	[tilespmem:s30], [sflag:$0x6] =	stream.indirect.gather [spmem:s2], $0x80, s4, s22, $0xb8;
	[tilespmem:$0x14B20] =	vst v63  }
0x143: {  	_ =	swait.ge [sflag:s20], $0x4000  }
0x144: {  	[sflag:s20] =	ssyncset.done $0x0  }
0x145: {  	s9 =	sadd.s32 $0x1800, s12;
	s1 =	simm.s32 $0xC800;
	[sflag:s20] =	ssyncadd.s32 $0xFFFFC000  }
0x146: {  	[hbm4b:s9+s3] =	stream.linear.scatter [tilespmem:s1], [sflag:$0xE], $0x4000, $0x38;
	[tilespmem:$0x14B20] =	vst v63  }
0x147: {  	_ =	swait.ge [sflag:s21], $0x4000  }
0x148: {  	[sflag:s21] =	ssyncset.done $0x0  }
0x149: {  	s17 =	simm.s32 $0x100;
	[sflag:s21] =	ssyncadd.s32 $0xFFFFC000  }
0x14a: {  	[tilespmem:s17], [sflag:$0x3] =	stream.linear.gather [hbm4b:s29+s3], $0x80, $0x38;
	[tilespmem:$0x14B20] =	vst v63  }
0x14b: {  	_ =	swait.ge [sflag:s7], $0x80  }
0x14c: {  	[sflag:s7] =	ssyncset.done $0x0  }
0x14d: {  	[sflag:s7] =	ssyncadd.s32 $0xFFFFFF80  }
0x14e: {  	v47 =	vld [tilespmem:$0x80]  }
0x14f: {  	v48 =	vld [tilespmem:$0x90]  }
0x150: {  	v49 =	vld [tilespmem:$0xA0]  }
0x151: {  	v50 =	vld [tilespmem:$0xB0]  }
0x152: {  	v56 =	vld [tilespmem:$0xC0]  }
0x153: {  	v60 =	vld [tilespmem:$0xD0]  }
0x154: {  	v13 =	vld [tilespmem:$0xE0]  }
0x155: {  	v14 =	vld [tilespmem:$0xF0]  }
0x156: {  	v0 =	vmax.f32 v47, $9.999999770e-03  }
0x157: {  	v1 =	vmax.f32 v48, $9.999999770e-03;
	v2 =	vmax.f32 v49, $9.999999770e-03;
	v3 =	vmax.f32 v50, $9.999999770e-03  }
0x158: {  	v7 =	vmax.f32 v56, $9.999999770e-03;
	v16 =	vmax.f32 v60, $9.999999770e-03;
	v0 =	vmul.f32 $1.000000000e+02, v0  }
0x159: {  	v8 =	vmax.f32 v13, $9.999999770e-03;
	v1 =	vmul.f32 $1.000000000e+02, v1;
	v2 =	vmul.f32 $1.000000000e+02, v2  }
0x15a: {  	v9 =	vmax.f32 v14, $9.999999770e-03;
	v3 =	vmul.f32 $1.000000000e+02, v3;
	v7 =	vmul.f32 $1.000000000e+02, v7  }
0x15b: {  	v4 =	vmul.f32 $1.000000000e+02, v16;
	v0 =	vadd.f32 $5.000000000e-01, v0;
	v1 =	vadd.f32 $5.000000000e-01, v1  }
0x15c: {  	v8 =	vmul.f32 $1.000000000e+02, v8;
	v2 =	vadd.f32 $5.000000000e-01, v2;
	v3 =	vadd.f32 $5.000000000e-01, v3  }
0x15d: {  	v9 =	vmul.f32 $1.000000000e+02, v9;
	v7 =	vadd.f32 $5.000000000e-01, v7;
	v4 =	vadd.f32 $5.000000000e-01, v4  }
0x15e: {  	v8 =	vadd.f32 $5.000000000e-01, v8;
	v51 =	vtrunc.f32 v0;
	v54 =	vtrunc.f32 v1  }
0x15f: {  	v23 =	vadd.f32 $5.000000000e-01, v9;
	v57 =	vtrunc.f32 v2;
	v63 =	vtrunc.f32 v3  }
0x160: {  	v17 =	vtrunc.f32 v7;
	v19 =	vtrunc.f32 v4  }
0x161: {  	v25 =	vtrunc.f32 v8;
	v9 =	vtrunc.f32 v23  }
0x162: {  	v52 =	vcvt.f32.s32 v51;
	vm8 =	veq.f32 v0, v51;
	v55 =	vcvt.f32.s32 v54  }
0x163: {  	v59 =	vcvt.f32.s32 v57;
	vm9 =	veq.f32 v1, v54;
	vm10 =	veq.f32 v2, v57  }
0x164: {  	v12 =	vcvt.f32.s32 v63;
	vm11 =	veq.f32 v3, v63;
	v18 =	vcvt.f32.s32 v17  }
0x165: {  	v21 =	vcvt.f32.s32 v19;
	vm12 =	veq.f32 v7, v17;
	vm13 =	veq.f32 v4, v19  }
0x166: {  	v27 =	vcvt.f32.s32 v25;
	v29 =	vcvt.f32.s32 v9;
	vm14 =	veq.f32 v8, v25  }
0x167: {  	vm15 =	veq.f32 v23, v9;
	v53 =	vand.u32 $0x1, v52;
	v58 =	vand.u32 $0x1, v55  }
0x168: {  	v62 =	vand.u32 $0x1, v59;
	v15 =	vand.u32 $0x1, v12;
	v20 =	vand.u32 $0x1, v18  }
0x169: {  	v24 =	vand.u32 $0x1, v21;
	v30 =	vand.u32 $0x1, v27;
	v0 =	vxor.u32 $0xFFFFFFFF, v53  }
0x16a: {  	v31 =	vand.u32 $0x1, v29;
	v61 =	vxor.u32 $0xFFFFFFFF, v58;
	v0 =	vnsel vm8, $0xFFFFFFFF, v0  }
0x16b: {  	v2 =	vxor.u32 $0xFFFFFFFF, v62;
	v1 =	vnsel vm9, $0xFFFFFFFF, v61;
	v0 =	vadd.s32 v52, v0  }
0x16c: {  	v3 =	vxor.u32 $0xFFFFFFFF, v15;
	v2 =	vnsel vm10, $0xFFFFFFFF, v2;
	v1 =	vadd.s32 v55, v1;
	[tilespmem:$0x480] =	vst v0  }
0x16d: {  	v33 =	vxor.u32 $0xFFFFFFFF, v31;
	v3 =	vnsel vm11, $0xFFFFFFFF, v3;
	v2 =	vadd.s32 v59, v2;
	[tilespmem:$0x490] =	vst v1  }
0x16e: {  	v22 =	vxor.u32 $0xFFFFFFFF, v20;
	v35 =	vnsel vm15, $0xFFFFFFFF, v33;
	v3 =	vadd.s32 v12, v3;
	[tilespmem:$0x4A0] =	vst v2  }
0x16f: {  	v26 =	vxor.u32 $0xFFFFFFFF, v24;
	v28 =	vnsel vm12, $0xFFFFFFFF, v22;
	v36 =	vadd.s32 v29, v35;
	[tilespmem:$0x4B0] =	vst v3  }
0x170: {  	v0 =	vnsel vm13, $0xFFFFFFFF, v26;
	v1 =	vadd.s32 v18, v28;
	v2 =	vxor.u32 $0xFFFFFFFF, v30;
	[tilespmem:$0x4F0] =	vst v36  }
0x171: {  	v0 =	vadd.s32 v21, v0;
	[tilespmem:$0x4C0] =	vst v1;
	v32 =	vnsel vm14, $0xFFFFFFFF, v2  }
0x172: {  	[tilespmem:$0x4D0] =	vst v0;
	v34 =	vadd.s32 v27, v32  }
0x173: {  	s18 =	simm.s32 $0x480;
	[tilespmem:$0x4E0] =	vst v34  }
0x174: {  	[tilespmem:s5], [sflag:$0x7] =	stream.indirect.gather [spmem:s2], $0x80, s18, s22, $0xb8;
	[tilespmem:$0x14B20] =	vst v63  }
0x175: {  	_ =	swait.ge [sflag:s24], $0x4000  }
0x176: {  	[sflag:s24] =	ssyncset.done $0x0  }
0x177: {  	s9 =	sadd.s32 $0x2000, s12;
	s17 =	simm.s32 $0x10800;
	[sflag:s24] =	ssyncadd.s32 $0xFFFFC000  }
0x178: {  	[hbm4b:s9+s3] =	stream.linear.scatter [tilespmem:s17], [sflag:$0xF], $0x4000, $0x38;
	[tilespmem:$0x14B20] =	vst v63  }
0x179: {  	_ =	swait.ge [sflag:s23], $0x4000  }
0x17a: {  	[sflag:s23] =	ssyncset.done $0x0  }
0x17b: {  	s9 =	simm.s32 $0x180;
	[sflag:s23] =	ssyncadd.s32 $0xFFFFC000  }
0x17c: {  	[tilespmem:s9], [sflag:$0x4] =	stream.linear.gather [hbm4b:s31+s3], $0x80, $0x38;
	[tilespmem:$0x14B20] =	vst v63  }
0x17d: {  	_ =	swait.ge [sflag:s10], $0x80  }
0x17e: {  	[sflag:s10] =	ssyncset.done $0x0  }
0x17f: {  	[sflag:s10] =	ssyncadd.s32 $0xFFFFFF80  }
0x180: {  	v37 =	vld [tilespmem:$0x100]  }
0x181: {  	v38 =	vld [tilespmem:$0x110]  }
0x182: {  	v39 =	vld [tilespmem:$0x120]  }
0x183: {  	v40 =	vld [tilespmem:$0x130]  }
0x184: {  	v46 =	vld [tilespmem:$0x140]  }
0x185: {  	v50 =	vld [tilespmem:$0x150]  }
0x186: {  	v55 =	vld [tilespmem:$0x160]  }
0x187: {  	v56 =	vld [tilespmem:$0x170]  }
0x188: {  	v0 =	vmax.f32 v37, $9.999999770e-03  }
0x189: {  	v1 =	vmax.f32 v38, $9.999999770e-03;
	v2 =	vmax.f32 v39, $9.999999770e-03;
	v3 =	vmax.f32 v40, $9.999999770e-03  }
0x18a: {  	v7 =	vmax.f32 v46, $9.999999770e-03;
	v58 =	vmax.f32 v50, $9.999999770e-03;
	v0 =	vmul.f32 $1.000000000e+02, v0  }
0x18b: {  	v8 =	vmax.f32 v55, $9.999999770e-03;
	v1 =	vmul.f32 $1.000000000e+02, v1;
	v2 =	vmul.f32 $1.000000000e+02, v2  }
0x18c: {  	v9 =	vmax.f32 v56, $9.999999770e-03;
	v3 =	vmul.f32 $1.000000000e+02, v3;
	v7 =	vmul.f32 $1.000000000e+02, v7  }
0x18d: {  	v4 =	vmul.f32 $1.000000000e+02, v58;
	v0 =	vadd.f32 $5.000000000e-01, v0;
	v1 =	vadd.f32 $5.000000000e-01, v1  }
0x18e: {  	v8 =	vmul.f32 $1.000000000e+02, v8;
	v2 =	vadd.f32 $5.000000000e-01, v2;
	v3 =	vadd.f32 $5.000000000e-01, v3  }
0x18f: {  	v9 =	vmul.f32 $1.000000000e+02, v9;
	v7 =	vadd.f32 $5.000000000e-01, v7;
	v4 =	vadd.f32 $5.000000000e-01, v4  }
0x190: {  	v8 =	vadd.f32 $5.000000000e-01, v8;
	v41 =	vtrunc.f32 v0;
	v44 =	vtrunc.f32 v1  }
0x191: {  	v16 =	vadd.f32 $5.000000000e-01, v9;
	v47 =	vtrunc.f32 v2;
	v53 =	vtrunc.f32 v3  }
0x192: {  	v59 =	vtrunc.f32 v7;
	v61 =	vtrunc.f32 v4  }
0x193: {  	v18 =	vtrunc.f32 v8;
	v9 =	vtrunc.f32 v16  }
0x194: {  	v42 =	vcvt.f32.s32 v41;
	vm4 =	veq.f32 v0, v41;
	v45 =	vcvt.f32.s32 v44  }
0x195: {  	v49 =	vcvt.f32.s32 v47;
	vm5 =	veq.f32 v1, v44;
	vm6 =	veq.f32 v2, v47  }
0x196: {  	v54 =	vcvt.f32.s32 v53;
	vm7 =	veq.f32 v3, v53;
	v60 =	vcvt.f32.s32 v59  }
0x197: {  	v63 =	vcvt.f32.s32 v61;
	vm8 =	veq.f32 v7, v59;
	vm9 =	veq.f32 v4, v61  }
0x198: {  	v20 =	vcvt.f32.s32 v18;
	v22 =	vcvt.f32.s32 v9;
	vm10 =	veq.f32 v8, v18  }
0x199: {  	vm11 =	veq.f32 v16, v9;
	v43 =	vand.u32 $0x1, v42;
	v48 =	vand.u32 $0x1, v45  }
0x19a: {  	v52 =	vand.u32 $0x1, v49;
	v57 =	vand.u32 $0x1, v54;
	v62 =	vand.u32 $0x1, v60  }
0x19b: {  	v17 =	vand.u32 $0x1, v63;
	v23 =	vand.u32 $0x1, v20;
	v0 =	vxor.u32 $0xFFFFFFFF, v43  }
0x19c: {  	v24 =	vand.u32 $0x1, v22;
	v51 =	vxor.u32 $0xFFFFFFFF, v48;
	v0 =	vnsel vm4, $0xFFFFFFFF, v0  }
0x19d: {  	v2 =	vxor.u32 $0xFFFFFFFF, v52;
	v1 =	vnsel vm5, $0xFFFFFFFF, v51;
	v0 =	vadd.s32 v42, v0  }
0x19e: {  	v3 =	vxor.u32 $0xFFFFFFFF, v57;
	v2 =	vnsel vm6, $0xFFFFFFFF, v2;
	v1 =	vadd.s32 v45, v1;
	[tilespmem:$0x500] =	vst v0  }
0x19f: {  	v26 =	vxor.u32 $0xFFFFFFFF, v24;
	v3 =	vnsel vm7, $0xFFFFFFFF, v3;
	v2 =	vadd.s32 v49, v2;
	[tilespmem:$0x510] =	vst v1  }
0x1a0: {  	v15 =	vxor.u32 $0xFFFFFFFF, v62;
	v28 =	vnsel vm11, $0xFFFFFFFF, v26;
	v3 =	vadd.s32 v54, v3;
	[tilespmem:$0x520] =	vst v2  }
0x1a1: {  	v19 =	vxor.u32 $0xFFFFFFFF, v17;
	v21 =	vnsel vm8, $0xFFFFFFFF, v15;
	v29 =	vadd.s32 v22, v28;
	[tilespmem:$0x530] =	vst v3  }
0x1a2: {  	v0 =	vnsel vm9, $0xFFFFFFFF, v19;
	v1 =	vadd.s32 v60, v21;
	v2 =	vxor.u32 $0xFFFFFFFF, v23;
	[tilespmem:$0x570] =	vst v29  }
0x1a3: {  	v0 =	vadd.s32 v63, v0;
	[tilespmem:$0x540] =	vst v1;
	v25 =	vnsel vm10, $0xFFFFFFFF, v2  }
0x1a4: {  	[tilespmem:$0x550] =	vst v0;
	v27 =	vadd.s32 v20, v25  }
0x1a5: {  	s4 =	simm.s32 $0x500;
	[tilespmem:$0x560] =	vst v27  }
0x1a6: {  	[tilespmem:s13], [sflag:$0x8] =	stream.indirect.gather [spmem:s2], $0x80, s4, s22, $0xb8;
	[tilespmem:$0x14B20] =	vst v63  }
0x1a7: {  	_ =	swait.ge [sflag:s14], $0x4000  }
0x1a8: {  	[sflag:s14] =	ssyncset.done $0x0  }
0x1a9: {  	s4 =	sadd.s32 $0x2800, s12;
	[sflag:s14] =	ssyncadd.s32 $0xFFFFC000  }
0x1aa: {  	[hbm4b:s4+s3] =	stream.linear.scatter [tilespmem:s30], [sflag:$0xB], $0x4000, $0x38;
	[tilespmem:$0x14B20] =	vst v63  }
0x1ab: {  	s4 =	simm.s32 $0xE  }
0x1ac: {  	_ =	swait.ge [sflag:s4], $0x4000  }
0x1ad: {  	[sflag:s4] =	ssyncset.done $0x0  }
0x1ae: {  	s13 =	simm.s32 $0x200;
	[sflag:s4] =	ssyncadd.s32 $0xFFFFC000  }
0x1af: {  	[tilespmem:s13], [sflag:$0x5] =	stream.linear.gather [hbm4b:s0+s3], $0x80, $0x38;
	[tilespmem:$0x14B20] =	vst v63  }
0x1b0: {  	_ =	swait.ge [sflag:s11], $0x80  }
0x1b1: {  	[sflag:s11] =	ssyncset.done $0x0  }
0x1b2: {  	[sflag:s11] =	ssyncadd.s32 $0xFFFFFF80  }
0x1b3: {  	v30 =	vld [tilespmem:$0x180]  }
0x1b4: {  	v31 =	vld [tilespmem:$0x190]  }
0x1b5: {  	v32 =	vld [tilespmem:$0x1A0]  }
0x1b6: {  	v33 =	vld [tilespmem:$0x1B0]  }
0x1b7: {  	v38 =	vld [tilespmem:$0x1C0]  }
0x1b8: {  	v43 =	vld [tilespmem:$0x1D0]  }
0x1b9: {  	v48 =	vld [tilespmem:$0x1E0]  }
0x1ba: {  	v49 =	vld [tilespmem:$0x1F0];
	_ =	sdelay $0x1  }
0x1bb: {  	v0 =	vmax.f32 v30, $9.999999770e-03;
	v1 =	vmax.f32 v31, $9.999999770e-03;
	v2 =	vmax.f32 v32, $9.999999770e-03  }
0x1bc: {  	v3 =	vmax.f32 v33, $9.999999770e-03;
	v6 =	vmax.f32 v38, $9.999999770e-03;
	v11 =	vmax.f32 v43, $9.999999770e-03  }
0x1bd: {  	v9 =	vmax.f32 v48, $9.999999770e-03;
	v0 =	vmul.f32 $1.000000000e+02, v0;
	v1 =	vmul.f32 $1.000000000e+02, v1  }
0x1be: {  	v5 =	vmax.f32 v49, $9.999999770e-03;
	v2 =	vmul.f32 $1.000000000e+02, v2;
	v3 =	vmul.f32 $1.000000000e+02, v3  }
0x1bf: {  	v6 =	vmul.f32 $1.000000000e+02, v6;
	v52 =	vmul.f32 $1.000000000e+02, v11;
	v0 =	vadd.f32 $5.000000000e-01, v0  }
0x1c0: {  	v55 =	vmul.f32 $1.000000000e+02, v9;
	v1 =	vadd.f32 $5.000000000e-01, v1;
	v2 =	vadd.f32 $5.000000000e-01, v2  }
0x1c1: {  	v5 =	vmul.f32 $1.000000000e+02, v5;
	v3 =	vadd.f32 $5.000000000e-01, v3;
	v6 =	vadd.f32 $5.000000000e-01, v6  }
0x1c2: {  	v4 =	vadd.f32 $5.000000000e-01, v52;
	v34 =	vtrunc.f32 v0;
	v37 =	vtrunc.f32 v1  }
0x1c3: {  	v5 =	vadd.f32 $5.000000000e-01, v5;
	v40 =	vtrunc.f32 v2;
	v46 =	vtrunc.f32 v3  }
0x1c4: {  	v53 =	vtrunc.f32 v6;
	v57 =	vtrunc.f32 v4  }
0x1c5: {  	v63 =	vtrunc.f32 v5;
	v35 =	vcvt.f32.s32 v34;
	vm12 =	veq.f32 v0, v34  }
0x1c6: {  	v39 =	vcvt.f32.s32 v37;
	v42 =	vcvt.f32.s32 v40;
	vm13 =	veq.f32 v1, v37  }
0x1c7: {  	vm14 =	veq.f32 v2, v40;
	v47 =	vcvt.f32.s32 v46;
	vm15 =	veq.f32 v3, v46  }
0x1c8: {  	v54 =	vcvt.f32.s32 v53;
	vm4 =	veq.f32 v6, v53;
	v58 =	vcvt.f32.s32 v57  }
0x1c9: {  	v6 =	vadd.f32 $5.000000000e-01, v55;
	vm5 =	veq.f32 v4, v57;
	v14 =	vcvt.f32.s32 v63  }
0x1ca: {  	vm7 =	veq.f32 v5, v63;
	v36 =	vand.u32 $0x1, v35;
	v41 =	vand.u32 $0x1, v39  }
0x1cb: {  	v45 =	vand.u32 $0x1, v42;
	v50 =	vand.u32 $0x1, v47;
	v56 =	vand.u32 $0x1, v54  }
0x1cc: {  	v59 =	vand.u32 $0x1, v58;
	v60 =	vtrunc.f32 v6;
	v18 =	vand.u32 $0x1, v14  }
0x1cd: {  	v0 =	vxor.u32 $0xFFFFFFFF, v36;
	v44 =	vxor.u32 $0xFFFFFFFF, v41;
	v2 =	vxor.u32 $0xFFFFFFFF, v45  }
0x1ce: {  	v51 =	vxor.u32 $0xFFFFFFFF, v50;
	v7 =	vxor.u32 $0xFFFFFFFF, v56;
	v0 =	vnsel vm12, $0xFFFFFFFF, v0  }
0x1cf: {  	v61 =	vxor.u32 $0xFFFFFFFF, v59;
	v1 =	vnsel vm13, $0xFFFFFFFF, v44;
	v0 =	vadd.s32 v35, v0  }
0x1d0: {  	v62 =	vcvt.f32.s32 v60;
	v2 =	vnsel vm14, $0xFFFFFFFF, v2;
	v1 =	vadd.s32 v39, v1;
	[tilespmem:$0x580] =	vst v0  }
0x1d1: {  	vm6 =	veq.f32 v6, v60;
	v3 =	vnsel vm15, $0xFFFFFFFF, v51;
	v2 =	vadd.s32 v42, v2;
	[tilespmem:$0x590] =	vst v1  }
0x1d2: {  	v19 =	vxor.u32 $0xFFFFFFFF, v18;
	v7 =	vnsel vm4, $0xFFFFFFFF, v7;
	v13 =	vadd.s32 v47, v3;
	[tilespmem:$0x5A0] =	vst v2  }
0x1d3: {  	v21 =	vnsel vm7, $0xFFFFFFFF, v19;
	v15 =	vadd.s32 v54, v7;
	v16 =	vand.u32 $0x1, v62;
	[tilespmem:$0x5B0] =	vst v13  }
0x1d4: {  	v22 =	vadd.s32 v14, v21;
	v0 =	vnsel vm5, $0xFFFFFFFF, v61;
	v17 =	vxor.u32 $0xFFFFFFFF, v16;
	[tilespmem:$0x5C0] =	vst v15  }
0x1d5: {  	[tilespmem:$0x5F0] =	vst v22;
	v0 =	vadd.s32 v58, v0;
	v1 =	vnsel vm6, $0xFFFFFFFF, v17  }
0x1d6: {  	[tilespmem:$0x5D0] =	vst v0;
	v20 =	vadd.s32 v62, v1  }
0x1d7: {  	s4 =	simm.s32 $0x580;
	[tilespmem:$0x5E0] =	vst v20  }
0x1d8: {  	[tilespmem:s1], [sflag:$0x9] =	stream.indirect.gather [spmem:s2], $0x80, s4, s22, $0xb8;
	[tilespmem:$0x14B20] =	vst v63  }
0x1d9: {  	_ =	swait.ge [sflag:s16], $0x4000  }
0x1da: {  	[sflag:s16] =	ssyncset.done $0x0  }
0x1db: {  	s1 =	sadd.s32 $0x3000, s12;
	[sflag:s16] =	ssyncadd.s32 $0xFFFFC000  }
0x1dc: {  	[hbm4b:s1+s3] =	stream.linear.scatter [tilespmem:s5], [sflag:$0xC], $0x4000, $0x38;
	[tilespmem:$0x14B20] =	vst v63  }
0x1dd: {  	p1 =	slt.s32 s6, $0xC7F80;
	s4 =	smov.u32 s6;
	s1 =	simm.s32 $0xF  }
0x1de: {  	s4 =	simm.s32 @!p1 $0xC7F80;
	_ =	swait.ge [sflag:s1], $0x4000  }
0x1df: {  	s4 =	sshrl.u32 s4, $0x3;
	[sflag:s1] =	ssyncset.done $0x0  }
0x1e0: {  	s4 =	sadd.s32 s25, s4;
	[sflag:s1] =	ssyncadd.s32 $0xFFFFC000  }
0x1e1: {  	[tilespmem:s3], [sflag:$0x1] =	stream.linear.gather [hbm4b:s4+s3], $0x80, $0x38;
	[tilespmem:$0x14B20] =	vst v63  }
0x1e2: {  	_ =	swait.ge [sflag:s15], $0x80  }
0x1e3: {  	[sflag:s15] =	ssyncset.done $0x0  }
0x1e4: {  	[sflag:s15] =	ssyncadd.s32 $0xFFFFFF80  }
0x1e5: {  	v23 =	vld [tilespmem:$0x200]  }
0x1e6: {  	v24 =	vld [tilespmem:$0x210]  }
0x1e7: {  	v25 =	vld [tilespmem:$0x220]  }
0x1e8: {  	v26 =	vld [tilespmem:$0x230]  }
0x1e9: {  	v32 =	vld [tilespmem:$0x240]  }
0x1ea: {  	v36 =	vld [tilespmem:$0x250]  }
0x1eb: {  	v39 =	vld [tilespmem:$0x260]  }
0x1ec: {  	v42 =	vld [tilespmem:$0x270]  }
0x1ed: {  	v0 =	vmax.f32 v23, $9.999999770e-03  }
0x1ee: {  	v1 =	vmax.f32 v24, $9.999999770e-03;
	v2 =	vmax.f32 v25, $9.999999770e-03;
	v3 =	vmax.f32 v26, $9.999999770e-03  }
0x1ef: {  	v7 =	vmax.f32 v32, $9.999999770e-03;
	v43 =	vmax.f32 v36, $9.999999770e-03;
	v0 =	vmul.f32 $1.000000000e+02, v0  }
0x1f0: {  	v4 =	vmax.f32 v39, $9.999999770e-03;
	v1 =	vmul.f32 $1.000000000e+02, v1;
	v2 =	vmul.f32 $1.000000000e+02, v2  }
0x1f1: {  	v48 =	vmax.f32 v42, $9.999999770e-03;
	v3 =	vmul.f32 $1.000000000e+02, v3;
	v7 =	vmul.f32 $1.000000000e+02, v7  }
0x1f2: {  	v6 =	vmul.f32 $1.000000000e+02, v43;
	v0 =	vadd.f32 $5.000000000e-01, v0;
	v1 =	vadd.f32 $5.000000000e-01, v1  }
0x1f3: {  	v4 =	vmul.f32 $1.000000000e+02, v4;
	v2 =	vadd.f32 $5.000000000e-01, v2;
	v3 =	vadd.f32 $5.000000000e-01, v3  }
0x1f4: {  	v10 =	vmul.f32 $1.000000000e+02, v48;
	v7 =	vadd.f32 $5.000000000e-01, v7;
	v6 =	vadd.f32 $5.000000000e-01, v6  }
0x1f5: {  	v4 =	vadd.f32 $5.000000000e-01, v4;
	v27 =	vtrunc.f32 v0;
	v30 =	vtrunc.f32 v1  }
0x1f6: {  	v10 =	vadd.f32 $5.000000000e-01, v10;
	v33 =	vtrunc.f32 v2;
	v40 =	vtrunc.f32 v3  }
0x1f7: {  	v46 =	vtrunc.f32 v7;
	v49 =	vtrunc.f32 v6  }
0x1f8: {  	v52 =	vtrunc.f32 v4;
	v54 =	vtrunc.f32 v10  }
0x1f9: {  	v28 =	vcvt.f32.s32 v27;
	vm8 =	veq.f32 v0, v27;
	v31 =	vcvt.f32.s32 v30  }
0x1fa: {  	v35 =	vcvt.f32.s32 v33;
	vm9 =	veq.f32 v1, v30;
	vm10 =	veq.f32 v2, v33  }
0x1fb: {  	v41 =	vcvt.f32.s32 v40;
	vm11 =	veq.f32 v3, v40;
	v47 =	vcvt.f32.s32 v46  }
0x1fc: {  	vm12 =	veq.f32 v7, v46;
	v51 =	vcvt.f32.s32 v49;
	v14 =	vcvt.f32.s32 v52  }
0x1fd: {  	vm13 =	veq.f32 v6, v49;
	v56 =	vcvt.f32.s32 v54;
	vm14 =	veq.f32 v4, v52  }
0x1fe: {  	vm15 =	veq.f32 v10, v54;
	v29 =	vand.u32 $0x1, v28;
	v34 =	vand.u32 $0x1, v31  }
0x1ff: {  	v38 =	vand.u32 $0x1, v35;
	v44 =	vand.u32 $0x1, v41;
	v50 =	vand.u32 $0x1, v47  }
0x200: {  	v13 =	vand.u32 $0x1, v51;
	v55 =	vand.u32 $0x1, v14;
	v0 =	vxor.u32 $0xFFFFFFFF, v29  }
0x201: {  	v59 =	vand.u32 $0x1, v56;
	v37 =	vxor.u32 $0xFFFFFFFF, v34;
	v0 =	vnsel vm8, $0xFFFFFFFF, v0  }
0x202: {  	v2 =	vxor.u32 $0xFFFFFFFF, v38;
	v1 =	vnsel vm9, $0xFFFFFFFF, v37;
	v0 =	vadd.s32 v28, v0  }
0x203: {  	v45 =	vxor.u32 $0xFFFFFFFF, v44;
	v2 =	vnsel vm10, $0xFFFFFFFF, v2;
	v1 =	vadd.s32 v31, v1;
	[tilespmem:$0x600] =	vst v0  }
0x204: {  	v5 =	vxor.u32 $0xFFFFFFFF, v50;
	v3 =	vnsel vm11, $0xFFFFFFFF, v45;
	v2 =	vadd.s32 v35, v2;
	[tilespmem:$0x610] =	vst v1  }
0x205: {  	v60 =	vxor.u32 $0xFFFFFFFF, v59;
	v5 =	vnsel vm12, $0xFFFFFFFF, v5;
	v57 =	vadd.s32 v41, v3;
	[tilespmem:$0x620] =	vst v2  }
0x206: {  	v53 =	vxor.u32 $0xFFFFFFFF, v13;
	v62 =	vnsel vm15, $0xFFFFFFFF, v60;
	v58 =	vadd.s32 v47, v5;
	[tilespmem:$0x630] =	vst v57  }
0x207: {  	s28 =	simm.s32 $0xC800;
	s26 =	sadd.s32 $0x50, s26;
	p1 =	sne.s32 s8, $0x5F000;
	v63 =	vadd.s32 v56, v62;
	v0 =	vnsel vm13, $0xFFFFFFFF, v53;
	v1 =	vxor.u32 $0xFFFFFFFF, v55;
	[tilespmem:$0x640] =	vst v58  }
.Ltmp0:
0x208: {  	s29 =	sadd.s32 $0x50, s29;
	s18 =	simm.s32 $0x600;
	[tilespmem:$0x670] =	vst v63;
	v1 =	vnsel vm14, $0xFFFFFFFF, v1;
	v0 =	vadd.s32 v51, v0;
	(pc) =	sbr.rel @p1 .LBB2_2-.Ltmp0, $4  }
0x209: {  	s9 =	simm.s32 $0x8800;
	s31 =	sadd.s32 $0x50, s31;
	s0 =	sadd.s32 $0x50, s0;
	[tilespmem:$0x650] =	vst v0;
	v61 =	vadd.s32 v14, v1  }
0x20a: {  	s12 =	smov.u32 s25;
	s6 =	sadd.s32 $0x280, s6;
	s8 =	sadd.s32 $0x2800, s8;
	[tilespmem:$0x660] =	vst v61  }
0x20b: {  	[tilespmem:s17], [sflag:$0xA] =	stream.indirect.gather [spmem:s2], $0x80, s18, s22, $0xb8;
	[tilespmem:$0x14B20] =	vst v63  }
0x20c: {  	s25 =	simm.s32 $0x10800;
	s18 =	simm.s32 $0x8;
	s17 =	simm.s32 $0x600  }
0x20d: {  	_ =	swait.ge [sflag:s18], $0x4000  }
0x20e: {  	[sflag:s18] =	ssyncset.done $0x0  }
0x20f: {  	s0 =	rddreg [dreg:$0xe];
	[sflag:s18] =	ssyncadd.s32 $0xFFFFC000  }
0x210: {  	[hbm4b:s0+s3] =	stream.linear.scatter [tilespmem:s9], [sflag:$0xD], $0x4000, $0x38;
	[tilespmem:$0x14B20] =	vst v63  }
0x211: {  	_ =	swait.ge [sflag:s20], $0x4000  }
0x212: {  	[sflag:s20] =	ssyncset.done $0x0  }
0x213: {  	s8 =	rddreg [dreg:$0xf];
	[sflag:s20] =	ssyncadd.s32 $0xFFFFC000  }
0x214: {  	[hbm4b:s8+s3] =	stream.linear.scatter [tilespmem:s28], [sflag:$0xE], $0x4000, $0x38;
	[tilespmem:$0x14B20] =	vst v63  }
0x215: {  	_ =	swait.ge [sflag:s24], $0x4000  }
0x216: {  	[sflag:s24] =	ssyncset.done $0x0  }
0x217: {  	s11 =	simm.s32 $0x1;
	s10 =	rddreg [dreg:$0x10];
	[sflag:s24] =	ssyncadd.s32 $0xFFFFC000  }
0x218: {  	[hbm4b:s10+s3] =	stream.linear.scatter [tilespmem:s25], [sflag:$0xF], $0x4000, $0x38;
	[tilespmem:$0x14B20] =	vst v63  }
0x219: {  	_ =	swait.ge [sflag:s11], $0x80  }
0x21a: {  	[sflag:s11] =	ssyncset.done $0x0  }
0x21b: {  	[sflag:s11] =	ssyncadd.s32 $0xFFFFFF80  }
0x21c: {  	_ =	swait.ge [sflag:s19], $0x4000  }
0x21d: {  	[sflag:s19] =	ssyncset.done $0x0  }
0x21e: {  	[sflag:s19] =	ssyncadd.s32 $0xFFFFC000  }
0x21f: {  	_ =	swait.ge [sflag:s21], $0x4000  }
0x220: {  	[sflag:s21] =	ssyncset.done $0x0  }
0x221: {  	[sflag:s21] =	ssyncadd.s32 $0xFFFFC000  }
0x222: {  	_ =	swait.ge [sflag:s23], $0x4000  }
0x223: {  	[sflag:s23] =	ssyncset.done $0x0  }
0x224: {  	s15 =	simm.s32 $0xE;
	[sflag:s23] =	ssyncadd.s32 $0xFFFFC000  }
0x225: {  	_ =	swait.ge [sflag:s15], $0x4000  }
0x226: {  	[sflag:s15] =	ssyncset.done $0x0  }
0x227: {  	s1 =	simm.s32 $0xF;
	[sflag:s15] =	ssyncadd.s32 $0xFFFFC000  }
0x228: {  	_ =	swait.ge [sflag:s1], $0x4000  }
0x229: {  	s4 =	rddreg [dreg:$0x17]  }
0x22a: {  	s26 =	rddreg [dreg:$0x11];
	s4 =	sadd.s32 $0x1, s4  }
0x22b: {  	p1 =	sne.s32 s4, s26  }
.Ltmp1:
0x22c: {  	s29 =	simm.s32 $0x480;
	(pc) =	sbr.rel @p1 .LBB2_1-.Ltmp1, $4  }
0x22d: {  	s5 =	simm.s32 $0x4800;
	s30 =	simm.s32 $0x180;
	s31 =	simm.s32 $0x500  }
0x22e: {  	s7 =	simm.s32 $0x3;
	s8 =	simm.s32 $0x400;
	s10 =	simm.s32 $0x4  }
0x22f: {  	s11 =	simm.s32 $0x580;
	s15 =	simm.s32 $0x800;
	[sflag:s1] =	ssyncset.done $0x0  }
0x230: {  	[sflag:s1] =	ssyncadd.s32 $0xFFFFC000;
	s1 =	simm.s32 $0x2;
	s26 =	simm.s32 $0x100  }
0x231: {  	_ =	sfence.sel $0x180000  }
0x232: {  	[bflag:$0x0] =	sbarrier.arrive $0xFFFF  }
0x233: {  	_ =	strace $0x90000047  }
0x234: {  	[bflag:$0x2] =	sbarrier.arrive $0xFFFF  }
0x235: {  	s0 =	rddreg [dreg:$0x4]  }
0x236: {  	s0 =	sadd.s32 @!p0 $0x100000, s0  }
0x237: {  	[sflag:s0] =	ssyncadd.tile.s32 @!p0 $0x1;
	_ =	shalt  }
.Lfunc_end2:
_tile_overlayer_lowered:
.L_overlay_start_2:
0x238: {  	(tag) =	ssettag $0x2  }
0x239: {  	s0 =	rddreg [dreg:$0x0];
	s2 =	stileid.u32  }
0x23a: {  	s1 =	rddreg [dreg:$0x1];
	p0 =	sne.s32 s2, $0x0  }
0x23b: {  	s3 =	rddreg [dreg:$0x2];
	[bflag:$0x3] =	sbarrier.arrive $0xFFFF;
	s2 =	simm.s32 @!p0 $0x1C10  }
0x23c: {  	[timem:s3], [sflag:s2] =	dma.local @!p0 [hbm:s0], s1  }
0x23d: {  	s0 =	simm.s32 @!p0 $0x10  }
0x23e: {  	_ =	swait.ge @!p0 [sflag:s0], s1  }
0x23f: {  	s1 =	ssub.s32 @!p0 $0x0, s1;
	[sflag:s0] =	ssyncset.done @!p0 $0x0  }
0x240: {  	[sflag:s0] =	ssyncadd.s32 @!p0 s1  }
0x241: {  	[bflag:$0x3] =	sbarrier.arrive $0xFFFF  }
0x242: {  	_ =	shalt  }

</sc_bundles>
